<compile_context>
chip_gen: v7x
topology: tpu7x:2x2x1
jax: 0.10.2.dev20260603
libtpu: 0.0.44.dev20260713+nightly
codegen_flags: <defaults>
</compile_context>

<pallas_src>
import functools

import jax
import jax.numpy as jnp
from jax import lax
from jax.experimental import pallas as pl
from jax.experimental.pallas import tpu as pltpu
from jax.experimental.pallas import tpu_sc as plsc

_N = 10000
_E = 320000
_D = 128
_H = 8
_DPH = _D // _H

_NC = 2
_NS = 16
_L = 16
_NW = _NC * _NS

_ECH = 24
_EPW = 10080
_NCH = _EPW // _ECH
_EPAD = _NW * _EPW + 2 * _ECH
_NP = 10112
_RPT = _NP // _NS
_DEN_W = _L

_RB = 2000


def _ln(h, g, b, eps=1e-5):
    mu = jnp.mean(h, axis=-1, keepdims=True)
    d = h - mu
    var = jnp.mean(d * d, axis=-1, keepdims=True)
    return d * lax.rsqrt(var + eps) * g + b



def _qkv_body(x_ref, wq_ref, wk_ref, wv_ref, q_ref, k_ref, v_ref):
    xb = x_ref[...]
    q_ref[...] = jnp.dot(xb, wq_ref[...],
                         preferred_element_type=jnp.float32) * (1.0 / 4.0)
    k_ref[...] = jnp.dot(xb, wk_ref[...], preferred_element_type=jnp.float32)
    v_ref[...] = jnp.dot(xb, wv_ref[...], preferred_element_type=jnp.float32)


def _qkv(x, wq, wk, wv):
    full = pl.BlockSpec((_D, _D), lambda i: (0, 0))
    row = pl.BlockSpec((_RB, _D), lambda i: (i, 0))
    return pl.pallas_call(
        _qkv_body,
        grid=(_N // _RB,),
        in_specs=[row, full, full, full],
        out_specs=[row, row, row],
        out_shape=[jax.ShapeDtypeStruct((_N, _D), jnp.float32)] * 3,
    )(x, wq, wk, wv)



def _edge_body(q_hbm, k_hbm, v_hbm, src_hbm, dst_hbm, num_out, den_out,
               src_v, dst_v, qr, kr, vr, msg, wmsg, acc_num, acc_den,
               semi, semg0, semg1, sems):
    c = lax.axis_index("c")
    s = lax.axis_index("s")
    wid = s * _NC + c
    semgs = (semg0, semg1)

    def zb(r, carry):
        for col in range(_D // _L):
            msg[r, pl.ds(col * _L, _L)] = jnp.zeros((_L,), jnp.float32)
        wmsg[r, :] = jnp.zeros((_L,), jnp.float32)
        return carry
    lax.fori_loop(0, 2 * _ECH, zb, 0)

    base_row = s * _RPT
    def zcp(r, carry):
        off = base_row + r * 2 * _ECH
        pltpu.sync_copy(msg, acc_num.at[pl.ds(off, 2 * _ECH)])
        pltpu.sync_copy(wmsg, acc_den.at[pl.ds(off, 2 * _ECH)])
        return carry
    lax.fori_loop(0, _RPT // (2 * _ECH), zcp, 0)
    _TAIL = _RPT % (2 * _ECH)
    if _TAIL:
        toff = base_row + (_RPT // (2 * _ECH)) * (2 * _ECH)
        pltpu.sync_copy(msg.at[pl.ds(0, _TAIL)],
                        acc_num.at[pl.ds(toff, _TAIL)])
        pltpu.sync_copy(wmsg.at[pl.ds(0, _TAIL)],
                        acc_den.at[pl.ds(toff, _TAIL)])
    plsc.subcore_barrier()

    lane = lax.iota(jnp.int32, _L)
    last15 = jnp.full((_L, 1), _L - 1, jnp.int32)
    _dnums = lax.GatherDimensionNumbers(
        offset_dims=(), collapsed_slice_dims=(0,), start_index_map=(0,))

    ebase = wid * _EPW

    pltpu.sync_copy(src_hbm.at[pl.ds(ebase, _ECH)], src_v.at[0])
    pltpu.sync_copy(dst_hbm.at[pl.ds(ebase, _ECH)], dst_v.at[0])
    pltpu.async_copy(src_hbm.at[pl.ds(ebase + _ECH, _ECH)], src_v.at[1], semi)
    pltpu.async_copy(dst_hbm.at[pl.ds(ebase + _ECH, _ECH)], dst_v.at[1], semi)
    pltpu.async_copy(q_hbm.at[dst_v.at[0]], qr.at[pl.ds(0, _ECH)], semg0)
    pltpu.async_copy(k_hbm.at[src_v.at[0]], kr.at[pl.ds(0, _ECH)], semg0)
    pltpu.async_copy(v_hbm.at[src_v.at[0]], vr.at[pl.ds(0, _ECH)], semg0)
    pltpu.async_copy(msg.at[pl.ds(_ECH, _ECH)], acc_num.at[dst_v.at[0]],
                     sems, add=True)
    pltpu.async_copy(wmsg.at[pl.ds(_ECH, _ECH)], acc_den.at[dst_v.at[0]],
                     sems, add=True)

    def quad(j, carry):
        for p in range(4):
            i = 4 * j + p
            hf = p % 2
            nhf = (p + 1) % 2
            s1 = (p + 1) % 4
            s2 = (p + 2) % 4
            ho = hf * _ECH
            no = nhf * _ECH
            nbase = ebase + (i + 1) * _ECH
            pltpu.make_async_copy(src_hbm.at[pl.ds(nbase, _ECH)],
                                  src_v.at[s1], semi).wait()
            pltpu.make_async_copy(dst_hbm.at[pl.ds(nbase, _ECH)],
                                  dst_v.at[s1], semi).wait()
            pltpu.async_copy(q_hbm.at[dst_v.at[s1]],
                             qr.at[pl.ds(no, _ECH)], semgs[nhf])
            pltpu.async_copy(k_hbm.at[src_v.at[s1]],
                             kr.at[pl.ds(no, _ECH)], semgs[nhf])
            pltpu.async_copy(v_hbm.at[src_v.at[s1]],
                             vr.at[pl.ds(no, _ECH)], semgs[nhf])
            nbase2 = ebase + (i + 2) * _ECH
            pltpu.async_copy(src_hbm.at[pl.ds(nbase2, _ECH)],
                             src_v.at[s2], semi)
            pltpu.async_copy(dst_hbm.at[pl.ds(nbase2, _ECH)],
                             dst_v.at[s2], semi)
            pltpu.make_async_copy(q_hbm.at[dst_v.at[p]],
                                  qr.at[pl.ds(ho, _ECH)], semgs[hf]).wait()
            pltpu.make_async_copy(k_hbm.at[src_v.at[p]],
                                  kr.at[pl.ds(ho, _ECH)], semgs[hf]).wait()
            pltpu.make_async_copy(v_hbm.at[src_v.at[p]],
                                  vr.at[pl.ds(ho, _ECH)], semgs[hf]).wait()
            pltpu.make_async_copy(msg.at[pl.ds(no, _ECH)],
                                  acc_num.at[dst_v.at[p]], sems).wait()
            pltpu.make_async_copy(wmsg.at[pl.ds(no, _ECH)],
                                  acc_den.at[dst_v.at[p]], sems).wait()

            def edge(e2, ecarry):
                for u in range(2):
                    e = ho + e2 * 2 + u
                    den_vec = jnp.zeros((_L,), jnp.float32)
                    for h in range(_H):
                        sl = pl.ds(h * _DPH, _DPH)
                        cs = plsc.cumsum(qr[e, sl] * kr[e, sl])
                        sc = lax.gather(
                            cs, last15, _dnums, (1,),
                            mode=lax.GatherScatterMode.PROMISE_IN_BOUNDS)
                        sc = jnp.clip(sc, -5.0, 5.0)
                        wv = jnp.exp(sc)
                        msg[e, sl] = vr[e, sl] * wv
                        den_vec = jnp.where(lane == h, wv, den_vec)
                    wmsg[e, :] = den_vec
                return ecarry
            lax.fori_loop(0, _ECH // 2, edge, 0)

            pltpu.async_copy(msg.at[pl.ds(ho, _ECH)],
                             acc_num.at[dst_v.at[p]], sems, add=True)
            pltpu.async_copy(wmsg.at[pl.ds(ho, _ECH)],
                             acc_den.at[dst_v.at[p]], sems, add=True)
        return carry
    lax.fori_loop(0, _NCH // 4, quad, 0)

    pltpu.make_async_copy(q_hbm.at[dst_v.at[0]],
                          qr.at[pl.ds(0, _ECH)], semg0).wait()
    pltpu.make_async_copy(k_hbm.at[src_v.at[0]],
                          kr.at[pl.ds(0, _ECH)], semg0).wait()
    pltpu.make_async_copy(v_hbm.at[src_v.at[0]],
                          vr.at[pl.ds(0, _ECH)], semg0).wait()
    pltpu.make_async_copy(src_hbm.at[pl.ds(0, _ECH)],
                          src_v.at[1], semi).wait()
    pltpu.make_async_copy(dst_hbm.at[pl.ds(0, _ECH)],
                          dst_v.at[1], semi).wait()
    pltpu.make_async_copy(msg.at[pl.ds(_ECH, _ECH)],
                          acc_num.at[dst_v.at[3]], sems).wait()
    pltpu.make_async_copy(wmsg.at[pl.ds(_ECH, _ECH)],
                          acc_den.at[dst_v.at[3]], sems).wait()

    plsc.subcore_barrier()
    pltpu.sync_copy(acc_num.at[pl.ds(base_row, _RPT)],
                    num_out.at[c, pl.ds(base_row, _RPT)])
    pltpu.sync_copy(acc_den.at[pl.ds(base_row, _RPT)],
                    den_out.at[c, pl.ds(base_row, _RPT)])


@functools.cache
def _make_edge():
  return pl.kernel(
    _edge_body,
    out_type=[jax.ShapeDtypeStruct((_NC, _NP, _D), jnp.float32),
              jax.ShapeDtypeStruct((_NC, _NP, _DEN_W), jnp.float32)],
    mesh=plsc.VectorSubcoreMesh(core_axis_name="c", subcore_axis_name="s"),
    compiler_params=pltpu.CompilerParams(use_tc_tiling_on_sc=False,
                                         needs_layout_passes=False),
    scratch_types=[
        pltpu.VMEM((4, _ECH), jnp.int32),
        pltpu.VMEM((4, _ECH), jnp.int32),
        pltpu.VMEM((2 * _ECH, _D), jnp.float32),
        pltpu.VMEM((2 * _ECH, _D), jnp.float32),
        pltpu.VMEM((2 * _ECH, _D), jnp.float32),
        pltpu.VMEM((2 * _ECH, _D), jnp.float32),
        pltpu.VMEM((2 * _ECH, _DEN_W), jnp.float32),
        pltpu.VMEM_SHARED((_NP, _D), jnp.float32),
        pltpu.VMEM_SHARED((_NP, _DEN_W), jnp.float32),
        pltpu.SemaphoreType.DMA,
        pltpu.SemaphoreType.DMA,
        pltpu.SemaphoreType.DMA,
        pltpu.SemaphoreType.DMA,
    ],
  )



def _fuse_body(num_ref, den_ref, x_ref, wo_ref, bo_ref, wf1_ref, bf1_ref,
               wf2_ref, bf2_ref, g1_ref, b1_ref, g2_ref, b2_ref, out_ref):
    num = num_ref[0] + num_ref[1]
    den = den_ref[0] + den_ref[1]
    den8 = den[:, 0:_H]
    den8 = jnp.where(den8 > 0.0, den8, 1.0)
    inv = 1.0 / den8
    rowi = lax.broadcasted_iota(jnp.int32, (_H, _D), 0)
    coli = lax.broadcasted_iota(jnp.int32, (_H, _D), 1)
    expand = (coli // _DPH == rowi).astype(jnp.float32)
    attn = num * jnp.dot(inv, expand, preferred_element_type=jnp.float32)
    h = (jnp.dot(attn, wo_ref[...], preferred_element_type=jnp.float32)
         + bo_ref[...] + x_ref[...])
    h = _ln(h, g1_ref[...], b1_ref[...])
    f = jnp.maximum(
        jnp.dot(h, wf1_ref[...], preferred_element_type=jnp.float32)
        + bf1_ref[...], 0.0)
    f = (jnp.dot(f, wf2_ref[...], preferred_element_type=jnp.float32)
         + bf2_ref[...])
    out_ref[...] = _ln(h + f, g2_ref[...], b2_ref[...])


def _fuse(num_p, den_p, x, wo, bo, wf1, bf1, wf2, bf2, g1, b1, g2, b2):
    row = pl.BlockSpec((_RB, _D), lambda i: (i, 0))
    return pl.pallas_call(
        _fuse_body,
        grid=(_N // _RB,),
        in_specs=[
            pl.BlockSpec((_NC, _RB, _D), lambda i: (0, i, 0)),
            pl.BlockSpec((_NC, _RB, _DEN_W), lambda i: (0, i, 0)),
            row,
            pl.BlockSpec((_D, _D), lambda i: (0, 0)),
            pl.BlockSpec((1, _D), lambda i: (0, 0)),
            pl.BlockSpec((_D, 2 * _D), lambda i: (0, 0)),
            pl.BlockSpec((1, 2 * _D), lambda i: (0, 0)),
            pl.BlockSpec((2 * _D, _D), lambda i: (0, 0)),
            pl.BlockSpec((1, _D), lambda i: (0, 0)),
            pl.BlockSpec((1, _D), lambda i: (0, 0)),
            pl.BlockSpec((1, _D), lambda i: (0, 0)),
            pl.BlockSpec((1, _D), lambda i: (0, 0)),
            pl.BlockSpec((1, _D), lambda i: (0, 0)),
        ],
        out_specs=row,
        out_shape=jax.ShapeDtypeStruct((_N, _D), jnp.float32),
    )(num_p, den_p, x, wo, bo, wf1, bf1, wf2, bf2, g1, b1, g2, b2)


def kernel(x, edge_index, W_q, W_k, W_v, W_o, b_o, W_f1, b_f1, W_f2, b_f2,
           ln1_g, ln1_b, ln2_g, ln2_b):
    padn = _EPAD - _E
    src = jnp.concatenate(
        [edge_index[0], jnp.zeros((padn,), edge_index.dtype)])
    dst = jnp.concatenate(
        [edge_index[1],
         _N + (jnp.arange(padn, dtype=edge_index.dtype) % (_NP - _N))])
    q, k, v = _qkv(x, W_q, W_k, W_v)
    num_p, den_p = _make_edge()(q, k, v, src, dst)
    return _fuse(num_p, den_p, x, W_o, b_o.reshape(1, _D), W_f1,
                 b_f1.reshape(1, 2 * _D), W_f2, b_f2.reshape(1, _D),
                 ln1_g.reshape(1, _D), ln1_b.reshape(1, _D),
                 ln2_g.reshape(1, _D), ln2_b.reshape(1, _D))

# --- scband reference (transcript-rebuilt; emitter-appended) ---
"""Pipeline reference for scband-graph-transformer-layer-82497731822092 (READ-ONLY COPY).

The authoritative reference and input builder live on the scoring server;
editing this copy changes nothing except your own understanding.
"""

import jax, jax.numpy as jnp
import numpy as np

N = 10000
E = 320000
D = 128
H = 8
DPH = D // H


def _layernorm(h, g, b, eps=1e-5):
    mu = jnp.mean(h, axis=-1, keepdims=True)
    var = jnp.var(h, axis=-1, keepdims=True)
    return (h - mu) / jnp.sqrt(var + eps) * g + b


def setup_inputs(seed: int = 0) -> dict:
    key = jax.random.key(seed)
    ks = jax.random.split(key, 12)
    x = jax.random.normal(ks[0], (N, D), dtype=jnp.float32)
    edge_index = jax.random.randint(ks[1], (2, E), 0, N)
    W_q = jax.random.normal(ks[2], (D, D), dtype=jnp.float32) * 0.05
    W_k = jax.random.normal(ks[3], (D, D), dtype=jnp.float32) * 0.05
    W_v = jax.random.normal(ks[4], (D, D), dtype=jnp.float32) * 0.05
    W_o = jax.random.normal(ks[5], (D, D), dtype=jnp.float32) * 0.05
    b_o = jnp.zeros((D,), dtype=jnp.float32)
    W_f1 = jax.random.normal(ks[6], (D, 2 * D), dtype=jnp.float32) * 0.05
    b_f1 = jnp.zeros((2 * D,), dtype=jnp.float32)
    W_f2 = jax.random.normal(ks[7], (2 * D, D), dtype=jnp.float32) * 0.05
    b_f2 = jnp.zeros((D,), dtype=jnp.float32)
    ln1_g = jnp.ones((D,), dtype=jnp.float32)
    ln1_b = jnp.zeros((D,), dtype=jnp.float32)
    ln2_g = jnp.ones((D,), dtype=jnp.float32)
    ln2_b = jnp.zeros((D,), dtype=jnp.float32)
    return {"x": x, "edge_index": edge_index, "W_q": W_q, "W_k": W_k, "W_v": W_v,
            "W_o": W_o, "b_o": b_o, "W_f1": W_f1, "b_f1": b_f1, "W_f2": W_f2,
            "b_f2": b_f2, "ln1_g": ln1_g, "ln1_b": ln1_b, "ln2_g": ln2_g, "ln2_b": ln2_b}


def reference(x, edge_index, W_q, W_k, W_v, W_o, b_o, W_f1, b_f1, W_f2, b_f2,
              ln1_g, ln1_b, ln2_g, ln2_b):
    src = edge_index[0]
    dst = edge_index[1]
    Q_h = (x @ W_q).reshape(N, H, DPH)
    K_h = (x @ W_k).reshape(N, H, DPH)
    V_h = (x @ W_v).reshape(N, H, DPH)
    Q_i = Q_h[dst]
    K_j = K_h[src]
    V_j = V_h[src]
    score = jnp.sum(Q_i * K_j, axis=-1) / jnp.sqrt(jnp.float32(DPH))
    score = jnp.clip(score, -5.0, 5.0)
    # scatter_softmax over dst segments
    seg_max = jax.ops.segment_max(score, dst, num_segments=N)
    ex = jnp.exp(score - seg_max[dst])
    denom = jax.ops.segment_sum(ex, dst, num_segments=N)
    alpha = ex / denom[dst]
    messages = V_j * alpha[..., None]
    attn_out = jax.ops.segment_sum(messages, dst, num_segments=N).reshape(N, H * DPH)
    h = attn_out @ W_o + b_o
    h = x + h  # residual (in_dim == out_dim, no projection)
    h = _layernorm(h, ln1_g, ln1_b)
    h_in2 = h
    h = jax.nn.relu(h @ W_f1 + b_f1)
    h = h @ W_f2 + b_f2
    h = h_in2 + h
    h = _layernorm(h, ln2_g, ln2_b)
    return h

if __name__ == "__main__":
    import jax
    _d = setup_inputs()
    print(jax.jit(kernel)(*tuple(_d.values())))

</pallas_src>

<mosaic_0001>
#map = affine_map<(d0, d1) -> (0, 0)>
#map1 = affine_map<(d0, d1) -> (0)>
#map2 = affine_map<(d0, d1) -> (0, 0, 0)>
module attributes {stable_mosaic.version = 14 : i64} {
  func.func @_edge_body(%arg0: i32, %arg1: i32, %arg2: memref<10000x128xf32, #tpu.memory_space<hbm>>, %arg3: memref<10000x128xf32, #tpu.memory_space<hbm>>, %arg4: memref<10000x128xf32, #tpu.memory_space<hbm>>, %arg5: memref<322608xi32, #tpu.memory_space<hbm>>, %arg6: memref<322608xi32, #tpu.memory_space<hbm>>, %arg7: memref<2x10112x128xf32, #tpu.memory_space<hbm>>, %arg8: memref<2x10112x16xf32, #tpu.memory_space<hbm>>, %arg9: memref<4x24xi32, #tpu.memory_space<vmem>>, %arg10: memref<4x24xi32, #tpu.memory_space<vmem>>, %arg11: memref<48x128xf32, #tpu.memory_space<vmem>>, %arg12: memref<48x128xf32, #tpu.memory_space<vmem>>, %arg13: memref<48x128xf32, #tpu.memory_space<vmem>>, %arg14: memref<48x128xf32, #tpu.memory_space<vmem>>, %arg15: memref<48x16xf32, #tpu.memory_space<vmem>>, %arg16: memref<10112x128xf32, #tpu.memory_space<vmem_shared>>, %arg17: memref<10112x16xf32, #tpu.memory_space<vmem_shared>>, %arg18: memref<!tpu.dma_semaphore, #tpu.memory_space<semaphore_mem>>, %arg19: memref<!tpu.dma_semaphore, #tpu.memory_space<semaphore_mem>>, %arg20: memref<!tpu.dma_semaphore, #tpu.memory_space<semaphore_mem>>, %arg21: memref<!tpu.dma_semaphore, #tpu.memory_space<semaphore_mem>>) attributes {dimension_semantics = [#tpu.dimension_semantics<core_parallel>, #tpu.dimension_semantics<subcore_parallel>], iteration_bounds = array<i64: 2, 16>, scalar_prefetch = 0 : i64, scratch_operands = 13 : i64, tpu.core_type = #tpu.core_type<sc_vector_subcore>, window_params = [{transform_indices = #map}, {transform_indices = #map}, {transform_indices = #map}, {transform_indices = #map1}, {transform_indices = #map1}, {transform_indices = #map2}, {transform_indices = #map2}]} {
    %mul3A = arith.constant 2 : i32
    %mul3A_0 = arith.muli %arg1, %mul3A : i32
    %add3A = arith.addi %mul3A_0, %arg0 : i32
    %scan3A = arith.constant 0 : i32
    %scan3A_1 = arith.constant 0 : i32
    %scan3A_2 = arith.constant 48 : i32
    %scan3A_3 = arith.addi %scan3A_1, %scan3A_2 : i32
    %scan3A_4 = arith.constant 1 : i32
    scf.for %scan3A_169 = %scan3A_1 to %scan3A_3 step %scan3A_4  : i32 {
      %broadcast_in_dim3A_170 = arith.constant 0.000000e+00 : f32
      %broadcast_in_dim3A_171 = vector.broadcast %broadcast_in_dim3A_170 : f32 to vector<16xf32>
      %swap3A = arith.index_cast %scan3A_169 : i32 to index
      %swap3A_172 = arith.constant 0 : index
      %swap3A_173 = tpu.vector_load %arg14[%swap3A, %swap3A_172] {strides = array<i32>} : memref<48x128xf32, #tpu.memory_space<vmem>>, vector<16xf32>,
      tpu.vector_store %arg14[%swap3A, %swap3A_172], %broadcast_in_dim3A_171 {strides = array<i32>} : memref<48x128xf32, #tpu.memory_space<vmem>>, vector<16xf32>,
      %broadcast_in_dim3A_174 = arith.constant 0.000000e+00 : f32
      %broadcast_in_dim3A_175 = vector.broadcast %broadcast_in_dim3A_174 : f32 to vector<16xf32>
      %swap3A_176 = arith.index_cast %scan3A_169 : i32 to index
      %swap3A_177 = arith.constant 16 : index
      %swap3A_178 = tpu.vector_load %arg14[%swap3A_176, %swap3A_177] {strides = array<i32>} : memref<48x128xf32, #tpu.memory_space<vmem>>, vector<16xf32>,
      tpu.vector_store %arg14[%swap3A_176, %swap3A_177], %broadcast_in_dim3A_175 {strides = array<i32>} : memref<48x128xf32, #tpu.memory_space<vmem>>, vector<16xf32>,
      %broadcast_in_dim3A_179 = arith.constant 0.000000e+00 : f32
      %broadcast_in_dim3A_180 = vector.broadcast %broadcast_in_dim3A_179 : f32 to vector<16xf32>
      %swap3A_181 = arith.index_cast %scan3A_169 : i32 to index
      %swap3A_182 = arith.constant 32 : index
      %swap3A_183 = tpu.vector_load %arg14[%swap3A_181, %swap3A_182] {strides = array<i32>} : memref<48x128xf32, #tpu.memory_space<vmem>>, vector<16xf32>,
      tpu.vector_store %arg14[%swap3A_181, %swap3A_182], %broadcast_in_dim3A_180 {strides = array<i32>} : memref<48x128xf32, #tpu.memory_space<vmem>>, vector<16xf32>,
      %broadcast_in_dim3A_184 = arith.constant 0.000000e+00 : f32
      %broadcast_in_dim3A_185 = vector.broadcast %broadcast_in_dim3A_184 : f32 to vector<16xf32>
      %swap3A_186 = arith.index_cast %scan3A_169 : i32 to index
      %swap3A_187 = arith.constant 48 : index
      %swap3A_188 = tpu.vector_load %arg14[%swap3A_186, %swap3A_187] {strides = array<i32>} : memref<48x128xf32, #tpu.memory_space<vmem>>, vector<16xf32>,
      tpu.vector_store %arg14[%swap3A_186, %swap3A_187], %broadcast_in_dim3A_185 {strides = array<i32>} : memref<48x128xf32, #tpu.memory_space<vmem>>, vector<16xf32>,
      %broadcast_in_dim3A_189 = arith.constant 0.000000e+00 : f32
      %broadcast_in_dim3A_190 = vector.broadcast %broadcast_in_dim3A_189 : f32 to vector<16xf32>
      %swap3A_191 = arith.index_cast %scan3A_169 : i32 to index
      %swap3A_192 = arith.constant 64 : index
      %swap3A_193 = tpu.vector_load %arg14[%swap3A_191, %swap3A_192] {strides = array<i32>} : memref<48x128xf32, #tpu.memory_space<vmem>>, vector<16xf32>,
      tpu.vector_store %arg14[%swap3A_191, %swap3A_192], %broadcast_in_dim3A_190 {strides = array<i32>} : memref<48x128xf32, #tpu.memory_space<vmem>>, vector<16xf32>,
      %broadcast_in_dim3A_194 = arith.constant 0.000000e+00 : f32
      %broadcast_in_dim3A_195 = vector.broadcast %broadcast_in_dim3A_194 : f32 to vector<16xf32>
      %swap3A_196 = arith.index_cast %scan3A_169 : i32 to index
      %swap3A_197 = arith.constant 80 : index
      %swap3A_198 = tpu.vector_load %arg14[%swap3A_196, %swap3A_197] {strides = array<i32>} : memref<48x128xf32, #tpu.memory_space<vmem>>, vector<16xf32>,
      tpu.vector_store %arg14[%swap3A_196, %swap3A_197], %broadcast_in_dim3A_195 {strides = array<i32>} : memref<48x128xf32, #tpu.memory_space<vmem>>, vector<16xf32>,
      %broadcast_in_dim3A_199 = arith.constant 0.000000e+00 : f32
      %broadcast_in_dim3A_200 = vector.broadcast %broadcast_in_dim3A_199 : f32 to vector<16xf32>
      %swap3A_201 = arith.index_cast %scan3A_169 : i32 to index
      %swap3A_202 = arith.constant 96 : index
      %swap3A_203 = tpu.vector_load %arg14[%swap3A_201, %swap3A_202] {strides = array<i32>} : memref<48x128xf32, #tpu.memory_space<vmem>>, vector<16xf32>,
      tpu.vector_store %arg14[%swap3A_201, %swap3A_202], %broadcast_in_dim3A_200 {strides = array<i32>} : memref<48x128xf32, #tpu.memory_space<vmem>>, vector<16xf32>,
      %broadcast_in_dim3A_204 = arith.constant 0.000000e+00 : f32
      %broadcast_in_dim3A_205 = vector.broadcast %broadcast_in_dim3A_204 : f32 to vector<16xf32>
      %swap3A_206 = arith.index_cast %scan3A_169 : i32 to index
      %swap3A_207 = arith.constant 112 : index
      %swap3A_208 = tpu.vector_load %arg14[%swap3A_206, %swap3A_207] {strides = array<i32>} : memref<48x128xf32, #tpu.memory_space<vmem>>, vector<16xf32>,
      tpu.vector_store %arg14[%swap3A_206, %swap3A_207], %broadcast_in_dim3A_205 {strides = array<i32>} : memref<48x128xf32, #tpu.memory_space<vmem>>, vector<16xf32>,
      %broadcast_in_dim3A_209 = arith.constant 0.000000e+00 : f32
      %broadcast_in_dim3A_210 = vector.broadcast %broadcast_in_dim3A_209 : f32 to vector<16xf32>
      %swap3A_211 = arith.index_cast %scan3A_169 : i32 to index
      %swap3A_212 = arith.constant 0 : index
      %swap3A_213 = tpu.vector_load %arg15[%swap3A_211, %swap3A_212] {strides = array<i32>} : memref<48x16xf32, #tpu.memory_space<vmem>>, vector<16xf32>,
      tpu.vector_store %arg15[%swap3A_211, %swap3A_212], %broadcast_in_dim3A_210 {strides = array<i32>} : memref<48x16xf32, #tpu.memory_space<vmem>>, vector<16xf32>,
    }
    %scan3A_5 = arith.constant 48 : i32
    %mul3A_6 = arith.constant 632 : i32
    %mul3A_7 = arith.muli %arg1, %mul3A_6 : i32
    %scan3A_8 = arith.constant 0 : i32
    %scan3A_9 = arith.constant 0 : i32
    %scan3A_10 = arith.constant 13 : i32
    %scan3A_11 = arith.addi %scan3A_9, %scan3A_10 : i32
    %scan3A_12 = arith.constant 1 : i32
    scf.for %scan3A_169 = %scan3A_9 to %scan3A_11 step %scan3A_12  : i32 {
      %mul3A_170 = arith.constant 2 : i32
      %mul3A_171 = arith.muli %scan3A_169, %mul3A_170 : i32
      %mul3A_172 = arith.constant 24 : i32
      %mul3A_173 = arith.muli %mul3A_171, %mul3A_172 : i32
      %add3A_174 = arith.addi %mul3A_7, %mul3A_173 : i32
      "tpu.region"() ({
        %run_scoped3A_175 = tpu.sem_alloc : memref<!tpu.dma_semaphore, #tpu.memory_space<semaphore_mem>>
        %dma_start3A_176 = arith.constant 0 : i32
        %dma_start3A_177 = tpu.memref_slice %arg16[%add3A_174, %dma_start3A_176] : memref<10112x128xf32, #tpu.memory_space<vmem_shared>> -> memref<48x128xf32, #tpu.memory_space<vmem_shared>>
        %dma_start3A_178 = arith.constant 0 : i32
        %dma_start3A_179 = tpu.memref_slice %arg16[%add3A_174, %dma_start3A_178] : memref<10112x128xf32, #tpu.memory_space<vmem_shared>> -> memref<48x128xf32, #tpu.memory_space<vmem_shared>>
        tpu.enqueue_dma source(%arg14 : memref<48x128xf32, #tpu.memory_space<vmem>>) target(%dma_start3A_179 : memref<48x128xf32, #tpu.memory_space<vmem_shared>>) target_semaphore(%run_scoped3A_175 : memref<!tpu.dma_semaphore, #tpu.memory_space<semaphore_mem>>)
        %dma_wait3A_180 = arith.constant 0 : i32
        %dma_wait3A_181 = tpu.memref_slice %arg16[%add3A_174, %dma_wait3A_180] : memref<10112x128xf32, #tpu.memory_space<vmem_shared>> -> memref<48x128xf32, #tpu.memory_space<vmem_shared>>
        %dma_wait3A_182 = arith.constant 0 : i32
        %dma_wait3A_183 = tpu.memref_slice %arg16[%add3A_174, %dma_wait3A_182] : memref<10112x128xf32, #tpu.memory_space<vmem_shared>> -> memref<48x128xf32, #tpu.memory_space<vmem_shared>>
        tpu.wait_dma2 semaphore(%run_scoped3A_175 : memref<!tpu.dma_semaphore, #tpu.memory_space<semaphore_mem>>) src(%arg14 : memref<48x128xf32, #tpu.memory_space<vmem>>) dst(%dma_wait3A_183 : memref<48x128xf32, #tpu.memory_space<vmem_shared>>)
        tpu.yield
      }) : () -> ()
      "tpu.region"() ({
        %run_scoped3A_175 = tpu.sem_alloc : memref<!tpu.dma_semaphore, #tpu.memory_space<semaphore_mem>>
        %dma_start3A_176 = arith.constant 0 : i32
        %dma_start3A_177 = tpu.memref_slice %arg17[%add3A_174, %dma_start3A_176] : memref<10112x16xf32, #tpu.memory_space<vmem_shared>> -> memref<48x16xf32, #tpu.memory_space<vmem_shared>>
        %dma_start3A_178 = arith.constant 0 : i32
        %dma_start3A_179 = tpu.memref_slice %arg17[%add3A_174, %dma_start3A_178] : memref<10112x16xf32, #tpu.memory_space<vmem_shared>> -> memref<48x16xf32, #tpu.memory_space<vmem_shared>>
        tpu.enqueue_dma source(%arg15 : memref<48x16xf32, #tpu.memory_space<vmem>>) target(%dma_start3A_179 : memref<48x16xf32, #tpu.memory_space<vmem_shared>>) target_semaphore(%run_scoped3A_175 : memref<!tpu.dma_semaphore, #tpu.memory_space<semaphore_mem>>)
        %dma_wait3A_180 = arith.constant 0 : i32
        %dma_wait3A_181 = tpu.memref_slice %arg17[%add3A_174, %dma_wait3A_180] : memref<10112x16xf32, #tpu.memory_space<vmem_shared>> -> memref<48x16xf32, #tpu.memory_space<vmem_shared>>
        %dma_wait3A_182 = arith.constant 0 : i32
        %dma_wait3A_183 = tpu.memref_slice %arg17[%add3A_174, %dma_wait3A_182] : memref<10112x16xf32, #tpu.memory_space<vmem_shared>> -> memref<48x16xf32, #tpu.memory_space<vmem_shared>>
        tpu.wait_dma2 semaphore(%run_scoped3A_175 : memref<!tpu.dma_semaphore, #tpu.memory_space<semaphore_mem>>) src(%arg15 : memref<48x16xf32, #tpu.memory_space<vmem>>) dst(%dma_wait3A_183 : memref<48x16xf32, #tpu.memory_space<vmem_shared>>)
        tpu.yield
      }) : () -> ()
    }
    %scan3A_13 = arith.constant 13 : i32
    %add3A_14 = arith.constant 624 : i32
    %add3A_15 = arith.addi %mul3A_7, %add3A_14 : i32
    "tpu.region"() ({
      %run_scoped3A_169 = tpu.sem_alloc : memref<!tpu.dma_semaphore, #tpu.memory_space<semaphore_mem>>
      %dma_start3A_170 = arith.constant 0 : i32
      %dma_start3A_171 = arith.constant 0 : i32
      %dma_start3A_172 = tpu.memref_slice %arg14[%dma_start3A_170, %dma_start3A_171] : memref<48x128xf32, #tpu.memory_space<vmem>> -> memref<8x128xf32, #tpu.memory_space<vmem>>
      %dma_start3A_173 = arith.constant 0 : i32
      %dma_start3A_174 = tpu.memref_slice %arg16[%add3A_15, %dma_start3A_173] : memref<10112x128xf32, #tpu.memory_space<vmem_shared>> -> memref<8x128xf32, #tpu.memory_space<vmem_shared>>
      %dma_start3A_175 = arith.constant 0 : i32
      %dma_start3A_176 = tpu.memref_slice %arg16[%add3A_15, %dma_start3A_175] : memref<10112x128xf32, #tpu.memory_space<vmem_shared>> -> memref<8x128xf32, #tpu.memory_space<vmem_shared>>
      %dma_start3A_177 = arith.constant 0 : i32
      %dma_start3A_178 = arith.constant 0 : i32
      %dma_start3A_179 = tpu.memref_slice %arg14[%dma_start3A_177, %dma_start3A_178] : memref<48x128xf32, #tpu.memory_space<vmem>> -> memref<8x128xf32, #tpu.memory_space<vmem>>
      tpu.enqueue_dma source(%dma_start3A_179 : memref<8x128xf32, #tpu.memory_space<vmem>>) target(%dma_start3A_176 : memref<8x128xf32, #tpu.memory_space<vmem_shared>>) target_semaphore(%run_scoped3A_169 : memref<!tpu.dma_semaphore, #tpu.memory_space<semaphore_mem>>)
      %dma_wait3A_180 = arith.constant 0 : i32
      %dma_wait3A_181 = arith.constant 0 : i32
      %dma_wait3A_182 = tpu.memref_slice %arg14[%dma_wait3A_180, %dma_wait3A_181] : memref<48x128xf32, #tpu.memory_space<vmem>> -> memref<8x128xf32, #tpu.memory_space<vmem>>
      %dma_wait3A_183 = arith.constant 0 : i32
      %dma_wait3A_184 = tpu.memref_slice %arg16[%add3A_15, %dma_wait3A_183] : memref<10112x128xf32, #tpu.memory_space<vmem_shared>> -> memref<8x128xf32, #tpu.memory_space<vmem_shared>>
      %dma_wait3A_185 = arith.constant 0 : i32
      %dma_wait3A_186 = tpu.memref_slice %arg16[%add3A_15, %dma_wait3A_185] : memref<10112x128xf32, #tpu.memory_space<vmem_shared>> -> memref<8x128xf32, #tpu.memory_space<vmem_shared>>
      %dma_wait3A_187 = arith.constant 0 : i32
      %dma_wait3A_188 = arith.constant 0 : i32
      %dma_wait3A_189 = tpu.memref_slice %arg14[%dma_wait3A_187, %dma_wait3A_188] : memref<48x128xf32, #tpu.memory_space<vmem>> -> memref<8x128xf32, #tpu.memory_space<vmem>>
      tpu.wait_dma2 semaphore(%run_scoped3A_169 : memref<!tpu.dma_semaphore, #tpu.memory_space<semaphore_mem>>) src(%dma_wait3A_189 : memref<8x128xf32, #tpu.memory_space<vmem>>) dst(%dma_wait3A_186 : memref<8x128xf32, #tpu.memory_space<vmem_shared>>)
      tpu.yield
    }) : () -> ()
    "tpu.region"() ({
      %run_scoped3A_169 = tpu.sem_alloc : memref<!tpu.dma_semaphore, #tpu.memory_space<semaphore_mem>>
      %dma_start3A_170 = arith.constant 0 : i32
      %dma_start3A_171 = arith.constant 0 : i32
      %dma_start3A_172 = tpu.memref_slice %arg15[%dma_start3A_170, %dma_start3A_171] : memref<48x16xf32, #tpu.memory_space<vmem>> -> memref<8x16xf32, #tpu.memory_space<vmem>>
      %dma_start3A_173 = arith.constant 0 : i32
      %dma_start3A_174 = tpu.memref_slice %arg17[%add3A_15, %dma_start3A_173] : memref<10112x16xf32, #tpu.memory_space<vmem_shared>> -> memref<8x16xf32, #tpu.memory_space<vmem_shared>>
      %dma_start3A_175 = arith.constant 0 : i32
      %dma_start3A_176 = tpu.memref_slice %arg17[%add3A_15, %dma_start3A_175] : memref<10112x16xf32, #tpu.memory_space<vmem_shared>> -> memref<8x16xf32, #tpu.memory_space<vmem_shared>>
      %dma_start3A_177 = arith.constant 0 : i32
      %dma_start3A_178 = arith.constant 0 : i32
      %dma_start3A_179 = tpu.memref_slice %arg15[%dma_start3A_177, %dma_start3A_178] : memref<48x16xf32, #tpu.memory_space<vmem>> -> memref<8x16xf32, #tpu.memory_space<vmem>>
      tpu.enqueue_dma source(%dma_start3A_179 : memref<8x16xf32, #tpu.memory_space<vmem>>) target(%dma_start3A_176 : memref<8x16xf32, #tpu.memory_space<vmem_shared>>) target_semaphore(%run_scoped3A_169 : memref<!tpu.dma_semaphore, #tpu.memory_space<semaphore_mem>>)
      %dma_wait3A_180 = arith.constant 0 : i32
      %dma_wait3A_181 = arith.constant 0 : i32
      %dma_wait3A_182 = tpu.memref_slice %arg15[%dma_wait3A_180, %dma_wait3A_181] : memref<48x16xf32, #tpu.memory_space<vmem>> -> memref<8x16xf32, #tpu.memory_space<vmem>>
      %dma_wait3A_183 = arith.constant 0 : i32
      %dma_wait3A_184 = tpu.memref_slice %arg17[%add3A_15, %dma_wait3A_183] : memref<10112x16xf32, #tpu.memory_space<vmem_shared>> -> memref<8x16xf32, #tpu.memory_space<vmem_shared>>
      %dma_wait3A_185 = arith.constant 0 : i32
      %dma_wait3A_186 = tpu.memref_slice %arg17[%add3A_15, %dma_wait3A_185] : memref<10112x16xf32, #tpu.memory_space<vmem_shared>> -> memref<8x16xf32, #tpu.memory_space<vmem_shared>>
      %dma_wait3A_187 = arith.constant 0 : i32
      %dma_wait3A_188 = arith.constant 0 : i32
      %dma_wait3A_189 = tpu.memref_slice %arg15[%dma_wait3A_187, %dma_wait3A_188] : memref<48x16xf32, #tpu.memory_space<vmem>> -> memref<8x16xf32, #tpu.memory_space<vmem>>
      tpu.wait_dma2 semaphore(%run_scoped3A_169 : memref<!tpu.dma_semaphore, #tpu.memory_space<semaphore_mem>>) src(%dma_wait3A_189 : memref<8x16xf32, #tpu.memory_space<vmem>>) dst(%dma_wait3A_186 : memref<8x16xf32, #tpu.memory_space<vmem_shared>>)
      tpu.yield
    }) : () -> ()
    %barrier3A = arith.constant 0 : index
    tpu.barrier barrier_id(%barrier3A)
    %iota3A = tpu.iota {dimensions = array<i32: 0>} : vector<16xi32>
    %broadcast_in_dim3A = arith.constant 15 : i32
    %broadcast_in_dim3A_16 = vector.broadcast %broadcast_in_dim3A : i32 to vector<16x1xi32>
    %mul3A_17 = arith.constant 10080 : i32
    %mul3A_18 = arith.muli %add3A, %mul3A_17 : i32
    %run_scoped3A = arith.constant 0 : i32
    "tpu.region"() ({
      %run_scoped3A_169 = tpu.sem_alloc : memref<!tpu.dma_semaphore, #tpu.memory_space<semaphore_mem>>
      %dma_start3A_170 = arith.constant 0 : i32
      %dma_start3A_171 = tpu.memref_slice %arg9[%run_scoped3A, %dma_start3A_170] : memref<4x24xi32, #tpu.memory_space<vmem>> -> memref<1x24xi32, #tpu.memory_space<vmem>>
      %dma_start3A_172 = tpu.memref_squeeze %dma_start3A_171 : memref<1x24xi32, #tpu.memory_space<vmem>> -> memref<24xi32, #tpu.memory_space<vmem>>
      %dma_start3A_173 = tpu.memref_slice %arg5[%mul3A_18] : memref<322608xi32, #tpu.memory_space<hbm>> -> memref<24xi32, #tpu.memory_space<hbm>>
      %dma_start3A_174 = arith.constant 0 : i32
      %dma_start3A_175 = tpu.memref_slice %arg9[%run_scoped3A, %dma_start3A_174] : memref<4x24xi32, #tpu.memory_space<vmem>> -> memref<1x24xi32, #tpu.memory_space<vmem>>
      %dma_start3A_176 = tpu.memref_squeeze %dma_start3A_175 : memref<1x24xi32, #tpu.memory_space<vmem>> -> memref<24xi32, #tpu.memory_space<vmem>>
      %dma_start3A_177 = tpu.memref_slice %arg5[%mul3A_18] : memref<322608xi32, #tpu.memory_space<hbm>> -> memref<24xi32, #tpu.memory_space<hbm>>
      tpu.enqueue_dma source(%dma_start3A_177 : memref<24xi32, #tpu.memory_space<hbm>>) target(%dma_start3A_176 : memref<24xi32, #tpu.memory_space<vmem>>) target_semaphore(%run_scoped3A_169 : memref<!tpu.dma_semaphore, #tpu.memory_space<semaphore_mem>>)
      %dma_wait3A_178 = arith.constant 0 : i32
      %dma_wait3A_179 = tpu.memref_slice %arg9[%run_scoped3A, %dma_wait3A_178] : memref<4x24xi32, #tpu.memory_space<vmem>> -> memref<1x24xi32, #tpu.memory_space<vmem>>
      %dma_wait3A_180 = tpu.memref_squeeze %dma_wait3A_179 : memref<1x24xi32, #tpu.memory_space<vmem>> -> memref<24xi32, #tpu.memory_space<vmem>>
      %dma_wait3A_181 = tpu.memref_slice %arg5[%mul3A_18] : memref<322608xi32, #tpu.memory_space<hbm>> -> memref<24xi32, #tpu.memory_space<hbm>>
      %dma_wait3A_182 = arith.constant 0 : i32
      %dma_wait3A_183 = tpu.memref_slice %arg9[%run_scoped3A, %dma_wait3A_182] : memref<4x24xi32, #tpu.memory_space<vmem>> -> memref<1x24xi32, #tpu.memory_space<vmem>>
      %dma_wait3A_184 = tpu.memref_squeeze %dma_wait3A_183 : memref<1x24xi32, #tpu.memory_space<vmem>> -> memref<24xi32, #tpu.memory_space<vmem>>
      %dma_wait3A_185 = tpu.memref_slice %arg5[%mul3A_18] : memref<322608xi32, #tpu.memory_space<hbm>> -> memref<24xi32, #tpu.memory_space<hbm>>
      tpu.wait_dma2 semaphore(%run_scoped3A_169 : memref<!tpu.dma_semaphore, #tpu.memory_space<semaphore_mem>>) src(%dma_wait3A_185 : memref<24xi32, #tpu.memory_space<hbm>>) dst(%dma_wait3A_184 : memref<24xi32, #tpu.memory_space<vmem>>)
      tpu.yield
    }) : () -> ()
    %run_scoped3A_19 = arith.constant 0 : i32
    "tpu.region"() ({
      %run_scoped3A_169 = tpu.sem_alloc : memref<!tpu.dma_semaphore, #tpu.memory_space<semaphore_mem>>
      %dma_start3A_170 = arith.constant 0 : i32
      %dma_start3A_171 = tpu.memref_slice %arg10[%run_scoped3A_19, %dma_start3A_170] : memref<4x24xi32, #tpu.memory_space<vmem>> -> memref<1x24xi32, #tpu.memory_space<vmem>>
      %dma_start3A_172 = tpu.memref_squeeze %dma_start3A_171 : memref<1x24xi32, #tpu.memory_space<vmem>> -> memref<24xi32, #tpu.memory_space<vmem>>
      %dma_start3A_173 = tpu.memref_slice %arg6[%mul3A_18] : memref<322608xi32, #tpu.memory_space<hbm>> -> memref<24xi32, #tpu.memory_space<hbm>>
      %dma_start3A_174 = arith.constant 0 : i32
      %dma_start3A_175 = tpu.memref_slice %arg10[%run_scoped3A_19, %dma_start3A_174] : memref<4x24xi32, #tpu.memory_space<vmem>> -> memref<1x24xi32, #tpu.memory_space<vmem>>
      %dma_start3A_176 = tpu.memref_squeeze %dma_start3A_175 : memref<1x24xi32, #tpu.memory_space<vmem>> -> memref<24xi32, #tpu.memory_space<vmem>>
      %dma_start3A_177 = tpu.memref_slice %arg6[%mul3A_18] : memref<322608xi32, #tpu.memory_space<hbm>> -> memref<24xi32, #tpu.memory_space<hbm>>
      tpu.enqueue_dma source(%dma_start3A_177 : memref<24xi32, #tpu.memory_space<hbm>>) target(%dma_start3A_176 : memref<24xi32, #tpu.memory_space<vmem>>) target_semaphore(%run_scoped3A_169 : memref<!tpu.dma_semaphore, #tpu.memory_space<semaphore_mem>>)
      %dma_wait3A_178 = arith.constant 0 : i32
      %dma_wait3A_179 = tpu.memref_slice %arg10[%run_scoped3A_19, %dma_wait3A_178] : memref<4x24xi32, #tpu.memory_space<vmem>> -> memref<1x24xi32, #tpu.memory_space<vmem>>
      %dma_wait3A_180 = tpu.memref_squeeze %dma_wait3A_179 : memref<1x24xi32, #tpu.memory_space<vmem>> -> memref<24xi32, #tpu.memory_space<vmem>>
      %dma_wait3A_181 = tpu.memref_slice %arg6[%mul3A_18] : memref<322608xi32, #tpu.memory_space<hbm>> -> memref<24xi32, #tpu.memory_space<hbm>>
      %dma_wait3A_182 = arith.constant 0 : i32
      %dma_wait3A_183 = tpu.memref_slice %arg10[%run_scoped3A_19, %dma_wait3A_182] : memref<4x24xi32, #tpu.memory_space<vmem>> -> memref<1x24xi32, #tpu.memory_space<vmem>>
      %dma_wait3A_184 = tpu.memref_squeeze %dma_wait3A_183 : memref<1x24xi32, #tpu.memory_space<vmem>> -> memref<24xi32, #tpu.memory_space<vmem>>
      %dma_wait3A_185 = tpu.memref_slice %arg6[%mul3A_18] : memref<322608xi32, #tpu.memory_space<hbm>> -> memref<24xi32, #tpu.memory_space<hbm>>
      tpu.wait_dma2 semaphore(%run_scoped3A_169 : memref<!tpu.dma_semaphore, #tpu.memory_space<semaphore_mem>>) src(%dma_wait3A_185 : memref<24xi32, #tpu.memory_space<hbm>>) dst(%dma_wait3A_184 : memref<24xi32, #tpu.memory_space<vmem>>)
      tpu.yield
    }) : () -> ()
    %add3A_20 = arith.constant 24 : i32
    %add3A_21 = arith.addi %mul3A_18, %add3A_20 : i32
    %dma_start3A = arith.constant 1 : i32
    %dma_start3A_22 = arith.constant 0 : i32
    %dma_start3A_23 = tpu.memref_slice %arg9[%dma_start3A, %dma_start3A_22] : memref<4x24xi32, #tpu.memory_space<vmem>> -> memref<1x24xi32, #tpu.memory_space<vmem>>
    %dma_start3A_24 = tpu.memref_squeeze %dma_start3A_23 : memref<1x24xi32, #tpu.memory_space<vmem>> -> memref<24xi32, #tpu.memory_space<vmem>>
    %dma_start3A_25 = tpu.memref_slice %arg5[%add3A_21] : memref<322608xi32, #tpu.memory_space<hbm>> -> memref<24xi32, #tpu.memory_space<hbm>>
    %dma_start3A_26 = arith.constant 0 : i32
    %dma_start3A_27 = tpu.memref_slice %arg9[%dma_start3A, %dma_start3A_26] : memref<4x24xi32, #tpu.memory_space<vmem>> -> memref<1x24xi32, #tpu.memory_space<vmem>>
    %dma_start3A_28 = tpu.memref_squeeze %dma_start3A_27 : memref<1x24xi32, #tpu.memory_space<vmem>> -> memref<24xi32, #tpu.memory_space<vmem>>
    %dma_start3A_29 = tpu.memref_slice %arg5[%add3A_21] : memref<322608xi32, #tpu.memory_space<hbm>> -> memref<24xi32, #tpu.memory_space<hbm>>
    tpu.enqueue_dma source(%dma_start3A_29 : memref<24xi32, #tpu.memory_space<hbm>>) target(%dma_start3A_28 : memref<24xi32, #tpu.memory_space<vmem>>) target_semaphore(%arg18 : memref<!tpu.dma_semaphore, #tpu.memory_space<semaphore_mem>>)
    %add3A_30 = arith.constant 24 : i32
    %add3A_31 = arith.addi %mul3A_18, %add3A_30 : i32
    %dma_start3A_32 = arith.constant 1 : i32
    %dma_start3A_33 = arith.constant 0 : i32
    %dma_start3A_34 = tpu.memref_slice %arg10[%dma_start3A_32, %dma_start3A_33] : memref<4x24xi32, #tpu.memory_space<vmem>> -> memref<1x24xi32, #tpu.memory_space<vmem>>
    %dma_start3A_35 = tpu.memref_squeeze %dma_start3A_34 : memref<1x24xi32, #tpu.memory_space<vmem>> -> memref<24xi32, #tpu.memory_space<vmem>>
    %dma_start3A_36 = tpu.memref_slice %arg6[%add3A_31] : memref<322608xi32, #tpu.memory_space<hbm>> -> memref<24xi32, #tpu.memory_space<hbm>>
    %dma_start3A_37 = arith.constant 0 : i32
    %dma_start3A_38 = tpu.memref_slice %arg10[%dma_start3A_32, %dma_start3A_37] : memref<4x24xi32, #tpu.memory_space<vmem>> -> memref<1x24xi32, #tpu.memory_space<vmem>>
    %dma_start3A_39 = tpu.memref_squeeze %dma_start3A_38 : memref<1x24xi32, #tpu.memory_space<vmem>> -> memref<24xi32, #tpu.memory_space<vmem>>
    %dma_start3A_40 = tpu.memref_slice %arg6[%add3A_31] : memref<322608xi32, #tpu.memory_space<hbm>> -> memref<24xi32, #tpu.memory_space<hbm>>
    tpu.enqueue_dma source(%dma_start3A_40 : memref<24xi32, #tpu.memory_space<hbm>>) target(%dma_start3A_39 : memref<24xi32, #tpu.memory_space<vmem>>) target_semaphore(%arg18 : memref<!tpu.dma_semaphore, #tpu.memory_space<semaphore_mem>>)
    %dma_start3A_41 = arith.constant 0 : i32
    %dma_start3A_42 = arith.constant 0 : i32
    %dma_start3A_43 = arith.constant 0 : i32
    %dma_start3A_44 = tpu.memref_slice %arg11[%dma_start3A_42, %dma_start3A_43] : memref<48x128xf32, #tpu.memory_space<vmem>> -> memref<24x128xf32, #tpu.memory_space<vmem>>
    %dma_start3A_45 = arith.constant 0 : i32
    %dma_start3A_46 = tpu.memref_slice %arg10[%dma_start3A_41, %dma_start3A_45] : memref<4x24xi32, #tpu.memory_space<vmem>> -> memref<1x24xi32, #tpu.memory_space<vmem>>
    %dma_start3A_47 = tpu.memref_squeeze %dma_start3A_46 : memref<1x24xi32, #tpu.memory_space<vmem>> -> memref<24xi32, #tpu.memory_space<vmem>>
    %dma_start3A_48 = arith.constant 0 : i32
    %dma_start3A_49 = arith.constant 0 : i32
    %dma_start3A_50 = tpu.memref_slice %arg2[%dma_start3A_48, %dma_start3A_49] : memref<10000x128xf32, #tpu.memory_space<hbm>> -> memref<10000x128xf32, #tpu.memory_space<hbm>>
    tpu.enqueue_indirect_dma source(%dma_start3A_50 : memref<10000x128xf32, #tpu.memory_space<hbm>>) target(%dma_start3A_44 : memref<24x128xf32, #tpu.memory_space<vmem>>) offsets(%dma_start3A_47 : memref<24xi32, #tpu.memory_space<vmem>>) semaphore(%arg19 : memref<!tpu.dma_semaphore, #tpu.memory_space<semaphore_mem>>)
    %dma_start3A_51 = arith.constant 0 : i32
    %dma_start3A_52 = arith.constant 0 : i32
    %dma_start3A_53 = arith.constant 0 : i32
    %dma_start3A_54 = tpu.memref_slice %arg12[%dma_start3A_52, %dma_start3A_53] : memref<48x128xf32, #tpu.memory_space<vmem>> -> memref<24x128xf32, #tpu.memory_space<vmem>>
    %dma_start3A_55 = arith.constant 0 : i32
    %dma_start3A_56 = tpu.memref_slice %arg9[%dma_start3A_51, %dma_start3A_55] : memref<4x24xi32, #tpu.memory_space<vmem>> -> memref<1x24xi32, #tpu.memory_space<vmem>>
    %dma_start3A_57 = tpu.memref_squeeze %dma_start3A_56 : memref<1x24xi32, #tpu.memory_space<vmem>> -> memref<24xi32, #tpu.memory_space<vmem>>
    %dma_start3A_58 = arith.constant 0 : i32
    %dma_start3A_59 = arith.constant 0 : i32
    %dma_start3A_60 = tpu.memref_slice %arg3[%dma_start3A_58, %dma_start3A_59] : memref<10000x128xf32, #tpu.memory_space<hbm>> -> memref<10000x128xf32, #tpu.memory_space<hbm>>
    tpu.enqueue_indirect_dma source(%dma_start3A_60 : memref<10000x128xf32, #tpu.memory_space<hbm>>) target(%dma_start3A_54 : memref<24x128xf32, #tpu.memory_space<vmem>>) offsets(%dma_start3A_57 : memref<24xi32, #tpu.memory_space<vmem>>) semaphore(%arg19 : memref<!tpu.dma_semaphore, #tpu.memory_space<semaphore_mem>>)
    %dma_start3A_61 = arith.constant 0 : i32
    %dma_start3A_62 = arith.constant 0 : i32
    %dma_start3A_63 = arith.constant 0 : i32
    %dma_start3A_64 = tpu.memref_slice %arg13[%dma_start3A_62, %dma_start3A_63] : memref<48x128xf32, #tpu.memory_space<vmem>> -> memref<24x128xf32, #tpu.memory_space<vmem>>
    %dma_start3A_65 = arith.constant 0 : i32
    %dma_start3A_66 = tpu.memref_slice %arg9[%dma_start3A_61, %dma_start3A_65] : memref<4x24xi32, #tpu.memory_space<vmem>> -> memref<1x24xi32, #tpu.memory_space<vmem>>
    %dma_start3A_67 = tpu.memref_squeeze %dma_start3A_66 : memref<1x24xi32, #tpu.memory_space<vmem>> -> memref<24xi32, #tpu.memory_space<vmem>>
    %dma_start3A_68 = arith.constant 0 : i32
    %dma_start3A_69 = arith.constant 0 : i32
    %dma_start3A_70 = tpu.memref_slice %arg4[%dma_start3A_68, %dma_start3A_69] : memref<10000x128xf32, #tpu.memory_space<hbm>> -> memref<10000x128xf32, #tpu.memory_space<hbm>>
    tpu.enqueue_indirect_dma source(%dma_start3A_70 : memref<10000x128xf32, #tpu.memory_space<hbm>>) target(%dma_start3A_64 : memref<24x128xf32, #tpu.memory_space<vmem>>) offsets(%dma_start3A_67 : memref<24xi32, #tpu.memory_space<vmem>>) semaphore(%arg19 : memref<!tpu.dma_semaphore, #tpu.memory_space<semaphore_mem>>)
    %dma_start3A_71 = arith.constant 0 : i32
    %dma_start3A_72 = arith.constant 24 : i32
    %dma_start3A_73 = arith.constant 0 : i32
    %dma_start3A_74 = tpu.memref_slice %arg14[%dma_start3A_72, %dma_start3A_73] : memref<48x128xf32, #tpu.memory_space<vmem>> -> memref<24x128xf32, #tpu.memory_space<vmem>>
    %dma_start3A_75 = arith.constant 0 : i32
    %dma_start3A_76 = tpu.memref_slice %arg10[%dma_start3A_71, %dma_start3A_75] : memref<4x24xi32, #tpu.memory_space<vmem>> -> memref<1x24xi32, #tpu.memory_space<vmem>>
    %dma_start3A_77 = tpu.memref_squeeze %dma_start3A_76 : memref<1x24xi32, #tpu.memory_space<vmem>> -> memref<24xi32, #tpu.memory_space<vmem>>
    %dma_start3A_78 = arith.constant 0 : i32
    %dma_start3A_79 = arith.constant 0 : i32
    %dma_start3A_80 = tpu.memref_slice %arg16[%dma_start3A_78, %dma_start3A_79] : memref<10112x128xf32, #tpu.memory_space<vmem_shared>> -> memref<10112x128xf32, #tpu.memory_space<vmem_shared>>
    tpu.enqueue_indirect_dma source(%dma_start3A_74 : memref<24x128xf32, #tpu.memory_space<vmem>>) target(%dma_start3A_80 : memref<10112x128xf32, #tpu.memory_space<vmem_shared>>) offsets(%dma_start3A_77 : memref<24xi32, #tpu.memory_space<vmem>>) semaphore(%arg21 : memref<!tpu.dma_semaphore, #tpu.memory_space<semaphore_mem>>) {add = true}
    %dma_start3A_81 = arith.constant 0 : i32
    %dma_start3A_82 = arith.constant 24 : i32
    %dma_start3A_83 = arith.constant 0 : i32
    %dma_start3A_84 = tpu.memref_slice %arg15[%dma_start3A_82, %dma_start3A_83] : memref<48x16xf32, #tpu.memory_space<vmem>> -> memref<24x16xf32, #tpu.memory_space<vmem>>
    %dma_start3A_85 = arith.constant 0 : i32
    %dma_start3A_86 = tpu.memref_slice %arg10[%dma_start3A_81, %dma_start3A_85] : memref<4x24xi32, #tpu.memory_space<vmem>> -> memref<1x24xi32, #tpu.memory_space<vmem>>
    %dma_start3A_87 = tpu.memref_squeeze %dma_start3A_86 : memref<1x24xi32, #tpu.memory_space<vmem>> -> memref<24xi32, #tpu.memory_space<vmem>>
    %dma_start3A_88 = arith.constant 0 : i32
    %dma_start3A_89 = arith.constant 0 : i32
    %dma_start3A_90 = tpu.memref_slice %arg17[%dma_start3A_88, %dma_start3A_89] : memref<10112x16xf32, #tpu.memory_space<vmem_shared>> -> memref<10112x16xf32, #tpu.memory_space<vmem_shared>>
    tpu.enqueue_indirect_dma source(%dma_start3A_84 : memref<24x16xf32, #tpu.memory_space<vmem>>) target(%dma_start3A_90 : memref<10112x16xf32, #tpu.memory_space<vmem_shared>>) offsets(%dma_start3A_87 : memref<24xi32, #tpu.memory_space<vmem>>) semaphore(%arg21 : memref<!tpu.dma_semaphore, #tpu.memory_space<semaphore_mem>>) {add = true}
    %scan3A_91 = arith.constant 0 : i32
    %scan3A_92 = arith.constant 0 : i32
    %scan3A_93 = arith.constant 105 : i32
    %scan3A_94 = arith.addi %scan3A_92, %scan3A_93 : i32
    %scan3A_95 = arith.constant 1 : i32
    scf.for %scan3A_169 = %scan3A_92 to %scan3A_94 step %scan3A_95  : i32 {
      %mul3A_170 = arith.constant 4 : i32
      %mul3A_171 = arith.muli %mul3A_170, %scan3A_169 : i32
      %add3A_172 = arith.constant 0 : i32
      %add3A_173 = arith.addi %mul3A_171, %add3A_172 : i32
      %add3A_174 = arith.constant 1 : i32
      %add3A_175 = arith.addi %add3A_173, %add3A_174 : i32
      %mul3A_176 = arith.constant 24 : i32
      %mul3A_177 = arith.muli %add3A_175, %mul3A_176 : i32
      %add3A_178 = arith.addi %mul3A_18, %mul3A_177 : i32
      %dma_wait3A_179 = arith.constant 1 : i32
      %dma_wait3A_180 = arith.constant 0 : i32
      %dma_wait3A_181 = tpu.memref_slice %arg9[%dma_wait3A_179, %dma_wait3A_180] : memref<4x24xi32, #tpu.memory_space<vmem>> -> memref<1x24xi32, #tpu.memory_space<vmem>>
      %dma_wait3A_182 = tpu.memref_squeeze %dma_wait3A_181 : memref<1x24xi32, #tpu.memory_space<vmem>> -> memref<24xi32, #tpu.memory_space<vmem>>
      %dma_wait3A_183 = tpu.memref_slice %arg5[%add3A_178] : memref<322608xi32, #tpu.memory_space<hbm>> -> memref<24xi32, #tpu.memory_space<hbm>>
      %dma_wait3A_184 = arith.constant 0 : i32
      %dma_wait3A_185 = tpu.memref_slice %arg9[%dma_wait3A_179, %dma_wait3A_184] : memref<4x24xi32, #tpu.memory_space<vmem>> -> memref<1x24xi32, #tpu.memory_space<vmem>>
      %dma_wait3A_186 = tpu.memref_squeeze %dma_wait3A_185 : memref<1x24xi32, #tpu.memory_space<vmem>> -> memref<24xi32, #tpu.memory_space<vmem>>
      %dma_wait3A_187 = tpu.memref_slice %arg5[%add3A_178] : memref<322608xi32, #tpu.memory_space<hbm>> -> memref<24xi32, #tpu.memory_space<hbm>>
      tpu.wait_dma2 semaphore(%arg18 : memref<!tpu.dma_semaphore, #tpu.memory_space<semaphore_mem>>) src(%dma_wait3A_187 : memref<24xi32, #tpu.memory_space<hbm>>) dst(%dma_wait3A_186 : memref<24xi32, #tpu.memory_space<vmem>>)
      %dma_wait3A_188 = arith.constant 1 : i32
      %dma_wait3A_189 = arith.constant 0 : i32
      %dma_wait3A_190 = tpu.memref_slice %arg10[%dma_wait3A_188, %dma_wait3A_189] : memref<4x24xi32, #tpu.memory_space<vmem>> -> memref<1x24xi32, #tpu.memory_space<vmem>>
      %dma_wait3A_191 = tpu.memref_squeeze %dma_wait3A_190 : memref<1x24xi32, #tpu.memory_space<vmem>> -> memref<24xi32, #tpu.memory_space<vmem>>
      %dma_wait3A_192 = tpu.memref_slice %arg6[%add3A_178] : memref<322608xi32, #tpu.memory_space<hbm>> -> memref<24xi32, #tpu.memory_space<hbm>>
      %dma_wait3A_193 = arith.constant 0 : i32
      %dma_wait3A_194 = tpu.memref_slice %arg10[%dma_wait3A_188, %dma_wait3A_193] : memref<4x24xi32, #tpu.memory_space<vmem>> -> memref<1x24xi32, #tpu.memory_space<vmem>>
      %dma_wait3A_195 = tpu.memref_squeeze %dma_wait3A_194 : memref<1x24xi32, #tpu.memory_space<vmem>> -> memref<24xi32, #tpu.memory_space<vmem>>
      %dma_wait3A_196 = tpu.memref_slice %arg6[%add3A_178] : memref<322608xi32, #tpu.memory_space<hbm>> -> memref<24xi32, #tpu.memory_space<hbm>>
      tpu.wait_dma2 semaphore(%arg18 : memref<!tpu.dma_semaphore, #tpu.memory_space<semaphore_mem>>) src(%dma_wait3A_196 : memref<24xi32, #tpu.memory_space<hbm>>) dst(%dma_wait3A_195 : memref<24xi32, #tpu.memory_space<vmem>>)
      %dma_start3A_197 = arith.constant 1 : i32
      %dma_start3A_198 = arith.constant 24 : i32
      %dma_start3A_199 = arith.constant 0 : i32
      %dma_start3A_200 = tpu.memref_slice %arg11[%dma_start3A_198, %dma_start3A_199] : memref<48x128xf32, #tpu.memory_space<vmem>> -> memref<24x128xf32, #tpu.memory_space<vmem>>
      %dma_start3A_201 = arith.constant 0 : i32
      %dma_start3A_202 = tpu.memref_slice %arg10[%dma_start3A_197, %dma_start3A_201] : memref<4x24xi32, #tpu.memory_space<vmem>> -> memref<1x24xi32, #tpu.memory_space<vmem>>
      %dma_start3A_203 = tpu.memref_squeeze %dma_start3A_202 : memref<1x24xi32, #tpu.memory_space<vmem>> -> memref<24xi32, #tpu.memory_space<vmem>>
      %dma_start3A_204 = arith.constant 0 : i32
      %dma_start3A_205 = arith.constant 0 : i32
      %dma_start3A_206 = tpu.memref_slice %arg2[%dma_start3A_204, %dma_start3A_205] : memref<10000x128xf32, #tpu.memory_space<hbm>> -> memref<10000x128xf32, #tpu.memory_space<hbm>>
      tpu.enqueue_indirect_dma source(%dma_start3A_206 : memref<10000x128xf32, #tpu.memory_space<hbm>>) target(%dma_start3A_200 : memref<24x128xf32, #tpu.memory_space<vmem>>) offsets(%dma_start3A_203 : memref<24xi32, #tpu.memory_space<vmem>>) semaphore(%arg20 : memref<!tpu.dma_semaphore, #tpu.memory_space<semaphore_mem>>)
      %dma_start3A_207 = arith.constant 1 : i32
      %dma_start3A_208 = arith.constant 24 : i32
      %dma_start3A_209 = arith.constant 0 : i32
      %dma_start3A_210 = tpu.memref_slice %arg12[%dma_start3A_208, %dma_start3A_209] : memref<48x128xf32, #tpu.memory_space<vmem>> -> memref<24x128xf32, #tpu.memory_space<vmem>>
      %dma_start3A_211 = arith.constant 0 : i32
      %dma_start3A_212 = tpu.memref_slice %arg9[%dma_start3A_207, %dma_start3A_211] : memref<4x24xi32, #tpu.memory_space<vmem>> -> memref<1x24xi32, #tpu.memory_space<vmem>>
      %dma_start3A_213 = tpu.memref_squeeze %dma_start3A_212 : memref<1x24xi32, #tpu.memory_space<vmem>> -> memref<24xi32, #tpu.memory_space<vmem>>
      %dma_start3A_214 = arith.constant 0 : i32
      %dma_start3A_215 = arith.constant 0 : i32
      %dma_start3A_216 = tpu.memref_slice %arg3[%dma_start3A_214, %dma_start3A_215] : memref<10000x128xf32, #tpu.memory_space<hbm>> -> memref<10000x128xf32, #tpu.memory_space<hbm>>
      tpu.enqueue_indirect_dma source(%dma_start3A_216 : memref<10000x128xf32, #tpu.memory_space<hbm>>) target(%dma_start3A_210 : memref<24x128xf32, #tpu.memory_space<vmem>>) offsets(%dma_start3A_213 : memref<24xi32, #tpu.memory_space<vmem>>) semaphore(%arg20 : memref<!tpu.dma_semaphore, #tpu.memory_space<semaphore_mem>>)
      %dma_start3A_217 = arith.constant 1 : i32
      %dma_start3A_218 = arith.constant 24 : i32
      %dma_start3A_219 = arith.constant 0 : i32
      %dma_start3A_220 = tpu.memref_slice %arg13[%dma_start3A_218, %dma_start3A_219] : memref<48x128xf32, #tpu.memory_space<vmem>> -> memref<24x128xf32, #tpu.memory_space<vmem>>
      %dma_start3A_221 = arith.constant 0 : i32
      %dma_start3A_222 = tpu.memref_slice %arg9[%dma_start3A_217, %dma_start3A_221] : memref<4x24xi32, #tpu.memory_space<vmem>> -> memref<1x24xi32, #tpu.memory_space<vmem>>
      %dma_start3A_223 = tpu.memref_squeeze %dma_start3A_222 : memref<1x24xi32, #tpu.memory_space<vmem>> -> memref<24xi32, #tpu.memory_space<vmem>>
      %dma_start3A_224 = arith.constant 0 : i32
      %dma_start3A_225 = arith.constant 0 : i32
      %dma_start3A_226 = tpu.memref_slice %arg4[%dma_start3A_224, %dma_start3A_225] : memref<10000x128xf32, #tpu.memory_space<hbm>> -> memref<10000x128xf32, #tpu.memory_space<hbm>>
      tpu.enqueue_indirect_dma source(%dma_start3A_226 : memref<10000x128xf32, #tpu.memory_space<hbm>>) target(%dma_start3A_220 : memref<24x128xf32, #tpu.memory_space<vmem>>) offsets(%dma_start3A_223 : memref<24xi32, #tpu.memory_space<vmem>>) semaphore(%arg20 : memref<!tpu.dma_semaphore, #tpu.memory_space<semaphore_mem>>)
      %add3A_227 = arith.constant 2 : i32
      %add3A_228 = arith.addi %add3A_173, %add3A_227 : i32
      %mul3A_229 = arith.constant 24 : i32
      %mul3A_230 = arith.muli %add3A_228, %mul3A_229 : i32
      %add3A_231 = arith.addi %mul3A_18, %mul3A_230 : i32
      %dma_start3A_232 = arith.constant 2 : i32
      %dma_start3A_233 = arith.constant 0 : i32
      %dma_start3A_234 = tpu.memref_slice %arg9[%dma_start3A_232, %dma_start3A_233] : memref<4x24xi32, #tpu.memory_space<vmem>> -> memref<1x24xi32, #tpu.memory_space<vmem>>
      %dma_start3A_235 = tpu.memref_squeeze %dma_start3A_234 : memref<1x24xi32, #tpu.memory_space<vmem>> -> memref<24xi32, #tpu.memory_space<vmem>>
      %dma_start3A_236 = tpu.memref_slice %arg5[%add3A_231] : memref<322608xi32, #tpu.memory_space<hbm>> -> memref<24xi32, #tpu.memory_space<hbm>>
      %dma_start3A_237 = arith.constant 0 : i32
      %dma_start3A_238 = tpu.memref_slice %arg9[%dma_start3A_232, %dma_start3A_237] : memref<4x24xi32, #tpu.memory_space<vmem>> -> memref<1x24xi32, #tpu.memory_space<vmem>>
      %dma_start3A_239 = tpu.memref_squeeze %dma_start3A_238 : memref<1x24xi32, #tpu.memory_space<vmem>> -> memref<24xi32, #tpu.memory_space<vmem>>
      %dma_start3A_240 = tpu.memref_slice %arg5[%add3A_231] : memref<322608xi32, #tpu.memory_space<hbm>> -> memref<24xi32, #tpu.memory_space<hbm>>
      tpu.enqueue_dma source(%dma_start3A_240 : memref<24xi32, #tpu.memory_space<hbm>>) target(%dma_start3A_239 : memref<24xi32, #tpu.memory_space<vmem>>) target_semaphore(%arg18 : memref<!tpu.dma_semaphore, #tpu.memory_space<semaphore_mem>>)
      %dma_start3A_241 = arith.constant 2 : i32
      %dma_start3A_242 = arith.constant 0 : i32
      %dma_start3A_243 = tpu.memref_slice %arg10[%dma_start3A_241, %dma_start3A_242] : memref<4x24xi32, #tpu.memory_space<vmem>> -> memref<1x24xi32, #tpu.memory_space<vmem>>
      %dma_start3A_244 = tpu.memref_squeeze %dma_start3A_243 : memref<1x24xi32, #tpu.memory_space<vmem>> -> memref<24xi32, #tpu.memory_space<vmem>>
      %dma_start3A_245 = tpu.memref_slice %arg6[%add3A_231] : memref<322608xi32, #tpu.memory_space<hbm>> -> memref<24xi32, #tpu.memory_space<hbm>>
      %dma_start3A_246 = arith.constant 0 : i32
      %dma_start3A_247 = tpu.memref_slice %arg10[%dma_start3A_241, %dma_start3A_246] : memref<4x24xi32, #tpu.memory_space<vmem>> -> memref<1x24xi32, #tpu.memory_space<vmem>>
      %dma_start3A_248 = tpu.memref_squeeze %dma_start3A_247 : memref<1x24xi32, #tpu.memory_space<vmem>> -> memref<24xi32, #tpu.memory_space<vmem>>
      %dma_start3A_249 = tpu.memref_slice %arg6[%add3A_231] : memref<322608xi32, #tpu.memory_space<hbm>> -> memref<24xi32, #tpu.memory_space<hbm>>
      tpu.enqueue_dma source(%dma_start3A_249 : memref<24xi32, #tpu.memory_space<hbm>>) target(%dma_start3A_248 : memref<24xi32, #tpu.memory_space<vmem>>) target_semaphore(%arg18 : memref<!tpu.dma_semaphore, #tpu.memory_space<semaphore_mem>>)
      %dma_wait3A_250 = arith.constant 0 : i32
      %dma_wait3A_251 = arith.constant 0 : i32
      %dma_wait3A_252 = arith.constant 0 : i32
      %dma_wait3A_253 = tpu.memref_slice %arg11[%dma_wait3A_251, %dma_wait3A_252] : memref<48x128xf32, #tpu.memory_space<vmem>> -> memref<24x128xf32, #tpu.memory_space<vmem>>
      %dma_wait3A_254 = arith.constant 0 : i32
      %dma_wait3A_255 = tpu.memref_slice %arg10[%dma_wait3A_250, %dma_wait3A_254] : memref<4x24xi32, #tpu.memory_space<vmem>> -> memref<1x24xi32, #tpu.memory_space<vmem>>
      %dma_wait3A_256 = tpu.memref_squeeze %dma_wait3A_255 : memref<1x24xi32, #tpu.memory_space<vmem>> -> memref<24xi32, #tpu.memory_space<vmem>>
      %dma_wait3A_257 = arith.constant 0 : i32
      %dma_wait3A_258 = arith.constant 0 : i32
      %dma_wait3A_259 = tpu.memref_slice %arg2[%dma_wait3A_257, %dma_wait3A_258] : memref<10000x128xf32, #tpu.memory_space<hbm>> -> memref<10000x128xf32, #tpu.memory_space<hbm>>
      tpu.wait_indirect_dma semaphore(%arg19 : memref<!tpu.dma_semaphore, #tpu.memory_space<semaphore_mem>>) src(%dma_wait3A_259 : memref<10000x128xf32, #tpu.memory_space<hbm>>) dst(%dma_wait3A_253 : memref<24x128xf32, #tpu.memory_space<vmem>>)
      %dma_wait3A_260 = arith.constant 0 : i32
      %dma_wait3A_261 = arith.constant 0 : i32
      %dma_wait3A_262 = arith.constant 0 : i32
      %dma_wait3A_263 = tpu.memref_slice %arg12[%dma_wait3A_261, %dma_wait3A_262] : memref<48x128xf32, #tpu.memory_space<vmem>> -> memref<24x128xf32, #tpu.memory_space<vmem>>
      %dma_wait3A_264 = arith.constant 0 : i32
      %dma_wait3A_265 = tpu.memref_slice %arg9[%dma_wait3A_260, %dma_wait3A_264] : memref<4x24xi32, #tpu.memory_space<vmem>> -> memref<1x24xi32, #tpu.memory_space<vmem>>
      %dma_wait3A_266 = tpu.memref_squeeze %dma_wait3A_265 : memref<1x24xi32, #tpu.memory_space<vmem>> -> memref<24xi32, #tpu.memory_space<vmem>>
      %dma_wait3A_267 = arith.constant 0 : i32
      %dma_wait3A_268 = arith.constant 0 : i32
      %dma_wait3A_269 = tpu.memref_slice %arg3[%dma_wait3A_267, %dma_wait3A_268] : memref<10000x128xf32, #tpu.memory_space<hbm>> -> memref<10000x128xf32, #tpu.memory_space<hbm>>
      tpu.wait_indirect_dma semaphore(%arg19 : memref<!tpu.dma_semaphore, #tpu.memory_space<semaphore_mem>>) src(%dma_wait3A_269 : memref<10000x128xf32, #tpu.memory_space<hbm>>) dst(%dma_wait3A_263 : memref<24x128xf32, #tpu.memory_space<vmem>>)
      %dma_wait3A_270 = arith.constant 0 : i32
      %dma_wait3A_271 = arith.constant 0 : i32
      %dma_wait3A_272 = arith.constant 0 : i32
      %dma_wait3A_273 = tpu.memref_slice %arg13[%dma_wait3A_271, %dma_wait3A_272] : memref<48x128xf32, #tpu.memory_space<vmem>> -> memref<24x128xf32, #tpu.memory_space<vmem>>
      %dma_wait3A_274 = arith.constant 0 : i32
      %dma_wait3A_275 = tpu.memref_slice %arg9[%dma_wait3A_270, %dma_wait3A_274] : memref<4x24xi32, #tpu.memory_space<vmem>> -> memref<1x24xi32, #tpu.memory_space<vmem>>
      %dma_wait3A_276 = tpu.memref_squeeze %dma_wait3A_275 : memref<1x24xi32, #tpu.memory_space<vmem>> -> memref<24xi32, #tpu.memory_space<vmem>>
      %dma_wait3A_277 = arith.constant 0 : i32
      %dma_wait3A_278 = arith.constant 0 : i32
      %dma_wait3A_279 = tpu.memref_slice %arg4[%dma_wait3A_277, %dma_wait3A_278] : memref<10000x128xf32, #tpu.memory_space<hbm>> -> memref<10000x128xf32, #tpu.memory_space<hbm>>
      tpu.wait_indirect_dma semaphore(%arg19 : memref<!tpu.dma_semaphore, #tpu.memory_space<semaphore_mem>>) src(%dma_wait3A_279 : memref<10000x128xf32, #tpu.memory_space<hbm>>) dst(%dma_wait3A_273 : memref<24x128xf32, #tpu.memory_space<vmem>>)
      %dma_wait3A_280 = arith.constant 0 : i32
      %dma_wait3A_281 = arith.constant 24 : i32
      %dma_wait3A_282 = arith.constant 0 : i32
      %dma_wait3A_283 = tpu.memref_slice %arg14[%dma_wait3A_281, %dma_wait3A_282] : memref<48x128xf32, #tpu.memory_space<vmem>> -> memref<24x128xf32, #tpu.memory_space<vmem>>
      %dma_wait3A_284 = arith.constant 0 : i32
      %dma_wait3A_285 = tpu.memref_slice %arg10[%dma_wait3A_280, %dma_wait3A_284] : memref<4x24xi32, #tpu.memory_space<vmem>> -> memref<1x24xi32, #tpu.memory_space<vmem>>
      %dma_wait3A_286 = tpu.memref_squeeze %dma_wait3A_285 : memref<1x24xi32, #tpu.memory_space<vmem>> -> memref<24xi32, #tpu.memory_space<vmem>>
      %dma_wait3A_287 = arith.constant 0 : i32
      %dma_wait3A_288 = arith.constant 0 : i32
      %dma_wait3A_289 = tpu.memref_slice %arg16[%dma_wait3A_287, %dma_wait3A_288] : memref<10112x128xf32, #tpu.memory_space<vmem_shared>> -> memref<10112x128xf32, #tpu.memory_space<vmem_shared>>
      tpu.wait_indirect_dma semaphore(%arg21 : memref<!tpu.dma_semaphore, #tpu.memory_space<semaphore_mem>>) src(%dma_wait3A_283 : memref<24x128xf32, #tpu.memory_space<vmem>>) dst(%dma_wait3A_289 : memref<10112x128xf32, #tpu.memory_space<vmem_shared>>)
      %dma_wait3A_290 = arith.constant 0 : i32
      %dma_wait3A_291 = arith.constant 24 : i32
      %dma_wait3A_292 = arith.constant 0 : i32
      %dma_wait3A_293 = tpu.memref_slice %arg15[%dma_wait3A_291, %dma_wait3A_292] : memref<48x16xf32, #tpu.memory_space<vmem>> -> memref<24x16xf32, #tpu.memory_space<vmem>>
      %dma_wait3A_294 = arith.constant 0 : i32
      %dma_wait3A_295 = tpu.memref_slice %arg10[%dma_wait3A_290, %dma_wait3A_294] : memref<4x24xi32, #tpu.memory_space<vmem>> -> memref<1x24xi32, #tpu.memory_space<vmem>>
      %dma_wait3A_296 = tpu.memref_squeeze %dma_wait3A_295 : memref<1x24xi32, #tpu.memory_space<vmem>> -> memref<24xi32, #tpu.memory_space<vmem>>
      %dma_wait3A_297 = arith.constant 0 : i32
      %dma_wait3A_298 = arith.constant 0 : i32
      %dma_wait3A_299 = tpu.memref_slice %arg17[%dma_wait3A_297, %dma_wait3A_298] : memref<10112x16xf32, #tpu.memory_space<vmem_shared>> -> memref<10112x16xf32, #tpu.memory_space<vmem_shared>>
      tpu.wait_indirect_dma semaphore(%arg21 : memref<!tpu.dma_semaphore, #tpu.memory_space<semaphore_mem>>) src(%dma_wait3A_293 : memref<24x16xf32, #tpu.memory_space<vmem>>) dst(%dma_wait3A_299 : memref<10112x16xf32, #tpu.memory_space<vmem_shared>>)
      %scan3A_300 = arith.constant 0 : i32
      %scan3A_301 = arith.constant 0 : i32
      %scan3A_302 = arith.constant 12 : i32
      %scan3A_303 = arith.addi %scan3A_301, %scan3A_302 : i32
      %scan3A_304 = arith.constant 1 : i32
      scf.for %scan3A_794 = %scan3A_301 to %scan3A_303 step %scan3A_304  : i32 {
        %mul3A_795 = arith.constant 2 : i32
        %mul3A_796 = arith.muli %scan3A_794, %mul3A_795 : i32
        %add3A_797 = arith.constant 0 : i32
        %add3A_798 = arith.addi %add3A_797, %mul3A_796 : i32
        %add3A_799 = arith.constant 0 : i32
        %add3A_800 = arith.addi %add3A_798, %add3A_799 : i32
        %broadcast_in_dim3A_801 = arith.constant 0.000000e+00 : f32
        %broadcast_in_dim3A_802 = vector.broadcast %broadcast_in_dim3A_801 : f32 to vector<16xf32>
        %get3A = arith.index_cast %add3A_800 : i32 to index
        %get3A_803 = arith.constant 0 : index
        %get3A_804 = tpu.vector_load %arg11[%get3A, %get3A_803] {strides = array<i32>} : memref<48x128xf32, #tpu.memory_space<vmem>>, vector<16xf32>,
        %get3A_805 = arith.index_cast %add3A_800 : i32 to index
        %get3A_806 = arith.constant 0 : index
        %get3A_807 = tpu.vector_load %arg12[%get3A_805, %get3A_806] {strides = array<i32>} : memref<48x128xf32, #tpu.memory_space<vmem>>, vector<16xf32>,
        %mul3A_808 = arith.mulf %get3A_804, %get3A_807 : vector<16xf32>
        %broadcast_in_dim3A_809 = arith.constant true
        %broadcast_in_dim3A_810 = vector.broadcast %broadcast_in_dim3A_809 : i1 to vector<16xi1>
        %masked_cumsum3A = tpu.scan <sum>, %mul3A_808 masked %broadcast_in_dim3A_810 : vector<16xf32>, vector<16xi1> -> vector<16xf32>
        %gather3A = vector.shape_cast %broadcast_in_dim3A_16 : vector<16x1xi32> to vector<16xi32>
        %gather3A_811 = tpu.dynamic_gather %masked_cumsum3A[%gather3A] in [0] : vector<16xf32>, vector<16xi32> -> vector<16xf32>
        %jit3A = arith.constant -5.000000e+00 : f32
        %jit3A_812 = arith.constant 5.000000e+00 : f32
        %max3A = vector.broadcast %jit3A : f32 to vector<16xf32>
        %max3A_813 = arith.maximumf %max3A, %gather3A_811 : vector<16xf32>
        %min3A = vector.broadcast %jit3A_812 : f32 to vector<16xf32>
        %min3A_814 = arith.minimumf %min3A, %max3A_813 : vector<16xf32>
        %exp3A = math.exp %min3A_814 : vector<16xf32>
        %get3A_815 = arith.index_cast %add3A_800 : i32 to index
        %get3A_816 = arith.constant 0 : index
        %get3A_817 = tpu.vector_load %arg13[%get3A_815, %get3A_816] {strides = array<i32>} : memref<48x128xf32, #tpu.memory_space<vmem>>, vector<16xf32>,
        %mul3A_818 = arith.mulf %get3A_817, %exp3A : vector<16xf32>
        %swap3A = arith.index_cast %add3A_800 : i32 to index
        %swap3A_819 = arith.constant 0 : index
        %swap3A_820 = tpu.vector_load %arg14[%swap3A, %swap3A_819] {strides = array<i32>} : memref<48x128xf32, #tpu.memory_space<vmem>>, vector<16xf32>,
        tpu.vector_store %arg14[%swap3A, %swap3A_819], %mul3A_818 {strides = array<i32>} : memref<48x128xf32, #tpu.memory_space<vmem>>, vector<16xf32>,
        %eq3A = arith.constant 0 : i32
        %eq3A_821 = vector.broadcast %eq3A : i32 to vector<16xi32>
        %eq3A_822 = arith.cmpi eq, %iota3A, %eq3A_821 : vector<16xi32>
        %select_n3A = arith.select %eq3A_822, %exp3A, %broadcast_in_dim3A_802 : vector<16xi1>, vector<16xf32>
        %get3A_823 = arith.index_cast %add3A_800 : i32 to index
        %get3A_824 = arith.constant 16 : index
        %get3A_825 = tpu.vector_load %arg11[%get3A_823, %get3A_824] {strides = array<i32>} : memref<48x128xf32, #tpu.memory_space<vmem>>, vector<16xf32>,
        %get3A_826 = arith.index_cast %add3A_800 : i32 to index
        %get3A_827 = arith.constant 16 : index
        %get3A_828 = tpu.vector_load %arg12[%get3A_826, %get3A_827] {strides = array<i32>} : memref<48x128xf32, #tpu.memory_space<vmem>>, vector<16xf32>,
        %mul3A_829 = arith.mulf %get3A_825, %get3A_828 : vector<16xf32>
        %broadcast_in_dim3A_830 = arith.constant true
        %broadcast_in_dim3A_831 = vector.broadcast %broadcast_in_dim3A_830 : i1 to vector<16xi1>
        %masked_cumsum3A_832 = tpu.scan <sum>, %mul3A_829 masked %broadcast_in_dim3A_831 : vector<16xf32>, vector<16xi1> -> vector<16xf32>
        %gather3A_833 = vector.shape_cast %broadcast_in_dim3A_16 : vector<16x1xi32> to vector<16xi32>
        %gather3A_834 = tpu.dynamic_gather %masked_cumsum3A_832[%gather3A_833] in [0] : vector<16xf32>, vector<16xi32> -> vector<16xf32>
        %jit3A_835 = arith.constant -5.000000e+00 : f32
        %jit3A_836 = arith.constant 5.000000e+00 : f32
        %max3A_837 = vector.broadcast %jit3A_835 : f32 to vector<16xf32>
        %max3A_838 = arith.maximumf %max3A_837, %gather3A_834 : vector<16xf32>
        %min3A_839 = vector.broadcast %jit3A_836 : f32 to vector<16xf32>
        %min3A_840 = arith.minimumf %min3A_839, %max3A_838 : vector<16xf32>
        %exp3A_841 = math.exp %min3A_840 : vector<16xf32>
        %get3A_842 = arith.index_cast %add3A_800 : i32 to index
        %get3A_843 = arith.constant 16 : index
        %get3A_844 = tpu.vector_load %arg13[%get3A_842, %get3A_843] {strides = array<i32>} : memref<48x128xf32, #tpu.memory_space<vmem>>, vector<16xf32>,
        %mul3A_845 = arith.mulf %get3A_844, %exp3A_841 : vector<16xf32>
        %swap3A_846 = arith.index_cast %add3A_800 : i32 to index
        %swap3A_847 = arith.constant 16 : index
        %swap3A_848 = tpu.vector_load %arg14[%swap3A_846, %swap3A_847] {strides = array<i32>} : memref<48x128xf32, #tpu.memory_space<vmem>>, vector<16xf32>,
        tpu.vector_store %arg14[%swap3A_846, %swap3A_847], %mul3A_845 {strides = array<i32>} : memref<48x128xf32, #tpu.memory_space<vmem>>, vector<16xf32>,
        %eq3A_849 = arith.constant 1 : i32
        %eq3A_850 = vector.broadcast %eq3A_849 : i32 to vector<16xi32>
        %eq3A_851 = arith.cmpi eq, %iota3A, %eq3A_850 : vector<16xi32>
        %select_n3A_852 = arith.select %eq3A_851, %exp3A_841, %select_n3A : vector<16xi1>, vector<16xf32>
        %get3A_853 = arith.index_cast %add3A_800 : i32 to index
        %get3A_854 = arith.constant 32 : index
        %get3A_855 = tpu.vector_load %arg11[%get3A_853, %get3A_854] {strides = array<i32>} : memref<48x128xf32, #tpu.memory_space<vmem>>, vector<16xf32>,
        %get3A_856 = arith.index_cast %add3A_800 : i32 to index
        %get3A_857 = arith.constant 32 : index
        %get3A_858 = tpu.vector_load %arg12[%get3A_856, %get3A_857] {strides = array<i32>} : memref<48x128xf32, #tpu.memory_space<vmem>>, vector<16xf32>,
        %mul3A_859 = arith.mulf %get3A_855, %get3A_858 : vector<16xf32>
        %broadcast_in_dim3A_860 = arith.constant true
        %broadcast_in_dim3A_861 = vector.broadcast %broadcast_in_dim3A_860 : i1 to vector<16xi1>
        %masked_cumsum3A_862 = tpu.scan <sum>, %mul3A_859 masked %broadcast_in_dim3A_861 : vector<16xf32>, vector<16xi1> -> vector<16xf32>
        %gather3A_863 = vector.shape_cast %broadcast_in_dim3A_16 : vector<16x1xi32> to vector<16xi32>
        %gather3A_864 = tpu.dynamic_gather %masked_cumsum3A_862[%gather3A_863] in [0] : vector<16xf32>, vector<16xi32> -> vector<16xf32>
        %jit3A_865 = arith.constant -5.000000e+00 : f32
        %jit3A_866 = arith.constant 5.000000e+00 : f32
        %max3A_867 = vector.broadcast %jit3A_865 : f32 to vector<16xf32>
        %max3A_868 = arith.maximumf %max3A_867, %gather3A_864 : vector<16xf32>
        %min3A_869 = vector.broadcast %jit3A_866 : f32 to vector<16xf32>
        %min3A_870 = arith.minimumf %min3A_869, %max3A_868 : vector<16xf32>
        %exp3A_871 = math.exp %min3A_870 : vector<16xf32>
        %get3A_872 = arith.index_cast %add3A_800 : i32 to index
        %get3A_873 = arith.constant 32 : index
        %get3A_874 = tpu.vector_load %arg13[%get3A_872, %get3A_873] {strides = array<i32>} : memref<48x128xf32, #tpu.memory_space<vmem>>, vector<16xf32>,
        %mul3A_875 = arith.mulf %get3A_874, %exp3A_871 : vector<16xf32>
        %swap3A_876 = arith.index_cast %add3A_800 : i32 to index
        %swap3A_877 = arith.constant 32 : index
        %swap3A_878 = tpu.vector_load %arg14[%swap3A_876, %swap3A_877] {strides = array<i32>} : memref<48x128xf32, #tpu.memory_space<vmem>>, vector<16xf32>,
        tpu.vector_store %arg14[%swap3A_876, %swap3A_877], %mul3A_875 {strides = array<i32>} : memref<48x128xf32, #tpu.memory_space<vmem>>, vector<16xf32>,
        %eq3A_879 = arith.constant 2 : i32
        %eq3A_880 = vector.broadcast %eq3A_879 : i32 to vector<16xi32>
        %eq3A_881 = arith.cmpi eq, %iota3A, %eq3A_880 : vector<16xi32>
        %select_n3A_882 = arith.select %eq3A_881, %exp3A_871, %select_n3A_852 : vector<16xi1>, vector<16xf32>
        %get3A_883 = arith.index_cast %add3A_800 : i32 to index
        %get3A_884 = arith.constant 48 : index
        %get3A_885 = tpu.vector_load %arg11[%get3A_883, %get3A_884] {strides = array<i32>} : memref<48x128xf32, #tpu.memory_space<vmem>>, vector<16xf32>,
        %get3A_886 = arith.index_cast %add3A_800 : i32 to index
        %get3A_887 = arith.constant 48 : index
        %get3A_888 = tpu.vector_load %arg12[%get3A_886, %get3A_887] {strides = array<i32>} : memref<48x128xf32, #tpu.memory_space<vmem>>, vector<16xf32>,
        %mul3A_889 = arith.mulf %get3A_885, %get3A_888 : vector<16xf32>
        %broadcast_in_dim3A_890 = arith.constant true
        %broadcast_in_dim3A_891 = vector.broadcast %broadcast_in_dim3A_890 : i1 to vector<16xi1>
        %masked_cumsum3A_892 = tpu.scan <sum>, %mul3A_889 masked %broadcast_in_dim3A_891 : vector<16xf32>, vector<16xi1> -> vector<16xf32>
        %gather3A_893 = vector.shape_cast %broadcast_in_dim3A_16 : vector<16x1xi32> to vector<16xi32>
        %gather3A_894 = tpu.dynamic_gather %masked_cumsum3A_892[%gather3A_893] in [0] : vector<16xf32>, vector<16xi32> -> vector<16xf32>
        %jit3A_895 = arith.constant -5.000000e+00 : f32
        %jit3A_896 = arith.constant 5.000000e+00 : f32
        %max3A_897 = vector.broadcast %jit3A_895 : f32 to vector<16xf32>
        %max3A_898 = arith.maximumf %max3A_897, %gather3A_894 : vector<16xf32>
        %min3A_899 = vector.broadcast %jit3A_896 : f32 to vector<16xf32>
        %min3A_900 = arith.minimumf %min3A_899, %max3A_898 : vector<16xf32>
        %exp3A_901 = math.exp %min3A_900 : vector<16xf32>
        %get3A_902 = arith.index_cast %add3A_800 : i32 to index
        %get3A_903 = arith.constant 48 : index
        %get3A_904 = tpu.vector_load %arg13[%get3A_902, %get3A_903] {strides = array<i32>} : memref<48x128xf32, #tpu.memory_space<vmem>>, vector<16xf32>,
        %mul3A_905 = arith.mulf %get3A_904, %exp3A_901 : vector<16xf32>
        %swap3A_906 = arith.index_cast %add3A_800 : i32 to index
        %swap3A_907 = arith.constant 48 : index
        %swap3A_908 = tpu.vector_load %arg14[%swap3A_906, %swap3A_907] {strides = array<i32>} : memref<48x128xf32, #tpu.memory_space<vmem>>, vector<16xf32>,
        tpu.vector_store %arg14[%swap3A_906, %swap3A_907], %mul3A_905 {strides = array<i32>} : memref<48x128xf32, #tpu.memory_space<vmem>>, vector<16xf32>,
        %eq3A_909 = arith.constant 3 : i32
        %eq3A_910 = vector.broadcast %eq3A_909 : i32 to vector<16xi32>
        %eq3A_911 = arith.cmpi eq, %iota3A, %eq3A_910 : vector<16xi32>
        %select_n3A_912 = arith.select %eq3A_911, %exp3A_901, %select_n3A_882 : vector<16xi1>, vector<16xf32>
        %get3A_913 = arith.index_cast %add3A_800 : i32 to index
        %get3A_914 = arith.constant 64 : index
        %get3A_915 = tpu.vector_load %arg11[%get3A_913, %get3A_914] {strides = array<i32>} : memref<48x128xf32, #tpu.memory_space<vmem>>, vector<16xf32>,
        %get3A_916 = arith.index_cast %add3A_800 : i32 to index
        %get3A_917 = arith.constant 64 : index
        %get3A_918 = tpu.vector_load %arg12[%get3A_916, %get3A_917] {strides = array<i32>} : memref<48x128xf32, #tpu.memory_space<vmem>>, vector<16xf32>,
        %mul3A_919 = arith.mulf %get3A_915, %get3A_918 : vector<16xf32>
        %broadcast_in_dim3A_920 = arith.constant true
        %broadcast_in_dim3A_921 = vector.broadcast %broadcast_in_dim3A_920 : i1 to vector<16xi1>
        %masked_cumsum3A_922 = tpu.scan <sum>, %mul3A_919 masked %broadcast_in_dim3A_921 : vector<16xf32>, vector<16xi1> -> vector<16xf32>
        %gather3A_923 = vector.shape_cast %broadcast_in_dim3A_16 : vector<16x1xi32> to vector<16xi32>
        %gather3A_924 = tpu.dynamic_gather %masked_cumsum3A_922[%gather3A_923] in [0] : vector<16xf32>, vector<16xi32> -> vector<16xf32>
        %jit3A_925 = arith.constant -5.000000e+00 : f32
        %jit3A_926 = arith.constant 5.000000e+00 : f32
        %max3A_927 = vector.broadcast %jit3A_925 : f32 to vector<16xf32>
        %max3A_928 = arith.maximumf %max3A_927, %gather3A_924 : vector<16xf32>
        %min3A_929 = vector.broadcast %jit3A_926 : f32 to vector<16xf32>
        %min3A_930 = arith.minimumf %min3A_929, %max3A_928 : vector<16xf32>
        %exp3A_931 = math.exp %min3A_930 : vector<16xf32>
        %get3A_932 = arith.index_cast %add3A_800 : i32 to index
        %get3A_933 = arith.constant 64 : index
        %get3A_934 = tpu.vector_load %arg13[%get3A_932, %get3A_933] {strides = array<i32>} : memref<48x128xf32, #tpu.memory_space<vmem>>, vector<16xf32>,
        %mul3A_935 = arith.mulf %get3A_934, %exp3A_931 : vector<16xf32>
        %swap3A_936 = arith.index_cast %add3A_800 : i32 to index
        %swap3A_937 = arith.constant 64 : index
        %swap3A_938 = tpu.vector_load %arg14[%swap3A_936, %swap3A_937] {strides = array<i32>} : memref<48x128xf32, #tpu.memory_space<vmem>>, vector<16xf32>,
        tpu.vector_store %arg14[%swap3A_936, %swap3A_937], %mul3A_935 {strides = array<i32>} : memref<48x128xf32, #tpu.memory_space<vmem>>, vector<16xf32>,
        %eq3A_939 = arith.constant 4 : i32
        %eq3A_940 = vector.broadcast %eq3A_939 : i32 to vector<16xi32>
        %eq3A_941 = arith.cmpi eq, %iota3A, %eq3A_940 : vector<16xi32>
        %select_n3A_942 = arith.select %eq3A_941, %exp3A_931, %select_n3A_912 : vector<16xi1>, vector<16xf32>
        %get3A_943 = arith.index_cast %add3A_800 : i32 to index
        %get3A_944 = arith.constant 80 : index
        %get3A_945 = tpu.vector_load %arg11[%get3A_943, %get3A_944] {strides = array<i32>} : memref<48x128xf32, #tpu.memory_space<vmem>>, vector<16xf32>,
        %get3A_946 = arith.index_cast %add3A_800 : i32 to index
        %get3A_947 = arith.constant 80 : index
        %get3A_948 = tpu.vector_load %arg12[%get3A_946, %get3A_947] {strides = array<i32>} : memref<48x128xf32, #tpu.memory_space<vmem>>, vector<16xf32>,
        %mul3A_949 = arith.mulf %get3A_945, %get3A_948 : vector<16xf32>
        %broadcast_in_dim3A_950 = arith.constant true
        %broadcast_in_dim3A_951 = vector.broadcast %broadcast_in_dim3A_950 : i1 to vector<16xi1>
        %masked_cumsum3A_952 = tpu.scan <sum>, %mul3A_949 masked %broadcast_in_dim3A_951 : vector<16xf32>, vector<16xi1> -> vector<16xf32>
        %gather3A_953 = vector.shape_cast %broadcast_in_dim3A_16 : vector<16x1xi32> to vector<16xi32>
        %gather3A_954 = tpu.dynamic_gather %masked_cumsum3A_952[%gather3A_953] in [0] : vector<16xf32>, vector<16xi32> -> vector<16xf32>
        %jit3A_955 = arith.constant -5.000000e+00 : f32
        %jit3A_956 = arith.constant 5.000000e+00 : f32
        %max3A_957 = vector.broadcast %jit3A_955 : f32 to vector<16xf32>
        %max3A_958 = arith.maximumf %max3A_957, %gather3A_954 : vector<16xf32>
        %min3A_959 = vector.broadcast %jit3A_956 : f32 to vector<16xf32>
        %min3A_960 = arith.minimumf %min3A_959, %max3A_958 : vector<16xf32>
        %exp3A_961 = math.exp %min3A_960 : vector<16xf32>
        %get3A_962 = arith.index_cast %add3A_800 : i32 to index
        %get3A_963 = arith.constant 80 : index
        %get3A_964 = tpu.vector_load %arg13[%get3A_962, %get3A_963] {strides = array<i32>} : memref<48x128xf32, #tpu.memory_space<vmem>>, vector<16xf32>,
        %mul3A_965 = arith.mulf %get3A_964, %exp3A_961 : vector<16xf32>
        %swap3A_966 = arith.index_cast %add3A_800 : i32 to index
        %swap3A_967 = arith.constant 80 : index
        %swap3A_968 = tpu.vector_load %arg14[%swap3A_966, %swap3A_967] {strides = array<i32>} : memref<48x128xf32, #tpu.memory_space<vmem>>, vector<16xf32>,
        tpu.vector_store %arg14[%swap3A_966, %swap3A_967], %mul3A_965 {strides = array<i32>} : memref<48x128xf32, #tpu.memory_space<vmem>>, vector<16xf32>,
        %eq3A_969 = arith.constant 5 : i32
        %eq3A_970 = vector.broadcast %eq3A_969 : i32 to vector<16xi32>
        %eq3A_971 = arith.cmpi eq, %iota3A, %eq3A_970 : vector<16xi32>
        %select_n3A_972 = arith.select %eq3A_971, %exp3A_961, %select_n3A_942 : vector<16xi1>, vector<16xf32>
        %get3A_973 = arith.index_cast %add3A_800 : i32 to index
        %get3A_974 = arith.constant 96 : index
        %get3A_975 = tpu.vector_load %arg11[%get3A_973, %get3A_974] {strides = array<i32>} : memref<48x128xf32, #tpu.memory_space<vmem>>, vector<16xf32>,
        %get3A_976 = arith.index_cast %add3A_800 : i32 to index
        %get3A_977 = arith.constant 96 : index
        %get3A_978 = tpu.vector_load %arg12[%get3A_976, %get3A_977] {strides = array<i32>} : memref<48x128xf32, #tpu.memory_space<vmem>>, vector<16xf32>,
        %mul3A_979 = arith.mulf %get3A_975, %get3A_978 : vector<16xf32>
        %broadcast_in_dim3A_980 = arith.constant true
        %broadcast_in_dim3A_981 = vector.broadcast %broadcast_in_dim3A_980 : i1 to vector<16xi1>
        %masked_cumsum3A_982 = tpu.scan <sum>, %mul3A_979 masked %broadcast_in_dim3A_981 : vector<16xf32>, vector<16xi1> -> vector<16xf32>
        %gather3A_983 = vector.shape_cast %broadcast_in_dim3A_16 : vector<16x1xi32> to vector<16xi32>
        %gather3A_984 = tpu.dynamic_gather %masked_cumsum3A_982[%gather3A_983] in [0] : vector<16xf32>, vector<16xi32> -> vector<16xf32>
        %jit3A_985 = arith.constant -5.000000e+00 : f32
        %jit3A_986 = arith.constant 5.000000e+00 : f32
        %max3A_987 = vector.broadcast %jit3A_985 : f32 to vector<16xf32>
        %max3A_988 = arith.maximumf %max3A_987, %gather3A_984 : vector<16xf32>
        %min3A_989 = vector.broadcast %jit3A_986 : f32 to vector<16xf32>
        %min3A_990 = arith.minimumf %min3A_989, %max3A_988 : vector<16xf32>
        %exp3A_991 = math.exp %min3A_990 : vector<16xf32>
        %get3A_992 = arith.index_cast %add3A_800 : i32 to index
        %get3A_993 = arith.constant 96 : index
        %get3A_994 = tpu.vector_load %arg13[%get3A_992, %get3A_993] {strides = array<i32>} : memref<48x128xf32, #tpu.memory_space<vmem>>, vector<16xf32>,
        %mul3A_995 = arith.mulf %get3A_994, %exp3A_991 : vector<16xf32>
        %swap3A_996 = arith.index_cast %add3A_800 : i32 to index
        %swap3A_997 = arith.constant 96 : index
        %swap3A_998 = tpu.vector_load %arg14[%swap3A_996, %swap3A_997] {strides = array<i32>} : memref<48x128xf32, #tpu.memory_space<vmem>>, vector<16xf32>,
        tpu.vector_store %arg14[%swap3A_996, %swap3A_997], %mul3A_995 {strides = array<i32>} : memref<48x128xf32, #tpu.memory_space<vmem>>, vector<16xf32>,
        %eq3A_999 = arith.constant 6 : i32
        %eq3A_1000 = vector.broadcast %eq3A_999 : i32 to vector<16xi32>
        %eq3A_1001 = arith.cmpi eq, %iota3A, %eq3A_1000 : vector<16xi32>
        %select_n3A_1002 = arith.select %eq3A_1001, %exp3A_991, %select_n3A_972 : vector<16xi1>, vector<16xf32>
        %get3A_1003 = arith.index_cast %add3A_800 : i32 to index
        %get3A_1004 = arith.constant 112 : index
        %get3A_1005 = tpu.vector_load %arg11[%get3A_1003, %get3A_1004] {strides = array<i32>} : memref<48x128xf32, #tpu.memory_space<vmem>>, vector<16xf32>,
        %get3A_1006 = arith.index_cast %add3A_800 : i32 to index
        %get3A_1007 = arith.constant 112 : index
        %get3A_1008 = tpu.vector_load %arg12[%get3A_1006, %get3A_1007] {strides = array<i32>} : memref<48x128xf32, #tpu.memory_space<vmem>>, vector<16xf32>,
        %mul3A_1009 = arith.mulf %get3A_1005, %get3A_1008 : vector<16xf32>
        %broadcast_in_dim3A_1010 = arith.constant true
        %broadcast_in_dim3A_1011 = vector.broadcast %broadcast_in_dim3A_1010 : i1 to vector<16xi1>
        %masked_cumsum3A_1012 = tpu.scan <sum>, %mul3A_1009 masked %broadcast_in_dim3A_1011 : vector<16xf32>, vector<16xi1> -> vector<16xf32>
        %gather3A_1013 = vector.shape_cast %broadcast_in_dim3A_16 : vector<16x1xi32> to vector<16xi32>
        %gather3A_1014 = tpu.dynamic_gather %masked_cumsum3A_1012[%gather3A_1013] in [0] : vector<16xf32>, vector<16xi32> -> vector<16xf32>
        %jit3A_1015 = arith.constant -5.000000e+00 : f32
        %jit3A_1016 = arith.constant 5.000000e+00 : f32
        %max3A_1017 = vector.broadcast %jit3A_1015 : f32 to vector<16xf32>
        %max3A_1018 = arith.maximumf %max3A_1017, %gather3A_1014 : vector<16xf32>
        %min3A_1019 = vector.broadcast %jit3A_1016 : f32 to vector<16xf32>
        %min3A_1020 = arith.minimumf %min3A_1019, %max3A_1018 : vector<16xf32>
        %exp3A_1021 = math.exp %min3A_1020 : vector<16xf32>
        %get3A_1022 = arith.index_cast %add3A_800 : i32 to index
        %get3A_1023 = arith.constant 112 : index
        %get3A_1024 = tpu.vector_load %arg13[%get3A_1022, %get3A_1023] {strides = array<i32>} : memref<48x128xf32, #tpu.memory_space<vmem>>, vector<16xf32>,
        %mul3A_1025 = arith.mulf %get3A_1024, %exp3A_1021 : vector<16xf32>
        %swap3A_1026 = arith.index_cast %add3A_800 : i32 to index
        %swap3A_1027 = arith.constant 112 : index
        %swap3A_1028 = tpu.vector_load %arg14[%swap3A_1026, %swap3A_1027] {strides = array<i32>} : memref<48x128xf32, #tpu.memory_space<vmem>>, vector<16xf32>,
        tpu.vector_store %arg14[%swap3A_1026, %swap3A_1027], %mul3A_1025 {strides = array<i32>} : memref<48x128xf32, #tpu.memory_space<vmem>>, vector<16xf32>,
        %eq3A_1029 = arith.constant 7 : i32
        %eq3A_1030 = vector.broadcast %eq3A_1029 : i32 to vector<16xi32>
        %eq3A_1031 = arith.cmpi eq, %iota3A, %eq3A_1030 : vector<16xi32>
        %select_n3A_1032 = arith.select %eq3A_1031, %exp3A_1021, %select_n3A_1002 : vector<16xi1>, vector<16xf32>
        %swap3A_1033 = arith.index_cast %add3A_800 : i32 to index
        %swap3A_1034 = arith.constant 0 : index
        %swap3A_1035 = tpu.vector_load %arg15[%swap3A_1033, %swap3A_1034] {strides = array<i32>} : memref<48x16xf32, #tpu.memory_space<vmem>>, vector<16xf32>,
        tpu.vector_store %arg15[%swap3A_1033, %swap3A_1034], %select_n3A_1032 {strides = array<i32>} : memref<48x16xf32, #tpu.memory_space<vmem>>, vector<16xf32>,
        %mul3A_1036 = arith.constant 2 : i32
        %mul3A_1037 = arith.muli %scan3A_794, %mul3A_1036 : i32
        %add3A_1038 = arith.constant 0 : i32
        %add3A_1039 = arith.addi %add3A_1038, %mul3A_1037 : i32
        %add3A_1040 = arith.constant 1 : i32
        %add3A_1041 = arith.addi %add3A_1039, %add3A_1040 : i32
        %broadcast_in_dim3A_1042 = arith.constant 0.000000e+00 : f32
        %broadcast_in_dim3A_1043 = vector.broadcast %broadcast_in_dim3A_1042 : f32 to vector<16xf32>
        %get3A_1044 = arith.index_cast %add3A_1041 : i32 to index
        %get3A_1045 = arith.constant 0 : index
        %get3A_1046 = tpu.vector_load %arg11[%get3A_1044, %get3A_1045] {strides = array<i32>} : memref<48x128xf32, #tpu.memory_space<vmem>>, vector<16xf32>,
        %get3A_1047 = arith.index_cast %add3A_1041 : i32 to index
        %get3A_1048 = arith.constant 0 : index
        %get3A_1049 = tpu.vector_load %arg12[%get3A_1047, %get3A_1048] {strides = array<i32>} : memref<48x128xf32, #tpu.memory_space<vmem>>, vector<16xf32>,
        %mul3A_1050 = arith.mulf %get3A_1046, %get3A_1049 : vector<16xf32>
        %broadcast_in_dim3A_1051 = arith.constant true
        %broadcast_in_dim3A_1052 = vector.broadcast %broadcast_in_dim3A_1051 : i1 to vector<16xi1>
        %masked_cumsum3A_1053 = tpu.scan <sum>, %mul3A_1050 masked %broadcast_in_dim3A_1052 : vector<16xf32>, vector<16xi1> -> vector<16xf32>
        %gather3A_1054 = vector.shape_cast %broadcast_in_dim3A_16 : vector<16x1xi32> to vector<16xi32>
        %gather3A_1055 = tpu.dynamic_gather %masked_cumsum3A_1053[%gather3A_1054] in [0] : vector<16xf32>, vector<16xi32> -> vector<16xf32>
        %jit3A_1056 = arith.constant -5.000000e+00 : f32
        %jit3A_1057 = arith.constant 5.000000e+00 : f32
        %max3A_1058 = vector.broadcast %jit3A_1056 : f32 to vector<16xf32>
        %max3A_1059 = arith.maximumf %max3A_1058, %gather3A_1055 : vector<16xf32>
        %min3A_1060 = vector.broadcast %jit3A_1057 : f32 to vector<16xf32>
        %min3A_1061 = arith.minimumf %min3A_1060, %max3A_1059 : vector<16xf32>
        %exp3A_1062 = math.exp %min3A_1061 : vector<16xf32>
        %get3A_1063 = arith.index_cast %add3A_1041 : i32 to index
        %get3A_1064 = arith.constant 0 : index
        %get3A_1065 = tpu.vector_load %arg13[%get3A_1063, %get3A_1064] {strides = array<i32>} : memref<48x128xf32, #tpu.memory_space<vmem>>, vector<16xf32>,
        %mul3A_1066 = arith.mulf %get3A_1065, %exp3A_1062 : vector<16xf32>
        %swap3A_1067 = arith.index_cast %add3A_1041 : i32 to index
        %swap3A_1068 = arith.constant 0 : index
        %swap3A_1069 = tpu.vector_load %arg14[%swap3A_1067, %swap3A_1068] {strides = array<i32>} : memref<48x128xf32, #tpu.memory_space<vmem>>, vector<16xf32>,
        tpu.vector_store %arg14[%swap3A_1067, %swap3A_1068], %mul3A_1066 {strides = array<i32>} : memref<48x128xf32, #tpu.memory_space<vmem>>, vector<16xf32>,
        %eq3A_1070 = arith.constant 0 : i32
        %eq3A_1071 = vector.broadcast %eq3A_1070 : i32 to vector<16xi32>
        %eq3A_1072 = arith.cmpi eq, %iota3A, %eq3A_1071 : vector<16xi32>
        %select_n3A_1073 = arith.select %eq3A_1072, %exp3A_1062, %broadcast_in_dim3A_1043 : vector<16xi1>, vector<16xf32>
        %get3A_1074 = arith.index_cast %add3A_1041 : i32 to index
        %get3A_1075 = arith.constant 16 : index
        %get3A_1076 = tpu.vector_load %arg11[%get3A_1074, %get3A_1075] {strides = array<i32>} : memref<48x128xf32, #tpu.memory_space<vmem>>, vector<16xf32>,
        %get3A_1077 = arith.index_cast %add3A_1041 : i32 to index
        %get3A_1078 = arith.constant 16 : index
        %get3A_1079 = tpu.vector_load %arg12[%get3A_1077, %get3A_1078] {strides = array<i32>} : memref<48x128xf32, #tpu.memory_space<vmem>>, vector<16xf32>,
        %mul3A_1080 = arith.mulf %get3A_1076, %get3A_1079 : vector<16xf32>
        %broadcast_in_dim3A_1081 = arith.constant true
        %broadcast_in_dim3A_1082 = vector.broadcast %broadcast_in_dim3A_1081 : i1 to vector<16xi1>
        %masked_cumsum3A_1083 = tpu.scan <sum>, %mul3A_1080 masked %broadcast_in_dim3A_1082 : vector<16xf32>, vector<16xi1> -> vector<16xf32>
        %gather3A_1084 = vector.shape_cast %broadcast_in_dim3A_16 : vector<16x1xi32> to vector<16xi32>
        %gather3A_1085 = tpu.dynamic_gather %masked_cumsum3A_1083[%gather3A_1084] in [0] : vector<16xf32>, vector<16xi32> -> vector<16xf32>
        %jit3A_1086 = arith.constant -5.000000e+00 : f32
        %jit3A_1087 = arith.constant 5.000000e+00 : f32
        %max3A_1088 = vector.broadcast %jit3A_1086 : f32 to vector<16xf32>
        %max3A_1089 = arith.maximumf %max3A_1088, %gather3A_1085 : vector<16xf32>
        %min3A_1090 = vector.broadcast %jit3A_1087 : f32 to vector<16xf32>
        %min3A_1091 = arith.minimumf %min3A_1090, %max3A_1089 : vector<16xf32>
        %exp3A_1092 = math.exp %min3A_1091 : vector<16xf32>
        %get3A_1093 = arith.index_cast %add3A_1041 : i32 to index
        %get3A_1094 = arith.constant 16 : index
        %get3A_1095 = tpu.vector_load %arg13[%get3A_1093, %get3A_1094] {strides = array<i32>} : memref<48x128xf32, #tpu.memory_space<vmem>>, vector<16xf32>,
        %mul3A_1096 = arith.mulf %get3A_1095, %exp3A_1092 : vector<16xf32>
        %swap3A_1097 = arith.index_cast %add3A_1041 : i32 to index
        %swap3A_1098 = arith.constant 16 : index
        %swap3A_1099 = tpu.vector_load %arg14[%swap3A_1097, %swap3A_1098] {strides = array<i32>} : memref<48x128xf32, #tpu.memory_space<vmem>>, vector<16xf32>,
        tpu.vector_store %arg14[%swap3A_1097, %swap3A_1098], %mul3A_1096 {strides = array<i32>} : memref<48x128xf32, #tpu.memory_space<vmem>>, vector<16xf32>,
        %eq3A_1100 = arith.constant 1 : i32
        %eq3A_1101 = vector.broadcast %eq3A_1100 : i32 to vector<16xi32>
        %eq3A_1102 = arith.cmpi eq, %iota3A, %eq3A_1101 : vector<16xi32>
        %select_n3A_1103 = arith.select %eq3A_1102, %exp3A_1092, %select_n3A_1073 : vector<16xi1>, vector<16xf32>
        %get3A_1104 = arith.index_cast %add3A_1041 : i32 to index
        %get3A_1105 = arith.constant 32 : index
        %get3A_1106 = tpu.vector_load %arg11[%get3A_1104, %get3A_1105] {strides = array<i32>} : memref<48x128xf32, #tpu.memory_space<vmem>>, vector<16xf32>,
        %get3A_1107 = arith.index_cast %add3A_1041 : i32 to index
        %get3A_1108 = arith.constant 32 : index
        %get3A_1109 = tpu.vector_load %arg12[%get3A_1107, %get3A_1108] {strides = array<i32>} : memref<48x128xf32, #tpu.memory_space<vmem>>, vector<16xf32>,
        %mul3A_1110 = arith.mulf %get3A_1106, %get3A_1109 : vector<16xf32>
        %broadcast_in_dim3A_1111 = arith.constant true
        %broadcast_in_dim3A_1112 = vector.broadcast %broadcast_in_dim3A_1111 : i1 to vector<16xi1>
        %masked_cumsum3A_1113 = tpu.scan <sum>, %mul3A_1110 masked %broadcast_in_dim3A_1112 : vector<16xf32>, vector<16xi1> -> vector<16xf32>
        %gather3A_1114 = vector.shape_cast %broadcast_in_dim3A_16 : vector<16x1xi32> to vector<16xi32>
        %gather3A_1115 = tpu.dynamic_gather %masked_cumsum3A_1113[%gather3A_1114] in [0] : vector<16xf32>, vector<16xi32> -> vector<16xf32>
        %jit3A_1116 = arith.constant -5.000000e+00 : f32
        %jit3A_1117 = arith.constant 5.000000e+00 : f32
        %max3A_1118 = vector.broadcast %jit3A_1116 : f32 to vector<16xf32>
        %max3A_1119 = arith.maximumf %max3A_1118, %gather3A_1115 : vector<16xf32>
        %min3A_1120 = vector.broadcast %jit3A_1117 : f32 to vector<16xf32>
        %min3A_1121 = arith.minimumf %min3A_1120, %max3A_1119 : vector<16xf32>
        %exp3A_1122 = math.exp %min3A_1121 : vector<16xf32>
        %get3A_1123 = arith.index_cast %add3A_1041 : i32 to index
        %get3A_1124 = arith.constant 32 : index
        %get3A_1125 = tpu.vector_load %arg13[%get3A_1123, %get3A_1124] {strides = array<i32>} : memref<48x128xf32, #tpu.memory_space<vmem>>, vector<16xf32>,
        %mul3A_1126 = arith.mulf %get3A_1125, %exp3A_1122 : vector<16xf32>
        %swap3A_1127 = arith.index_cast %add3A_1041 : i32 to index
        %swap3A_1128 = arith.constant 32 : index
        %swap3A_1129 = tpu.vector_load %arg14[%swap3A_1127, %swap3A_1128] {strides = array<i32>} : memref<48x128xf32, #tpu.memory_space<vmem>>, vector<16xf32>,
        tpu.vector_store %arg14[%swap3A_1127, %swap3A_1128], %mul3A_1126 {strides = array<i32>} : memref<48x128xf32, #tpu.memory_space<vmem>>, vector<16xf32>,
        %eq3A_1130 = arith.constant 2 : i32
        %eq3A_1131 = vector.broadcast %eq3A_1130 : i32 to vector<16xi32>
        %eq3A_1132 = arith.cmpi eq, %iota3A, %eq3A_1131 : vector<16xi32>
        %select_n3A_1133 = arith.select %eq3A_1132, %exp3A_1122, %select_n3A_1103 : vector<16xi1>, vector<16xf32>
        %get3A_1134 = arith.index_cast %add3A_1041 : i32 to index
        %get3A_1135 = arith.constant 48 : index
        %get3A_1136 = tpu.vector_load %arg11[%get3A_1134, %get3A_1135] {strides = array<i32>} : memref<48x128xf32, #tpu.memory_space<vmem>>, vector<16xf32>,
        %get3A_1137 = arith.index_cast %add3A_1041 : i32 to index
        %get3A_1138 = arith.constant 48 : index
        %get3A_1139 = tpu.vector_load %arg12[%get3A_1137, %get3A_1138] {strides = array<i32>} : memref<48x128xf32, #tpu.memory_space<vmem>>, vector<16xf32>,
        %mul3A_1140 = arith.mulf %get3A_1136, %get3A_1139 : vector<16xf32>
        %broadcast_in_dim3A_1141 = arith.constant true
        %broadcast_in_dim3A_1142 = vector.broadcast %broadcast_in_dim3A_1141 : i1 to vector<16xi1>
        %masked_cumsum3A_1143 = tpu.scan <sum>, %mul3A_1140 masked %broadcast_in_dim3A_1142 : vector<16xf32>, vector<16xi1> -> vector<16xf32>
        %gather3A_1144 = vector.shape_cast %broadcast_in_dim3A_16 : vector<16x1xi32> to vector<16xi32>
        %gather3A_1145 = tpu.dynamic_gather %masked_cumsum3A_1143[%gather3A_1144] in [0] : vector<16xf32>, vector<16xi32> -> vector<16xf32>
        %jit3A_1146 = arith.constant -5.000000e+00 : f32
        %jit3A_1147 = arith.constant 5.000000e+00 : f32
        %max3A_1148 = vector.broadcast %jit3A_1146 : f32 to vector<16xf32>
        %max3A_1149 = arith.maximumf %max3A_1148, %gather3A_1145 : vector<16xf32>
        %min3A_1150 = vector.broadcast %jit3A_1147 : f32 to vector<16xf32>
        %min3A_1151 = arith.minimumf %min3A_1150, %max3A_1149 : vector<16xf32>
        %exp3A_1152 = math.exp %min3A_1151 : vector<16xf32>
        %get3A_1153 = arith.index_cast %add3A_1041 : i32 to index
        %get3A_1154 = arith.constant 48 : index
        %get3A_1155 = tpu.vector_load %arg13[%get3A_1153, %get3A_1154] {strides = array<i32>} : memref<48x128xf32, #tpu.memory_space<vmem>>, vector<16xf32>,
        %mul3A_1156 = arith.mulf %get3A_1155, %exp3A_1152 : vector<16xf32>
        %swap3A_1157 = arith.index_cast %add3A_1041 : i32 to index
        %swap3A_1158 = arith.constant 48 : index
        %swap3A_1159 = tpu.vector_load %arg14[%swap3A_1157, %swap3A_1158] {strides = array<i32>} : memref<48x128xf32, #tpu.memory_space<vmem>>, vector<16xf32>,
        tpu.vector_store %arg14[%swap3A_1157, %swap3A_1158], %mul3A_1156 {strides = array<i32>} : memref<48x128xf32, #tpu.memory_space<vmem>>, vector<16xf32>,
        %eq3A_1160 = arith.constant 3 : i32
        %eq3A_1161 = vector.broadcast %eq3A_1160 : i32 to vector<16xi32>
        %eq3A_1162 = arith.cmpi eq, %iota3A, %eq3A_1161 : vector<16xi32>
        %select_n3A_1163 = arith.select %eq3A_1162, %exp3A_1152, %select_n3A_1133 : vector<16xi1>, vector<16xf32>
        %get3A_1164 = arith.index_cast %add3A_1041 : i32 to index
        %get3A_1165 = arith.constant 64 : index
        %get3A_1166 = tpu.vector_load %arg11[%get3A_1164, %get3A_1165] {strides = array<i32>} : memref<48x128xf32, #tpu.memory_space<vmem>>, vector<16xf32>,
        %get3A_1167 = arith.index_cast %add3A_1041 : i32 to index
        %get3A_1168 = arith.constant 64 : index
        %get3A_1169 = tpu.vector_load %arg12[%get3A_1167, %get3A_1168] {strides = array<i32>} : memref<48x128xf32, #tpu.memory_space<vmem>>, vector<16xf32>,
        %mul3A_1170 = arith.mulf %get3A_1166, %get3A_1169 : vector<16xf32>
        %broadcast_in_dim3A_1171 = arith.constant true
        %broadcast_in_dim3A_1172 = vector.broadcast %broadcast_in_dim3A_1171 : i1 to vector<16xi1>
        %masked_cumsum3A_1173 = tpu.scan <sum>, %mul3A_1170 masked %broadcast_in_dim3A_1172 : vector<16xf32>, vector<16xi1> -> vector<16xf32>
        %gather3A_1174 = vector.shape_cast %broadcast_in_dim3A_16 : vector<16x1xi32> to vector<16xi32>
        %gather3A_1175 = tpu.dynamic_gather %masked_cumsum3A_1173[%gather3A_1174] in [0] : vector<16xf32>, vector<16xi32> -> vector<16xf32>
        %jit3A_1176 = arith.constant -5.000000e+00 : f32
        %jit3A_1177 = arith.constant 5.000000e+00 : f32
        %max3A_1178 = vector.broadcast %jit3A_1176 : f32 to vector<16xf32>
        %max3A_1179 = arith.maximumf %max3A_1178, %gather3A_1175 : vector<16xf32>
        %min3A_1180 = vector.broadcast %jit3A_1177 : f32 to vector<16xf32>
        %min3A_1181 = arith.minimumf %min3A_1180, %max3A_1179 : vector<16xf32>
        %exp3A_1182 = math.exp %min3A_1181 : vector<16xf32>
        %get3A_1183 = arith.index_cast %add3A_1041 : i32 to index
        %get3A_1184 = arith.constant 64 : index
        %get3A_1185 = tpu.vector_load %arg13[%get3A_1183, %get3A_1184] {strides = array<i32>} : memref<48x128xf32, #tpu.memory_space<vmem>>, vector<16xf32>,
        %mul3A_1186 = arith.mulf %get3A_1185, %exp3A_1182 : vector<16xf32>
        %swap3A_1187 = arith.index_cast %add3A_1041 : i32 to index
        %swap3A_1188 = arith.constant 64 : index
        %swap3A_1189 = tpu.vector_load %arg14[%swap3A_1187, %swap3A_1188] {strides = array<i32>} : memref<48x128xf32, #tpu.memory_space<vmem>>, vector<16xf32>,
        tpu.vector_store %arg14[%swap3A_1187, %swap3A_1188], %mul3A_1186 {strides = array<i32>} : memref<48x128xf32, #tpu.memory_space<vmem>>, vector<16xf32>,
        %eq3A_1190 = arith.constant 4 : i32
        %eq3A_1191 = vector.broadcast %eq3A_1190 : i32 to vector<16xi32>
        %eq3A_1192 = arith.cmpi eq, %iota3A, %eq3A_1191 : vector<16xi32>
        %select_n3A_1193 = arith.select %eq3A_1192, %exp3A_1182, %select_n3A_1163 : vector<16xi1>, vector<16xf32>
        %get3A_1194 = arith.index_cast %add3A_1041 : i32 to index
        %get3A_1195 = arith.constant 80 : index
        %get3A_1196 = tpu.vector_load %arg11[%get3A_1194, %get3A_1195] {strides = array<i32>} : memref<48x128xf32, #tpu.memory_space<vmem>>, vector<16xf32>,
        %get3A_1197 = arith.index_cast %add3A_1041 : i32 to index
        %get3A_1198 = arith.constant 80 : index
        %get3A_1199 = tpu.vector_load %arg12[%get3A_1197, %get3A_1198] {strides = array<i32>} : memref<48x128xf32, #tpu.memory_space<vmem>>, vector<16xf32>,
        %mul3A_1200 = arith.mulf %get3A_1196, %get3A_1199 : vector<16xf32>
        %broadcast_in_dim3A_1201 = arith.constant true
        %broadcast_in_dim3A_1202 = vector.broadcast %broadcast_in_dim3A_1201 : i1 to vector<16xi1>
        %masked_cumsum3A_1203 = tpu.scan <sum>, %mul3A_1200 masked %broadcast_in_dim3A_1202 : vector<16xf32>, vector<16xi1> -> vector<16xf32>
        %gather3A_1204 = vector.shape_cast %broadcast_in_dim3A_16 : vector<16x1xi32> to vector<16xi32>
        %gather3A_1205 = tpu.dynamic_gather %masked_cumsum3A_1203[%gather3A_1204] in [0] : vector<16xf32>, vector<16xi32> -> vector<16xf32>
        %jit3A_1206 = arith.constant -5.000000e+00 : f32
        %jit3A_1207 = arith.constant 5.000000e+00 : f32
        %max3A_1208 = vector.broadcast %jit3A_1206 : f32 to vector<16xf32>
        %max3A_1209 = arith.maximumf %max3A_1208, %gather3A_1205 : vector<16xf32>
        %min3A_1210 = vector.broadcast %jit3A_1207 : f32 to vector<16xf32>
        %min3A_1211 = arith.minimumf %min3A_1210, %max3A_1209 : vector<16xf32>
        %exp3A_1212 = math.exp %min3A_1211 : vector<16xf32>
        %get3A_1213 = arith.index_cast %add3A_1041 : i32 to index
        %get3A_1214 = arith.constant 80 : index
        %get3A_1215 = tpu.vector_load %arg13[%get3A_1213, %get3A_1214] {strides = array<i32>} : memref<48x128xf32, #tpu.memory_space<vmem>>, vector<16xf32>,
        %mul3A_1216 = arith.mulf %get3A_1215, %exp3A_1212 : vector<16xf32>
        %swap3A_1217 = arith.index_cast %add3A_1041 : i32 to index
        %swap3A_1218 = arith.constant 80 : index
        %swap3A_1219 = tpu.vector_load %arg14[%swap3A_1217, %swap3A_1218] {strides = array<i32>} : memref<48x128xf32, #tpu.memory_space<vmem>>, vector<16xf32>,
        tpu.vector_store %arg14[%swap3A_1217, %swap3A_1218], %mul3A_1216 {strides = array<i32>} : memref<48x128xf32, #tpu.memory_space<vmem>>, vector<16xf32>,
        %eq3A_1220 = arith.constant 5 : i32
        %eq3A_1221 = vector.broadcast %eq3A_1220 : i32 to vector<16xi32>
        %eq3A_1222 = arith.cmpi eq, %iota3A, %eq3A_1221 : vector<16xi32>
        %select_n3A_1223 = arith.select %eq3A_1222, %exp3A_1212, %select_n3A_1193 : vector<16xi1>, vector<16xf32>
        %get3A_1224 = arith.index_cast %add3A_1041 : i32 to index
        %get3A_1225 = arith.constant 96 : index
        %get3A_1226 = tpu.vector_load %arg11[%get3A_1224, %get3A_1225] {strides = array<i32>} : memref<48x128xf32, #tpu.memory_space<vmem>>, vector<16xf32>,
        %get3A_1227 = arith.index_cast %add3A_1041 : i32 to index
        %get3A_1228 = arith.constant 96 : index
        %get3A_1229 = tpu.vector_load %arg12[%get3A_1227, %get3A_1228] {strides = array<i32>} : memref<48x128xf32, #tpu.memory_space<vmem>>, vector<16xf32>,
        %mul3A_1230 = arith.mulf %get3A_1226, %get3A_1229 : vector<16xf32>
        %broadcast_in_dim3A_1231 = arith.constant true
        %broadcast_in_dim3A_1232 = vector.broadcast %broadcast_in_dim3A_1231 : i1 to vector<16xi1>
        %masked_cumsum3A_1233 = tpu.scan <sum>, %mul3A_1230 masked %broadcast_in_dim3A_1232 : vector<16xf32>, vector<16xi1> -> vector<16xf32>
        %gather3A_1234 = vector.shape_cast %broadcast_in_dim3A_16 : vector<16x1xi32> to vector<16xi32>
        %gather3A_1235 = tpu.dynamic_gather %masked_cumsum3A_1233[%gather3A_1234] in [0] : vector<16xf32>, vector<16xi32> -> vector<16xf32>
        %jit3A_1236 = arith.constant -5.000000e+00 : f32
        %jit3A_1237 = arith.constant 5.000000e+00 : f32
        %max3A_1238 = vector.broadcast %jit3A_1236 : f32 to vector<16xf32>
        %max3A_1239 = arith.maximumf %max3A_1238, %gather3A_1235 : vector<16xf32>
        %min3A_1240 = vector.broadcast %jit3A_1237 : f32 to vector<16xf32>
        %min3A_1241 = arith.minimumf %min3A_1240, %max3A_1239 : vector<16xf32>
        %exp3A_1242 = math.exp %min3A_1241 : vector<16xf32>
        %get3A_1243 = arith.index_cast %add3A_1041 : i32 to index
        %get3A_1244 = arith.constant 96 : index
        %get3A_1245 = tpu.vector_load %arg13[%get3A_1243, %get3A_1244] {strides = array<i32>} : memref<48x128xf32, #tpu.memory_space<vmem>>, vector<16xf32>,
        %mul3A_1246 = arith.mulf %get3A_1245, %exp3A_1242 : vector<16xf32>
        %swap3A_1247 = arith.index_cast %add3A_1041 : i32 to index
        %swap3A_1248 = arith.constant 96 : index
        %swap3A_1249 = tpu.vector_load %arg14[%swap3A_1247, %swap3A_1248] {strides = array<i32>} : memref<48x128xf32, #tpu.memory_space<vmem>>, vector<16xf32>,
        tpu.vector_store %arg14[%swap3A_1247, %swap3A_1248], %mul3A_1246 {strides = array<i32>} : memref<48x128xf32, #tpu.memory_space<vmem>>, vector<16xf32>,
        %eq3A_1250 = arith.constant 6 : i32
        %eq3A_1251 = vector.broadcast %eq3A_1250 : i32 to vector<16xi32>
        %eq3A_1252 = arith.cmpi eq, %iota3A, %eq3A_1251 : vector<16xi32>
        %select_n3A_1253 = arith.select %eq3A_1252, %exp3A_1242, %select_n3A_1223 : vector<16xi1>, vector<16xf32>
        %get3A_1254 = arith.index_cast %add3A_1041 : i32 to index
        %get3A_1255 = arith.constant 112 : index
        %get3A_1256 = tpu.vector_load %arg11[%get3A_1254, %get3A_1255] {strides = array<i32>} : memref<48x128xf32, #tpu.memory_space<vmem>>, vector<16xf32>,
        %get3A_1257 = arith.index_cast %add3A_1041 : i32 to index
        %get3A_1258 = arith.constant 112 : index
        %get3A_1259 = tpu.vector_load %arg12[%get3A_1257, %get3A_1258] {strides = array<i32>} : memref<48x128xf32, #tpu.memory_space<vmem>>, vector<16xf32>,
        %mul3A_1260 = arith.mulf %get3A_1256, %get3A_1259 : vector<16xf32>
        %broadcast_in_dim3A_1261 = arith.constant true
        %broadcast_in_dim3A_1262 = vector.broadcast %broadcast_in_dim3A_1261 : i1 to vector<16xi1>
        %masked_cumsum3A_1263 = tpu.scan <sum>, %mul3A_1260 masked %broadcast_in_dim3A_1262 : vector<16xf32>, vector<16xi1> -> vector<16xf32>
        %gather3A_1264 = vector.shape_cast %broadcast_in_dim3A_16 : vector<16x1xi32> to vector<16xi32>
        %gather3A_1265 = tpu.dynamic_gather %masked_cumsum3A_1263[%gather3A_1264] in [0] : vector<16xf32>, vector<16xi32> -> vector<16xf32>
        %jit3A_1266 = arith.constant -5.000000e+00 : f32
        %jit3A_1267 = arith.constant 5.000000e+00 : f32
        %max3A_1268 = vector.broadcast %jit3A_1266 : f32 to vector<16xf32>
        %max3A_1269 = arith.maximumf %max3A_1268, %gather3A_1265 : vector<16xf32>
        %min3A_1270 = vector.broadcast %jit3A_1267 : f32 to vector<16xf32>
        %min3A_1271 = arith.minimumf %min3A_1270, %max3A_1269 : vector<16xf32>
        %exp3A_1272 = math.exp %min3A_1271 : vector<16xf32>
        %get3A_1273 = arith.index_cast %add3A_1041 : i32 to index
        %get3A_1274 = arith.constant 112 : index
        %get3A_1275 = tpu.vector_load %arg13[%get3A_1273, %get3A_1274] {strides = array<i32>} : memref<48x128xf32, #tpu.memory_space<vmem>>, vector<16xf32>,
        %mul3A_1276 = arith.mulf %get3A_1275, %exp3A_1272 : vector<16xf32>
        %swap3A_1277 = arith.index_cast %add3A_1041 : i32 to index
        %swap3A_1278 = arith.constant 112 : index
        %swap3A_1279 = tpu.vector_load %arg14[%swap3A_1277, %swap3A_1278] {strides = array<i32>} : memref<48x128xf32, #tpu.memory_space<vmem>>, vector<16xf32>,
        tpu.vector_store %arg14[%swap3A_1277, %swap3A_1278], %mul3A_1276 {strides = array<i32>} : memref<48x128xf32, #tpu.memory_space<vmem>>, vector<16xf32>,
        %eq3A_1280 = arith.constant 7 : i32
        %eq3A_1281 = vector.broadcast %eq3A_1280 : i32 to vector<16xi32>
        %eq3A_1282 = arith.cmpi eq, %iota3A, %eq3A_1281 : vector<16xi32>
        %select_n3A_1283 = arith.select %eq3A_1282, %exp3A_1272, %select_n3A_1253 : vector<16xi1>, vector<16xf32>
        %swap3A_1284 = arith.index_cast %add3A_1041 : i32 to index
        %swap3A_1285 = arith.constant 0 : index
        %swap3A_1286 = tpu.vector_load %arg15[%swap3A_1284, %swap3A_1285] {strides = array<i32>} : memref<48x16xf32, #tpu.memory_space<vmem>>, vector<16xf32>,
        tpu.vector_store %arg15[%swap3A_1284, %swap3A_1285], %select_n3A_1283 {strides = array<i32>} : memref<48x16xf32, #tpu.memory_space<vmem>>, vector<16xf32>,
      }
      %scan3A_305 = arith.constant 12 : i32
      %dma_start3A_306 = arith.constant 0 : i32
      %dma_start3A_307 = arith.constant 0 : i32
      %dma_start3A_308 = arith.constant 0 : i32
      %dma_start3A_309 = tpu.memref_slice %arg14[%dma_start3A_307, %dma_start3A_308] : memref<48x128xf32, #tpu.memory_space<vmem>> -> memref<24x128xf32, #tpu.memory_space<vmem>>
      %dma_start3A_310 = arith.constant 0 : i32
      %dma_start3A_311 = tpu.memref_slice %arg10[%dma_start3A_306, %dma_start3A_310] : memref<4x24xi32, #tpu.memory_space<vmem>> -> memref<1x24xi32, #tpu.memory_space<vmem>>
      %dma_start3A_312 = tpu.memref_squeeze %dma_start3A_311 : memref<1x24xi32, #tpu.memory_space<vmem>> -> memref<24xi32, #tpu.memory_space<vmem>>
      %dma_start3A_313 = arith.constant 0 : i32
      %dma_start3A_314 = arith.constant 0 : i32
      %dma_start3A_315 = tpu.memref_slice %arg16[%dma_start3A_313, %dma_start3A_314] : memref<10112x128xf32, #tpu.memory_space<vmem_shared>> -> memref<10112x128xf32, #tpu.memory_space<vmem_shared>>
      tpu.enqueue_indirect_dma source(%dma_start3A_309 : memref<24x128xf32, #tpu.memory_space<vmem>>) target(%dma_start3A_315 : memref<10112x128xf32, #tpu.memory_space<vmem_shared>>) offsets(%dma_start3A_312 : memref<24xi32, #tpu.memory_space<vmem>>) semaphore(%arg21 : memref<!tpu.dma_semaphore, #tpu.memory_space<semaphore_mem>>) {add = true}
      %dma_start3A_316 = arith.constant 0 : i32
      %dma_start3A_317 = arith.constant 0 : i32
      %dma_start3A_318 = arith.constant 0 : i32
      %dma_start3A_319 = tpu.memref_slice %arg15[%dma_start3A_317, %dma_start3A_318] : memref<48x16xf32, #tpu.memory_space<vmem>> -> memref<24x16xf32, #tpu.memory_space<vmem>>
      %dma_start3A_320 = arith.constant 0 : i32
      %dma_start3A_321 = tpu.memref_slice %arg10[%dma_start3A_316, %dma_start3A_320] : memref<4x24xi32, #tpu.memory_space<vmem>> -> memref<1x24xi32, #tpu.memory_space<vmem>>
      %dma_start3A_322 = tpu.memref_squeeze %dma_start3A_321 : memref<1x24xi32, #tpu.memory_space<vmem>> -> memref<24xi32, #tpu.memory_space<vmem>>
      %dma_start3A_323 = arith.constant 0 : i32
      %dma_start3A_324 = arith.constant 0 : i32
      %dma_start3A_325 = tpu.memref_slice %arg17[%dma_start3A_323, %dma_start3A_324] : memref<10112x16xf32, #tpu.memory_space<vmem_shared>> -> memref<10112x16xf32, #tpu.memory_space<vmem_shared>>
      tpu.enqueue_indirect_dma source(%dma_start3A_319 : memref<24x16xf32, #tpu.memory_space<vmem>>) target(%dma_start3A_325 : memref<10112x16xf32, #tpu.memory_space<vmem_shared>>) offsets(%dma_start3A_322 : memref<24xi32, #tpu.memory_space<vmem>>) semaphore(%arg21 : memref<!tpu.dma_semaphore, #tpu.memory_space<semaphore_mem>>) {add = true}
      %mul3A_326 = arith.constant 4 : i32
      %mul3A_327 = arith.muli %mul3A_326, %scan3A_169 : i32
      %add3A_328 = arith.constant 1 : i32
      %add3A_329 = arith.addi %mul3A_327, %add3A_328 : i32
      %add3A_330 = arith.constant 1 : i32
      %add3A_331 = arith.addi %add3A_329, %add3A_330 : i32
      %mul3A_332 = arith.constant 24 : i32
      %mul3A_333 = arith.muli %add3A_331, %mul3A_332 : i32
      %add3A_334 = arith.addi %mul3A_18, %mul3A_333 : i32
      %dma_wait3A_335 = arith.constant 2 : i32
      %dma_wait3A_336 = arith.constant 0 : i32
      %dma_wait3A_337 = tpu.memref_slice %arg9[%dma_wait3A_335, %dma_wait3A_336] : memref<4x24xi32, #tpu.memory_space<vmem>> -> memref<1x24xi32, #tpu.memory_space<vmem>>
      %dma_wait3A_338 = tpu.memref_squeeze %dma_wait3A_337 : memref<1x24xi32, #tpu.memory_space<vmem>> -> memref<24xi32, #tpu.memory_space<vmem>>
      %dma_wait3A_339 = tpu.memref_slice %arg5[%add3A_334] : memref<322608xi32, #tpu.memory_space<hbm>> -> memref<24xi32, #tpu.memory_space<hbm>>
      %dma_wait3A_340 = arith.constant 0 : i32
      %dma_wait3A_341 = tpu.memref_slice %arg9[%dma_wait3A_335, %dma_wait3A_340] : memref<4x24xi32, #tpu.memory_space<vmem>> -> memref<1x24xi32, #tpu.memory_space<vmem>>
      %dma_wait3A_342 = tpu.memref_squeeze %dma_wait3A_341 : memref<1x24xi32, #tpu.memory_space<vmem>> -> memref<24xi32, #tpu.memory_space<vmem>>
      %dma_wait3A_343 = tpu.memref_slice %arg5[%add3A_334] : memref<322608xi32, #tpu.memory_space<hbm>> -> memref<24xi32, #tpu.memory_space<hbm>>
      tpu.wait_dma2 semaphore(%arg18 : memref<!tpu.dma_semaphore, #tpu.memory_space<semaphore_mem>>) src(%dma_wait3A_343 : memref<24xi32, #tpu.memory_space<hbm>>) dst(%dma_wait3A_342 : memref<24xi32, #tpu.memory_space<vmem>>)
      %dma_wait3A_344 = arith.constant 2 : i32
      %dma_wait3A_345 = arith.constant 0 : i32
      %dma_wait3A_346 = tpu.memref_slice %arg10[%dma_wait3A_344, %dma_wait3A_345] : memref<4x24xi32, #tpu.memory_space<vmem>> -> memref<1x24xi32, #tpu.memory_space<vmem>>
      %dma_wait3A_347 = tpu.memref_squeeze %dma_wait3A_346 : memref<1x24xi32, #tpu.memory_space<vmem>> -> memref<24xi32, #tpu.memory_space<vmem>>
      %dma_wait3A_348 = tpu.memref_slice %arg6[%add3A_334] : memref<322608xi32, #tpu.memory_space<hbm>> -> memref<24xi32, #tpu.memory_space<hbm>>
      %dma_wait3A_349 = arith.constant 0 : i32
      %dma_wait3A_350 = tpu.memref_slice %arg10[%dma_wait3A_344, %dma_wait3A_349] : memref<4x24xi32, #tpu.memory_space<vmem>> -> memref<1x24xi32, #tpu.memory_space<vmem>>
      %dma_wait3A_351 = tpu.memref_squeeze %dma_wait3A_350 : memref<1x24xi32, #tpu.memory_space<vmem>> -> memref<24xi32, #tpu.memory_space<vmem>>
      %dma_wait3A_352 = tpu.memref_slice %arg6[%add3A_334] : memref<322608xi32, #tpu.memory_space<hbm>> -> memref<24xi32, #tpu.memory_space<hbm>>
      tpu.wait_dma2 semaphore(%arg18 : memref<!tpu.dma_semaphore, #tpu.memory_space<semaphore_mem>>) src(%dma_wait3A_352 : memref<24xi32, #tpu.memory_space<hbm>>) dst(%dma_wait3A_351 : memref<24xi32, #tpu.memory_space<vmem>>)
      %dma_start3A_353 = arith.constant 2 : i32
      %dma_start3A_354 = arith.constant 0 : i32
      %dma_start3A_355 = arith.constant 0 : i32
      %dma_start3A_356 = tpu.memref_slice %arg11[%dma_start3A_354, %dma_start3A_355] : memref<48x128xf32, #tpu.memory_space<vmem>> -> memref<24x128xf32, #tpu.memory_space<vmem>>
      %dma_start3A_357 = arith.constant 0 : i32
      %dma_start3A_358 = tpu.memref_slice %arg10[%dma_start3A_353, %dma_start3A_357] : memref<4x24xi32, #tpu.memory_space<vmem>> -> memref<1x24xi32, #tpu.memory_space<vmem>>
      %dma_start3A_359 = tpu.memref_squeeze %dma_start3A_358 : memref<1x24xi32, #tpu.memory_space<vmem>> -> memref<24xi32, #tpu.memory_space<vmem>>
      %dma_start3A_360 = arith.constant 0 : i32
      %dma_start3A_361 = arith.constant 0 : i32
      %dma_start3A_362 = tpu.memref_slice %arg2[%dma_start3A_360, %dma_start3A_361] : memref<10000x128xf32, #tpu.memory_space<hbm>> -> memref<10000x128xf32, #tpu.memory_space<hbm>>
      tpu.enqueue_indirect_dma source(%dma_start3A_362 : memref<10000x128xf32, #tpu.memory_space<hbm>>) target(%dma_start3A_356 : memref<24x128xf32, #tpu.memory_space<vmem>>) offsets(%dma_start3A_359 : memref<24xi32, #tpu.memory_space<vmem>>) semaphore(%arg19 : memref<!tpu.dma_semaphore, #tpu.memory_space<semaphore_mem>>)
      %dma_start3A_363 = arith.constant 2 : i32
      %dma_start3A_364 = arith.constant 0 : i32
      %dma_start3A_365 = arith.constant 0 : i32
      %dma_start3A_366 = tpu.memref_slice %arg12[%dma_start3A_364, %dma_start3A_365] : memref<48x128xf32, #tpu.memory_space<vmem>> -> memref<24x128xf32, #tpu.memory_space<vmem>>
      %dma_start3A_367 = arith.constant 0 : i32
      %dma_start3A_368 = tpu.memref_slice %arg9[%dma_start3A_363, %dma_start3A_367] : memref<4x24xi32, #tpu.memory_space<vmem>> -> memref<1x24xi32, #tpu.memory_space<vmem>>
      %dma_start3A_369 = tpu.memref_squeeze %dma_start3A_368 : memref<1x24xi32, #tpu.memory_space<vmem>> -> memref<24xi32, #tpu.memory_space<vmem>>
      %dma_start3A_370 = arith.constant 0 : i32
      %dma_start3A_371 = arith.constant 0 : i32
      %dma_start3A_372 = tpu.memref_slice %arg3[%dma_start3A_370, %dma_start3A_371] : memref<10000x128xf32, #tpu.memory_space<hbm>> -> memref<10000x128xf32, #tpu.memory_space<hbm>>
      tpu.enqueue_indirect_dma source(%dma_start3A_372 : memref<10000x128xf32, #tpu.memory_space<hbm>>) target(%dma_start3A_366 : memref<24x128xf32, #tpu.memory_space<vmem>>) offsets(%dma_start3A_369 : memref<24xi32, #tpu.memory_space<vmem>>) semaphore(%arg19 : memref<!tpu.dma_semaphore, #tpu.memory_space<semaphore_mem>>)
      %dma_start3A_373 = arith.constant 2 : i32
      %dma_start3A_374 = arith.constant 0 : i32
      %dma_start3A_375 = arith.constant 0 : i32
      %dma_start3A_376 = tpu.memref_slice %arg13[%dma_start3A_374, %dma_start3A_375] : memref<48x128xf32, #tpu.memory_space<vmem>> -> memref<24x128xf32, #tpu.memory_space<vmem>>
      %dma_start3A_377 = arith.constant 0 : i32
      %dma_start3A_378 = tpu.memref_slice %arg9[%dma_start3A_373, %dma_start3A_377] : memref<4x24xi32, #tpu.memory_space<vmem>> -> memref<1x24xi32, #tpu.memory_space<vmem>>
      %dma_start3A_379 = tpu.memref_squeeze %dma_start3A_378 : memref<1x24xi32, #tpu.memory_space<vmem>> -> memref<24xi32, #tpu.memory_space<vmem>>
      %dma_start3A_380 = arith.constant 0 : i32
      %dma_start3A_381 = arith.constant 0 : i32
      %dma_start3A_382 = tpu.memref_slice %arg4[%dma_start3A_380, %dma_start3A_381] : memref<10000x128xf32, #tpu.memory_space<hbm>> -> memref<10000x128xf32, #tpu.memory_space<hbm>>
      tpu.enqueue_indirect_dma source(%dma_start3A_382 : memref<10000x128xf32, #tpu.memory_space<hbm>>) target(%dma_start3A_376 : memref<24x128xf32, #tpu.memory_space<vmem>>) offsets(%dma_start3A_379 : memref<24xi32, #tpu.memory_space<vmem>>) semaphore(%arg19 : memref<!tpu.dma_semaphore, #tpu.memory_space<semaphore_mem>>)
      %add3A_383 = arith.constant 2 : i32
      %add3A_384 = arith.addi %add3A_329, %add3A_383 : i32
      %mul3A_385 = arith.constant 24 : i32
      %mul3A_386 = arith.muli %add3A_384, %mul3A_385 : i32
      %add3A_387 = arith.addi %mul3A_18, %mul3A_386 : i32
      %dma_start3A_388 = arith.constant 3 : i32
      %dma_start3A_389 = arith.constant 0 : i32
      %dma_start3A_390 = tpu.memref_slice %arg9[%dma_start3A_388, %dma_start3A_389] : memref<4x24xi32, #tpu.memory_space<vmem>> -> memref<1x24xi32, #tpu.memory_space<vmem>>
      %dma_start3A_391 = tpu.memref_squeeze %dma_start3A_390 : memref<1x24xi32, #tpu.memory_space<vmem>> -> memref<24xi32, #tpu.memory_space<vmem>>
      %dma_start3A_392 = tpu.memref_slice %arg5[%add3A_387] : memref<322608xi32, #tpu.memory_space<hbm>> -> memref<24xi32, #tpu.memory_space<hbm>>
      %dma_start3A_393 = arith.constant 0 : i32
      %dma_start3A_394 = tpu.memref_slice %arg9[%dma_start3A_388, %dma_start3A_393] : memref<4x24xi32, #tpu.memory_space<vmem>> -> memref<1x24xi32, #tpu.memory_space<vmem>>
      %dma_start3A_395 = tpu.memref_squeeze %dma_start3A_394 : memref<1x24xi32, #tpu.memory_space<vmem>> -> memref<24xi32, #tpu.memory_space<vmem>>
      %dma_start3A_396 = tpu.memref_slice %arg5[%add3A_387] : memref<322608xi32, #tpu.memory_space<hbm>> -> memref<24xi32, #tpu.memory_space<hbm>>
      tpu.enqueue_dma source(%dma_start3A_396 : memref<24xi32, #tpu.memory_space<hbm>>) target(%dma_start3A_395 : memref<24xi32, #tpu.memory_space<vmem>>) target_semaphore(%arg18 : memref<!tpu.dma_semaphore, #tpu.memory_space<semaphore_mem>>)
      %dma_start3A_397 = arith.constant 3 : i32
      %dma_start3A_398 = arith.constant 0 : i32
      %dma_start3A_399 = tpu.memref_slice %arg10[%dma_start3A_397, %dma_start3A_398] : memref<4x24xi32, #tpu.memory_space<vmem>> -> memref<1x24xi32, #tpu.memory_space<vmem>>
      %dma_start3A_400 = tpu.memref_squeeze %dma_start3A_399 : memref<1x24xi32, #tpu.memory_space<vmem>> -> memref<24xi32, #tpu.memory_space<vmem>>
      %dma_start3A_401 = tpu.memref_slice %arg6[%add3A_387] : memref<322608xi32, #tpu.memory_space<hbm>> -> memref<24xi32, #tpu.memory_space<hbm>>
      %dma_start3A_402 = arith.constant 0 : i32
      %dma_start3A_403 = tpu.memref_slice %arg10[%dma_start3A_397, %dma_start3A_402] : memref<4x24xi32, #tpu.memory_space<vmem>> -> memref<1x24xi32, #tpu.memory_space<vmem>>
      %dma_start3A_404 = tpu.memref_squeeze %dma_start3A_403 : memref<1x24xi32, #tpu.memory_space<vmem>> -> memref<24xi32, #tpu.memory_space<vmem>>
      %dma_start3A_405 = tpu.memref_slice %arg6[%add3A_387] : memref<322608xi32, #tpu.memory_space<hbm>> -> memref<24xi32, #tpu.memory_space<hbm>>
      tpu.enqueue_dma source(%dma_start3A_405 : memref<24xi32, #tpu.memory_space<hbm>>) target(%dma_start3A_404 : memref<24xi32, #tpu.memory_space<vmem>>) target_semaphore(%arg18 : memref<!tpu.dma_semaphore, #tpu.memory_space<semaphore_mem>>)
      %dma_wait3A_406 = arith.constant 1 : i32
      %dma_wait3A_407 = arith.constant 24 : i32
      %dma_wait3A_408 = arith.constant 0 : i32
      %dma_wait3A_409 = tpu.memref_slice %arg11[%dma_wait3A_407, %dma_wait3A_408] : memref<48x128xf32, #tpu.memory_space<vmem>> -> memref<24x128xf32, #tpu.memory_space<vmem>>
      %dma_wait3A_410 = arith.constant 0 : i32
      %dma_wait3A_411 = tpu.memref_slice %arg10[%dma_wait3A_406, %dma_wait3A_410] : memref<4x24xi32, #tpu.memory_space<vmem>> -> memref<1x24xi32, #tpu.memory_space<vmem>>
      %dma_wait3A_412 = tpu.memref_squeeze %dma_wait3A_411 : memref<1x24xi32, #tpu.memory_space<vmem>> -> memref<24xi32, #tpu.memory_space<vmem>>
      %dma_wait3A_413 = arith.constant 0 : i32
      %dma_wait3A_414 = arith.constant 0 : i32
      %dma_wait3A_415 = tpu.memref_slice %arg2[%dma_wait3A_413, %dma_wait3A_414] : memref<10000x128xf32, #tpu.memory_space<hbm>> -> memref<10000x128xf32, #tpu.memory_space<hbm>>
      tpu.wait_indirect_dma semaphore(%arg20 : memref<!tpu.dma_semaphore, #tpu.memory_space<semaphore_mem>>) src(%dma_wait3A_415 : memref<10000x128xf32, #tpu.memory_space<hbm>>) dst(%dma_wait3A_409 : memref<24x128xf32, #tpu.memory_space<vmem>>)
      %dma_wait3A_416 = arith.constant 1 : i32
      %dma_wait3A_417 = arith.constant 24 : i32
      %dma_wait3A_418 = arith.constant 0 : i32
      %dma_wait3A_419 = tpu.memref_slice %arg12[%dma_wait3A_417, %dma_wait3A_418] : memref<48x128xf32, #tpu.memory_space<vmem>> -> memref<24x128xf32, #tpu.memory_space<vmem>>
      %dma_wait3A_420 = arith.constant 0 : i32
      %dma_wait3A_421 = tpu.memref_slice %arg9[%dma_wait3A_416, %dma_wait3A_420] : memref<4x24xi32, #tpu.memory_space<vmem>> -> memref<1x24xi32, #tpu.memory_space<vmem>>
      %dma_wait3A_422 = tpu.memref_squeeze %dma_wait3A_421 : memref<1x24xi32, #tpu.memory_space<vmem>> -> memref<24xi32, #tpu.memory_space<vmem>>
      %dma_wait3A_423 = arith.constant 0 : i32
      %dma_wait3A_424 = arith.constant 0 : i32
      %dma_wait3A_425 = tpu.memref_slice %arg3[%dma_wait3A_423, %dma_wait3A_424] : memref<10000x128xf32, #tpu.memory_space<hbm>> -> memref<10000x128xf32, #tpu.memory_space<hbm>>
      tpu.wait_indirect_dma semaphore(%arg20 : memref<!tpu.dma_semaphore, #tpu.memory_space<semaphore_mem>>) src(%dma_wait3A_425 : memref<10000x128xf32, #tpu.memory_space<hbm>>) dst(%dma_wait3A_419 : memref<24x128xf32, #tpu.memory_space<vmem>>)
      %dma_wait3A_426 = arith.constant 1 : i32
      %dma_wait3A_427 = arith.constant 24 : i32
      %dma_wait3A_428 = arith.constant 0 : i32
      %dma_wait3A_429 = tpu.memref_slice %arg13[%dma_wait3A_427, %dma_wait3A_428] : memref<48x128xf32, #tpu.memory_space<vmem>> -> memref<24x128xf32, #tpu.memory_space<vmem>>
      %dma_wait3A_430 = arith.constant 0 : i32
      %dma_wait3A_431 = tpu.memref_slice %arg9[%dma_wait3A_426, %dma_wait3A_430] : memref<4x24xi32, #tpu.memory_space<vmem>> -> memref<1x24xi32, #tpu.memory_space<vmem>>
      %dma_wait3A_432 = tpu.memref_squeeze %dma_wait3A_431 : memref<1x24xi32, #tpu.memory_space<vmem>> -> memref<24xi32, #tpu.memory_space<vmem>>
      %dma_wait3A_433 = arith.constant 0 : i32
      %dma_wait3A_434 = arith.constant 0 : i32
      %dma_wait3A_435 = tpu.memref_slice %arg4[%dma_wait3A_433, %dma_wait3A_434] : memref<10000x128xf32, #tpu.memory_space<hbm>> -> memref<10000x128xf32, #tpu.memory_space<hbm>>
      tpu.wait_indirect_dma semaphore(%arg20 : memref<!tpu.dma_semaphore, #tpu.memory_space<semaphore_mem>>) src(%dma_wait3A_435 : memref<10000x128xf32, #tpu.memory_space<hbm>>) dst(%dma_wait3A_429 : memref<24x128xf32, #tpu.memory_space<vmem>>)
      %dma_wait3A_436 = arith.constant 1 : i32
      %dma_wait3A_437 = arith.constant 0 : i32
      %dma_wait3A_438 = arith.constant 0 : i32
      %dma_wait3A_439 = tpu.memref_slice %arg14[%dma_wait3A_437, %dma_wait3A_438] : memref<48x128xf32, #tpu.memory_space<vmem>> -> memref<24x128xf32, #tpu.memory_space<vmem>>
      %dma_wait3A_440 = arith.constant 0 : i32
      %dma_wait3A_441 = tpu.memref_slice %arg10[%dma_wait3A_436, %dma_wait3A_440] : memref<4x24xi32, #tpu.memory_space<vmem>> -> memref<1x24xi32, #tpu.memory_space<vmem>>
      %dma_wait3A_442 = tpu.memref_squeeze %dma_wait3A_441 : memref<1x24xi32, #tpu.memory_space<vmem>> -> memref<24xi32, #tpu.memory_space<vmem>>
      %dma_wait3A_443 = arith.constant 0 : i32
      %dma_wait3A_444 = arith.constant 0 : i32
      %dma_wait3A_445 = tpu.memref_slice %arg16[%dma_wait3A_443, %dma_wait3A_444] : memref<10112x128xf32, #tpu.memory_space<vmem_shared>> -> memref<10112x128xf32, #tpu.memory_space<vmem_shared>>
      tpu.wait_indirect_dma semaphore(%arg21 : memref<!tpu.dma_semaphore, #tpu.memory_space<semaphore_mem>>) src(%dma_wait3A_439 : memref<24x128xf32, #tpu.memory_space<vmem>>) dst(%dma_wait3A_445 : memref<10112x128xf32, #tpu.memory_space<vmem_shared>>)
      %dma_wait3A_446 = arith.constant 1 : i32
      %dma_wait3A_447 = arith.constant 0 : i32
      %dma_wait3A_448 = arith.constant 0 : i32
      %dma_wait3A_449 = tpu.memref_slice %arg15[%dma_wait3A_447, %dma_wait3A_448] : memref<48x16xf32, #tpu.memory_space<vmem>> -> memref<24x16xf32, #tpu.memory_space<vmem>>
      %dma_wait3A_450 = arith.constant 0 : i32
      %dma_wait3A_451 = tpu.memref_slice %arg10[%dma_wait3A_446, %dma_wait3A_450] : memref<4x24xi32, #tpu.memory_space<vmem>> -> memref<1x24xi32, #tpu.memory_space<vmem>>
      %dma_wait3A_452 = tpu.memref_squeeze %dma_wait3A_451 : memref<1x24xi32, #tpu.memory_space<vmem>> -> memref<24xi32, #tpu.memory_space<vmem>>
      %dma_wait3A_453 = arith.constant 0 : i32
      %dma_wait3A_454 = arith.constant 0 : i32
      %dma_wait3A_455 = tpu.memref_slice %arg17[%dma_wait3A_453, %dma_wait3A_454] : memref<10112x16xf32, #tpu.memory_space<vmem_shared>> -> memref<10112x16xf32, #tpu.memory_space<vmem_shared>>
      tpu.wait_indirect_dma semaphore(%arg21 : memref<!tpu.dma_semaphore, #tpu.memory_space<semaphore_mem>>) src(%dma_wait3A_449 : memref<24x16xf32, #tpu.memory_space<vmem>>) dst(%dma_wait3A_455 : memref<10112x16xf32, #tpu.memory_space<vmem_shared>>)
      %scan3A_456 = arith.constant 0 : i32
      %scan3A_457 = arith.constant 0 : i32
      %scan3A_458 = arith.constant 12 : i32
      %scan3A_459 = arith.addi %scan3A_457, %scan3A_458 : i32
      %scan3A_460 = arith.constant 1 : i32
      scf.for %scan3A_794 = %scan3A_457 to %scan3A_459 step %scan3A_460  : i32 {
        %mul3A_795 = arith.constant 2 : i32
        %mul3A_796 = arith.muli %scan3A_794, %mul3A_795 : i32
        %add3A_797 = arith.constant 24 : i32
        %add3A_798 = arith.addi %add3A_797, %mul3A_796 : i32
        %add3A_799 = arith.constant 0 : i32
        %add3A_800 = arith.addi %add3A_798, %add3A_799 : i32
        %broadcast_in_dim3A_801 = arith.constant 0.000000e+00 : f32
        %broadcast_in_dim3A_802 = vector.broadcast %broadcast_in_dim3A_801 : f32 to vector<16xf32>
        %get3A = arith.index_cast %add3A_800 : i32 to index
        %get3A_803 = arith.constant 0 : index
        %get3A_804 = tpu.vector_load %arg11[%get3A, %get3A_803] {strides = array<i32>} : memref<48x128xf32, #tpu.memory_space<vmem>>, vector<16xf32>,
        %get3A_805 = arith.index_cast %add3A_800 : i32 to index
        %get3A_806 = arith.constant 0 : index
        %get3A_807 = tpu.vector_load %arg12[%get3A_805, %get3A_806] {strides = array<i32>} : memref<48x128xf32, #tpu.memory_space<vmem>>, vector<16xf32>,
        %mul3A_808 = arith.mulf %get3A_804, %get3A_807 : vector<16xf32>
        %broadcast_in_dim3A_809 = arith.constant true
        %broadcast_in_dim3A_810 = vector.broadcast %broadcast_in_dim3A_809 : i1 to vector<16xi1>
        %masked_cumsum3A = tpu.scan <sum>, %mul3A_808 masked %broadcast_in_dim3A_810 : vector<16xf32>, vector<16xi1> -> vector<16xf32>
        %gather3A = vector.shape_cast %broadcast_in_dim3A_16 : vector<16x1xi32> to vector<16xi32>
        %gather3A_811 = tpu.dynamic_gather %masked_cumsum3A[%gather3A] in [0] : vector<16xf32>, vector<16xi32> -> vector<16xf32>
        %jit3A = arith.constant -5.000000e+00 : f32
        %jit3A_812 = arith.constant 5.000000e+00 : f32
        %max3A = vector.broadcast %jit3A : f32 to vector<16xf32>
        %max3A_813 = arith.maximumf %max3A, %gather3A_811 : vector<16xf32>
        %min3A = vector.broadcast %jit3A_812 : f32 to vector<16xf32>
        %min3A_814 = arith.minimumf %min3A, %max3A_813 : vector<16xf32>
        %exp3A = math.exp %min3A_814 : vector<16xf32>
        %get3A_815 = arith.index_cast %add3A_800 : i32 to index
        %get3A_816 = arith.constant 0 : index
        %get3A_817 = tpu.vector_load %arg13[%get3A_815, %get3A_816] {strides = array<i32>} : memref<48x128xf32, #tpu.memory_space<vmem>>, vector<16xf32>,
        %mul3A_818 = arith.mulf %get3A_817, %exp3A : vector<16xf32>
        %swap3A = arith.index_cast %add3A_800 : i32 to index
        %swap3A_819 = arith.constant 0 : index
        %swap3A_820 = tpu.vector_load %arg14[%swap3A, %swap3A_819] {strides = array<i32>} : memref<48x128xf32, #tpu.memory_space<vmem>>, vector<16xf32>,
        tpu.vector_store %arg14[%swap3A, %swap3A_819], %mul3A_818 {strides = array<i32>} : memref<48x128xf32, #tpu.memory_space<vmem>>, vector<16xf32>,
        %eq3A = arith.constant 0 : i32
        %eq3A_821 = vector.broadcast %eq3A : i32 to vector<16xi32>
        %eq3A_822 = arith.cmpi eq, %iota3A, %eq3A_821 : vector<16xi32>
        %select_n3A = arith.select %eq3A_822, %exp3A, %broadcast_in_dim3A_802 : vector<16xi1>, vector<16xf32>
        %get3A_823 = arith.index_cast %add3A_800 : i32 to index
        %get3A_824 = arith.constant 16 : index
        %get3A_825 = tpu.vector_load %arg11[%get3A_823, %get3A_824] {strides = array<i32>} : memref<48x128xf32, #tpu.memory_space<vmem>>, vector<16xf32>,
        %get3A_826 = arith.index_cast %add3A_800 : i32 to index
        %get3A_827 = arith.constant 16 : index
        %get3A_828 = tpu.vector_load %arg12[%get3A_826, %get3A_827] {strides = array<i32>} : memref<48x128xf32, #tpu.memory_space<vmem>>, vector<16xf32>,
        %mul3A_829 = arith.mulf %get3A_825, %get3A_828 : vector<16xf32>
        %broadcast_in_dim3A_830 = arith.constant true
        %broadcast_in_dim3A_831 = vector.broadcast %broadcast_in_dim3A_830 : i1 to vector<16xi1>
        %masked_cumsum3A_832 = tpu.scan <sum>, %mul3A_829 masked %broadcast_in_dim3A_831 : vector<16xf32>, vector<16xi1> -> vector<16xf32>
        %gather3A_833 = vector.shape_cast %broadcast_in_dim3A_16 : vector<16x1xi32> to vector<16xi32>
        %gather3A_834 = tpu.dynamic_gather %masked_cumsum3A_832[%gather3A_833] in [0] : vector<16xf32>, vector<16xi32> -> vector<16xf32>
        %jit3A_835 = arith.constant -5.000000e+00 : f32
        %jit3A_836 = arith.constant 5.000000e+00 : f32
        %max3A_837 = vector.broadcast %jit3A_835 : f32 to vector<16xf32>
        %max3A_838 = arith.maximumf %max3A_837, %gather3A_834 : vector<16xf32>
        %min3A_839 = vector.broadcast %jit3A_836 : f32 to vector<16xf32>
        %min3A_840 = arith.minimumf %min3A_839, %max3A_838 : vector<16xf32>
        %exp3A_841 = math.exp %min3A_840 : vector<16xf32>
        %get3A_842 = arith.index_cast %add3A_800 : i32 to index
        %get3A_843 = arith.constant 16 : index
        %get3A_844 = tpu.vector_load %arg13[%get3A_842, %get3A_843] {strides = array<i32>} : memref<48x128xf32, #tpu.memory_space<vmem>>, vector<16xf32>,
        %mul3A_845 = arith.mulf %get3A_844, %exp3A_841 : vector<16xf32>
        %swap3A_846 = arith.index_cast %add3A_800 : i32 to index
        %swap3A_847 = arith.constant 16 : index
        %swap3A_848 = tpu.vector_load %arg14[%swap3A_846, %swap3A_847] {strides = array<i32>} : memref<48x128xf32, #tpu.memory_space<vmem>>, vector<16xf32>,
        tpu.vector_store %arg14[%swap3A_846, %swap3A_847], %mul3A_845 {strides = array<i32>} : memref<48x128xf32, #tpu.memory_space<vmem>>, vector<16xf32>,
        %eq3A_849 = arith.constant 1 : i32
        %eq3A_850 = vector.broadcast %eq3A_849 : i32 to vector<16xi32>
        %eq3A_851 = arith.cmpi eq, %iota3A, %eq3A_850 : vector<16xi32>
        %select_n3A_852 = arith.select %eq3A_851, %exp3A_841, %select_n3A : vector<16xi1>, vector<16xf32>
        %get3A_853 = arith.index_cast %add3A_800 : i32 to index
        %get3A_854 = arith.constant 32 : index
        %get3A_855 = tpu.vector_load %arg11[%get3A_853, %get3A_854] {strides = array<i32>} : memref<48x128xf32, #tpu.memory_space<vmem>>, vector<16xf32>,
        %get3A_856 = arith.index_cast %add3A_800 : i32 to index
        %get3A_857 = arith.constant 32 : index
        %get3A_858 = tpu.vector_load %arg12[%get3A_856, %get3A_857] {strides = array<i32>} : memref<48x128xf32, #tpu.memory_space<vmem>>, vector<16xf32>,
        %mul3A_859 = arith.mulf %get3A_855, %get3A_858 : vector<16xf32>
        %broadcast_in_dim3A_860 = arith.constant true
        %broadcast_in_dim3A_861 = vector.broadcast %broadcast_in_dim3A_860 : i1 to vector<16xi1>
        %masked_cumsum3A_862 = tpu.scan <sum>, %mul3A_859 masked %broadcast_in_dim3A_861 : vector<16xf32>, vector<16xi1> -> vector<16xf32>
        %gather3A_863 = vector.shape_cast %broadcast_in_dim3A_16 : vector<16x1xi32> to vector<16xi32>
        %gather3A_864 = tpu.dynamic_gather %masked_cumsum3A_862[%gather3A_863] in [0] : vector<16xf32>, vector<16xi32> -> vector<16xf32>
        %jit3A_865 = arith.constant -5.000000e+00 : f32
        %jit3A_866 = arith.constant 5.000000e+00 : f32
        %max3A_867 = vector.broadcast %jit3A_865 : f32 to vector<16xf32>
        %max3A_868 = arith.maximumf %max3A_867, %gather3A_864 : vector<16xf32>
        %min3A_869 = vector.broadcast %jit3A_866 : f32 to vector<16xf32>
        %min3A_870 = arith.minimumf %min3A_869, %max3A_868 : vector<16xf32>
        %exp3A_871 = math.exp %min3A_870 : vector<16xf32>
        %get3A_872 = arith.index_cast %add3A_800 : i32 to index
        %get3A_873 = arith.constant 32 : index
        %get3A_874 = tpu.vector_load %arg13[%get3A_872, %get3A_873] {strides = array<i32>} : memref<48x128xf32, #tpu.memory_space<vmem>>, vector<16xf32>,
        %mul3A_875 = arith.mulf %get3A_874, %exp3A_871 : vector<16xf32>
        %swap3A_876 = arith.index_cast %add3A_800 : i32 to index
        %swap3A_877 = arith.constant 32 : index
        %swap3A_878 = tpu.vector_load %arg14[%swap3A_876, %swap3A_877] {strides = array<i32>} : memref<48x128xf32, #tpu.memory_space<vmem>>, vector<16xf32>,
        tpu.vector_store %arg14[%swap3A_876, %swap3A_877], %mul3A_875 {strides = array<i32>} : memref<48x128xf32, #tpu.memory_space<vmem>>, vector<16xf32>,
        %eq3A_879 = arith.constant 2 : i32
        %eq3A_880 = vector.broadcast %eq3A_879 : i32 to vector<16xi32>
        %eq3A_881 = arith.cmpi eq, %iota3A, %eq3A_880 : vector<16xi32>
        %select_n3A_882 = arith.select %eq3A_881, %exp3A_871, %select_n3A_852 : vector<16xi1>, vector<16xf32>
        %get3A_883 = arith.index_cast %add3A_800 : i32 to index
        %get3A_884 = arith.constant 48 : index
        %get3A_885 = tpu.vector_load %arg11[%get3A_883, %get3A_884] {strides = array<i32>} : memref<48x128xf32, #tpu.memory_space<vmem>>, vector<16xf32>,
        %get3A_886 = arith.index_cast %add3A_800 : i32 to index
        %get3A_887 = arith.constant 48 : index
        %get3A_888 = tpu.vector_load %arg12[%get3A_886, %get3A_887] {strides = array<i32>} : memref<48x128xf32, #tpu.memory_space<vmem>>, vector<16xf32>,
        %mul3A_889 = arith.mulf %get3A_885, %get3A_888 : vector<16xf32>
        %broadcast_in_dim3A_890 = arith.constant true
        %broadcast_in_dim3A_891 = vector.broadcast %broadcast_in_dim3A_890 : i1 to vector<16xi1>
        %masked_cumsum3A_892 = tpu.scan <sum>, %mul3A_889 masked %broadcast_in_dim3A_891 : vector<16xf32>, vector<16xi1> -> vector<16xf32>
        %gather3A_893 = vector.shape_cast %broadcast_in_dim3A_16 : vector<16x1xi32> to vector<16xi32>
        %gather3A_894 = tpu.dynamic_gather %masked_cumsum3A_892[%gather3A_893] in [0] : vector<16xf32>, vector<16xi32> -> vector<16xf32>
        %jit3A_895 = arith.constant -5.000000e+00 : f32
        %jit3A_896 = arith.constant 5.000000e+00 : f32
        %max3A_897 = vector.broadcast %jit3A_895 : f32 to vector<16xf32>
        %max3A_898 = arith.maximumf %max3A_897, %gather3A_894 : vector<16xf32>
        %min3A_899 = vector.broadcast %jit3A_896 : f32 to vector<16xf32>
        %min3A_900 = arith.minimumf %min3A_899, %max3A_898 : vector<16xf32>
        %exp3A_901 = math.exp %min3A_900 : vector<16xf32>
        %get3A_902 = arith.index_cast %add3A_800 : i32 to index
        %get3A_903 = arith.constant 48 : index
        %get3A_904 = tpu.vector_load %arg13[%get3A_902, %get3A_903] {strides = array<i32>} : memref<48x128xf32, #tpu.memory_space<vmem>>, vector<16xf32>,
        %mul3A_905 = arith.mulf %get3A_904, %exp3A_901 : vector<16xf32>
        %swap3A_906 = arith.index_cast %add3A_800 : i32 to index
        %swap3A_907 = arith.constant 48 : index
        %swap3A_908 = tpu.vector_load %arg14[%swap3A_906, %swap3A_907] {strides = array<i32>} : memref<48x128xf32, #tpu.memory_space<vmem>>, vector<16xf32>,
        tpu.vector_store %arg14[%swap3A_906, %swap3A_907], %mul3A_905 {strides = array<i32>} : memref<48x128xf32, #tpu.memory_space<vmem>>, vector<16xf32>,
        %eq3A_909 = arith.constant 3 : i32
        %eq3A_910 = vector.broadcast %eq3A_909 : i32 to vector<16xi32>
        %eq3A_911 = arith.cmpi eq, %iota3A, %eq3A_910 : vector<16xi32>
        %select_n3A_912 = arith.select %eq3A_911, %exp3A_901, %select_n3A_882 : vector<16xi1>, vector<16xf32>
        %get3A_913 = arith.index_cast %add3A_800 : i32 to index
        %get3A_914 = arith.constant 64 : index
        %get3A_915 = tpu.vector_load %arg11[%get3A_913, %get3A_914] {strides = array<i32>} : memref<48x128xf32, #tpu.memory_space<vmem>>, vector<16xf32>,
        %get3A_916 = arith.index_cast %add3A_800 : i32 to index
        %get3A_917 = arith.constant 64 : index
        %get3A_918 = tpu.vector_load %arg12[%get3A_916, %get3A_917] {strides = array<i32>} : memref<48x128xf32, #tpu.memory_space<vmem>>, vector<16xf32>,
        %mul3A_919 = arith.mulf %get3A_915, %get3A_918 : vector<16xf32>
        %broadcast_in_dim3A_920 = arith.constant true
        %broadcast_in_dim3A_921 = vector.broadcast %broadcast_in_dim3A_920 : i1 to vector<16xi1>
        %masked_cumsum3A_922 = tpu.scan <sum>, %mul3A_919 masked %broadcast_in_dim3A_921 : vector<16xf32>, vector<16xi1> -> vector<16xf32>
        %gather3A_923 = vector.shape_cast %broadcast_in_dim3A_16 : vector<16x1xi32> to vector<16xi32>
        %gather3A_924 = tpu.dynamic_gather %masked_cumsum3A_922[%gather3A_923] in [0] : vector<16xf32>, vector<16xi32> -> vector<16xf32>
        %jit3A_925 = arith.constant -5.000000e+00 : f32
        %jit3A_926 = arith.constant 5.000000e+00 : f32
        %max3A_927 = vector.broadcast %jit3A_925 : f32 to vector<16xf32>
        %max3A_928 = arith.maximumf %max3A_927, %gather3A_924 : vector<16xf32>
        %min3A_929 = vector.broadcast %jit3A_926 : f32 to vector<16xf32>
        %min3A_930 = arith.minimumf %min3A_929, %max3A_928 : vector<16xf32>
        %exp3A_931 = math.exp %min3A_930 : vector<16xf32>
        %get3A_932 = arith.index_cast %add3A_800 : i32 to index
        %get3A_933 = arith.constant 64 : index
        %get3A_934 = tpu.vector_load %arg13[%get3A_932, %get3A_933] {strides = array<i32>} : memref<48x128xf32, #tpu.memory_space<vmem>>, vector<16xf32>,
        %mul3A_935 = arith.mulf %get3A_934, %exp3A_931 : vector<16xf32>
        %swap3A_936 = arith.index_cast %add3A_800 : i32 to index
        %swap3A_937 = arith.constant 64 : index
        %swap3A_938 = tpu.vector_load %arg14[%swap3A_936, %swap3A_937] {strides = array<i32>} : memref<48x128xf32, #tpu.memory_space<vmem>>, vector<16xf32>,
        tpu.vector_store %arg14[%swap3A_936, %swap3A_937], %mul3A_935 {strides = array<i32>} : memref<48x128xf32, #tpu.memory_space<vmem>>, vector<16xf32>,
        %eq3A_939 = arith.constant 4 : i32
        %eq3A_940 = vector.broadcast %eq3A_939 : i32 to vector<16xi32>
        %eq3A_941 = arith.cmpi eq, %iota3A, %eq3A_940 : vector<16xi32>
        %select_n3A_942 = arith.select %eq3A_941, %exp3A_931, %select_n3A_912 : vector<16xi1>, vector<16xf32>
        %get3A_943 = arith.index_cast %add3A_800 : i32 to index
        %get3A_944 = arith.constant 80 : index
        %get3A_945 = tpu.vector_load %arg11[%get3A_943, %get3A_944] {strides = array<i32>} : memref<48x128xf32, #tpu.memory_space<vmem>>, vector<16xf32>,
        %get3A_946 = arith.index_cast %add3A_800 : i32 to index
        %get3A_947 = arith.constant 80 : index
        %get3A_948 = tpu.vector_load %arg12[%get3A_946, %get3A_947] {strides = array<i32>} : memref<48x128xf32, #tpu.memory_space<vmem>>, vector<16xf32>,
        %mul3A_949 = arith.mulf %get3A_945, %get3A_948 : vector<16xf32>
        %broadcast_in_dim3A_950 = arith.constant true
        %broadcast_in_dim3A_951 = vector.broadcast %broadcast_in_dim3A_950 : i1 to vector<16xi1>
        %masked_cumsum3A_952 = tpu.scan <sum>, %mul3A_949 masked %broadcast_in_dim3A_951 : vector<16xf32>, vector<16xi1> -> vector<16xf32>
        %gather3A_953 = vector.shape_cast %broadcast_in_dim3A_16 : vector<16x1xi32> to vector<16xi32>
        %gather3A_954 = tpu.dynamic_gather %masked_cumsum3A_952[%gather3A_953] in [0] : vector<16xf32>, vector<16xi32> -> vector<16xf32>
        %jit3A_955 = arith.constant -5.000000e+00 : f32
        %jit3A_956 = arith.constant 5.000000e+00 : f32
        %max3A_957 = vector.broadcast %jit3A_955 : f32 to vector<16xf32>
        %max3A_958 = arith.maximumf %max3A_957, %gather3A_954 : vector<16xf32>
        %min3A_959 = vector.broadcast %jit3A_956 : f32 to vector<16xf32>
        %min3A_960 = arith.minimumf %min3A_959, %max3A_958 : vector<16xf32>
        %exp3A_961 = math.exp %min3A_960 : vector<16xf32>
        %get3A_962 = arith.index_cast %add3A_800 : i32 to index
        %get3A_963 = arith.constant 80 : index
        %get3A_964 = tpu.vector_load %arg13[%get3A_962, %get3A_963] {strides = array<i32>} : memref<48x128xf32, #tpu.memory_space<vmem>>, vector<16xf32>,
        %mul3A_965 = arith.mulf %get3A_964, %exp3A_961 : vector<16xf32>
        %swap3A_966 = arith.index_cast %add3A_800 : i32 to index
        %swap3A_967 = arith.constant 80 : index
        %swap3A_968 = tpu.vector_load %arg14[%swap3A_966, %swap3A_967] {strides = array<i32>} : memref<48x128xf32, #tpu.memory_space<vmem>>, vector<16xf32>,
        tpu.vector_store %arg14[%swap3A_966, %swap3A_967], %mul3A_965 {strides = array<i32>} : memref<48x128xf32, #tpu.memory_space<vmem>>, vector<16xf32>,
        %eq3A_969 = arith.constant 5 : i32
        %eq3A_970 = vector.broadcast %eq3A_969 : i32 to vector<16xi32>
        %eq3A_971 = arith.cmpi eq, %iota3A, %eq3A_970 : vector<16xi32>
        %select_n3A_972 = arith.select %eq3A_971, %exp3A_961, %select_n3A_942 : vector<16xi1>, vector<16xf32>
        %get3A_973 = arith.index_cast %add3A_800 : i32 to index
        %get3A_974 = arith.constant 96 : index
        %get3A_975 = tpu.vector_load %arg11[%get3A_973, %get3A_974] {strides = array<i32>} : memref<48x128xf32, #tpu.memory_space<vmem>>, vector<16xf32>,
        %get3A_976 = arith.index_cast %add3A_800 : i32 to index
        %get3A_977 = arith.constant 96 : index
        %get3A_978 = tpu.vector_load %arg12[%get3A_976, %get3A_977] {strides = array<i32>} : memref<48x128xf32, #tpu.memory_space<vmem>>, vector<16xf32>,
        %mul3A_979 = arith.mulf %get3A_975, %get3A_978 : vector<16xf32>
        %broadcast_in_dim3A_980 = arith.constant true
        %broadcast_in_dim3A_981 = vector.broadcast %broadcast_in_dim3A_980 : i1 to vector<16xi1>
        %masked_cumsum3A_982 = tpu.scan <sum>, %mul3A_979 masked %broadcast_in_dim3A_981 : vector<16xf32>, vector<16xi1> -> vector<16xf32>
        %gather3A_983 = vector.shape_cast %broadcast_in_dim3A_16 : vector<16x1xi32> to vector<16xi32>
        %gather3A_984 = tpu.dynamic_gather %masked_cumsum3A_982[%gather3A_983] in [0] : vector<16xf32>, vector<16xi32> -> vector<16xf32>
        %jit3A_985 = arith.constant -5.000000e+00 : f32
        %jit3A_986 = arith.constant 5.000000e+00 : f32
        %max3A_987 = vector.broadcast %jit3A_985 : f32 to vector<16xf32>
        %max3A_988 = arith.maximumf %max3A_987, %gather3A_984 : vector<16xf32>
        %min3A_989 = vector.broadcast %jit3A_986 : f32 to vector<16xf32>
        %min3A_990 = arith.minimumf %min3A_989, %max3A_988 : vector<16xf32>
        %exp3A_991 = math.exp %min3A_990 : vector<16xf32>
        %get3A_992 = arith.index_cast %add3A_800 : i32 to index
        %get3A_993 = arith.constant 96 : index
        %get3A_994 = tpu.vector_load %arg13[%get3A_992, %get3A_993] {strides = array<i32>} : memref<48x128xf32, #tpu.memory_space<vmem>>, vector<16xf32>,
        %mul3A_995 = arith.mulf %get3A_994, %exp3A_991 : vector<16xf32>
        %swap3A_996 = arith.index_cast %add3A_800 : i32 to index
        %swap3A_997 = arith.constant 96 : index
        %swap3A_998 = tpu.vector_load %arg14[%swap3A_996, %swap3A_997] {strides = array<i32>} : memref<48x128xf32, #tpu.memory_space<vmem>>, vector<16xf32>,
        tpu.vector_store %arg14[%swap3A_996, %swap3A_997], %mul3A_995 {strides = array<i32>} : memref<48x128xf32, #tpu.memory_space<vmem>>, vector<16xf32>,
        %eq3A_999 = arith.constant 6 : i32
        %eq3A_1000 = vector.broadcast %eq3A_999 : i32 to vector<16xi32>
        %eq3A_1001 = arith.cmpi eq, %iota3A, %eq3A_1000 : vector<16xi32>
        %select_n3A_1002 = arith.select %eq3A_1001, %exp3A_991, %select_n3A_972 : vector<16xi1>, vector<16xf32>
        %get3A_1003 = arith.index_cast %add3A_800 : i32 to index
        %get3A_1004 = arith.constant 112 : index
        %get3A_1005 = tpu.vector_load %arg11[%get3A_1003, %get3A_1004] {strides = array<i32>} : memref<48x128xf32, #tpu.memory_space<vmem>>, vector<16xf32>,
        %get3A_1006 = arith.index_cast %add3A_800 : i32 to index
        %get3A_1007 = arith.constant 112 : index
        %get3A_1008 = tpu.vector_load %arg12[%get3A_1006, %get3A_1007] {strides = array<i32>} : memref<48x128xf32, #tpu.memory_space<vmem>>, vector<16xf32>,
        %mul3A_1009 = arith.mulf %get3A_1005, %get3A_1008 : vector<16xf32>
        %broadcast_in_dim3A_1010 = arith.constant true
        %broadcast_in_dim3A_1011 = vector.broadcast %broadcast_in_dim3A_1010 : i1 to vector<16xi1>
        %masked_cumsum3A_1012 = tpu.scan <sum>, %mul3A_1009 masked %broadcast_in_dim3A_1011 : vector<16xf32>, vector<16xi1> -> vector<16xf32>
        %gather3A_1013 = vector.shape_cast %broadcast_in_dim3A_16 : vector<16x1xi32> to vector<16xi32>
        %gather3A_1014 = tpu.dynamic_gather %masked_cumsum3A_1012[%gather3A_1013] in [0] : vector<16xf32>, vector<16xi32> -> vector<16xf32>
        %jit3A_1015 = arith.constant -5.000000e+00 : f32
        %jit3A_1016 = arith.constant 5.000000e+00 : f32
        %max3A_1017 = vector.broadcast %jit3A_1015 : f32 to vector<16xf32>
        %max3A_1018 = arith.maximumf %max3A_1017, %gather3A_1014 : vector<16xf32>
        %min3A_1019 = vector.broadcast %jit3A_1016 : f32 to vector<16xf32>
        %min3A_1020 = arith.minimumf %min3A_1019, %max3A_1018 : vector<16xf32>
        %exp3A_1021 = math.exp %min3A_1020 : vector<16xf32>
        %get3A_1022 = arith.index_cast %add3A_800 : i32 to index
        %get3A_1023 = arith.constant 112 : index
        %get3A_1024 = tpu.vector_load %arg13[%get3A_1022, %get3A_1023] {strides = array<i32>} : memref<48x128xf32, #tpu.memory_space<vmem>>, vector<16xf32>,
        %mul3A_1025 = arith.mulf %get3A_1024, %exp3A_1021 : vector<16xf32>
        %swap3A_1026 = arith.index_cast %add3A_800 : i32 to index
        %swap3A_1027 = arith.constant 112 : index
        %swap3A_1028 = tpu.vector_load %arg14[%swap3A_1026, %swap3A_1027] {strides = array<i32>} : memref<48x128xf32, #tpu.memory_space<vmem>>, vector<16xf32>,
        tpu.vector_store %arg14[%swap3A_1026, %swap3A_1027], %mul3A_1025 {strides = array<i32>} : memref<48x128xf32, #tpu.memory_space<vmem>>, vector<16xf32>,
        %eq3A_1029 = arith.constant 7 : i32
        %eq3A_1030 = vector.broadcast %eq3A_1029 : i32 to vector<16xi32>
        %eq3A_1031 = arith.cmpi eq, %iota3A, %eq3A_1030 : vector<16xi32>
        %select_n3A_1032 = arith.select %eq3A_1031, %exp3A_1021, %select_n3A_1002 : vector<16xi1>, vector<16xf32>
        %swap3A_1033 = arith.index_cast %add3A_800 : i32 to index
        %swap3A_1034 = arith.constant 0 : index
        %swap3A_1035 = tpu.vector_load %arg15[%swap3A_1033, %swap3A_1034] {strides = array<i32>} : memref<48x16xf32, #tpu.memory_space<vmem>>, vector<16xf32>,
        tpu.vector_store %arg15[%swap3A_1033, %swap3A_1034], %select_n3A_1032 {strides = array<i32>} : memref<48x16xf32, #tpu.memory_space<vmem>>, vector<16xf32>,
        %mul3A_1036 = arith.constant 2 : i32
        %mul3A_1037 = arith.muli %scan3A_794, %mul3A_1036 : i32
        %add3A_1038 = arith.constant 24 : i32
        %add3A_1039 = arith.addi %add3A_1038, %mul3A_1037 : i32
        %add3A_1040 = arith.constant 1 : i32
        %add3A_1041 = arith.addi %add3A_1039, %add3A_1040 : i32
        %broadcast_in_dim3A_1042 = arith.constant 0.000000e+00 : f32
        %broadcast_in_dim3A_1043 = vector.broadcast %broadcast_in_dim3A_1042 : f32 to vector<16xf32>
        %get3A_1044 = arith.index_cast %add3A_1041 : i32 to index
        %get3A_1045 = arith.constant 0 : index
        %get3A_1046 = tpu.vector_load %arg11[%get3A_1044, %get3A_1045] {strides = array<i32>} : memref<48x128xf32, #tpu.memory_space<vmem>>, vector<16xf32>,
        %get3A_1047 = arith.index_cast %add3A_1041 : i32 to index
        %get3A_1048 = arith.constant 0 : index
        %get3A_1049 = tpu.vector_load %arg12[%get3A_1047, %get3A_1048] {strides = array<i32>} : memref<48x128xf32, #tpu.memory_space<vmem>>, vector<16xf32>,
        %mul3A_1050 = arith.mulf %get3A_1046, %get3A_1049 : vector<16xf32>
        %broadcast_in_dim3A_1051 = arith.constant true
        %broadcast_in_dim3A_1052 = vector.broadcast %broadcast_in_dim3A_1051 : i1 to vector<16xi1>
        %masked_cumsum3A_1053 = tpu.scan <sum>, %mul3A_1050 masked %broadcast_in_dim3A_1052 : vector<16xf32>, vector<16xi1> -> vector<16xf32>
        %gather3A_1054 = vector.shape_cast %broadcast_in_dim3A_16 : vector<16x1xi32> to vector<16xi32>
        %gather3A_1055 = tpu.dynamic_gather %masked_cumsum3A_1053[%gather3A_1054] in [0] : vector<16xf32>, vector<16xi32> -> vector<16xf32>
        %jit3A_1056 = arith.constant -5.000000e+00 : f32
        %jit3A_1057 = arith.constant 5.000000e+00 : f32
        %max3A_1058 = vector.broadcast %jit3A_1056 : f32 to vector<16xf32>
        %max3A_1059 = arith.maximumf %max3A_1058, %gather3A_1055 : vector<16xf32>
        %min3A_1060 = vector.broadcast %jit3A_1057 : f32 to vector<16xf32>
        %min3A_1061 = arith.minimumf %min3A_1060, %max3A_1059 : vector<16xf32>
        %exp3A_1062 = math.exp %min3A_1061 : vector<16xf32>
        %get3A_1063 = arith.index_cast %add3A_1041 : i32 to index
        %get3A_1064 = arith.constant 0 : index
        %get3A_1065 = tpu.vector_load %arg13[%get3A_1063, %get3A_1064] {strides = array<i32>} : memref<48x128xf32, #tpu.memory_space<vmem>>, vector<16xf32>,
        %mul3A_1066 = arith.mulf %get3A_1065, %exp3A_1062 : vector<16xf32>
        %swap3A_1067 = arith.index_cast %add3A_1041 : i32 to index
        %swap3A_1068 = arith.constant 0 : index
        %swap3A_1069 = tpu.vector_load %arg14[%swap3A_1067, %swap3A_1068] {strides = array<i32>} : memref<48x128xf32, #tpu.memory_space<vmem>>, vector<16xf32>,
        tpu.vector_store %arg14[%swap3A_1067, %swap3A_1068], %mul3A_1066 {strides = array<i32>} : memref<48x128xf32, #tpu.memory_space<vmem>>, vector<16xf32>,
        %eq3A_1070 = arith.constant 0 : i32
        %eq3A_1071 = vector.broadcast %eq3A_1070 : i32 to vector<16xi32>
        %eq3A_1072 = arith.cmpi eq, %iota3A, %eq3A_1071 : vector<16xi32>
        %select_n3A_1073 = arith.select %eq3A_1072, %exp3A_1062, %broadcast_in_dim3A_1043 : vector<16xi1>, vector<16xf32>
        %get3A_1074 = arith.index_cast %add3A_1041 : i32 to index
        %get3A_1075 = arith.constant 16 : index
        %get3A_1076 = tpu.vector_load %arg11[%get3A_1074, %get3A_1075] {strides = array<i32>} : memref<48x128xf32, #tpu.memory_space<vmem>>, vector<16xf32>,
        %get3A_1077 = arith.index_cast %add3A_1041 : i32 to index
        %get3A_1078 = arith.constant 16 : index
        %get3A_1079 = tpu.vector_load %arg12[%get3A_1077, %get3A_1078] {strides = array<i32>} : memref<48x128xf32, #tpu.memory_space<vmem>>, vector<16xf32>,
        %mul3A_1080 = arith.mulf %get3A_1076, %get3A_1079 : vector<16xf32>
        %broadcast_in_dim3A_1081 = arith.constant true
        %broadcast_in_dim3A_1082 = vector.broadcast %broadcast_in_dim3A_1081 : i1 to vector<16xi1>
        %masked_cumsum3A_1083 = tpu.scan <sum>, %mul3A_1080 masked %broadcast_in_dim3A_1082 : vector<16xf32>, vector<16xi1> -> vector<16xf32>
        %gather3A_1084 = vector.shape_cast %broadcast_in_dim3A_16 : vector<16x1xi32> to vector<16xi32>
        %gather3A_1085 = tpu.dynamic_gather %masked_cumsum3A_1083[%gather3A_1084] in [0] : vector<16xf32>, vector<16xi32> -> vector<16xf32>
        %jit3A_1086 = arith.constant -5.000000e+00 : f32
        %jit3A_1087 = arith.constant 5.000000e+00 : f32
        %max3A_1088 = vector.broadcast %jit3A_1086 : f32 to vector<16xf32>
        %max3A_1089 = arith.maximumf %max3A_1088, %gather3A_1085 : vector<16xf32>
        %min3A_1090 = vector.broadcast %jit3A_1087 : f32 to vector<16xf32>
        %min3A_1091 = arith.minimumf %min3A_1090, %max3A_1089 : vector<16xf32>
        %exp3A_1092 = math.exp %min3A_1091 : vector<16xf32>
        %get3A_1093 = arith.index_cast %add3A_1041 : i32 to index
        %get3A_1094 = arith.constant 16 : index
        %get3A_1095 = tpu.vector_load %arg13[%get3A_1093, %get3A_1094] {strides = array<i32>} : memref<48x128xf32, #tpu.memory_space<vmem>>, vector<16xf32>,
        %mul3A_1096 = arith.mulf %get3A_1095, %exp3A_1092 : vector<16xf32>
        %swap3A_1097 = arith.index_cast %add3A_1041 : i32 to index
        %swap3A_1098 = arith.constant 16 : index
        %swap3A_1099 = tpu.vector_load %arg14[%swap3A_1097, %swap3A_1098] {strides = array<i32>} : memref<48x128xf32, #tpu.memory_space<vmem>>, vector<16xf32>,
        tpu.vector_store %arg14[%swap3A_1097, %swap3A_1098], %mul3A_1096 {strides = array<i32>} : memref<48x128xf32, #tpu.memory_space<vmem>>, vector<16xf32>,
        %eq3A_1100 = arith.constant 1 : i32
        %eq3A_1101 = vector.broadcast %eq3A_1100 : i32 to vector<16xi32>
        %eq3A_1102 = arith.cmpi eq, %iota3A, %eq3A_1101 : vector<16xi32>
        %select_n3A_1103 = arith.select %eq3A_1102, %exp3A_1092, %select_n3A_1073 : vector<16xi1>, vector<16xf32>
        %get3A_1104 = arith.index_cast %add3A_1041 : i32 to index
        %get3A_1105 = arith.constant 32 : index
        %get3A_1106 = tpu.vector_load %arg11[%get3A_1104, %get3A_1105] {strides = array<i32>} : memref<48x128xf32, #tpu.memory_space<vmem>>, vector<16xf32>,
        %get3A_1107 = arith.index_cast %add3A_1041 : i32 to index
        %get3A_1108 = arith.constant 32 : index
        %get3A_1109 = tpu.vector_load %arg12[%get3A_1107, %get3A_1108] {strides = array<i32>} : memref<48x128xf32, #tpu.memory_space<vmem>>, vector<16xf32>,
        %mul3A_1110 = arith.mulf %get3A_1106, %get3A_1109 : vector<16xf32>
        %broadcast_in_dim3A_1111 = arith.constant true
        %broadcast_in_dim3A_1112 = vector.broadcast %broadcast_in_dim3A_1111 : i1 to vector<16xi1>
        %masked_cumsum3A_1113 = tpu.scan <sum>, %mul3A_1110 masked %broadcast_in_dim3A_1112 : vector<16xf32>, vector<16xi1> -> vector<16xf32>
        %gather3A_1114 = vector.shape_cast %broadcast_in_dim3A_16 : vector<16x1xi32> to vector<16xi32>
        %gather3A_1115 = tpu.dynamic_gather %masked_cumsum3A_1113[%gather3A_1114] in [0] : vector<16xf32>, vector<16xi32> -> vector<16xf32>
        %jit3A_1116 = arith.constant -5.000000e+00 : f32
        %jit3A_1117 = arith.constant 5.000000e+00 : f32
        %max3A_1118 = vector.broadcast %jit3A_1116 : f32 to vector<16xf32>
        %max3A_1119 = arith.maximumf %max3A_1118, %gather3A_1115 : vector<16xf32>
        %min3A_1120 = vector.broadcast %jit3A_1117 : f32 to vector<16xf32>
        %min3A_1121 = arith.minimumf %min3A_1120, %max3A_1119 : vector<16xf32>
        %exp3A_1122 = math.exp %min3A_1121 : vector<16xf32>
        %get3A_1123 = arith.index_cast %add3A_1041 : i32 to index
        %get3A_1124 = arith.constant 32 : index
        %get3A_1125 = tpu.vector_load %arg13[%get3A_1123, %get3A_1124] {strides = array<i32>} : memref<48x128xf32, #tpu.memory_space<vmem>>, vector<16xf32>,
        %mul3A_1126 = arith.mulf %get3A_1125, %exp3A_1122 : vector<16xf32>
        %swap3A_1127 = arith.index_cast %add3A_1041 : i32 to index
        %swap3A_1128 = arith.constant 32 : index
        %swap3A_1129 = tpu.vector_load %arg14[%swap3A_1127, %swap3A_1128] {strides = array<i32>} : memref<48x128xf32, #tpu.memory_space<vmem>>, vector<16xf32>,
        tpu.vector_store %arg14[%swap3A_1127, %swap3A_1128], %mul3A_1126 {strides = array<i32>} : memref<48x128xf32, #tpu.memory_space<vmem>>, vector<16xf32>,
        %eq3A_1130 = arith.constant 2 : i32
        %eq3A_1131 = vector.broadcast %eq3A_1130 : i32 to vector<16xi32>
        %eq3A_1132 = arith.cmpi eq, %iota3A, %eq3A_1131 : vector<16xi32>
        %select_n3A_1133 = arith.select %eq3A_1132, %exp3A_1122, %select_n3A_1103 : vector<16xi1>, vector<16xf32>
        %get3A_1134 = arith.index_cast %add3A_1041 : i32 to index
        %get3A_1135 = arith.constant 48 : index
        %get3A_1136 = tpu.vector_load %arg11[%get3A_1134, %get3A_1135] {strides = array<i32>} : memref<48x128xf32, #tpu.memory_space<vmem>>, vector<16xf32>,
        %get3A_1137 = arith.index_cast %add3A_1041 : i32 to index
        %get3A_1138 = arith.constant 48 : index
        %get3A_1139 = tpu.vector_load %arg12[%get3A_1137, %get3A_1138] {strides = array<i32>} : memref<48x128xf32, #tpu.memory_space<vmem>>, vector<16xf32>,
        %mul3A_1140 = arith.mulf %get3A_1136, %get3A_1139 : vector<16xf32>
        %broadcast_in_dim3A_1141 = arith.constant true
        %broadcast_in_dim3A_1142 = vector.broadcast %broadcast_in_dim3A_1141 : i1 to vector<16xi1>
        %masked_cumsum3A_1143 = tpu.scan <sum>, %mul3A_1140 masked %broadcast_in_dim3A_1142 : vector<16xf32>, vector<16xi1> -> vector<16xf32>
        %gather3A_1144 = vector.shape_cast %broadcast_in_dim3A_16 : vector<16x1xi32> to vector<16xi32>
        %gather3A_1145 = tpu.dynamic_gather %masked_cumsum3A_1143[%gather3A_1144] in [0] : vector<16xf32>, vector<16xi32> -> vector<16xf32>
        %jit3A_1146 = arith.constant -5.000000e+00 : f32
        %jit3A_1147 = arith.constant 5.000000e+00 : f32
        %max3A_1148 = vector.broadcast %jit3A_1146 : f32 to vector<16xf32>
        %max3A_1149 = arith.maximumf %max3A_1148, %gather3A_1145 : vector<16xf32>
        %min3A_1150 = vector.broadcast %jit3A_1147 : f32 to vector<16xf32>
        %min3A_1151 = arith.minimumf %min3A_1150, %max3A_1149 : vector<16xf32>
        %exp3A_1152 = math.exp %min3A_1151 : vector<16xf32>
        %get3A_1153 = arith.index_cast %add3A_1041 : i32 to index
        %get3A_1154 = arith.constant 48 : index
        %get3A_1155 = tpu.vector_load %arg13[%get3A_1153, %get3A_1154] {strides = array<i32>} : memref<48x128xf32, #tpu.memory_space<vmem>>, vector<16xf32>,
        %mul3A_1156 = arith.mulf %get3A_1155, %exp3A_1152 : vector<16xf32>
        %swap3A_1157 = arith.index_cast %add3A_1041 : i32 to index
        %swap3A_1158 = arith.constant 48 : index
        %swap3A_1159 = tpu.vector_load %arg14[%swap3A_1157, %swap3A_1158] {strides = array<i32>} : memref<48x128xf32, #tpu.memory_space<vmem>>, vector<16xf32>,
        tpu.vector_store %arg14[%swap3A_1157, %swap3A_1158], %mul3A_1156 {strides = array<i32>} : memref<48x128xf32, #tpu.memory_space<vmem>>, vector<16xf32>,
        %eq3A_1160 = arith.constant 3 : i32
        %eq3A_1161 = vector.broadcast %eq3A_1160 : i32 to vector<16xi32>
        %eq3A_1162 = arith.cmpi eq, %iota3A, %eq3A_1161 : vector<16xi32>
        %select_n3A_1163 = arith.select %eq3A_1162, %exp3A_1152, %select_n3A_1133 : vector<16xi1>, vector<16xf32>
        %get3A_1164 = arith.index_cast %add3A_1041 : i32 to index
        %get3A_1165 = arith.constant 64 : index
        %get3A_1166 = tpu.vector_load %arg11[%get3A_1164, %get3A_1165] {strides = array<i32>} : memref<48x128xf32, #tpu.memory_space<vmem>>, vector<16xf32>,
        %get3A_1167 = arith.index_cast %add3A_1041 : i32 to index
        %get3A_1168 = arith.constant 64 : index
        %get3A_1169 = tpu.vector_load %arg12[%get3A_1167, %get3A_1168] {strides = array<i32>} : memref<48x128xf32, #tpu.memory_space<vmem>>, vector<16xf32>,
        %mul3A_1170 = arith.mulf %get3A_1166, %get3A_1169 : vector<16xf32>
        %broadcast_in_dim3A_1171 = arith.constant true
        %broadcast_in_dim3A_1172 = vector.broadcast %broadcast_in_dim3A_1171 : i1 to vector<16xi1>
        %masked_cumsum3A_1173 = tpu.scan <sum>, %mul3A_1170 masked %broadcast_in_dim3A_1172 : vector<16xf32>, vector<16xi1> -> vector<16xf32>
        %gather3A_1174 = vector.shape_cast %broadcast_in_dim3A_16 : vector<16x1xi32> to vector<16xi32>
        %gather3A_1175 = tpu.dynamic_gather %masked_cumsum3A_1173[%gather3A_1174] in [0] : vector<16xf32>, vector<16xi32> -> vector<16xf32>
        %jit3A_1176 = arith.constant -5.000000e+00 : f32
        %jit3A_1177 = arith.constant 5.000000e+00 : f32
        %max3A_1178 = vector.broadcast %jit3A_1176 : f32 to vector<16xf32>
        %max3A_1179 = arith.maximumf %max3A_1178, %gather3A_1175 : vector<16xf32>
        %min3A_1180 = vector.broadcast %jit3A_1177 : f32 to vector<16xf32>
        %min3A_1181 = arith.minimumf %min3A_1180, %max3A_1179 : vector<16xf32>
        %exp3A_1182 = math.exp %min3A_1181 : vector<16xf32>
        %get3A_1183 = arith.index_cast %add3A_1041 : i32 to index
        %get3A_1184 = arith.constant 64 : index
        %get3A_1185 = tpu.vector_load %arg13[%get3A_1183, %get3A_1184] {strides = array<i32>} : memref<48x128xf32, #tpu.memory_space<vmem>>, vector<16xf32>,
        %mul3A_1186 = arith.mulf %get3A_1185, %exp3A_1182 : vector<16xf32>
        %swap3A_1187 = arith.index_cast %add3A_1041 : i32 to index
        %swap3A_1188 = arith.constant 64 : index
        %swap3A_1189 = tpu.vector_load %arg14[%swap3A_1187, %swap3A_1188] {strides = array<i32>} : memref<48x128xf32, #tpu.memory_space<vmem>>, vector<16xf32>,
        tpu.vector_store %arg14[%swap3A_1187, %swap3A_1188], %mul3A_1186 {strides = array<i32>} : memref<48x128xf32, #tpu.memory_space<vmem>>, vector<16xf32>,
        %eq3A_1190 = arith.constant 4 : i32
        %eq3A_1191 = vector.broadcast %eq3A_1190 : i32 to vector<16xi32>
        %eq3A_1192 = arith.cmpi eq, %iota3A, %eq3A_1191 : vector<16xi32>
        %select_n3A_1193 = arith.select %eq3A_1192, %exp3A_1182, %select_n3A_1163 : vector<16xi1>, vector<16xf32>
        %get3A_1194 = arith.index_cast %add3A_1041 : i32 to index
        %get3A_1195 = arith.constant 80 : index
        %get3A_1196 = tpu.vector_load %arg11[%get3A_1194, %get3A_1195] {strides = array<i32>} : memref<48x128xf32, #tpu.memory_space<vmem>>, vector<16xf32>,
        %get3A_1197 = arith.index_cast %add3A_1041 : i32 to index
        %get3A_1198 = arith.constant 80 : index
        %get3A_1199 = tpu.vector_load %arg12[%get3A_1197, %get3A_1198] {strides = array<i32>} : memref<48x128xf32, #tpu.memory_space<vmem>>, vector<16xf32>,
        %mul3A_1200 = arith.mulf %get3A_1196, %get3A_1199 : vector<16xf32>
        %broadcast_in_dim3A_1201 = arith.constant true
        %broadcast_in_dim3A_1202 = vector.broadcast %broadcast_in_dim3A_1201 : i1 to vector<16xi1>
        %masked_cumsum3A_1203 = tpu.scan <sum>, %mul3A_1200 masked %broadcast_in_dim3A_1202 : vector<16xf32>, vector<16xi1> -> vector<16xf32>
        %gather3A_1204 = vector.shape_cast %broadcast_in_dim3A_16 : vector<16x1xi32> to vector<16xi32>
        %gather3A_1205 = tpu.dynamic_gather %masked_cumsum3A_1203[%gather3A_1204] in [0] : vector<16xf32>, vector<16xi32> -> vector<16xf32>
        %jit3A_1206 = arith.constant -5.000000e+00 : f32
        %jit3A_1207 = arith.constant 5.000000e+00 : f32
        %max3A_1208 = vector.broadcast %jit3A_1206 : f32 to vector<16xf32>
        %max3A_1209 = arith.maximumf %max3A_1208, %gather3A_1205 : vector<16xf32>
        %min3A_1210 = vector.broadcast %jit3A_1207 : f32 to vector<16xf32>
        %min3A_1211 = arith.minimumf %min3A_1210, %max3A_1209 : vector<16xf32>
        %exp3A_1212 = math.exp %min3A_1211 : vector<16xf32>
        %get3A_1213 = arith.index_cast %add3A_1041 : i32 to index
        %get3A_1214 = arith.constant 80 : index
        %get3A_1215 = tpu.vector_load %arg13[%get3A_1213, %get3A_1214] {strides = array<i32>} : memref<48x128xf32, #tpu.memory_space<vmem>>, vector<16xf32>,
        %mul3A_1216 = arith.mulf %get3A_1215, %exp3A_1212 : vector<16xf32>
        %swap3A_1217 = arith.index_cast %add3A_1041 : i32 to index
        %swap3A_1218 = arith.constant 80 : index
        %swap3A_1219 = tpu.vector_load %arg14[%swap3A_1217, %swap3A_1218] {strides = array<i32>} : memref<48x128xf32, #tpu.memory_space<vmem>>, vector<16xf32>,
        tpu.vector_store %arg14[%swap3A_1217, %swap3A_1218], %mul3A_1216 {strides = array<i32>} : memref<48x128xf32, #tpu.memory_space<vmem>>, vector<16xf32>,
        %eq3A_1220 = arith.constant 5 : i32
        %eq3A_1221 = vector.broadcast %eq3A_1220 : i32 to vector<16xi32>
        %eq3A_1222 = arith.cmpi eq, %iota3A, %eq3A_1221 : vector<16xi32>
        %select_n3A_1223 = arith.select %eq3A_1222, %exp3A_1212, %select_n3A_1193 : vector<16xi1>, vector<16xf32>
        %get3A_1224 = arith.index_cast %add3A_1041 : i32 to index
        %get3A_1225 = arith.constant 96 : index
        %get3A_1226 = tpu.vector_load %arg11[%get3A_1224, %get3A_1225] {strides = array<i32>} : memref<48x128xf32, #tpu.memory_space<vmem>>, vector<16xf32>,
        %get3A_1227 = arith.index_cast %add3A_1041 : i32 to index
        %get3A_1228 = arith.constant 96 : index
        %get3A_1229 = tpu.vector_load %arg12[%get3A_1227, %get3A_1228] {strides = array<i32>} : memref<48x128xf32, #tpu.memory_space<vmem>>, vector<16xf32>,
        %mul3A_1230 = arith.mulf %get3A_1226, %get3A_1229 : vector<16xf32>
        %broadcast_in_dim3A_1231 = arith.constant true
        %broadcast_in_dim3A_1232 = vector.broadcast %broadcast_in_dim3A_1231 : i1 to vector<16xi1>
        %masked_cumsum3A_1233 = tpu.scan <sum>, %mul3A_1230 masked %broadcast_in_dim3A_1232 : vector<16xf32>, vector<16xi1> -> vector<16xf32>
        %gather3A_1234 = vector.shape_cast %broadcast_in_dim3A_16 : vector<16x1xi32> to vector<16xi32>
        %gather3A_1235 = tpu.dynamic_gather %masked_cumsum3A_1233[%gather3A_1234] in [0] : vector<16xf32>, vector<16xi32> -> vector<16xf32>
        %jit3A_1236 = arith.constant -5.000000e+00 : f32
        %jit3A_1237 = arith.constant 5.000000e+00 : f32
        %max3A_1238 = vector.broadcast %jit3A_1236 : f32 to vector<16xf32>
        %max3A_1239 = arith.maximumf %max3A_1238, %gather3A_1235 : vector<16xf32>
        %min3A_1240 = vector.broadcast %jit3A_1237 : f32 to vector<16xf32>
        %min3A_1241 = arith.minimumf %min3A_1240, %max3A_1239 : vector<16xf32>
        %exp3A_1242 = math.exp %min3A_1241 : vector<16xf32>
        %get3A_1243 = arith.index_cast %add3A_1041 : i32 to index
        %get3A_1244 = arith.constant 96 : index
        %get3A_1245 = tpu.vector_load %arg13[%get3A_1243, %get3A_1244] {strides = array<i32>} : memref<48x128xf32, #tpu.memory_space<vmem>>, vector<16xf32>,
        %mul3A_1246 = arith.mulf %get3A_1245, %exp3A_1242 : vector<16xf32>
        %swap3A_1247 = arith.index_cast %add3A_1041 : i32 to index
        %swap3A_1248 = arith.constant 96 : index
        %swap3A_1249 = tpu.vector_load %arg14[%swap3A_1247, %swap3A_1248] {strides = array<i32>} : memref<48x128xf32, #tpu.memory_space<vmem>>, vector<16xf32>,
        tpu.vector_store %arg14[%swap3A_1247, %swap3A_1248], %mul3A_1246 {strides = array<i32>} : memref<48x128xf32, #tpu.memory_space<vmem>>, vector<16xf32>,
        %eq3A_1250 = arith.constant 6 : i32
        %eq3A_1251 = vector.broadcast %eq3A_1250 : i32 to vector<16xi32>
        %eq3A_1252 = arith.cmpi eq, %iota3A, %eq3A_1251 : vector<16xi32>
        %select_n3A_1253 = arith.select %eq3A_1252, %exp3A_1242, %select_n3A_1223 : vector<16xi1>, vector<16xf32>
        %get3A_1254 = arith.index_cast %add3A_1041 : i32 to index
        %get3A_1255 = arith.constant 112 : index
        %get3A_1256 = tpu.vector_load %arg11[%get3A_1254, %get3A_1255] {strides = array<i32>} : memref<48x128xf32, #tpu.memory_space<vmem>>, vector<16xf32>,
        %get3A_1257 = arith.index_cast %add3A_1041 : i32 to index
        %get3A_1258 = arith.constant 112 : index
        %get3A_1259 = tpu.vector_load %arg12[%get3A_1257, %get3A_1258] {strides = array<i32>} : memref<48x128xf32, #tpu.memory_space<vmem>>, vector<16xf32>,
        %mul3A_1260 = arith.mulf %get3A_1256, %get3A_1259 : vector<16xf32>
        %broadcast_in_dim3A_1261 = arith.constant true
        %broadcast_in_dim3A_1262 = vector.broadcast %broadcast_in_dim3A_1261 : i1 to vector<16xi1>
        %masked_cumsum3A_1263 = tpu.scan <sum>, %mul3A_1260 masked %broadcast_in_dim3A_1262 : vector<16xf32>, vector<16xi1> -> vector<16xf32>
        %gather3A_1264 = vector.shape_cast %broadcast_in_dim3A_16 : vector<16x1xi32> to vector<16xi32>
        %gather3A_1265 = tpu.dynamic_gather %masked_cumsum3A_1263[%gather3A_1264] in [0] : vector<16xf32>, vector<16xi32> -> vector<16xf32>
        %jit3A_1266 = arith.constant -5.000000e+00 : f32
        %jit3A_1267 = arith.constant 5.000000e+00 : f32
        %max3A_1268 = vector.broadcast %jit3A_1266 : f32 to vector<16xf32>
        %max3A_1269 = arith.maximumf %max3A_1268, %gather3A_1265 : vector<16xf32>
        %min3A_1270 = vector.broadcast %jit3A_1267 : f32 to vector<16xf32>
        %min3A_1271 = arith.minimumf %min3A_1270, %max3A_1269 : vector<16xf32>
        %exp3A_1272 = math.exp %min3A_1271 : vector<16xf32>
        %get3A_1273 = arith.index_cast %add3A_1041 : i32 to index
        %get3A_1274 = arith.constant 112 : index
        %get3A_1275 = tpu.vector_load %arg13[%get3A_1273, %get3A_1274] {strides = array<i32>} : memref<48x128xf32, #tpu.memory_space<vmem>>, vector<16xf32>,
        %mul3A_1276 = arith.mulf %get3A_1275, %exp3A_1272 : vector<16xf32>
        %swap3A_1277 = arith.index_cast %add3A_1041 : i32 to index
        %swap3A_1278 = arith.constant 112 : index
        %swap3A_1279 = tpu.vector_load %arg14[%swap3A_1277, %swap3A_1278] {strides = array<i32>} : memref<48x128xf32, #tpu.memory_space<vmem>>, vector<16xf32>,
        tpu.vector_store %arg14[%swap3A_1277, %swap3A_1278], %mul3A_1276 {strides = array<i32>} : memref<48x128xf32, #tpu.memory_space<vmem>>, vector<16xf32>,
        %eq3A_1280 = arith.constant 7 : i32
        %eq3A_1281 = vector.broadcast %eq3A_1280 : i32 to vector<16xi32>
        %eq3A_1282 = arith.cmpi eq, %iota3A, %eq3A_1281 : vector<16xi32>
        %select_n3A_1283 = arith.select %eq3A_1282, %exp3A_1272, %select_n3A_1253 : vector<16xi1>, vector<16xf32>
        %swap3A_1284 = arith.index_cast %add3A_1041 : i32 to index
        %swap3A_1285 = arith.constant 0 : index
        %swap3A_1286 = tpu.vector_load %arg15[%swap3A_1284, %swap3A_1285] {strides = array<i32>} : memref<48x16xf32, #tpu.memory_space<vmem>>, vector<16xf32>,
        tpu.vector_store %arg15[%swap3A_1284, %swap3A_1285], %select_n3A_1283 {strides = array<i32>} : memref<48x16xf32, #tpu.memory_space<vmem>>, vector<16xf32>,
      }
      %scan3A_461 = arith.constant 12 : i32
      %dma_start3A_462 = arith.constant 1 : i32
      %dma_start3A_463 = arith.constant 24 : i32
      %dma_start3A_464 = arith.constant 0 : i32
      %dma_start3A_465 = tpu.memref_slice %arg14[%dma_start3A_463, %dma_start3A_464] : memref<48x128xf32, #tpu.memory_space<vmem>> -> memref<24x128xf32, #tpu.memory_space<vmem>>
      %dma_start3A_466 = arith.constant 0 : i32
      %dma_start3A_467 = tpu.memref_slice %arg10[%dma_start3A_462, %dma_start3A_466] : memref<4x24xi32, #tpu.memory_space<vmem>> -> memref<1x24xi32, #tpu.memory_space<vmem>>
      %dma_start3A_468 = tpu.memref_squeeze %dma_start3A_467 : memref<1x24xi32, #tpu.memory_space<vmem>> -> memref<24xi32, #tpu.memory_space<vmem>>
      %dma_start3A_469 = arith.constant 0 : i32
      %dma_start3A_470 = arith.constant 0 : i32
      %dma_start3A_471 = tpu.memref_slice %arg16[%dma_start3A_469, %dma_start3A_470] : memref<10112x128xf32, #tpu.memory_space<vmem_shared>> -> memref<10112x128xf32, #tpu.memory_space<vmem_shared>>
      tpu.enqueue_indirect_dma source(%dma_start3A_465 : memref<24x128xf32, #tpu.memory_space<vmem>>) target(%dma_start3A_471 : memref<10112x128xf32, #tpu.memory_space<vmem_shared>>) offsets(%dma_start3A_468 : memref<24xi32, #tpu.memory_space<vmem>>) semaphore(%arg21 : memref<!tpu.dma_semaphore, #tpu.memory_space<semaphore_mem>>) {add = true}
      %dma_start3A_472 = arith.constant 1 : i32
      %dma_start3A_473 = arith.constant 24 : i32
      %dma_start3A_474 = arith.constant 0 : i32
      %dma_start3A_475 = tpu.memref_slice %arg15[%dma_start3A_473, %dma_start3A_474] : memref<48x16xf32, #tpu.memory_space<vmem>> -> memref<24x16xf32, #tpu.memory_space<vmem>>
      %dma_start3A_476 = arith.constant 0 : i32
      %dma_start3A_477 = tpu.memref_slice %arg10[%dma_start3A_472, %dma_start3A_476] : memref<4x24xi32, #tpu.memory_space<vmem>> -> memref<1x24xi32, #tpu.memory_space<vmem>>
      %dma_start3A_478 = tpu.memref_squeeze %dma_start3A_477 : memref<1x24xi32, #tpu.memory_space<vmem>> -> memref<24xi32, #tpu.memory_space<vmem>>
      %dma_start3A_479 = arith.constant 0 : i32
      %dma_start3A_480 = arith.constant 0 : i32
      %dma_start3A_481 = tpu.memref_slice %arg17[%dma_start3A_479, %dma_start3A_480] : memref<10112x16xf32, #tpu.memory_space<vmem_shared>> -> memref<10112x16xf32, #tpu.memory_space<vmem_shared>>
      tpu.enqueue_indirect_dma source(%dma_start3A_475 : memref<24x16xf32, #tpu.memory_space<vmem>>) target(%dma_start3A_481 : memref<10112x16xf32, #tpu.memory_space<vmem_shared>>) offsets(%dma_start3A_478 : memref<24xi32, #tpu.memory_space<vmem>>) semaphore(%arg21 : memref<!tpu.dma_semaphore, #tpu.memory_space<semaphore_mem>>) {add = true}
      %mul3A_482 = arith.constant 4 : i32
      %mul3A_483 = arith.muli %mul3A_482, %scan3A_169 : i32
      %add3A_484 = arith.constant 2 : i32
      %add3A_485 = arith.addi %mul3A_483, %add3A_484 : i32
      %add3A_486 = arith.constant 1 : i32
      %add3A_487 = arith.addi %add3A_485, %add3A_486 : i32
      %mul3A_488 = arith.constant 24 : i32
      %mul3A_489 = arith.muli %add3A_487, %mul3A_488 : i32
      %add3A_490 = arith.addi %mul3A_18, %mul3A_489 : i32
      %dma_wait3A_491 = arith.constant 3 : i32
      %dma_wait3A_492 = arith.constant 0 : i32
      %dma_wait3A_493 = tpu.memref_slice %arg9[%dma_wait3A_491, %dma_wait3A_492] : memref<4x24xi32, #tpu.memory_space<vmem>> -> memref<1x24xi32, #tpu.memory_space<vmem>>
      %dma_wait3A_494 = tpu.memref_squeeze %dma_wait3A_493 : memref<1x24xi32, #tpu.memory_space<vmem>> -> memref<24xi32, #tpu.memory_space<vmem>>
      %dma_wait3A_495 = tpu.memref_slice %arg5[%add3A_490] : memref<322608xi32, #tpu.memory_space<hbm>> -> memref<24xi32, #tpu.memory_space<hbm>>
      %dma_wait3A_496 = arith.constant 0 : i32
      %dma_wait3A_497 = tpu.memref_slice %arg9[%dma_wait3A_491, %dma_wait3A_496] : memref<4x24xi32, #tpu.memory_space<vmem>> -> memref<1x24xi32, #tpu.memory_space<vmem>>
      %dma_wait3A_498 = tpu.memref_squeeze %dma_wait3A_497 : memref<1x24xi32, #tpu.memory_space<vmem>> -> memref<24xi32, #tpu.memory_space<vmem>>
      %dma_wait3A_499 = tpu.memref_slice %arg5[%add3A_490] : memref<322608xi32, #tpu.memory_space<hbm>> -> memref<24xi32, #tpu.memory_space<hbm>>
      tpu.wait_dma2 semaphore(%arg18 : memref<!tpu.dma_semaphore, #tpu.memory_space<semaphore_mem>>) src(%dma_wait3A_499 : memref<24xi32, #tpu.memory_space<hbm>>) dst(%dma_wait3A_498 : memref<24xi32, #tpu.memory_space<vmem>>)
      %dma_wait3A_500 = arith.constant 3 : i32
      %dma_wait3A_501 = arith.constant 0 : i32
      %dma_wait3A_502 = tpu.memref_slice %arg10[%dma_wait3A_500, %dma_wait3A_501] : memref<4x24xi32, #tpu.memory_space<vmem>> -> memref<1x24xi32, #tpu.memory_space<vmem>>
      %dma_wait3A_503 = tpu.memref_squeeze %dma_wait3A_502 : memref<1x24xi32, #tpu.memory_space<vmem>> -> memref<24xi32, #tpu.memory_space<vmem>>
      %dma_wait3A_504 = tpu.memref_slice %arg6[%add3A_490] : memref<322608xi32, #tpu.memory_space<hbm>> -> memref<24xi32, #tpu.memory_space<hbm>>
      %dma_wait3A_505 = arith.constant 0 : i32
      %dma_wait3A_506 = tpu.memref_slice %arg10[%dma_wait3A_500, %dma_wait3A_505] : memref<4x24xi32, #tpu.memory_space<vmem>> -> memref<1x24xi32, #tpu.memory_space<vmem>>
      %dma_wait3A_507 = tpu.memref_squeeze %dma_wait3A_506 : memref<1x24xi32, #tpu.memory_space<vmem>> -> memref<24xi32, #tpu.memory_space<vmem>>
      %dma_wait3A_508 = tpu.memref_slice %arg6[%add3A_490] : memref<322608xi32, #tpu.memory_space<hbm>> -> memref<24xi32, #tpu.memory_space<hbm>>
      tpu.wait_dma2 semaphore(%arg18 : memref<!tpu.dma_semaphore, #tpu.memory_space<semaphore_mem>>) src(%dma_wait3A_508 : memref<24xi32, #tpu.memory_space<hbm>>) dst(%dma_wait3A_507 : memref<24xi32, #tpu.memory_space<vmem>>)
      %dma_start3A_509 = arith.constant 3 : i32
      %dma_start3A_510 = arith.constant 24 : i32
      %dma_start3A_511 = arith.constant 0 : i32
      %dma_start3A_512 = tpu.memref_slice %arg11[%dma_start3A_510, %dma_start3A_511] : memref<48x128xf32, #tpu.memory_space<vmem>> -> memref<24x128xf32, #tpu.memory_space<vmem>>
      %dma_start3A_513 = arith.constant 0 : i32
      %dma_start3A_514 = tpu.memref_slice %arg10[%dma_start3A_509, %dma_start3A_513] : memref<4x24xi32, #tpu.memory_space<vmem>> -> memref<1x24xi32, #tpu.memory_space<vmem>>
      %dma_start3A_515 = tpu.memref_squeeze %dma_start3A_514 : memref<1x24xi32, #tpu.memory_space<vmem>> -> memref<24xi32, #tpu.memory_space<vmem>>
      %dma_start3A_516 = arith.constant 0 : i32
      %dma_start3A_517 = arith.constant 0 : i32
      %dma_start3A_518 = tpu.memref_slice %arg2[%dma_start3A_516, %dma_start3A_517] : memref<10000x128xf32, #tpu.memory_space<hbm>> -> memref<10000x128xf32, #tpu.memory_space<hbm>>
      tpu.enqueue_indirect_dma source(%dma_start3A_518 : memref<10000x128xf32, #tpu.memory_space<hbm>>) target(%dma_start3A_512 : memref<24x128xf32, #tpu.memory_space<vmem>>) offsets(%dma_start3A_515 : memref<24xi32, #tpu.memory_space<vmem>>) semaphore(%arg20 : memref<!tpu.dma_semaphore, #tpu.memory_space<semaphore_mem>>)
      %dma_start3A_519 = arith.constant 3 : i32
      %dma_start3A_520 = arith.constant 24 : i32
      %dma_start3A_521 = arith.constant 0 : i32
      %dma_start3A_522 = tpu.memref_slice %arg12[%dma_start3A_520, %dma_start3A_521] : memref<48x128xf32, #tpu.memory_space<vmem>> -> memref<24x128xf32, #tpu.memory_space<vmem>>
      %dma_start3A_523 = arith.constant 0 : i32
      %dma_start3A_524 = tpu.memref_slice %arg9[%dma_start3A_519, %dma_start3A_523] : memref<4x24xi32, #tpu.memory_space<vmem>> -> memref<1x24xi32, #tpu.memory_space<vmem>>
      %dma_start3A_525 = tpu.memref_squeeze %dma_start3A_524 : memref<1x24xi32, #tpu.memory_space<vmem>> -> memref<24xi32, #tpu.memory_space<vmem>>
      %dma_start3A_526 = arith.constant 0 : i32
      %dma_start3A_527 = arith.constant 0 : i32
      %dma_start3A_528 = tpu.memref_slice %arg3[%dma_start3A_526, %dma_start3A_527] : memref<10000x128xf32, #tpu.memory_space<hbm>> -> memref<10000x128xf32, #tpu.memory_space<hbm>>
      tpu.enqueue_indirect_dma source(%dma_start3A_528 : memref<10000x128xf32, #tpu.memory_space<hbm>>) target(%dma_start3A_522 : memref<24x128xf32, #tpu.memory_space<vmem>>) offsets(%dma_start3A_525 : memref<24xi32, #tpu.memory_space<vmem>>) semaphore(%arg20 : memref<!tpu.dma_semaphore, #tpu.memory_space<semaphore_mem>>)
      %dma_start3A_529 = arith.constant 3 : i32
      %dma_start3A_530 = arith.constant 24 : i32
      %dma_start3A_531 = arith.constant 0 : i32
      %dma_start3A_532 = tpu.memref_slice %arg13[%dma_start3A_530, %dma_start3A_531] : memref<48x128xf32, #tpu.memory_space<vmem>> -> memref<24x128xf32, #tpu.memory_space<vmem>>
      %dma_start3A_533 = arith.constant 0 : i32
      %dma_start3A_534 = tpu.memref_slice %arg9[%dma_start3A_529, %dma_start3A_533] : memref<4x24xi32, #tpu.memory_space<vmem>> -> memref<1x24xi32, #tpu.memory_space<vmem>>
      %dma_start3A_535 = tpu.memref_squeeze %dma_start3A_534 : memref<1x24xi32, #tpu.memory_space<vmem>> -> memref<24xi32, #tpu.memory_space<vmem>>
      %dma_start3A_536 = arith.constant 0 : i32
      %dma_start3A_537 = arith.constant 0 : i32
      %dma_start3A_538 = tpu.memref_slice %arg4[%dma_start3A_536, %dma_start3A_537] : memref<10000x128xf32, #tpu.memory_space<hbm>> -> memref<10000x128xf32, #tpu.memory_space<hbm>>
      tpu.enqueue_indirect_dma source(%dma_start3A_538 : memref<10000x128xf32, #tpu.memory_space<hbm>>) target(%dma_start3A_532 : memref<24x128xf32, #tpu.memory_space<vmem>>) offsets(%dma_start3A_535 : memref<24xi32, #tpu.memory_space<vmem>>) semaphore(%arg20 : memref<!tpu.dma_semaphore, #tpu.memory_space<semaphore_mem>>)
      %add3A_539 = arith.constant 2 : i32
      %add3A_540 = arith.addi %add3A_485, %add3A_539 : i32
      %mul3A_541 = arith.constant 24 : i32
      %mul3A_542 = arith.muli %add3A_540, %mul3A_541 : i32
      %add3A_543 = arith.addi %mul3A_18, %mul3A_542 : i32
      %dma_start3A_544 = arith.constant 0 : i32
      %dma_start3A_545 = arith.constant 0 : i32
      %dma_start3A_546 = tpu.memref_slice %arg9[%dma_start3A_544, %dma_start3A_545] : memref<4x24xi32, #tpu.memory_space<vmem>> -> memref<1x24xi32, #tpu.memory_space<vmem>>
      %dma_start3A_547 = tpu.memref_squeeze %dma_start3A_546 : memref<1x24xi32, #tpu.memory_space<vmem>> -> memref<24xi32, #tpu.memory_space<vmem>>
      %dma_start3A_548 = tpu.memref_slice %arg5[%add3A_543] : memref<322608xi32, #tpu.memory_space<hbm>> -> memref<24xi32, #tpu.memory_space<hbm>>
      %dma_start3A_549 = arith.constant 0 : i32
      %dma_start3A_550 = tpu.memref_slice %arg9[%dma_start3A_544, %dma_start3A_549] : memref<4x24xi32, #tpu.memory_space<vmem>> -> memref<1x24xi32, #tpu.memory_space<vmem>>
      %dma_start3A_551 = tpu.memref_squeeze %dma_start3A_550 : memref<1x24xi32, #tpu.memory_space<vmem>> -> memref<24xi32, #tpu.memory_space<vmem>>
      %dma_start3A_552 = tpu.memref_slice %arg5[%add3A_543] : memref<322608xi32, #tpu.memory_space<hbm>> -> memref<24xi32, #tpu.memory_space<hbm>>
      tpu.enqueue_dma source(%dma_start3A_552 : memref<24xi32, #tpu.memory_space<hbm>>) target(%dma_start3A_551 : memref<24xi32, #tpu.memory_space<vmem>>) target_semaphore(%arg18 : memref<!tpu.dma_semaphore, #tpu.memory_space<semaphore_mem>>)
      %dma_start3A_553 = arith.constant 0 : i32
      %dma_start3A_554 = arith.constant 0 : i32
      %dma_start3A_555 = tpu.memref_slice %arg10[%dma_start3A_553, %dma_start3A_554] : memref<4x24xi32, #tpu.memory_space<vmem>> -> memref<1x24xi32, #tpu.memory_space<vmem>>
      %dma_start3A_556 = tpu.memref_squeeze %dma_start3A_555 : memref<1x24xi32, #tpu.memory_space<vmem>> -> memref<24xi32, #tpu.memory_space<vmem>>
      %dma_start3A_557 = tpu.memref_slice %arg6[%add3A_543] : memref<322608xi32, #tpu.memory_space<hbm>> -> memref<24xi32, #tpu.memory_space<hbm>>
      %dma_start3A_558 = arith.constant 0 : i32
      %dma_start3A_559 = tpu.memref_slice %arg10[%dma_start3A_553, %dma_start3A_558] : memref<4x24xi32, #tpu.memory_space<vmem>> -> memref<1x24xi32, #tpu.memory_space<vmem>>
      %dma_start3A_560 = tpu.memref_squeeze %dma_start3A_559 : memref<1x24xi32, #tpu.memory_space<vmem>> -> memref<24xi32, #tpu.memory_space<vmem>>
      %dma_start3A_561 = tpu.memref_slice %arg6[%add3A_543] : memref<322608xi32, #tpu.memory_space<hbm>> -> memref<24xi32, #tpu.memory_space<hbm>>
      tpu.enqueue_dma source(%dma_start3A_561 : memref<24xi32, #tpu.memory_space<hbm>>) target(%dma_start3A_560 : memref<24xi32, #tpu.memory_space<vmem>>) target_semaphore(%arg18 : memref<!tpu.dma_semaphore, #tpu.memory_space<semaphore_mem>>)
      %dma_wait3A_562 = arith.constant 2 : i32
      %dma_wait3A_563 = arith.constant 0 : i32
      %dma_wait3A_564 = arith.constant 0 : i32
      %dma_wait3A_565 = tpu.memref_slice %arg11[%dma_wait3A_563, %dma_wait3A_564] : memref<48x128xf32, #tpu.memory_space<vmem>> -> memref<24x128xf32, #tpu.memory_space<vmem>>
      %dma_wait3A_566 = arith.constant 0 : i32
      %dma_wait3A_567 = tpu.memref_slice %arg10[%dma_wait3A_562, %dma_wait3A_566] : memref<4x24xi32, #tpu.memory_space<vmem>> -> memref<1x24xi32, #tpu.memory_space<vmem>>
      %dma_wait3A_568 = tpu.memref_squeeze %dma_wait3A_567 : memref<1x24xi32, #tpu.memory_space<vmem>> -> memref<24xi32, #tpu.memory_space<vmem>>
      %dma_wait3A_569 = arith.constant 0 : i32
      %dma_wait3A_570 = arith.constant 0 : i32
      %dma_wait3A_571 = tpu.memref_slice %arg2[%dma_wait3A_569, %dma_wait3A_570] : memref<10000x128xf32, #tpu.memory_space<hbm>> -> memref<10000x128xf32, #tpu.memory_space<hbm>>
      tpu.wait_indirect_dma semaphore(%arg19 : memref<!tpu.dma_semaphore, #tpu.memory_space<semaphore_mem>>) src(%dma_wait3A_571 : memref<10000x128xf32, #tpu.memory_space<hbm>>) dst(%dma_wait3A_565 : memref<24x128xf32, #tpu.memory_space<vmem>>)
      %dma_wait3A_572 = arith.constant 2 : i32
      %dma_wait3A_573 = arith.constant 0 : i32
      %dma_wait3A_574 = arith.constant 0 : i32
      %dma_wait3A_575 = tpu.memref_slice %arg12[%dma_wait3A_573, %dma_wait3A_574] : memref<48x128xf32, #tpu.memory_space<vmem>> -> memref<24x128xf32, #tpu.memory_space<vmem>>
      %dma_wait3A_576 = arith.constant 0 : i32
      %dma_wait3A_577 = tpu.memref_slice %arg9[%dma_wait3A_572, %dma_wait3A_576] : memref<4x24xi32, #tpu.memory_space<vmem>> -> memref<1x24xi32, #tpu.memory_space<vmem>>
      %dma_wait3A_578 = tpu.memref_squeeze %dma_wait3A_577 : memref<1x24xi32, #tpu.memory_space<vmem>> -> memref<24xi32, #tpu.memory_space<vmem>>
      %dma_wait3A_579 = arith.constant 0 : i32
      %dma_wait3A_580 = arith.constant 0 : i32
      %dma_wait3A_581 = tpu.memref_slice %arg3[%dma_wait3A_579, %dma_wait3A_580] : memref<10000x128xf32, #tpu.memory_space<hbm>> -> memref<10000x128xf32, #tpu.memory_space<hbm>>
      tpu.wait_indirect_dma semaphore(%arg19 : memref<!tpu.dma_semaphore, #tpu.memory_space<semaphore_mem>>) src(%dma_wait3A_581 : memref<10000x128xf32, #tpu.memory_space<hbm>>) dst(%dma_wait3A_575 : memref<24x128xf32, #tpu.memory_space<vmem>>)
      %dma_wait3A_582 = arith.constant 2 : i32
      %dma_wait3A_583 = arith.constant 0 : i32
      %dma_wait3A_584 = arith.constant 0 : i32
      %dma_wait3A_585 = tpu.memref_slice %arg13[%dma_wait3A_583, %dma_wait3A_584] : memref<48x128xf32, #tpu.memory_space<vmem>> -> memref<24x128xf32, #tpu.memory_space<vmem>>
      %dma_wait3A_586 = arith.constant 0 : i32
      %dma_wait3A_587 = tpu.memref_slice %arg9[%dma_wait3A_582, %dma_wait3A_586] : memref<4x24xi32, #tpu.memory_space<vmem>> -> memref<1x24xi32, #tpu.memory_space<vmem>>
      %dma_wait3A_588 = tpu.memref_squeeze %dma_wait3A_587 : memref<1x24xi32, #tpu.memory_space<vmem>> -> memref<24xi32, #tpu.memory_space<vmem>>
      %dma_wait3A_589 = arith.constant 0 : i32
      %dma_wait3A_590 = arith.constant 0 : i32
      %dma_wait3A_591 = tpu.memref_slice %arg4[%dma_wait3A_589, %dma_wait3A_590] : memref<10000x128xf32, #tpu.memory_space<hbm>> -> memref<10000x128xf32, #tpu.memory_space<hbm>>
      tpu.wait_indirect_dma semaphore(%arg19 : memref<!tpu.dma_semaphore, #tpu.memory_space<semaphore_mem>>) src(%dma_wait3A_591 : memref<10000x128xf32, #tpu.memory_space<hbm>>) dst(%dma_wait3A_585 : memref<24x128xf32, #tpu.memory_space<vmem>>)
      %dma_wait3A_592 = arith.constant 2 : i32
      %dma_wait3A_593 = arith.constant 24 : i32
      %dma_wait3A_594 = arith.constant 0 : i32
      %dma_wait3A_595 = tpu.memref_slice %arg14[%dma_wait3A_593, %dma_wait3A_594] : memref<48x128xf32, #tpu.memory_space<vmem>> -> memref<24x128xf32, #tpu.memory_space<vmem>>
      %dma_wait3A_596 = arith.constant 0 : i32
      %dma_wait3A_597 = tpu.memref_slice %arg10[%dma_wait3A_592, %dma_wait3A_596] : memref<4x24xi32, #tpu.memory_space<vmem>> -> memref<1x24xi32, #tpu.memory_space<vmem>>
      %dma_wait3A_598 = tpu.memref_squeeze %dma_wait3A_597 : memref<1x24xi32, #tpu.memory_space<vmem>> -> memref<24xi32, #tpu.memory_space<vmem>>
      %dma_wait3A_599 = arith.constant 0 : i32
      %dma_wait3A_600 = arith.constant 0 : i32
      %dma_wait3A_601 = tpu.memref_slice %arg16[%dma_wait3A_599, %dma_wait3A_600] : memref<10112x128xf32, #tpu.memory_space<vmem_shared>> -> memref<10112x128xf32, #tpu.memory_space<vmem_shared>>
      tpu.wait_indirect_dma semaphore(%arg21 : memref<!tpu.dma_semaphore, #tpu.memory_space<semaphore_mem>>) src(%dma_wait3A_595 : memref<24x128xf32, #tpu.memory_space<vmem>>) dst(%dma_wait3A_601 : memref<10112x128xf32, #tpu.memory_space<vmem_shared>>)
      %dma_wait3A_602 = arith.constant 2 : i32
      %dma_wait3A_603 = arith.constant 24 : i32
      %dma_wait3A_604 = arith.constant 0 : i32
      %dma_wait3A_605 = tpu.memref_slice %arg15[%dma_wait3A_603, %dma_wait3A_604] : memref<48x16xf32, #tpu.memory_space<vmem>> -> memref<24x16xf32, #tpu.memory_space<vmem>>
      %dma_wait3A_606 = arith.constant 0 : i32
      %dma_wait3A_607 = tpu.memref_slice %arg10[%dma_wait3A_602, %dma_wait3A_606] : memref<4x24xi32, #tpu.memory_space<vmem>> -> memref<1x24xi32, #tpu.memory_space<vmem>>
      %dma_wait3A_608 = tpu.memref_squeeze %dma_wait3A_607 : memref<1x24xi32, #tpu.memory_space<vmem>> -> memref<24xi32, #tpu.memory_space<vmem>>
      %dma_wait3A_609 = arith.constant 0 : i32
      %dma_wait3A_610 = arith.constant 0 : i32
      %dma_wait3A_611 = tpu.memref_slice %arg17[%dma_wait3A_609, %dma_wait3A_610] : memref<10112x16xf32, #tpu.memory_space<vmem_shared>> -> memref<10112x16xf32, #tpu.memory_space<vmem_shared>>
      tpu.wait_indirect_dma semaphore(%arg21 : memref<!tpu.dma_semaphore, #tpu.memory_space<semaphore_mem>>) src(%dma_wait3A_605 : memref<24x16xf32, #tpu.memory_space<vmem>>) dst(%dma_wait3A_611 : memref<10112x16xf32, #tpu.memory_space<vmem_shared>>)
      %scan3A_612 = arith.constant 0 : i32
      %scan3A_613 = arith.constant 0 : i32
      %scan3A_614 = arith.constant 12 : i32
      %scan3A_615 = arith.addi %scan3A_613, %scan3A_614 : i32
      %scan3A_616 = arith.constant 1 : i32
      scf.for %scan3A_794 = %scan3A_613 to %scan3A_615 step %scan3A_616  : i32 {
        %mul3A_795 = arith.constant 2 : i32
        %mul3A_796 = arith.muli %scan3A_794, %mul3A_795 : i32
        %add3A_797 = arith.constant 0 : i32
        %add3A_798 = arith.addi %add3A_797, %mul3A_796 : i32
        %add3A_799 = arith.constant 0 : i32
        %add3A_800 = arith.addi %add3A_798, %add3A_799 : i32
        %broadcast_in_dim3A_801 = arith.constant 0.000000e+00 : f32
        %broadcast_in_dim3A_802 = vector.broadcast %broadcast_in_dim3A_801 : f32 to vector<16xf32>
        %get3A = arith.index_cast %add3A_800 : i32 to index
        %get3A_803 = arith.constant 0 : index
        %get3A_804 = tpu.vector_load %arg11[%get3A, %get3A_803] {strides = array<i32>} : memref<48x128xf32, #tpu.memory_space<vmem>>, vector<16xf32>,
        %get3A_805 = arith.index_cast %add3A_800 : i32 to index
        %get3A_806 = arith.constant 0 : index
        %get3A_807 = tpu.vector_load %arg12[%get3A_805, %get3A_806] {strides = array<i32>} : memref<48x128xf32, #tpu.memory_space<vmem>>, vector<16xf32>,
        %mul3A_808 = arith.mulf %get3A_804, %get3A_807 : vector<16xf32>
        %broadcast_in_dim3A_809 = arith.constant true
        %broadcast_in_dim3A_810 = vector.broadcast %broadcast_in_dim3A_809 : i1 to vector<16xi1>
        %masked_cumsum3A = tpu.scan <sum>, %mul3A_808 masked %broadcast_in_dim3A_810 : vector<16xf32>, vector<16xi1> -> vector<16xf32>
        %gather3A = vector.shape_cast %broadcast_in_dim3A_16 : vector<16x1xi32> to vector<16xi32>
        %gather3A_811 = tpu.dynamic_gather %masked_cumsum3A[%gather3A] in [0] : vector<16xf32>, vector<16xi32> -> vector<16xf32>
        %jit3A = arith.constant -5.000000e+00 : f32
        %jit3A_812 = arith.constant 5.000000e+00 : f32
        %max3A = vector.broadcast %jit3A : f32 to vector<16xf32>
        %max3A_813 = arith.maximumf %max3A, %gather3A_811 : vector<16xf32>
        %min3A = vector.broadcast %jit3A_812 : f32 to vector<16xf32>
        %min3A_814 = arith.minimumf %min3A, %max3A_813 : vector<16xf32>
        %exp3A = math.exp %min3A_814 : vector<16xf32>
        %get3A_815 = arith.index_cast %add3A_800 : i32 to index
        %get3A_816 = arith.constant 0 : index
        %get3A_817 = tpu.vector_load %arg13[%get3A_815, %get3A_816] {strides = array<i32>} : memref<48x128xf32, #tpu.memory_space<vmem>>, vector<16xf32>,
        %mul3A_818 = arith.mulf %get3A_817, %exp3A : vector<16xf32>
        %swap3A = arith.index_cast %add3A_800 : i32 to index
        %swap3A_819 = arith.constant 0 : index
        %swap3A_820 = tpu.vector_load %arg14[%swap3A, %swap3A_819] {strides = array<i32>} : memref<48x128xf32, #tpu.memory_space<vmem>>, vector<16xf32>,
        tpu.vector_store %arg14[%swap3A, %swap3A_819], %mul3A_818 {strides = array<i32>} : memref<48x128xf32, #tpu.memory_space<vmem>>, vector<16xf32>,
        %eq3A = arith.constant 0 : i32
        %eq3A_821 = vector.broadcast %eq3A : i32 to vector<16xi32>
        %eq3A_822 = arith.cmpi eq, %iota3A, %eq3A_821 : vector<16xi32>
        %select_n3A = arith.select %eq3A_822, %exp3A, %broadcast_in_dim3A_802 : vector<16xi1>, vector<16xf32>
        %get3A_823 = arith.index_cast %add3A_800 : i32 to index
        %get3A_824 = arith.constant 16 : index
        %get3A_825 = tpu.vector_load %arg11[%get3A_823, %get3A_824] {strides = array<i32>} : memref<48x128xf32, #tpu.memory_space<vmem>>, vector<16xf32>,
        %get3A_826 = arith.index_cast %add3A_800 : i32 to index
        %get3A_827 = arith.constant 16 : index
        %get3A_828 = tpu.vector_load %arg12[%get3A_826, %get3A_827] {strides = array<i32>} : memref<48x128xf32, #tpu.memory_space<vmem>>, vector<16xf32>,
        %mul3A_829 = arith.mulf %get3A_825, %get3A_828 : vector<16xf32>
        %broadcast_in_dim3A_830 = arith.constant true
        %broadcast_in_dim3A_831 = vector.broadcast %broadcast_in_dim3A_830 : i1 to vector<16xi1>
        %masked_cumsum3A_832 = tpu.scan <sum>, %mul3A_829 masked %broadcast_in_dim3A_831 : vector<16xf32>, vector<16xi1> -> vector<16xf32>
        %gather3A_833 = vector.shape_cast %broadcast_in_dim3A_16 : vector<16x1xi32> to vector<16xi32>
        %gather3A_834 = tpu.dynamic_gather %masked_cumsum3A_832[%gather3A_833] in [0] : vector<16xf32>, vector<16xi32> -> vector<16xf32>
        %jit3A_835 = arith.constant -5.000000e+00 : f32
        %jit3A_836 = arith.constant 5.000000e+00 : f32
        %max3A_837 = vector.broadcast %jit3A_835 : f32 to vector<16xf32>
        %max3A_838 = arith.maximumf %max3A_837, %gather3A_834 : vector<16xf32>
        %min3A_839 = vector.broadcast %jit3A_836 : f32 to vector<16xf32>
        %min3A_840 = arith.minimumf %min3A_839, %max3A_838 : vector<16xf32>
        %exp3A_841 = math.exp %min3A_840 : vector<16xf32>
        %get3A_842 = arith.index_cast %add3A_800 : i32 to index
        %get3A_843 = arith.constant 16 : index
        %get3A_844 = tpu.vector_load %arg13[%get3A_842, %get3A_843] {strides = array<i32>} : memref<48x128xf32, #tpu.memory_space<vmem>>, vector<16xf32>,
        %mul3A_845 = arith.mulf %get3A_844, %exp3A_841 : vector<16xf32>
        %swap3A_846 = arith.index_cast %add3A_800 : i32 to index
        %swap3A_847 = arith.constant 16 : index
        %swap3A_848 = tpu.vector_load %arg14[%swap3A_846, %swap3A_847] {strides = array<i32>} : memref<48x128xf32, #tpu.memory_space<vmem>>, vector<16xf32>,
        tpu.vector_store %arg14[%swap3A_846, %swap3A_847], %mul3A_845 {strides = array<i32>} : memref<48x128xf32, #tpu.memory_space<vmem>>, vector<16xf32>,
        %eq3A_849 = arith.constant 1 : i32
        %eq3A_850 = vector.broadcast %eq3A_849 : i32 to vector<16xi32>
        %eq3A_851 = arith.cmpi eq, %iota3A, %eq3A_850 : vector<16xi32>
        %select_n3A_852 = arith.select %eq3A_851, %exp3A_841, %select_n3A : vector<16xi1>, vector<16xf32>
        %get3A_853 = arith.index_cast %add3A_800 : i32 to index
        %get3A_854 = arith.constant 32 : index
        %get3A_855 = tpu.vector_load %arg11[%get3A_853, %get3A_854] {strides = array<i32>} : memref<48x128xf32, #tpu.memory_space<vmem>>, vector<16xf32>,
        %get3A_856 = arith.index_cast %add3A_800 : i32 to index
        %get3A_857 = arith.constant 32 : index
        %get3A_858 = tpu.vector_load %arg12[%get3A_856, %get3A_857] {strides = array<i32>} : memref<48x128xf32, #tpu.memory_space<vmem>>, vector<16xf32>,
        %mul3A_859 = arith.mulf %get3A_855, %get3A_858 : vector<16xf32>
        %broadcast_in_dim3A_860 = arith.constant true
        %broadcast_in_dim3A_861 = vector.broadcast %broadcast_in_dim3A_860 : i1 to vector<16xi1>
        %masked_cumsum3A_862 = tpu.scan <sum>, %mul3A_859 masked %broadcast_in_dim3A_861 : vector<16xf32>, vector<16xi1> -> vector<16xf32>
        %gather3A_863 = vector.shape_cast %broadcast_in_dim3A_16 : vector<16x1xi32> to vector<16xi32>
        %gather3A_864 = tpu.dynamic_gather %masked_cumsum3A_862[%gather3A_863] in [0] : vector<16xf32>, vector<16xi32> -> vector<16xf32>
        %jit3A_865 = arith.constant -5.000000e+00 : f32
        %jit3A_866 = arith.constant 5.000000e+00 : f32
        %max3A_867 = vector.broadcast %jit3A_865 : f32 to vector<16xf32>
        %max3A_868 = arith.maximumf %max3A_867, %gather3A_864 : vector<16xf32>
        %min3A_869 = vector.broadcast %jit3A_866 : f32 to vector<16xf32>
        %min3A_870 = arith.minimumf %min3A_869, %max3A_868 : vector<16xf32>
        %exp3A_871 = math.exp %min3A_870 : vector<16xf32>
        %get3A_872 = arith.index_cast %add3A_800 : i32 to index
        %get3A_873 = arith.constant 32 : index
        %get3A_874 = tpu.vector_load %arg13[%get3A_872, %get3A_873] {strides = array<i32>} : memref<48x128xf32, #tpu.memory_space<vmem>>, vector<16xf32>,
        %mul3A_875 = arith.mulf %get3A_874, %exp3A_871 : vector<16xf32>
        %swap3A_876 = arith.index_cast %add3A_800 : i32 to index
        %swap3A_877 = arith.constant 32 : index
        %swap3A_878 = tpu.vector_load %arg14[%swap3A_876, %swap3A_877] {strides = array<i32>} : memref<48x128xf32, #tpu.memory_space<vmem>>, vector<16xf32>,
        tpu.vector_store %arg14[%swap3A_876, %swap3A_877], %mul3A_875 {strides = array<i32>} : memref<48x128xf32, #tpu.memory_space<vmem>>, vector<16xf32>,
        %eq3A_879 = arith.constant 2 : i32
        %eq3A_880 = vector.broadcast %eq3A_879 : i32 to vector<16xi32>
        %eq3A_881 = arith.cmpi eq, %iota3A, %eq3A_880 : vector<16xi32>
        %select_n3A_882 = arith.select %eq3A_881, %exp3A_871, %select_n3A_852 : vector<16xi1>, vector<16xf32>
        %get3A_883 = arith.index_cast %add3A_800 : i32 to index
        %get3A_884 = arith.constant 48 : index
        %get3A_885 = tpu.vector_load %arg11[%get3A_883, %get3A_884] {strides = array<i32>} : memref<48x128xf32, #tpu.memory_space<vmem>>, vector<16xf32>,
        %get3A_886 = arith.index_cast %add3A_800 : i32 to index
        %get3A_887 = arith.constant 48 : index
        %get3A_888 = tpu.vector_load %arg12[%get3A_886, %get3A_887] {strides = array<i32>} : memref<48x128xf32, #tpu.memory_space<vmem>>, vector<16xf32>,
        %mul3A_889 = arith.mulf %get3A_885, %get3A_888 : vector<16xf32>
        %broadcast_in_dim3A_890 = arith.constant true
        %broadcast_in_dim3A_891 = vector.broadcast %broadcast_in_dim3A_890 : i1 to vector<16xi1>
        %masked_cumsum3A_892 = tpu.scan <sum>, %mul3A_889 masked %broadcast_in_dim3A_891 : vector<16xf32>, vector<16xi1> -> vector<16xf32>
        %gather3A_893 = vector.shape_cast %broadcast_in_dim3A_16 : vector<16x1xi32> to vector<16xi32>
        %gather3A_894 = tpu.dynamic_gather %masked_cumsum3A_892[%gather3A_893] in [0] : vector<16xf32>, vector<16xi32> -> vector<16xf32>
        %jit3A_895 = arith.constant -5.000000e+00 : f32
        %jit3A_896 = arith.constant 5.000000e+00 : f32
        %max3A_897 = vector.broadcast %jit3A_895 : f32 to vector<16xf32>
        %max3A_898 = arith.maximumf %max3A_897, %gather3A_894 : vector<16xf32>
        %min3A_899 = vector.broadcast %jit3A_896 : f32 to vector<16xf32>
        %min3A_900 = arith.minimumf %min3A_899, %max3A_898 : vector<16xf32>
        %exp3A_901 = math.exp %min3A_900 : vector<16xf32>
        %get3A_902 = arith.index_cast %add3A_800 : i32 to index
        %get3A_903 = arith.constant 48 : index
        %get3A_904 = tpu.vector_load %arg13[%get3A_902, %get3A_903] {strides = array<i32>} : memref<48x128xf32, #tpu.memory_space<vmem>>, vector<16xf32>,
        %mul3A_905 = arith.mulf %get3A_904, %exp3A_901 : vector<16xf32>
        %swap3A_906 = arith.index_cast %add3A_800 : i32 to index
        %swap3A_907 = arith.constant 48 : index
        %swap3A_908 = tpu.vector_load %arg14[%swap3A_906, %swap3A_907] {strides = array<i32>} : memref<48x128xf32, #tpu.memory_space<vmem>>, vector<16xf32>,
        tpu.vector_store %arg14[%swap3A_906, %swap3A_907], %mul3A_905 {strides = array<i32>} : memref<48x128xf32, #tpu.memory_space<vmem>>, vector<16xf32>,
        %eq3A_909 = arith.constant 3 : i32
        %eq3A_910 = vector.broadcast %eq3A_909 : i32 to vector<16xi32>
        %eq3A_911 = arith.cmpi eq, %iota3A, %eq3A_910 : vector<16xi32>
        %select_n3A_912 = arith.select %eq3A_911, %exp3A_901, %select_n3A_882 : vector<16xi1>, vector<16xf32>
        %get3A_913 = arith.index_cast %add3A_800 : i32 to index
        %get3A_914 = arith.constant 64 : index
        %get3A_915 = tpu.vector_load %arg11[%get3A_913, %get3A_914] {strides = array<i32>} : memref<48x128xf32, #tpu.memory_space<vmem>>, vector<16xf32>,
        %get3A_916 = arith.index_cast %add3A_800 : i32 to index
        %get3A_917 = arith.constant 64 : index
        %get3A_918 = tpu.vector_load %arg12[%get3A_916, %get3A_917] {strides = array<i32>} : memref<48x128xf32, #tpu.memory_space<vmem>>, vector<16xf32>,
        %mul3A_919 = arith.mulf %get3A_915, %get3A_918 : vector<16xf32>
        %broadcast_in_dim3A_920 = arith.constant true
        %broadcast_in_dim3A_921 = vector.broadcast %broadcast_in_dim3A_920 : i1 to vector<16xi1>
        %masked_cumsum3A_922 = tpu.scan <sum>, %mul3A_919 masked %broadcast_in_dim3A_921 : vector<16xf32>, vector<16xi1> -> vector<16xf32>
        %gather3A_923 = vector.shape_cast %broadcast_in_dim3A_16 : vector<16x1xi32> to vector<16xi32>
        %gather3A_924 = tpu.dynamic_gather %masked_cumsum3A_922[%gather3A_923] in [0] : vector<16xf32>, vector<16xi32> -> vector<16xf32>
        %jit3A_925 = arith.constant -5.000000e+00 : f32
        %jit3A_926 = arith.constant 5.000000e+00 : f32
        %max3A_927 = vector.broadcast %jit3A_925 : f32 to vector<16xf32>
        %max3A_928 = arith.maximumf %max3A_927, %gather3A_924 : vector<16xf32>
        %min3A_929 = vector.broadcast %jit3A_926 : f32 to vector<16xf32>
        %min3A_930 = arith.minimumf %min3A_929, %max3A_928 : vector<16xf32>
        %exp3A_931 = math.exp %min3A_930 : vector<16xf32>
        %get3A_932 = arith.index_cast %add3A_800 : i32 to index
        %get3A_933 = arith.constant 64 : index
        %get3A_934 = tpu.vector_load %arg13[%get3A_932, %get3A_933] {strides = array<i32>} : memref<48x128xf32, #tpu.memory_space<vmem>>, vector<16xf32>,
        %mul3A_935 = arith.mulf %get3A_934, %exp3A_931 : vector<16xf32>
        %swap3A_936 = arith.index_cast %add3A_800 : i32 to index
        %swap3A_937 = arith.constant 64 : index
        %swap3A_938 = tpu.vector_load %arg14[%swap3A_936, %swap3A_937] {strides = array<i32>} : memref<48x128xf32, #tpu.memory_space<vmem>>, vector<16xf32>,
        tpu.vector_store %arg14[%swap3A_936, %swap3A_937], %mul3A_935 {strides = array<i32>} : memref<48x128xf32, #tpu.memory_space<vmem>>, vector<16xf32>,
        %eq3A_939 = arith.constant 4 : i32
        %eq3A_940 = vector.broadcast %eq3A_939 : i32 to vector<16xi32>
        %eq3A_941 = arith.cmpi eq, %iota3A, %eq3A_940 : vector<16xi32>
        %select_n3A_942 = arith.select %eq3A_941, %exp3A_931, %select_n3A_912 : vector<16xi1>, vector<16xf32>
        %get3A_943 = arith.index_cast %add3A_800 : i32 to index
        %get3A_944 = arith.constant 80 : index
        %get3A_945 = tpu.vector_load %arg11[%get3A_943, %get3A_944] {strides = array<i32>} : memref<48x128xf32, #tpu.memory_space<vmem>>, vector<16xf32>,
        %get3A_946 = arith.index_cast %add3A_800 : i32 to index
        %get3A_947 = arith.constant 80 : index
        %get3A_948 = tpu.vector_load %arg12[%get3A_946, %get3A_947] {strides = array<i32>} : memref<48x128xf32, #tpu.memory_space<vmem>>, vector<16xf32>,
        %mul3A_949 = arith.mulf %get3A_945, %get3A_948 : vector<16xf32>
        %broadcast_in_dim3A_950 = arith.constant true
        %broadcast_in_dim3A_951 = vector.broadcast %broadcast_in_dim3A_950 : i1 to vector<16xi1>
        %masked_cumsum3A_952 = tpu.scan <sum>, %mul3A_949 masked %broadcast_in_dim3A_951 : vector<16xf32>, vector<16xi1> -> vector<16xf32>
        %gather3A_953 = vector.shape_cast %broadcast_in_dim3A_16 : vector<16x1xi32> to vector<16xi32>
        %gather3A_954 = tpu.dynamic_gather %masked_cumsum3A_952[%gather3A_953] in [0] : vector<16xf32>, vector<16xi32> -> vector<16xf32>
        %jit3A_955 = arith.constant -5.000000e+00 : f32
        %jit3A_956 = arith.constant 5.000000e+00 : f32
        %max3A_957 = vector.broadcast %jit3A_955 : f32 to vector<16xf32>
        %max3A_958 = arith.maximumf %max3A_957, %gather3A_954 : vector<16xf32>
        %min3A_959 = vector.broadcast %jit3A_956 : f32 to vector<16xf32>
        %min3A_960 = arith.minimumf %min3A_959, %max3A_958 : vector<16xf32>
        %exp3A_961 = math.exp %min3A_960 : vector<16xf32>
        %get3A_962 = arith.index_cast %add3A_800 : i32 to index
        %get3A_963 = arith.constant 80 : index
        %get3A_964 = tpu.vector_load %arg13[%get3A_962, %get3A_963] {strides = array<i32>} : memref<48x128xf32, #tpu.memory_space<vmem>>, vector<16xf32>,
        %mul3A_965 = arith.mulf %get3A_964, %exp3A_961 : vector<16xf32>
        %swap3A_966 = arith.index_cast %add3A_800 : i32 to index
        %swap3A_967 = arith.constant 80 : index
        %swap3A_968 = tpu.vector_load %arg14[%swap3A_966, %swap3A_967] {strides = array<i32>} : memref<48x128xf32, #tpu.memory_space<vmem>>, vector<16xf32>,
        tpu.vector_store %arg14[%swap3A_966, %swap3A_967], %mul3A_965 {strides = array<i32>} : memref<48x128xf32, #tpu.memory_space<vmem>>, vector<16xf32>,
        %eq3A_969 = arith.constant 5 : i32
        %eq3A_970 = vector.broadcast %eq3A_969 : i32 to vector<16xi32>
        %eq3A_971 = arith.cmpi eq, %iota3A, %eq3A_970 : vector<16xi32>
        %select_n3A_972 = arith.select %eq3A_971, %exp3A_961, %select_n3A_942 : vector<16xi1>, vector<16xf32>
        %get3A_973 = arith.index_cast %add3A_800 : i32 to index
        %get3A_974 = arith.constant 96 : index
        %get3A_975 = tpu.vector_load %arg11[%get3A_973, %get3A_974] {strides = array<i32>} : memref<48x128xf32, #tpu.memory_space<vmem>>, vector<16xf32>,
        %get3A_976 = arith.index_cast %add3A_800 : i32 to index
        %get3A_977 = arith.constant 96 : index
        %get3A_978 = tpu.vector_load %arg12[%get3A_976, %get3A_977] {strides = array<i32>} : memref<48x128xf32, #tpu.memory_space<vmem>>, vector<16xf32>,
        %mul3A_979 = arith.mulf %get3A_975, %get3A_978 : vector<16xf32>
        %broadcast_in_dim3A_980 = arith.constant true
        %broadcast_in_dim3A_981 = vector.broadcast %broadcast_in_dim3A_980 : i1 to vector<16xi1>
        %masked_cumsum3A_982 = tpu.scan <sum>, %mul3A_979 masked %broadcast_in_dim3A_981 : vector<16xf32>, vector<16xi1> -> vector<16xf32>
        %gather3A_983 = vector.shape_cast %broadcast_in_dim3A_16 : vector<16x1xi32> to vector<16xi32>
        %gather3A_984 = tpu.dynamic_gather %masked_cumsum3A_982[%gather3A_983] in [0] : vector<16xf32>, vector<16xi32> -> vector<16xf32>
        %jit3A_985 = arith.constant -5.000000e+00 : f32
        %jit3A_986 = arith.constant 5.000000e+00 : f32
        %max3A_987 = vector.broadcast %jit3A_985 : f32 to vector<16xf32>
        %max3A_988 = arith.maximumf %max3A_987, %gather3A_984 : vector<16xf32>
        %min3A_989 = vector.broadcast %jit3A_986 : f32 to vector<16xf32>
        %min3A_990 = arith.minimumf %min3A_989, %max3A_988 : vector<16xf32>
        %exp3A_991 = math.exp %min3A_990 : vector<16xf32>
        %get3A_992 = arith.index_cast %add3A_800 : i32 to index
        %get3A_993 = arith.constant 96 : index
        %get3A_994 = tpu.vector_load %arg13[%get3A_992, %get3A_993] {strides = array<i32>} : memref<48x128xf32, #tpu.memory_space<vmem>>, vector<16xf32>,
        %mul3A_995 = arith.mulf %get3A_994, %exp3A_991 : vector<16xf32>
        %swap3A_996 = arith.index_cast %add3A_800 : i32 to index
        %swap3A_997 = arith.constant 96 : index
        %swap3A_998 = tpu.vector_load %arg14[%swap3A_996, %swap3A_997] {strides = array<i32>} : memref<48x128xf32, #tpu.memory_space<vmem>>, vector<16xf32>,
        tpu.vector_store %arg14[%swap3A_996, %swap3A_997], %mul3A_995 {strides = array<i32>} : memref<48x128xf32, #tpu.memory_space<vmem>>, vector<16xf32>,
        %eq3A_999 = arith.constant 6 : i32
        %eq3A_1000 = vector.broadcast %eq3A_999 : i32 to vector<16xi32>
        %eq3A_1001 = arith.cmpi eq, %iota3A, %eq3A_1000 : vector<16xi32>
        %select_n3A_1002 = arith.select %eq3A_1001, %exp3A_991, %select_n3A_972 : vector<16xi1>, vector<16xf32>
        %get3A_1003 = arith.index_cast %add3A_800 : i32 to index
        %get3A_1004 = arith.constant 112 : index
        %get3A_1005 = tpu.vector_load %arg11[%get3A_1003, %get3A_1004] {strides = array<i32>} : memref<48x128xf32, #tpu.memory_space<vmem>>, vector<16xf32>,
        %get3A_1006 = arith.index_cast %add3A_800 : i32 to index
        %get3A_1007 = arith.constant 112 : index
        %get3A_1008 = tpu.vector_load %arg12[%get3A_1006, %get3A_1007] {strides = array<i32>} : memref<48x128xf32, #tpu.memory_space<vmem>>, vector<16xf32>,
        %mul3A_1009 = arith.mulf %get3A_1005, %get3A_1008 : vector<16xf32>
        %broadcast_in_dim3A_1010 = arith.constant true
        %broadcast_in_dim3A_1011 = vector.broadcast %broadcast_in_dim3A_1010 : i1 to vector<16xi1>
        %masked_cumsum3A_1012 = tpu.scan <sum>, %mul3A_1009 masked %broadcast_in_dim3A_1011 : vector<16xf32>, vector<16xi1> -> vector<16xf32>
        %gather3A_1013 = vector.shape_cast %broadcast_in_dim3A_16 : vector<16x1xi32> to vector<16xi32>
        %gather3A_1014 = tpu.dynamic_gather %masked_cumsum3A_1012[%gather3A_1013] in [0] : vector<16xf32>, vector<16xi32> -> vector<16xf32>
        %jit3A_1015 = arith.constant -5.000000e+00 : f32
        %jit3A_1016 = arith.constant 5.000000e+00 : f32
        %max3A_1017 = vector.broadcast %jit3A_1015 : f32 to vector<16xf32>
        %max3A_1018 = arith.maximumf %max3A_1017, %gather3A_1014 : vector<16xf32>
        %min3A_1019 = vector.broadcast %jit3A_1016 : f32 to vector<16xf32>
        %min3A_1020 = arith.minimumf %min3A_1019, %max3A_1018 : vector<16xf32>
        %exp3A_1021 = math.exp %min3A_1020 : vector<16xf32>
        %get3A_1022 = arith.index_cast %add3A_800 : i32 to index
        %get3A_1023 = arith.constant 112 : index
        %get3A_1024 = tpu.vector_load %arg13[%get3A_1022, %get3A_1023] {strides = array<i32>} : memref<48x128xf32, #tpu.memory_space<vmem>>, vector<16xf32>,
        %mul3A_1025 = arith.mulf %get3A_1024, %exp3A_1021 : vector<16xf32>
        %swap3A_1026 = arith.index_cast %add3A_800 : i32 to index
        %swap3A_1027 = arith.constant 112 : index
        %swap3A_1028 = tpu.vector_load %arg14[%swap3A_1026, %swap3A_1027] {strides = array<i32>} : memref<48x128xf32, #tpu.memory_space<vmem>>, vector<16xf32>,
        tpu.vector_store %arg14[%swap3A_1026, %swap3A_1027], %mul3A_1025 {strides = array<i32>} : memref<48x128xf32, #tpu.memory_space<vmem>>, vector<16xf32>,
        %eq3A_1029 = arith.constant 7 : i32
        %eq3A_1030 = vector.broadcast %eq3A_1029 : i32 to vector<16xi32>
        %eq3A_1031 = arith.cmpi eq, %iota3A, %eq3A_1030 : vector<16xi32>
        %select_n3A_1032 = arith.select %eq3A_1031, %exp3A_1021, %select_n3A_1002 : vector<16xi1>, vector<16xf32>
        %swap3A_1033 = arith.index_cast %add3A_800 : i32 to index
        %swap3A_1034 = arith.constant 0 : index
        %swap3A_1035 = tpu.vector_load %arg15[%swap3A_1033, %swap3A_1034] {strides = array<i32>} : memref<48x16xf32, #tpu.memory_space<vmem>>, vector<16xf32>,
        tpu.vector_store %arg15[%swap3A_1033, %swap3A_1034], %select_n3A_1032 {strides = array<i32>} : memref<48x16xf32, #tpu.memory_space<vmem>>, vector<16xf32>,
        %mul3A_1036 = arith.constant 2 : i32
        %mul3A_1037 = arith.muli %scan3A_794, %mul3A_1036 : i32
        %add3A_1038 = arith.constant 0 : i32
        %add3A_1039 = arith.addi %add3A_1038, %mul3A_1037 : i32
        %add3A_1040 = arith.constant 1 : i32
        %add3A_1041 = arith.addi %add3A_1039, %add3A_1040 : i32
        %broadcast_in_dim3A_1042 = arith.constant 0.000000e+00 : f32
        %broadcast_in_dim3A_1043 = vector.broadcast %broadcast_in_dim3A_1042 : f32 to vector<16xf32>
        %get3A_1044 = arith.index_cast %add3A_1041 : i32 to index
        %get3A_1045 = arith.constant 0 : index
        %get3A_1046 = tpu.vector_load %arg11[%get3A_1044, %get3A_1045] {strides = array<i32>} : memref<48x128xf32, #tpu.memory_space<vmem>>, vector<16xf32>,
        %get3A_1047 = arith.index_cast %add3A_1041 : i32 to index
        %get3A_1048 = arith.constant 0 : index
        %get3A_1049 = tpu.vector_load %arg12[%get3A_1047, %get3A_1048] {strides = array<i32>} : memref<48x128xf32, #tpu.memory_space<vmem>>, vector<16xf32>,
        %mul3A_1050 = arith.mulf %get3A_1046, %get3A_1049 : vector<16xf32>
        %broadcast_in_dim3A_1051 = arith.constant true
        %broadcast_in_dim3A_1052 = vector.broadcast %broadcast_in_dim3A_1051 : i1 to vector<16xi1>
        %masked_cumsum3A_1053 = tpu.scan <sum>, %mul3A_1050 masked %broadcast_in_dim3A_1052 : vector<16xf32>, vector<16xi1> -> vector<16xf32>
        %gather3A_1054 = vector.shape_cast %broadcast_in_dim3A_16 : vector<16x1xi32> to vector<16xi32>
        %gather3A_1055 = tpu.dynamic_gather %masked_cumsum3A_1053[%gather3A_1054] in [0] : vector<16xf32>, vector<16xi32> -> vector<16xf32>
        %jit3A_1056 = arith.constant -5.000000e+00 : f32
        %jit3A_1057 = arith.constant 5.000000e+00 : f32
        %max3A_1058 = vector.broadcast %jit3A_1056 : f32 to vector<16xf32>
        %max3A_1059 = arith.maximumf %max3A_1058, %gather3A_1055 : vector<16xf32>
        %min3A_1060 = vector.broadcast %jit3A_1057 : f32 to vector<16xf32>
        %min3A_1061 = arith.minimumf %min3A_1060, %max3A_1059 : vector<16xf32>
        %exp3A_1062 = math.exp %min3A_1061 : vector<16xf32>
        %get3A_1063 = arith.index_cast %add3A_1041 : i32 to index
        %get3A_1064 = arith.constant 0 : index
        %get3A_1065 = tpu.vector_load %arg13[%get3A_1063, %get3A_1064] {strides = array<i32>} : memref<48x128xf32, #tpu.memory_space<vmem>>, vector<16xf32>,
        %mul3A_1066 = arith.mulf %get3A_1065, %exp3A_1062 : vector<16xf32>
        %swap3A_1067 = arith.index_cast %add3A_1041 : i32 to index
        %swap3A_1068 = arith.constant 0 : index
        %swap3A_1069 = tpu.vector_load %arg14[%swap3A_1067, %swap3A_1068] {strides = array<i32>} : memref<48x128xf32, #tpu.memory_space<vmem>>, vector<16xf32>,
        tpu.vector_store %arg14[%swap3A_1067, %swap3A_1068], %mul3A_1066 {strides = array<i32>} : memref<48x128xf32, #tpu.memory_space<vmem>>, vector<16xf32>,
        %eq3A_1070 = arith.constant 0 : i32
        %eq3A_1071 = vector.broadcast %eq3A_1070 : i32 to vector<16xi32>
        %eq3A_1072 = arith.cmpi eq, %iota3A, %eq3A_1071 : vector<16xi32>
        %select_n3A_1073 = arith.select %eq3A_1072, %exp3A_1062, %broadcast_in_dim3A_1043 : vector<16xi1>, vector<16xf32>
        %get3A_1074 = arith.index_cast %add3A_1041 : i32 to index
        %get3A_1075 = arith.constant 16 : index
        %get3A_1076 = tpu.vector_load %arg11[%get3A_1074, %get3A_1075] {strides = array<i32>} : memref<48x128xf32, #tpu.memory_space<vmem>>, vector<16xf32>,
        %get3A_1077 = arith.index_cast %add3A_1041 : i32 to index
        %get3A_1078 = arith.constant 16 : index
        %get3A_1079 = tpu.vector_load %arg12[%get3A_1077, %get3A_1078] {strides = array<i32>} : memref<48x128xf32, #tpu.memory_space<vmem>>, vector<16xf32>,
        %mul3A_1080 = arith.mulf %get3A_1076, %get3A_1079 : vector<16xf32>
        %broadcast_in_dim3A_1081 = arith.constant true
        %broadcast_in_dim3A_1082 = vector.broadcast %broadcast_in_dim3A_1081 : i1 to vector<16xi1>
        %masked_cumsum3A_1083 = tpu.scan <sum>, %mul3A_1080 masked %broadcast_in_dim3A_1082 : vector<16xf32>, vector<16xi1> -> vector<16xf32>
        %gather3A_1084 = vector.shape_cast %broadcast_in_dim3A_16 : vector<16x1xi32> to vector<16xi32>
        %gather3A_1085 = tpu.dynamic_gather %masked_cumsum3A_1083[%gather3A_1084] in [0] : vector<16xf32>, vector<16xi32> -> vector<16xf32>
        %jit3A_1086 = arith.constant -5.000000e+00 : f32
        %jit3A_1087 = arith.constant 5.000000e+00 : f32
        %max3A_1088 = vector.broadcast %jit3A_1086 : f32 to vector<16xf32>
        %max3A_1089 = arith.maximumf %max3A_1088, %gather3A_1085 : vector<16xf32>
        %min3A_1090 = vector.broadcast %jit3A_1087 : f32 to vector<16xf32>
        %min3A_1091 = arith.minimumf %min3A_1090, %max3A_1089 : vector<16xf32>
        %exp3A_1092 = math.exp %min3A_1091 : vector<16xf32>
        %get3A_1093 = arith.index_cast %add3A_1041 : i32 to index
        %get3A_1094 = arith.constant 16 : index
        %get3A_1095 = tpu.vector_load %arg13[%get3A_1093, %get3A_1094] {strides = array<i32>} : memref<48x128xf32, #tpu.memory_space<vmem>>, vector<16xf32>,
        %mul3A_1096 = arith.mulf %get3A_1095, %exp3A_1092 : vector<16xf32>
        %swap3A_1097 = arith.index_cast %add3A_1041 : i32 to index
        %swap3A_1098 = arith.constant 16 : index
        %swap3A_1099 = tpu.vector_load %arg14[%swap3A_1097, %swap3A_1098] {strides = array<i32>} : memref<48x128xf32, #tpu.memory_space<vmem>>, vector<16xf32>,
        tpu.vector_store %arg14[%swap3A_1097, %swap3A_1098], %mul3A_1096 {strides = array<i32>} : memref<48x128xf32, #tpu.memory_space<vmem>>, vector<16xf32>,
        %eq3A_1100 = arith.constant 1 : i32
        %eq3A_1101 = vector.broadcast %eq3A_1100 : i32 to vector<16xi32>
        %eq3A_1102 = arith.cmpi eq, %iota3A, %eq3A_1101 : vector<16xi32>
        %select_n3A_1103 = arith.select %eq3A_1102, %exp3A_1092, %select_n3A_1073 : vector<16xi1>, vector<16xf32>
        %get3A_1104 = arith.index_cast %add3A_1041 : i32 to index
        %get3A_1105 = arith.constant 32 : index
        %get3A_1106 = tpu.vector_load %arg11[%get3A_1104, %get3A_1105] {strides = array<i32>} : memref<48x128xf32, #tpu.memory_space<vmem>>, vector<16xf32>,
        %get3A_1107 = arith.index_cast %add3A_1041 : i32 to index
        %get3A_1108 = arith.constant 32 : index
        %get3A_1109 = tpu.vector_load %arg12[%get3A_1107, %get3A_1108] {strides = array<i32>} : memref<48x128xf32, #tpu.memory_space<vmem>>, vector<16xf32>,
        %mul3A_1110 = arith.mulf %get3A_1106, %get3A_1109 : vector<16xf32>
        %broadcast_in_dim3A_1111 = arith.constant true
        %broadcast_in_dim3A_1112 = vector.broadcast %broadcast_in_dim3A_1111 : i1 to vector<16xi1>
        %masked_cumsum3A_1113 = tpu.scan <sum>, %mul3A_1110 masked %broadcast_in_dim3A_1112 : vector<16xf32>, vector<16xi1> -> vector<16xf32>
        %gather3A_1114 = vector.shape_cast %broadcast_in_dim3A_16 : vector<16x1xi32> to vector<16xi32>
        %gather3A_1115 = tpu.dynamic_gather %masked_cumsum3A_1113[%gather3A_1114] in [0] : vector<16xf32>, vector<16xi32> -> vector<16xf32>
        %jit3A_1116 = arith.constant -5.000000e+00 : f32
        %jit3A_1117 = arith.constant 5.000000e+00 : f32
        %max3A_1118 = vector.broadcast %jit3A_1116 : f32 to vector<16xf32>
        %max3A_1119 = arith.maximumf %max3A_1118, %gather3A_1115 : vector<16xf32>
        %min3A_1120 = vector.broadcast %jit3A_1117 : f32 to vector<16xf32>
        %min3A_1121 = arith.minimumf %min3A_1120, %max3A_1119 : vector<16xf32>
        %exp3A_1122 = math.exp %min3A_1121 : vector<16xf32>
        %get3A_1123 = arith.index_cast %add3A_1041 : i32 to index
        %get3A_1124 = arith.constant 32 : index
        %get3A_1125 = tpu.vector_load %arg13[%get3A_1123, %get3A_1124] {strides = array<i32>} : memref<48x128xf32, #tpu.memory_space<vmem>>, vector<16xf32>,
        %mul3A_1126 = arith.mulf %get3A_1125, %exp3A_1122 : vector<16xf32>
        %swap3A_1127 = arith.index_cast %add3A_1041 : i32 to index
        %swap3A_1128 = arith.constant 32 : index
        %swap3A_1129 = tpu.vector_load %arg14[%swap3A_1127, %swap3A_1128] {strides = array<i32>} : memref<48x128xf32, #tpu.memory_space<vmem>>, vector<16xf32>,
        tpu.vector_store %arg14[%swap3A_1127, %swap3A_1128], %mul3A_1126 {strides = array<i32>} : memref<48x128xf32, #tpu.memory_space<vmem>>, vector<16xf32>,
        %eq3A_1130 = arith.constant 2 : i32
        %eq3A_1131 = vector.broadcast %eq3A_1130 : i32 to vector<16xi32>
        %eq3A_1132 = arith.cmpi eq, %iota3A, %eq3A_1131 : vector<16xi32>
        %select_n3A_1133 = arith.select %eq3A_1132, %exp3A_1122, %select_n3A_1103 : vector<16xi1>, vector<16xf32>
        %get3A_1134 = arith.index_cast %add3A_1041 : i32 to index
        %get3A_1135 = arith.constant 48 : index
        %get3A_1136 = tpu.vector_load %arg11[%get3A_1134, %get3A_1135] {strides = array<i32>} : memref<48x128xf32, #tpu.memory_space<vmem>>, vector<16xf32>,
        %get3A_1137 = arith.index_cast %add3A_1041 : i32 to index
        %get3A_1138 = arith.constant 48 : index
        %get3A_1139 = tpu.vector_load %arg12[%get3A_1137, %get3A_1138] {strides = array<i32>} : memref<48x128xf32, #tpu.memory_space<vmem>>, vector<16xf32>,
        %mul3A_1140 = arith.mulf %get3A_1136, %get3A_1139 : vector<16xf32>
        %broadcast_in_dim3A_1141 = arith.constant true
        %broadcast_in_dim3A_1142 = vector.broadcast %broadcast_in_dim3A_1141 : i1 to vector<16xi1>
        %masked_cumsum3A_1143 = tpu.scan <sum>, %mul3A_1140 masked %broadcast_in_dim3A_1142 : vector<16xf32>, vector<16xi1> -> vector<16xf32>
        %gather3A_1144 = vector.shape_cast %broadcast_in_dim3A_16 : vector<16x1xi32> to vector<16xi32>
        %gather3A_1145 = tpu.dynamic_gather %masked_cumsum3A_1143[%gather3A_1144] in [0] : vector<16xf32>, vector<16xi32> -> vector<16xf32>
        %jit3A_1146 = arith.constant -5.000000e+00 : f32
        %jit3A_1147 = arith.constant 5.000000e+00 : f32
        %max3A_1148 = vector.broadcast %jit3A_1146 : f32 to vector<16xf32>
        %max3A_1149 = arith.maximumf %max3A_1148, %gather3A_1145 : vector<16xf32>
        %min3A_1150 = vector.broadcast %jit3A_1147 : f32 to vector<16xf32>
        %min3A_1151 = arith.minimumf %min3A_1150, %max3A_1149 : vector<16xf32>
        %exp3A_1152 = math.exp %min3A_1151 : vector<16xf32>
        %get3A_1153 = arith.index_cast %add3A_1041 : i32 to index
        %get3A_1154 = arith.constant 48 : index
        %get3A_1155 = tpu.vector_load %arg13[%get3A_1153, %get3A_1154] {strides = array<i32>} : memref<48x128xf32, #tpu.memory_space<vmem>>, vector<16xf32>,
        %mul3A_1156 = arith.mulf %get3A_1155, %exp3A_1152 : vector<16xf32>
        %swap3A_1157 = arith.index_cast %add3A_1041 : i32 to index
        %swap3A_1158 = arith.constant 48 : index
        %swap3A_1159 = tpu.vector_load %arg14[%swap3A_1157, %swap3A_1158] {strides = array<i32>} : memref<48x128xf32, #tpu.memory_space<vmem>>, vector<16xf32>,
        tpu.vector_store %arg14[%swap3A_1157, %swap3A_1158], %mul3A_1156 {strides = array<i32>} : memref<48x128xf32, #tpu.memory_space<vmem>>, vector<16xf32>,
        %eq3A_1160 = arith.constant 3 : i32
        %eq3A_1161 = vector.broadcast %eq3A_1160 : i32 to vector<16xi32>
        %eq3A_1162 = arith.cmpi eq, %iota3A, %eq3A_1161 : vector<16xi32>
        %select_n3A_1163 = arith.select %eq3A_1162, %exp3A_1152, %select_n3A_1133 : vector<16xi1>, vector<16xf32>
        %get3A_1164 = arith.index_cast %add3A_1041 : i32 to index
        %get3A_1165 = arith.constant 64 : index
        %get3A_1166 = tpu.vector_load %arg11[%get3A_1164, %get3A_1165] {strides = array<i32>} : memref<48x128xf32, #tpu.memory_space<vmem>>, vector<16xf32>,
        %get3A_1167 = arith.index_cast %add3A_1041 : i32 to index
        %get3A_1168 = arith.constant 64 : index
        %get3A_1169 = tpu.vector_load %arg12[%get3A_1167, %get3A_1168] {strides = array<i32>} : memref<48x128xf32, #tpu.memory_space<vmem>>, vector<16xf32>,
        %mul3A_1170 = arith.mulf %get3A_1166, %get3A_1169 : vector<16xf32>
        %broadcast_in_dim3A_1171 = arith.constant true
        %broadcast_in_dim3A_1172 = vector.broadcast %broadcast_in_dim3A_1171 : i1 to vector<16xi1>
        %masked_cumsum3A_1173 = tpu.scan <sum>, %mul3A_1170 masked %broadcast_in_dim3A_1172 : vector<16xf32>, vector<16xi1> -> vector<16xf32>
        %gather3A_1174 = vector.shape_cast %broadcast_in_dim3A_16 : vector<16x1xi32> to vector<16xi32>
        %gather3A_1175 = tpu.dynamic_gather %masked_cumsum3A_1173[%gather3A_1174] in [0] : vector<16xf32>, vector<16xi32> -> vector<16xf32>
        %jit3A_1176 = arith.constant -5.000000e+00 : f32
        %jit3A_1177 = arith.constant 5.000000e+00 : f32
        %max3A_1178 = vector.broadcast %jit3A_1176 : f32 to vector<16xf32>
        %max3A_1179 = arith.maximumf %max3A_1178, %gather3A_1175 : vector<16xf32>
        %min3A_1180 = vector.broadcast %jit3A_1177 : f32 to vector<16xf32>
        %min3A_1181 = arith.minimumf %min3A_1180, %max3A_1179 : vector<16xf32>
        %exp3A_1182 = math.exp %min3A_1181 : vector<16xf32>
        %get3A_1183 = arith.index_cast %add3A_1041 : i32 to index
        %get3A_1184 = arith.constant 64 : index
        %get3A_1185 = tpu.vector_load %arg13[%get3A_1183, %get3A_1184] {strides = array<i32>} : memref<48x128xf32, #tpu.memory_space<vmem>>, vector<16xf32>,
        %mul3A_1186 = arith.mulf %get3A_1185, %exp3A_1182 : vector<16xf32>
        %swap3A_1187 = arith.index_cast %add3A_1041 : i32 to index
        %swap3A_1188 = arith.constant 64 : index
        %swap3A_1189 = tpu.vector_load %arg14[%swap3A_1187, %swap3A_1188] {strides = array<i32>} : memref<48x128xf32, #tpu.memory_space<vmem>>, vector<16xf32>,
        tpu.vector_store %arg14[%swap3A_1187, %swap3A_1188], %mul3A_1186 {strides = array<i32>} : memref<48x128xf32, #tpu.memory_space<vmem>>, vector<16xf32>,
        %eq3A_1190 = arith.constant 4 : i32
        %eq3A_1191 = vector.broadcast %eq3A_1190 : i32 to vector<16xi32>
        %eq3A_1192 = arith.cmpi eq, %iota3A, %eq3A_1191 : vector<16xi32>
        %select_n3A_1193 = arith.select %eq3A_1192, %exp3A_1182, %select_n3A_1163 : vector<16xi1>, vector<16xf32>
        %get3A_1194 = arith.index_cast %add3A_1041 : i32 to index
        %get3A_1195 = arith.constant 80 : index
        %get3A_1196 = tpu.vector_load %arg11[%get3A_1194, %get3A_1195] {strides = array<i32>} : memref<48x128xf32, #tpu.memory_space<vmem>>, vector<16xf32>,
        %get3A_1197 = arith.index_cast %add3A_1041 : i32 to index
        %get3A_1198 = arith.constant 80 : index
        %get3A_1199 = tpu.vector_load %arg12[%get3A_1197, %get3A_1198] {strides = array<i32>} : memref<48x128xf32, #tpu.memory_space<vmem>>, vector<16xf32>,
        %mul3A_1200 = arith.mulf %get3A_1196, %get3A_1199 : vector<16xf32>
        %broadcast_in_dim3A_1201 = arith.constant true
        %broadcast_in_dim3A_1202 = vector.broadcast %broadcast_in_dim3A_1201 : i1 to vector<16xi1>
        %masked_cumsum3A_1203 = tpu.scan <sum>, %mul3A_1200 masked %broadcast_in_dim3A_1202 : vector<16xf32>, vector<16xi1> -> vector<16xf32>
        %gather3A_1204 = vector.shape_cast %broadcast_in_dim3A_16 : vector<16x1xi32> to vector<16xi32>
        %gather3A_1205 = tpu.dynamic_gather %masked_cumsum3A_1203[%gather3A_1204] in [0] : vector<16xf32>, vector<16xi32> -> vector<16xf32>
        %jit3A_1206 = arith.constant -5.000000e+00 : f32
        %jit3A_1207 = arith.constant 5.000000e+00 : f32
        %max3A_1208 = vector.broadcast %jit3A_1206 : f32 to vector<16xf32>
        %max3A_1209 = arith.maximumf %max3A_1208, %gather3A_1205 : vector<16xf32>
        %min3A_1210 = vector.broadcast %jit3A_1207 : f32 to vector<16xf32>
        %min3A_1211 = arith.minimumf %min3A_1210, %max3A_1209 : vector<16xf32>
        %exp3A_1212 = math.exp %min3A_1211 : vector<16xf32>
        %get3A_1213 = arith.index_cast %add3A_1041 : i32 to index
        %get3A_1214 = arith.constant 80 : index
        %get3A_1215 = tpu.vector_load %arg13[%get3A_1213, %get3A_1214] {strides = array<i32>} : memref<48x128xf32, #tpu.memory_space<vmem>>, vector<16xf32>,
        %mul3A_1216 = arith.mulf %get3A_1215, %exp3A_1212 : vector<16xf32>
        %swap3A_1217 = arith.index_cast %add3A_1041 : i32 to index
        %swap3A_1218 = arith.constant 80 : index
        %swap3A_1219 = tpu.vector_load %arg14[%swap3A_1217, %swap3A_1218] {strides = array<i32>} : memref<48x128xf32, #tpu.memory_space<vmem>>, vector<16xf32>,
        tpu.vector_store %arg14[%swap3A_1217, %swap3A_1218], %mul3A_1216 {strides = array<i32>} : memref<48x128xf32, #tpu.memory_space<vmem>>, vector<16xf32>,
        %eq3A_1220 = arith.constant 5 : i32
        %eq3A_1221 = vector.broadcast %eq3A_1220 : i32 to vector<16xi32>
        %eq3A_1222 = arith.cmpi eq, %iota3A, %eq3A_1221 : vector<16xi32>
        %select_n3A_1223 = arith.select %eq3A_1222, %exp3A_1212, %select_n3A_1193 : vector<16xi1>, vector<16xf32>
        %get3A_1224 = arith.index_cast %add3A_1041 : i32 to index
        %get3A_1225 = arith.constant 96 : index
        %get3A_1226 = tpu.vector_load %arg11[%get3A_1224, %get3A_1225] {strides = array<i32>} : memref<48x128xf32, #tpu.memory_space<vmem>>, vector<16xf32>,
        %get3A_1227 = arith.index_cast %add3A_1041 : i32 to index
        %get3A_1228 = arith.constant 96 : index
        %get3A_1229 = tpu.vector_load %arg12[%get3A_1227, %get3A_1228] {strides = array<i32>} : memref<48x128xf32, #tpu.memory_space<vmem>>, vector<16xf32>,
        %mul3A_1230 = arith.mulf %get3A_1226, %get3A_1229 : vector<16xf32>
        %broadcast_in_dim3A_1231 = arith.constant true
        %broadcast_in_dim3A_1232 = vector.broadcast %broadcast_in_dim3A_1231 : i1 to vector<16xi1>
        %masked_cumsum3A_1233 = tpu.scan <sum>, %mul3A_1230 masked %broadcast_in_dim3A_1232 : vector<16xf32>, vector<16xi1> -> vector<16xf32>
        %gather3A_1234 = vector.shape_cast %broadcast_in_dim3A_16 : vector<16x1xi32> to vector<16xi32>
        %gather3A_1235 = tpu.dynamic_gather %masked_cumsum3A_1233[%gather3A_1234] in [0] : vector<16xf32>, vector<16xi32> -> vector<16xf32>
        %jit3A_1236 = arith.constant -5.000000e+00 : f32
        %jit3A_1237 = arith.constant 5.000000e+00 : f32
        %max3A_1238 = vector.broadcast %jit3A_1236 : f32 to vector<16xf32>
        %max3A_1239 = arith.maximumf %max3A_1238, %gather3A_1235 : vector<16xf32>
        %min3A_1240 = vector.broadcast %jit3A_1237 : f32 to vector<16xf32>
        %min3A_1241 = arith.minimumf %min3A_1240, %max3A_1239 : vector<16xf32>
        %exp3A_1242 = math.exp %min3A_1241 : vector<16xf32>
        %get3A_1243 = arith.index_cast %add3A_1041 : i32 to index
        %get3A_1244 = arith.constant 96 : index
        %get3A_1245 = tpu.vector_load %arg13[%get3A_1243, %get3A_1244] {strides = array<i32>} : memref<48x128xf32, #tpu.memory_space<vmem>>, vector<16xf32>,
        %mul3A_1246 = arith.mulf %get3A_1245, %exp3A_1242 : vector<16xf32>
        %swap3A_1247 = arith.index_cast %add3A_1041 : i32 to index
        %swap3A_1248 = arith.constant 96 : index
        %swap3A_1249 = tpu.vector_load %arg14[%swap3A_1247, %swap3A_1248] {strides = array<i32>} : memref<48x128xf32, #tpu.memory_space<vmem>>, vector<16xf32>,
        tpu.vector_store %arg14[%swap3A_1247, %swap3A_1248], %mul3A_1246 {strides = array<i32>} : memref<48x128xf32, #tpu.memory_space<vmem>>, vector<16xf32>,
        %eq3A_1250 = arith.constant 6 : i32
        %eq3A_1251 = vector.broadcast %eq3A_1250 : i32 to vector<16xi32>
        %eq3A_1252 = arith.cmpi eq, %iota3A, %eq3A_1251 : vector<16xi32>
        %select_n3A_1253 = arith.select %eq3A_1252, %exp3A_1242, %select_n3A_1223 : vector<16xi1>, vector<16xf32>
        %get3A_1254 = arith.index_cast %add3A_1041 : i32 to index
        %get3A_1255 = arith.constant 112 : index
        %get3A_1256 = tpu.vector_load %arg11[%get3A_1254, %get3A_1255] {strides = array<i32>} : memref<48x128xf32, #tpu.memory_space<vmem>>, vector<16xf32>,
        %get3A_1257 = arith.index_cast %add3A_1041 : i32 to index
        %get3A_1258 = arith.constant 112 : index
        %get3A_1259 = tpu.vector_load %arg12[%get3A_1257, %get3A_1258] {strides = array<i32>} : memref<48x128xf32, #tpu.memory_space<vmem>>, vector<16xf32>,
        %mul3A_1260 = arith.mulf %get3A_1256, %get3A_1259 : vector<16xf32>
        %broadcast_in_dim3A_1261 = arith.constant true
        %broadcast_in_dim3A_1262 = vector.broadcast %broadcast_in_dim3A_1261 : i1 to vector<16xi1>
        %masked_cumsum3A_1263 = tpu.scan <sum>, %mul3A_1260 masked %broadcast_in_dim3A_1262 : vector<16xf32>, vector<16xi1> -> vector<16xf32>
        %gather3A_1264 = vector.shape_cast %broadcast_in_dim3A_16 : vector<16x1xi32> to vector<16xi32>
        %gather3A_1265 = tpu.dynamic_gather %masked_cumsum3A_1263[%gather3A_1264] in [0] : vector<16xf32>, vector<16xi32> -> vector<16xf32>
        %jit3A_1266 = arith.constant -5.000000e+00 : f32
        %jit3A_1267 = arith.constant 5.000000e+00 : f32
        %max3A_1268 = vector.broadcast %jit3A_1266 : f32 to vector<16xf32>
        %max3A_1269 = arith.maximumf %max3A_1268, %gather3A_1265 : vector<16xf32>
        %min3A_1270 = vector.broadcast %jit3A_1267 : f32 to vector<16xf32>
        %min3A_1271 = arith.minimumf %min3A_1270, %max3A_1269 : vector<16xf32>
        %exp3A_1272 = math.exp %min3A_1271 : vector<16xf32>
        %get3A_1273 = arith.index_cast %add3A_1041 : i32 to index
        %get3A_1274 = arith.constant 112 : index
        %get3A_1275 = tpu.vector_load %arg13[%get3A_1273, %get3A_1274] {strides = array<i32>} : memref<48x128xf32, #tpu.memory_space<vmem>>, vector<16xf32>,
        %mul3A_1276 = arith.mulf %get3A_1275, %exp3A_1272 : vector<16xf32>
        %swap3A_1277 = arith.index_cast %add3A_1041 : i32 to index
        %swap3A_1278 = arith.constant 112 : index
        %swap3A_1279 = tpu.vector_load %arg14[%swap3A_1277, %swap3A_1278] {strides = array<i32>} : memref<48x128xf32, #tpu.memory_space<vmem>>, vector<16xf32>,
        tpu.vector_store %arg14[%swap3A_1277, %swap3A_1278], %mul3A_1276 {strides = array<i32>} : memref<48x128xf32, #tpu.memory_space<vmem>>, vector<16xf32>,
        %eq3A_1280 = arith.constant 7 : i32
        %eq3A_1281 = vector.broadcast %eq3A_1280 : i32 to vector<16xi32>
        %eq3A_1282 = arith.cmpi eq, %iota3A, %eq3A_1281 : vector<16xi32>
        %select_n3A_1283 = arith.select %eq3A_1282, %exp3A_1272, %select_n3A_1253 : vector<16xi1>, vector<16xf32>
        %swap3A_1284 = arith.index_cast %add3A_1041 : i32 to index
        %swap3A_1285 = arith.constant 0 : index
        %swap3A_1286 = tpu.vector_load %arg15[%swap3A_1284, %swap3A_1285] {strides = array<i32>} : memref<48x16xf32, #tpu.memory_space<vmem>>, vector<16xf32>,
        tpu.vector_store %arg15[%swap3A_1284, %swap3A_1285], %select_n3A_1283 {strides = array<i32>} : memref<48x16xf32, #tpu.memory_space<vmem>>, vector<16xf32>,
      }
      %scan3A_617 = arith.constant 12 : i32
      %dma_start3A_618 = arith.constant 2 : i32
      %dma_start3A_619 = arith.constant 0 : i32
      %dma_start3A_620 = arith.constant 0 : i32
      %dma_start3A_621 = tpu.memref_slice %arg14[%dma_start3A_619, %dma_start3A_620] : memref<48x128xf32, #tpu.memory_space<vmem>> -> memref<24x128xf32, #tpu.memory_space<vmem>>
      %dma_start3A_622 = arith.constant 0 : i32
      %dma_start3A_623 = tpu.memref_slice %arg10[%dma_start3A_618, %dma_start3A_622] : memref<4x24xi32, #tpu.memory_space<vmem>> -> memref<1x24xi32, #tpu.memory_space<vmem>>
      %dma_start3A_624 = tpu.memref_squeeze %dma_start3A_623 : memref<1x24xi32, #tpu.memory_space<vmem>> -> memref<24xi32, #tpu.memory_space<vmem>>
      %dma_start3A_625 = arith.constant 0 : i32
      %dma_start3A_626 = arith.constant 0 : i32
      %dma_start3A_627 = tpu.memref_slice %arg16[%dma_start3A_625, %dma_start3A_626] : memref<10112x128xf32, #tpu.memory_space<vmem_shared>> -> memref<10112x128xf32, #tpu.memory_space<vmem_shared>>
      tpu.enqueue_indirect_dma source(%dma_start3A_621 : memref<24x128xf32, #tpu.memory_space<vmem>>) target(%dma_start3A_627 : memref<10112x128xf32, #tpu.memory_space<vmem_shared>>) offsets(%dma_start3A_624 : memref<24xi32, #tpu.memory_space<vmem>>) semaphore(%arg21 : memref<!tpu.dma_semaphore, #tpu.memory_space<semaphore_mem>>) {add = true}
      %dma_start3A_628 = arith.constant 2 : i32
      %dma_start3A_629 = arith.constant 0 : i32
      %dma_start3A_630 = arith.constant 0 : i32
      %dma_start3A_631 = tpu.memref_slice %arg15[%dma_start3A_629, %dma_start3A_630] : memref<48x16xf32, #tpu.memory_space<vmem>> -> memref<24x16xf32, #tpu.memory_space<vmem>>
      %dma_start3A_632 = arith.constant 0 : i32
      %dma_start3A_633 = tpu.memref_slice %arg10[%dma_start3A_628, %dma_start3A_632] : memref<4x24xi32, #tpu.memory_space<vmem>> -> memref<1x24xi32, #tpu.memory_space<vmem>>
      %dma_start3A_634 = tpu.memref_squeeze %dma_start3A_633 : memref<1x24xi32, #tpu.memory_space<vmem>> -> memref<24xi32, #tpu.memory_space<vmem>>
      %dma_start3A_635 = arith.constant 0 : i32
      %dma_start3A_636 = arith.constant 0 : i32
      %dma_start3A_637 = tpu.memref_slice %arg17[%dma_start3A_635, %dma_start3A_636] : memref<10112x16xf32, #tpu.memory_space<vmem_shared>> -> memref<10112x16xf32, #tpu.memory_space<vmem_shared>>
      tpu.enqueue_indirect_dma source(%dma_start3A_631 : memref<24x16xf32, #tpu.memory_space<vmem>>) target(%dma_start3A_637 : memref<10112x16xf32, #tpu.memory_space<vmem_shared>>) offsets(%dma_start3A_634 : memref<24xi32, #tpu.memory_space<vmem>>) semaphore(%arg21 : memref<!tpu.dma_semaphore, #tpu.memory_space<semaphore_mem>>) {add = true}
      %mul3A_638 = arith.constant 4 : i32
      %mul3A_639 = arith.muli %mul3A_638, %scan3A_169 : i32
      %add3A_640 = arith.constant 3 : i32
      %add3A_641 = arith.addi %mul3A_639, %add3A_640 : i32
      %add3A_642 = arith.constant 1 : i32
      %add3A_643 = arith.addi %add3A_641, %add3A_642 : i32
      %mul3A_644 = arith.constant 24 : i32
      %mul3A_645 = arith.muli %add3A_643, %mul3A_644 : i32
      %add3A_646 = arith.addi %mul3A_18, %mul3A_645 : i32
      %dma_wait3A_647 = arith.constant 0 : i32
      %dma_wait3A_648 = arith.constant 0 : i32
      %dma_wait3A_649 = tpu.memref_slice %arg9[%dma_wait3A_647, %dma_wait3A_648] : memref<4x24xi32, #tpu.memory_space<vmem>> -> memref<1x24xi32, #tpu.memory_space<vmem>>
      %dma_wait3A_650 = tpu.memref_squeeze %dma_wait3A_649 : memref<1x24xi32, #tpu.memory_space<vmem>> -> memref<24xi32, #tpu.memory_space<vmem>>
      %dma_wait3A_651 = tpu.memref_slice %arg5[%add3A_646] : memref<322608xi32, #tpu.memory_space<hbm>> -> memref<24xi32, #tpu.memory_space<hbm>>
      %dma_wait3A_652 = arith.constant 0 : i32
      %dma_wait3A_653 = tpu.memref_slice %arg9[%dma_wait3A_647, %dma_wait3A_652] : memref<4x24xi32, #tpu.memory_space<vmem>> -> memref<1x24xi32, #tpu.memory_space<vmem>>
      %dma_wait3A_654 = tpu.memref_squeeze %dma_wait3A_653 : memref<1x24xi32, #tpu.memory_space<vmem>> -> memref<24xi32, #tpu.memory_space<vmem>>
      %dma_wait3A_655 = tpu.memref_slice %arg5[%add3A_646] : memref<322608xi32, #tpu.memory_space<hbm>> -> memref<24xi32, #tpu.memory_space<hbm>>
      tpu.wait_dma2 semaphore(%arg18 : memref<!tpu.dma_semaphore, #tpu.memory_space<semaphore_mem>>) src(%dma_wait3A_655 : memref<24xi32, #tpu.memory_space<hbm>>) dst(%dma_wait3A_654 : memref<24xi32, #tpu.memory_space<vmem>>)
      %dma_wait3A_656 = arith.constant 0 : i32
      %dma_wait3A_657 = arith.constant 0 : i32
      %dma_wait3A_658 = tpu.memref_slice %arg10[%dma_wait3A_656, %dma_wait3A_657] : memref<4x24xi32, #tpu.memory_space<vmem>> -> memref<1x24xi32, #tpu.memory_space<vmem>>
      %dma_wait3A_659 = tpu.memref_squeeze %dma_wait3A_658 : memref<1x24xi32, #tpu.memory_space<vmem>> -> memref<24xi32, #tpu.memory_space<vmem>>
      %dma_wait3A_660 = tpu.memref_slice %arg6[%add3A_646] : memref<322608xi32, #tpu.memory_space<hbm>> -> memref<24xi32, #tpu.memory_space<hbm>>
      %dma_wait3A_661 = arith.constant 0 : i32
      %dma_wait3A_662 = tpu.memref_slice %arg10[%dma_wait3A_656, %dma_wait3A_661] : memref<4x24xi32, #tpu.memory_space<vmem>> -> memref<1x24xi32, #tpu.memory_space<vmem>>
      %dma_wait3A_663 = tpu.memref_squeeze %dma_wait3A_662 : memref<1x24xi32, #tpu.memory_space<vmem>> -> memref<24xi32, #tpu.memory_space<vmem>>
      %dma_wait3A_664 = tpu.memref_slice %arg6[%add3A_646] : memref<322608xi32, #tpu.memory_space<hbm>> -> memref<24xi32, #tpu.memory_space<hbm>>
      tpu.wait_dma2 semaphore(%arg18 : memref<!tpu.dma_semaphore, #tpu.memory_space<semaphore_mem>>) src(%dma_wait3A_664 : memref<24xi32, #tpu.memory_space<hbm>>) dst(%dma_wait3A_663 : memref<24xi32, #tpu.memory_space<vmem>>)
      %dma_start3A_665 = arith.constant 0 : i32
      %dma_start3A_666 = arith.constant 0 : i32
      %dma_start3A_667 = arith.constant 0 : i32
      %dma_start3A_668 = tpu.memref_slice %arg11[%dma_start3A_666, %dma_start3A_667] : memref<48x128xf32, #tpu.memory_space<vmem>> -> memref<24x128xf32, #tpu.memory_space<vmem>>
      %dma_start3A_669 = arith.constant 0 : i32
      %dma_start3A_670 = tpu.memref_slice %arg10[%dma_start3A_665, %dma_start3A_669] : memref<4x24xi32, #tpu.memory_space<vmem>> -> memref<1x24xi32, #tpu.memory_space<vmem>>
      %dma_start3A_671 = tpu.memref_squeeze %dma_start3A_670 : memref<1x24xi32, #tpu.memory_space<vmem>> -> memref<24xi32, #tpu.memory_space<vmem>>
      %dma_start3A_672 = arith.constant 0 : i32
      %dma_start3A_673 = arith.constant 0 : i32
      %dma_start3A_674 = tpu.memref_slice %arg2[%dma_start3A_672, %dma_start3A_673] : memref<10000x128xf32, #tpu.memory_space<hbm>> -> memref<10000x128xf32, #tpu.memory_space<hbm>>
      tpu.enqueue_indirect_dma source(%dma_start3A_674 : memref<10000x128xf32, #tpu.memory_space<hbm>>) target(%dma_start3A_668 : memref<24x128xf32, #tpu.memory_space<vmem>>) offsets(%dma_start3A_671 : memref<24xi32, #tpu.memory_space<vmem>>) semaphore(%arg19 : memref<!tpu.dma_semaphore, #tpu.memory_space<semaphore_mem>>)
      %dma_start3A_675 = arith.constant 0 : i32
      %dma_start3A_676 = arith.constant 0 : i32
      %dma_start3A_677 = arith.constant 0 : i32
      %dma_start3A_678 = tpu.memref_slice %arg12[%dma_start3A_676, %dma_start3A_677] : memref<48x128xf32, #tpu.memory_space<vmem>> -> memref<24x128xf32, #tpu.memory_space<vmem>>
      %dma_start3A_679 = arith.constant 0 : i32
      %dma_start3A_680 = tpu.memref_slice %arg9[%dma_start3A_675, %dma_start3A_679] : memref<4x24xi32, #tpu.memory_space<vmem>> -> memref<1x24xi32, #tpu.memory_space<vmem>>
      %dma_start3A_681 = tpu.memref_squeeze %dma_start3A_680 : memref<1x24xi32, #tpu.memory_space<vmem>> -> memref<24xi32, #tpu.memory_space<vmem>>
      %dma_start3A_682 = arith.constant 0 : i32
      %dma_start3A_683 = arith.constant 0 : i32
      %dma_start3A_684 = tpu.memref_slice %arg3[%dma_start3A_682, %dma_start3A_683] : memref<10000x128xf32, #tpu.memory_space<hbm>> -> memref<10000x128xf32, #tpu.memory_space<hbm>>
      tpu.enqueue_indirect_dma source(%dma_start3A_684 : memref<10000x128xf32, #tpu.memory_space<hbm>>) target(%dma_start3A_678 : memref<24x128xf32, #tpu.memory_space<vmem>>) offsets(%dma_start3A_681 : memref<24xi32, #tpu.memory_space<vmem>>) semaphore(%arg19 : memref<!tpu.dma_semaphore, #tpu.memory_space<semaphore_mem>>)
      %dma_start3A_685 = arith.constant 0 : i32
      %dma_start3A_686 = arith.constant 0 : i32
      %dma_start3A_687 = arith.constant 0 : i32
      %dma_start3A_688 = tpu.memref_slice %arg13[%dma_start3A_686, %dma_start3A_687] : memref<48x128xf32, #tpu.memory_space<vmem>> -> memref<24x128xf32, #tpu.memory_space<vmem>>
      %dma_start3A_689 = arith.constant 0 : i32
      %dma_start3A_690 = tpu.memref_slice %arg9[%dma_start3A_685, %dma_start3A_689] : memref<4x24xi32, #tpu.memory_space<vmem>> -> memref<1x24xi32, #tpu.memory_space<vmem>>
      %dma_start3A_691 = tpu.memref_squeeze %dma_start3A_690 : memref<1x24xi32, #tpu.memory_space<vmem>> -> memref<24xi32, #tpu.memory_space<vmem>>
      %dma_start3A_692 = arith.constant 0 : i32
      %dma_start3A_693 = arith.constant 0 : i32
      %dma_start3A_694 = tpu.memref_slice %arg4[%dma_start3A_692, %dma_start3A_693] : memref<10000x128xf32, #tpu.memory_space<hbm>> -> memref<10000x128xf32, #tpu.memory_space<hbm>>
      tpu.enqueue_indirect_dma source(%dma_start3A_694 : memref<10000x128xf32, #tpu.memory_space<hbm>>) target(%dma_start3A_688 : memref<24x128xf32, #tpu.memory_space<vmem>>) offsets(%dma_start3A_691 : memref<24xi32, #tpu.memory_space<vmem>>) semaphore(%arg19 : memref<!tpu.dma_semaphore, #tpu.memory_space<semaphore_mem>>)
      %add3A_695 = arith.constant 2 : i32
      %add3A_696 = arith.addi %add3A_641, %add3A_695 : i32
      %mul3A_697 = arith.constant 24 : i32
      %mul3A_698 = arith.muli %add3A_696, %mul3A_697 : i32
      %add3A_699 = arith.addi %mul3A_18, %mul3A_698 : i32
      %dma_start3A_700 = arith.constant 1 : i32
      %dma_start3A_701 = arith.constant 0 : i32
      %dma_start3A_702 = tpu.memref_slice %arg9[%dma_start3A_700, %dma_start3A_701] : memref<4x24xi32, #tpu.memory_space<vmem>> -> memref<1x24xi32, #tpu.memory_space<vmem>>
      %dma_start3A_703 = tpu.memref_squeeze %dma_start3A_702 : memref<1x24xi32, #tpu.memory_space<vmem>> -> memref<24xi32, #tpu.memory_space<vmem>>
      %dma_start3A_704 = tpu.memref_slice %arg5[%add3A_699] : memref<322608xi32, #tpu.memory_space<hbm>> -> memref<24xi32, #tpu.memory_space<hbm>>
      %dma_start3A_705 = arith.constant 0 : i32
      %dma_start3A_706 = tpu.memref_slice %arg9[%dma_start3A_700, %dma_start3A_705] : memref<4x24xi32, #tpu.memory_space<vmem>> -> memref<1x24xi32, #tpu.memory_space<vmem>>
      %dma_start3A_707 = tpu.memref_squeeze %dma_start3A_706 : memref<1x24xi32, #tpu.memory_space<vmem>> -> memref<24xi32, #tpu.memory_space<vmem>>
      %dma_start3A_708 = tpu.memref_slice %arg5[%add3A_699] : memref<322608xi32, #tpu.memory_space<hbm>> -> memref<24xi32, #tpu.memory_space<hbm>>
      tpu.enqueue_dma source(%dma_start3A_708 : memref<24xi32, #tpu.memory_space<hbm>>) target(%dma_start3A_707 : memref<24xi32, #tpu.memory_space<vmem>>) target_semaphore(%arg18 : memref<!tpu.dma_semaphore, #tpu.memory_space<semaphore_mem>>)
      %dma_start3A_709 = arith.constant 1 : i32
      %dma_start3A_710 = arith.constant 0 : i32
      %dma_start3A_711 = tpu.memref_slice %arg10[%dma_start3A_709, %dma_start3A_710] : memref<4x24xi32, #tpu.memory_space<vmem>> -> memref<1x24xi32, #tpu.memory_space<vmem>>
      %dma_start3A_712 = tpu.memref_squeeze %dma_start3A_711 : memref<1x24xi32, #tpu.memory_space<vmem>> -> memref<24xi32, #tpu.memory_space<vmem>>
      %dma_start3A_713 = tpu.memref_slice %arg6[%add3A_699] : memref<322608xi32, #tpu.memory_space<hbm>> -> memref<24xi32, #tpu.memory_space<hbm>>
      %dma_start3A_714 = arith.constant 0 : i32
      %dma_start3A_715 = tpu.memref_slice %arg10[%dma_start3A_709, %dma_start3A_714] : memref<4x24xi32, #tpu.memory_space<vmem>> -> memref<1x24xi32, #tpu.memory_space<vmem>>
      %dma_start3A_716 = tpu.memref_squeeze %dma_start3A_715 : memref<1x24xi32, #tpu.memory_space<vmem>> -> memref<24xi32, #tpu.memory_space<vmem>>
      %dma_start3A_717 = tpu.memref_slice %arg6[%add3A_699] : memref<322608xi32, #tpu.memory_space<hbm>> -> memref<24xi32, #tpu.memory_space<hbm>>
      tpu.enqueue_dma source(%dma_start3A_717 : memref<24xi32, #tpu.memory_space<hbm>>) target(%dma_start3A_716 : memref<24xi32, #tpu.memory_space<vmem>>) target_semaphore(%arg18 : memref<!tpu.dma_semaphore, #tpu.memory_space<semaphore_mem>>)
      %dma_wait3A_718 = arith.constant 3 : i32
      %dma_wait3A_719 = arith.constant 24 : i32
      %dma_wait3A_720 = arith.constant 0 : i32
      %dma_wait3A_721 = tpu.memref_slice %arg11[%dma_wait3A_719, %dma_wait3A_720] : memref<48x128xf32, #tpu.memory_space<vmem>> -> memref<24x128xf32, #tpu.memory_space<vmem>>
      %dma_wait3A_722 = arith.constant 0 : i32
      %dma_wait3A_723 = tpu.memref_slice %arg10[%dma_wait3A_718, %dma_wait3A_722] : memref<4x24xi32, #tpu.memory_space<vmem>> -> memref<1x24xi32, #tpu.memory_space<vmem>>
      %dma_wait3A_724 = tpu.memref_squeeze %dma_wait3A_723 : memref<1x24xi32, #tpu.memory_space<vmem>> -> memref<24xi32, #tpu.memory_space<vmem>>
      %dma_wait3A_725 = arith.constant 0 : i32
      %dma_wait3A_726 = arith.constant 0 : i32
      %dma_wait3A_727 = tpu.memref_slice %arg2[%dma_wait3A_725, %dma_wait3A_726] : memref<10000x128xf32, #tpu.memory_space<hbm>> -> memref<10000x128xf32, #tpu.memory_space<hbm>>
      tpu.wait_indirect_dma semaphore(%arg20 : memref<!tpu.dma_semaphore, #tpu.memory_space<semaphore_mem>>) src(%dma_wait3A_727 : memref<10000x128xf32, #tpu.memory_space<hbm>>) dst(%dma_wait3A_721 : memref<24x128xf32, #tpu.memory_space<vmem>>)
      %dma_wait3A_728 = arith.constant 3 : i32
      %dma_wait3A_729 = arith.constant 24 : i32
      %dma_wait3A_730 = arith.constant 0 : i32
      %dma_wait3A_731 = tpu.memref_slice %arg12[%dma_wait3A_729, %dma_wait3A_730] : memref<48x128xf32, #tpu.memory_space<vmem>> -> memref<24x128xf32, #tpu.memory_space<vmem>>
      %dma_wait3A_732 = arith.constant 0 : i32
      %dma_wait3A_733 = tpu.memref_slice %arg9[%dma_wait3A_728, %dma_wait3A_732] : memref<4x24xi32, #tpu.memory_space<vmem>> -> memref<1x24xi32, #tpu.memory_space<vmem>>
      %dma_wait3A_734 = tpu.memref_squeeze %dma_wait3A_733 : memref<1x24xi32, #tpu.memory_space<vmem>> -> memref<24xi32, #tpu.memory_space<vmem>>
      %dma_wait3A_735 = arith.constant 0 : i32
      %dma_wait3A_736 = arith.constant 0 : i32
      %dma_wait3A_737 = tpu.memref_slice %arg3[%dma_wait3A_735, %dma_wait3A_736] : memref<10000x128xf32, #tpu.memory_space<hbm>> -> memref<10000x128xf32, #tpu.memory_space<hbm>>
      tpu.wait_indirect_dma semaphore(%arg20 : memref<!tpu.dma_semaphore, #tpu.memory_space<semaphore_mem>>) src(%dma_wait3A_737 : memref<10000x128xf32, #tpu.memory_space<hbm>>) dst(%dma_wait3A_731 : memref<24x128xf32, #tpu.memory_space<vmem>>)
      %dma_wait3A_738 = arith.constant 3 : i32
      %dma_wait3A_739 = arith.constant 24 : i32
      %dma_wait3A_740 = arith.constant 0 : i32
      %dma_wait3A_741 = tpu.memref_slice %arg13[%dma_wait3A_739, %dma_wait3A_740] : memref<48x128xf32, #tpu.memory_space<vmem>> -> memref<24x128xf32, #tpu.memory_space<vmem>>
      %dma_wait3A_742 = arith.constant 0 : i32
      %dma_wait3A_743 = tpu.memref_slice %arg9[%dma_wait3A_738, %dma_wait3A_742] : memref<4x24xi32, #tpu.memory_space<vmem>> -> memref<1x24xi32, #tpu.memory_space<vmem>>
      %dma_wait3A_744 = tpu.memref_squeeze %dma_wait3A_743 : memref<1x24xi32, #tpu.memory_space<vmem>> -> memref<24xi32, #tpu.memory_space<vmem>>
      %dma_wait3A_745 = arith.constant 0 : i32
      %dma_wait3A_746 = arith.constant 0 : i32
      %dma_wait3A_747 = tpu.memref_slice %arg4[%dma_wait3A_745, %dma_wait3A_746] : memref<10000x128xf32, #tpu.memory_space<hbm>> -> memref<10000x128xf32, #tpu.memory_space<hbm>>
      tpu.wait_indirect_dma semaphore(%arg20 : memref<!tpu.dma_semaphore, #tpu.memory_space<semaphore_mem>>) src(%dma_wait3A_747 : memref<10000x128xf32, #tpu.memory_space<hbm>>) dst(%dma_wait3A_741 : memref<24x128xf32, #tpu.memory_space<vmem>>)
      %dma_wait3A_748 = arith.constant 3 : i32
      %dma_wait3A_749 = arith.constant 0 : i32
      %dma_wait3A_750 = arith.constant 0 : i32
      %dma_wait3A_751 = tpu.memref_slice %arg14[%dma_wait3A_749, %dma_wait3A_750] : memref<48x128xf32, #tpu.memory_space<vmem>> -> memref<24x128xf32, #tpu.memory_space<vmem>>
      %dma_wait3A_752 = arith.constant 0 : i32
      %dma_wait3A_753 = tpu.memref_slice %arg10[%dma_wait3A_748, %dma_wait3A_752] : memref<4x24xi32, #tpu.memory_space<vmem>> -> memref<1x24xi32, #tpu.memory_space<vmem>>
      %dma_wait3A_754 = tpu.memref_squeeze %dma_wait3A_753 : memref<1x24xi32, #tpu.memory_space<vmem>> -> memref<24xi32, #tpu.memory_space<vmem>>
      %dma_wait3A_755 = arith.constant 0 : i32
      %dma_wait3A_756 = arith.constant 0 : i32
      %dma_wait3A_757 = tpu.memref_slice %arg16[%dma_wait3A_755, %dma_wait3A_756] : memref<10112x128xf32, #tpu.memory_space<vmem_shared>> -> memref<10112x128xf32, #tpu.memory_space<vmem_shared>>
      tpu.wait_indirect_dma semaphore(%arg21 : memref<!tpu.dma_semaphore, #tpu.memory_space<semaphore_mem>>) src(%dma_wait3A_751 : memref<24x128xf32, #tpu.memory_space<vmem>>) dst(%dma_wait3A_757 : memref<10112x128xf32, #tpu.memory_space<vmem_shared>>)
      %dma_wait3A_758 = arith.constant 3 : i32
      %dma_wait3A_759 = arith.constant 0 : i32
      %dma_wait3A_760 = arith.constant 0 : i32
      %dma_wait3A_761 = tpu.memref_slice %arg15[%dma_wait3A_759, %dma_wait3A_760] : memref<48x16xf32, #tpu.memory_space<vmem>> -> memref<24x16xf32, #tpu.memory_space<vmem>>
      %dma_wait3A_762 = arith.constant 0 : i32
      %dma_wait3A_763 = tpu.memref_slice %arg10[%dma_wait3A_758, %dma_wait3A_762] : memref<4x24xi32, #tpu.memory_space<vmem>> -> memref<1x24xi32, #tpu.memory_space<vmem>>
      %dma_wait3A_764 = tpu.memref_squeeze %dma_wait3A_763 : memref<1x24xi32, #tpu.memory_space<vmem>> -> memref<24xi32, #tpu.memory_space<vmem>>
      %dma_wait3A_765 = arith.constant 0 : i32
      %dma_wait3A_766 = arith.constant 0 : i32
      %dma_wait3A_767 = tpu.memref_slice %arg17[%dma_wait3A_765, %dma_wait3A_766] : memref<10112x16xf32, #tpu.memory_space<vmem_shared>> -> memref<10112x16xf32, #tpu.memory_space<vmem_shared>>
      tpu.wait_indirect_dma semaphore(%arg21 : memref<!tpu.dma_semaphore, #tpu.memory_space<semaphore_mem>>) src(%dma_wait3A_761 : memref<24x16xf32, #tpu.memory_space<vmem>>) dst(%dma_wait3A_767 : memref<10112x16xf32, #tpu.memory_space<vmem_shared>>)
      %scan3A_768 = arith.constant 0 : i32
      %scan3A_769 = arith.constant 0 : i32
      %scan3A_770 = arith.constant 12 : i32
      %scan3A_771 = arith.addi %scan3A_769, %scan3A_770 : i32
      %scan3A_772 = arith.constant 1 : i32
      scf.for %scan3A_794 = %scan3A_769 to %scan3A_771 step %scan3A_772  : i32 {
        %mul3A_795 = arith.constant 2 : i32
        %mul3A_796 = arith.muli %scan3A_794, %mul3A_795 : i32
        %add3A_797 = arith.constant 24 : i32
        %add3A_798 = arith.addi %add3A_797, %mul3A_796 : i32
        %add3A_799 = arith.constant 0 : i32
        %add3A_800 = arith.addi %add3A_798, %add3A_799 : i32
        %broadcast_in_dim3A_801 = arith.constant 0.000000e+00 : f32
        %broadcast_in_dim3A_802 = vector.broadcast %broadcast_in_dim3A_801 : f32 to vector<16xf32>
        %get3A = arith.index_cast %add3A_800 : i32 to index
        %get3A_803 = arith.constant 0 : index
        %get3A_804 = tpu.vector_load %arg11[%get3A, %get3A_803] {strides = array<i32>} : memref<48x128xf32, #tpu.memory_space<vmem>>, vector<16xf32>,
        %get3A_805 = arith.index_cast %add3A_800 : i32 to index
        %get3A_806 = arith.constant 0 : index
        %get3A_807 = tpu.vector_load %arg12[%get3A_805, %get3A_806] {strides = array<i32>} : memref<48x128xf32, #tpu.memory_space<vmem>>, vector<16xf32>,
        %mul3A_808 = arith.mulf %get3A_804, %get3A_807 : vector<16xf32>
        %broadcast_in_dim3A_809 = arith.constant true
        %broadcast_in_dim3A_810 = vector.broadcast %broadcast_in_dim3A_809 : i1 to vector<16xi1>
        %masked_cumsum3A = tpu.scan <sum>, %mul3A_808 masked %broadcast_in_dim3A_810 : vector<16xf32>, vector<16xi1> -> vector<16xf32>
        %gather3A = vector.shape_cast %broadcast_in_dim3A_16 : vector<16x1xi32> to vector<16xi32>
        %gather3A_811 = tpu.dynamic_gather %masked_cumsum3A[%gather3A] in [0] : vector<16xf32>, vector<16xi32> -> vector<16xf32>
        %jit3A = arith.constant -5.000000e+00 : f32
        %jit3A_812 = arith.constant 5.000000e+00 : f32
        %max3A = vector.broadcast %jit3A : f32 to vector<16xf32>
        %max3A_813 = arith.maximumf %max3A, %gather3A_811 : vector<16xf32>
        %min3A = vector.broadcast %jit3A_812 : f32 to vector<16xf32>
        %min3A_814 = arith.minimumf %min3A, %max3A_813 : vector<16xf32>
        %exp3A = math.exp %min3A_814 : vector<16xf32>
        %get3A_815 = arith.index_cast %add3A_800 : i32 to index
        %get3A_816 = arith.constant 0 : index
        %get3A_817 = tpu.vector_load %arg13[%get3A_815, %get3A_816] {strides = array<i32>} : memref<48x128xf32, #tpu.memory_space<vmem>>, vector<16xf32>,
        %mul3A_818 = arith.mulf %get3A_817, %exp3A : vector<16xf32>
        %swap3A = arith.index_cast %add3A_800 : i32 to index
        %swap3A_819 = arith.constant 0 : index
        %swap3A_820 = tpu.vector_load %arg14[%swap3A, %swap3A_819] {strides = array<i32>} : memref<48x128xf32, #tpu.memory_space<vmem>>, vector<16xf32>,
        tpu.vector_store %arg14[%swap3A, %swap3A_819], %mul3A_818 {strides = array<i32>} : memref<48x128xf32, #tpu.memory_space<vmem>>, vector<16xf32>,
        %eq3A = arith.constant 0 : i32
        %eq3A_821 = vector.broadcast %eq3A : i32 to vector<16xi32>
        %eq3A_822 = arith.cmpi eq, %iota3A, %eq3A_821 : vector<16xi32>
        %select_n3A = arith.select %eq3A_822, %exp3A, %broadcast_in_dim3A_802 : vector<16xi1>, vector<16xf32>
        %get3A_823 = arith.index_cast %add3A_800 : i32 to index
        %get3A_824 = arith.constant 16 : index
        %get3A_825 = tpu.vector_load %arg11[%get3A_823, %get3A_824] {strides = array<i32>} : memref<48x128xf32, #tpu.memory_space<vmem>>, vector<16xf32>,
        %get3A_826 = arith.index_cast %add3A_800 : i32 to index
        %get3A_827 = arith.constant 16 : index
        %get3A_828 = tpu.vector_load %arg12[%get3A_826, %get3A_827] {strides = array<i32>} : memref<48x128xf32, #tpu.memory_space<vmem>>, vector<16xf32>,
        %mul3A_829 = arith.mulf %get3A_825, %get3A_828 : vector<16xf32>
        %broadcast_in_dim3A_830 = arith.constant true
        %broadcast_in_dim3A_831 = vector.broadcast %broadcast_in_dim3A_830 : i1 to vector<16xi1>
        %masked_cumsum3A_832 = tpu.scan <sum>, %mul3A_829 masked %broadcast_in_dim3A_831 : vector<16xf32>, vector<16xi1> -> vector<16xf32>
        %gather3A_833 = vector.shape_cast %broadcast_in_dim3A_16 : vector<16x1xi32> to vector<16xi32>
        %gather3A_834 = tpu.dynamic_gather %masked_cumsum3A_832[%gather3A_833] in [0] : vector<16xf32>, vector<16xi32> -> vector<16xf32>
        %jit3A_835 = arith.constant -5.000000e+00 : f32
        %jit3A_836 = arith.constant 5.000000e+00 : f32
        %max3A_837 = vector.broadcast %jit3A_835 : f32 to vector<16xf32>
        %max3A_838 = arith.maximumf %max3A_837, %gather3A_834 : vector<16xf32>
        %min3A_839 = vector.broadcast %jit3A_836 : f32 to vector<16xf32>
        %min3A_840 = arith.minimumf %min3A_839, %max3A_838 : vector<16xf32>
        %exp3A_841 = math.exp %min3A_840 : vector<16xf32>
        %get3A_842 = arith.index_cast %add3A_800 : i32 to index
        %get3A_843 = arith.constant 16 : index
        %get3A_844 = tpu.vector_load %arg13[%get3A_842, %get3A_843] {strides = array<i32>} : memref<48x128xf32, #tpu.memory_space<vmem>>, vector<16xf32>,
        %mul3A_845 = arith.mulf %get3A_844, %exp3A_841 : vector<16xf32>
        %swap3A_846 = arith.index_cast %add3A_800 : i32 to index
        %swap3A_847 = arith.constant 16 : index
        %swap3A_848 = tpu.vector_load %arg14[%swap3A_846, %swap3A_847] {strides = array<i32>} : memref<48x128xf32, #tpu.memory_space<vmem>>, vector<16xf32>,
        tpu.vector_store %arg14[%swap3A_846, %swap3A_847], %mul3A_845 {strides = array<i32>} : memref<48x128xf32, #tpu.memory_space<vmem>>, vector<16xf32>,
        %eq3A_849 = arith.constant 1 : i32
        %eq3A_850 = vector.broadcast %eq3A_849 : i32 to vector<16xi32>
        %eq3A_851 = arith.cmpi eq, %iota3A, %eq3A_850 : vector<16xi32>
        %select_n3A_852 = arith.select %eq3A_851, %exp3A_841, %select_n3A : vector<16xi1>, vector<16xf32>
        %get3A_853 = arith.index_cast %add3A_800 : i32 to index
        %get3A_854 = arith.constant 32 : index
        %get3A_855 = tpu.vector_load %arg11[%get3A_853, %get3A_854] {strides = array<i32>} : memref<48x128xf32, #tpu.memory_space<vmem>>, vector<16xf32>,
        %get3A_856 = arith.index_cast %add3A_800 : i32 to index
        %get3A_857 = arith.constant 32 : index
        %get3A_858 = tpu.vector_load %arg12[%get3A_856, %get3A_857] {strides = array<i32>} : memref<48x128xf32, #tpu.memory_space<vmem>>, vector<16xf32>,
        %mul3A_859 = arith.mulf %get3A_855, %get3A_858 : vector<16xf32>
        %broadcast_in_dim3A_860 = arith.constant true
        %broadcast_in_dim3A_861 = vector.broadcast %broadcast_in_dim3A_860 : i1 to vector<16xi1>
        %masked_cumsum3A_862 = tpu.scan <sum>, %mul3A_859 masked %broadcast_in_dim3A_861 : vector<16xf32>, vector<16xi1> -> vector<16xf32>
        %gather3A_863 = vector.shape_cast %broadcast_in_dim3A_16 : vector<16x1xi32> to vector<16xi32>
        %gather3A_864 = tpu.dynamic_gather %masked_cumsum3A_862[%gather3A_863] in [0] : vector<16xf32>, vector<16xi32> -> vector<16xf32>
        %jit3A_865 = arith.constant -5.000000e+00 : f32
        %jit3A_866 = arith.constant 5.000000e+00 : f32
        %max3A_867 = vector.broadcast %jit3A_865 : f32 to vector<16xf32>
        %max3A_868 = arith.maximumf %max3A_867, %gather3A_864 : vector<16xf32>
        %min3A_869 = vector.broadcast %jit3A_866 : f32 to vector<16xf32>
        %min3A_870 = arith.minimumf %min3A_869, %max3A_868 : vector<16xf32>
        %exp3A_871 = math.exp %min3A_870 : vector<16xf32>
        %get3A_872 = arith.index_cast %add3A_800 : i32 to index
        %get3A_873 = arith.constant 32 : index
        %get3A_874 = tpu.vector_load %arg13[%get3A_872, %get3A_873] {strides = array<i32>} : memref<48x128xf32, #tpu.memory_space<vmem>>, vector<16xf32>,
        %mul3A_875 = arith.mulf %get3A_874, %exp3A_871 : vector<16xf32>
        %swap3A_876 = arith.index_cast %add3A_800 : i32 to index
        %swap3A_877 = arith.constant 32 : index
        %swap3A_878 = tpu.vector_load %arg14[%swap3A_876, %swap3A_877] {strides = array<i32>} : memref<48x128xf32, #tpu.memory_space<vmem>>, vector<16xf32>,
        tpu.vector_store %arg14[%swap3A_876, %swap3A_877], %mul3A_875 {strides = array<i32>} : memref<48x128xf32, #tpu.memory_space<vmem>>, vector<16xf32>,
        %eq3A_879 = arith.constant 2 : i32
        %eq3A_880 = vector.broadcast %eq3A_879 : i32 to vector<16xi32>
        %eq3A_881 = arith.cmpi eq, %iota3A, %eq3A_880 : vector<16xi32>
        %select_n3A_882 = arith.select %eq3A_881, %exp3A_871, %select_n3A_852 : vector<16xi1>, vector<16xf32>
        %get3A_883 = arith.index_cast %add3A_800 : i32 to index
        %get3A_884 = arith.constant 48 : index
        %get3A_885 = tpu.vector_load %arg11[%get3A_883, %get3A_884] {strides = array<i32>} : memref<48x128xf32, #tpu.memory_space<vmem>>, vector<16xf32>,
        %get3A_886 = arith.index_cast %add3A_800 : i32 to index
        %get3A_887 = arith.constant 48 : index
        %get3A_888 = tpu.vector_load %arg12[%get3A_886, %get3A_887] {strides = array<i32>} : memref<48x128xf32, #tpu.memory_space<vmem>>, vector<16xf32>,
        %mul3A_889 = arith.mulf %get3A_885, %get3A_888 : vector<16xf32>
        %broadcast_in_dim3A_890 = arith.constant true
        %broadcast_in_dim3A_891 = vector.broadcast %broadcast_in_dim3A_890 : i1 to vector<16xi1>
        %masked_cumsum3A_892 = tpu.scan <sum>, %mul3A_889 masked %broadcast_in_dim3A_891 : vector<16xf32>, vector<16xi1> -> vector<16xf32>
        %gather3A_893 = vector.shape_cast %broadcast_in_dim3A_16 : vector<16x1xi32> to vector<16xi32>
        %gather3A_894 = tpu.dynamic_gather %masked_cumsum3A_892[%gather3A_893] in [0] : vector<16xf32>, vector<16xi32> -> vector<16xf32>
        %jit3A_895 = arith.constant -5.000000e+00 : f32
        %jit3A_896 = arith.constant 5.000000e+00 : f32
        %max3A_897 = vector.broadcast %jit3A_895 : f32 to vector<16xf32>
        %max3A_898 = arith.maximumf %max3A_897, %gather3A_894 : vector<16xf32>
        %min3A_899 = vector.broadcast %jit3A_896 : f32 to vector<16xf32>
        %min3A_900 = arith.minimumf %min3A_899, %max3A_898 : vector<16xf32>
        %exp3A_901 = math.exp %min3A_900 : vector<16xf32>
        %get3A_902 = arith.index_cast %add3A_800 : i32 to index
        %get3A_903 = arith.constant 48 : index
        %get3A_904 = tpu.vector_load %arg13[%get3A_902, %get3A_903] {strides = array<i32>} : memref<48x128xf32, #tpu.memory_space<vmem>>, vector<16xf32>,
        %mul3A_905 = arith.mulf %get3A_904, %exp3A_901 : vector<16xf32>
        %swap3A_906 = arith.index_cast %add3A_800 : i32 to index
        %swap3A_907 = arith.constant 48 : index
        %swap3A_908 = tpu.vector_load %arg14[%swap3A_906, %swap3A_907] {strides = array<i32>} : memref<48x128xf32, #tpu.memory_space<vmem>>, vector<16xf32>,
        tpu.vector_store %arg14[%swap3A_906, %swap3A_907], %mul3A_905 {strides = array<i32>} : memref<48x128xf32, #tpu.memory_space<vmem>>, vector<16xf32>,
        %eq3A_909 = arith.constant 3 : i32
        %eq3A_910 = vector.broadcast %eq3A_909 : i32 to vector<16xi32>
        %eq3A_911 = arith.cmpi eq, %iota3A, %eq3A_910 : vector<16xi32>
        %select_n3A_912 = arith.select %eq3A_911, %exp3A_901, %select_n3A_882 : vector<16xi1>, vector<16xf32>
        %get3A_913 = arith.index_cast %add3A_800 : i32 to index
        %get3A_914 = arith.constant 64 : index
        %get3A_915 = tpu.vector_load %arg11[%get3A_913, %get3A_914] {strides = array<i32>} : memref<48x128xf32, #tpu.memory_space<vmem>>, vector<16xf32>,
        %get3A_916 = arith.index_cast %add3A_800 : i32 to index
        %get3A_917 = arith.constant 64 : index
        %get3A_918 = tpu.vector_load %arg12[%get3A_916, %get3A_917] {strides = array<i32>} : memref<48x128xf32, #tpu.memory_space<vmem>>, vector<16xf32>,
        %mul3A_919 = arith.mulf %get3A_915, %get3A_918 : vector<16xf32>
        %broadcast_in_dim3A_920 = arith.constant true
        %broadcast_in_dim3A_921 = vector.broadcast %broadcast_in_dim3A_920 : i1 to vector<16xi1>
        %masked_cumsum3A_922 = tpu.scan <sum>, %mul3A_919 masked %broadcast_in_dim3A_921 : vector<16xf32>, vector<16xi1> -> vector<16xf32>
        %gather3A_923 = vector.shape_cast %broadcast_in_dim3A_16 : vector<16x1xi32> to vector<16xi32>
        %gather3A_924 = tpu.dynamic_gather %masked_cumsum3A_922[%gather3A_923] in [0] : vector<16xf32>, vector<16xi32> -> vector<16xf32>
        %jit3A_925 = arith.constant -5.000000e+00 : f32
        %jit3A_926 = arith.constant 5.000000e+00 : f32
        %max3A_927 = vector.broadcast %jit3A_925 : f32 to vector<16xf32>
        %max3A_928 = arith.maximumf %max3A_927, %gather3A_924 : vector<16xf32>
        %min3A_929 = vector.broadcast %jit3A_926 : f32 to vector<16xf32>
        %min3A_930 = arith.minimumf %min3A_929, %max3A_928 : vector<16xf32>
        %exp3A_931 = math.exp %min3A_930 : vector<16xf32>
        %get3A_932 = arith.index_cast %add3A_800 : i32 to index
        %get3A_933 = arith.constant 64 : index
        %get3A_934 = tpu.vector_load %arg13[%get3A_932, %get3A_933] {strides = array<i32>} : memref<48x128xf32, #tpu.memory_space<vmem>>, vector<16xf32>,
        %mul3A_935 = arith.mulf %get3A_934, %exp3A_931 : vector<16xf32>
        %swap3A_936 = arith.index_cast %add3A_800 : i32 to index
        %swap3A_937 = arith.constant 64 : index
        %swap3A_938 = tpu.vector_load %arg14[%swap3A_936, %swap3A_937] {strides = array<i32>} : memref<48x128xf32, #tpu.memory_space<vmem>>, vector<16xf32>,
        tpu.vector_store %arg14[%swap3A_936, %swap3A_937], %mul3A_935 {strides = array<i32>} : memref<48x128xf32, #tpu.memory_space<vmem>>, vector<16xf32>,
        %eq3A_939 = arith.constant 4 : i32
        %eq3A_940 = vector.broadcast %eq3A_939 : i32 to vector<16xi32>
        %eq3A_941 = arith.cmpi eq, %iota3A, %eq3A_940 : vector<16xi32>
        %select_n3A_942 = arith.select %eq3A_941, %exp3A_931, %select_n3A_912 : vector<16xi1>, vector<16xf32>
        %get3A_943 = arith.index_cast %add3A_800 : i32 to index
        %get3A_944 = arith.constant 80 : index
        %get3A_945 = tpu.vector_load %arg11[%get3A_943, %get3A_944] {strides = array<i32>} : memref<48x128xf32, #tpu.memory_space<vmem>>, vector<16xf32>,
        %get3A_946 = arith.index_cast %add3A_800 : i32 to index
        %get3A_947 = arith.constant 80 : index
        %get3A_948 = tpu.vector_load %arg12[%get3A_946, %get3A_947] {strides = array<i32>} : memref<48x128xf32, #tpu.memory_space<vmem>>, vector<16xf32>,
        %mul3A_949 = arith.mulf %get3A_945, %get3A_948 : vector<16xf32>
        %broadcast_in_dim3A_950 = arith.constant true
        %broadcast_in_dim3A_951 = vector.broadcast %broadcast_in_dim3A_950 : i1 to vector<16xi1>
        %masked_cumsum3A_952 = tpu.scan <sum>, %mul3A_949 masked %broadcast_in_dim3A_951 : vector<16xf32>, vector<16xi1> -> vector<16xf32>
        %gather3A_953 = vector.shape_cast %broadcast_in_dim3A_16 : vector<16x1xi32> to vector<16xi32>
        %gather3A_954 = tpu.dynamic_gather %masked_cumsum3A_952[%gather3A_953] in [0] : vector<16xf32>, vector<16xi32> -> vector<16xf32>
        %jit3A_955 = arith.constant -5.000000e+00 : f32
        %jit3A_956 = arith.constant 5.000000e+00 : f32
        %max3A_957 = vector.broadcast %jit3A_955 : f32 to vector<16xf32>
        %max3A_958 = arith.maximumf %max3A_957, %gather3A_954 : vector<16xf32>
        %min3A_959 = vector.broadcast %jit3A_956 : f32 to vector<16xf32>
        %min3A_960 = arith.minimumf %min3A_959, %max3A_958 : vector<16xf32>
        %exp3A_961 = math.exp %min3A_960 : vector<16xf32>
        %get3A_962 = arith.index_cast %add3A_800 : i32 to index
        %get3A_963 = arith.constant 80 : index
        %get3A_964 = tpu.vector_load %arg13[%get3A_962, %get3A_963] {strides = array<i32>} : memref<48x128xf32, #tpu.memory_space<vmem>>, vector<16xf32>,
        %mul3A_965 = arith.mulf %get3A_964, %exp3A_961 : vector<16xf32>
        %swap3A_966 = arith.index_cast %add3A_800 : i32 to index
        %swap3A_967 = arith.constant 80 : index
        %swap3A_968 = tpu.vector_load %arg14[%swap3A_966, %swap3A_967] {strides = array<i32>} : memref<48x128xf32, #tpu.memory_space<vmem>>, vector<16xf32>,
        tpu.vector_store %arg14[%swap3A_966, %swap3A_967], %mul3A_965 {strides = array<i32>} : memref<48x128xf32, #tpu.memory_space<vmem>>, vector<16xf32>,
        %eq3A_969 = arith.constant 5 : i32
        %eq3A_970 = vector.broadcast %eq3A_969 : i32 to vector<16xi32>
        %eq3A_971 = arith.cmpi eq, %iota3A, %eq3A_970 : vector<16xi32>
        %select_n3A_972 = arith.select %eq3A_971, %exp3A_961, %select_n3A_942 : vector<16xi1>, vector<16xf32>
        %get3A_973 = arith.index_cast %add3A_800 : i32 to index
        %get3A_974 = arith.constant 96 : index
        %get3A_975 = tpu.vector_load %arg11[%get3A_973, %get3A_974] {strides = array<i32>} : memref<48x128xf32, #tpu.memory_space<vmem>>, vector<16xf32>,
        %get3A_976 = arith.index_cast %add3A_800 : i32 to index
        %get3A_977 = arith.constant 96 : index
        %get3A_978 = tpu.vector_load %arg12[%get3A_976, %get3A_977] {strides = array<i32>} : memref<48x128xf32, #tpu.memory_space<vmem>>, vector<16xf32>,
        %mul3A_979 = arith.mulf %get3A_975, %get3A_978 : vector<16xf32>
        %broadcast_in_dim3A_980 = arith.constant true
        %broadcast_in_dim3A_981 = vector.broadcast %broadcast_in_dim3A_980 : i1 to vector<16xi1>
        %masked_cumsum3A_982 = tpu.scan <sum>, %mul3A_979 masked %broadcast_in_dim3A_981 : vector<16xf32>, vector<16xi1> -> vector<16xf32>
        %gather3A_983 = vector.shape_cast %broadcast_in_dim3A_16 : vector<16x1xi32> to vector<16xi32>
        %gather3A_984 = tpu.dynamic_gather %masked_cumsum3A_982[%gather3A_983] in [0] : vector<16xf32>, vector<16xi32> -> vector<16xf32>
        %jit3A_985 = arith.constant -5.000000e+00 : f32
        %jit3A_986 = arith.constant 5.000000e+00 : f32
        %max3A_987 = vector.broadcast %jit3A_985 : f32 to vector<16xf32>
        %max3A_988 = arith.maximumf %max3A_987, %gather3A_984 : vector<16xf32>
        %min3A_989 = vector.broadcast %jit3A_986 : f32 to vector<16xf32>
        %min3A_990 = arith.minimumf %min3A_989, %max3A_988 : vector<16xf32>
        %exp3A_991 = math.exp %min3A_990 : vector<16xf32>
        %get3A_992 = arith.index_cast %add3A_800 : i32 to index
        %get3A_993 = arith.constant 96 : index
        %get3A_994 = tpu.vector_load %arg13[%get3A_992, %get3A_993] {strides = array<i32>} : memref<48x128xf32, #tpu.memory_space<vmem>>, vector<16xf32>,
        %mul3A_995 = arith.mulf %get3A_994, %exp3A_991 : vector<16xf32>
        %swap3A_996 = arith.index_cast %add3A_800 : i32 to index
        %swap3A_997 = arith.constant 96 : index
        %swap3A_998 = tpu.vector_load %arg14[%swap3A_996, %swap3A_997] {strides = array<i32>} : memref<48x128xf32, #tpu.memory_space<vmem>>, vector<16xf32>,
        tpu.vector_store %arg14[%swap3A_996, %swap3A_997], %mul3A_995 {strides = array<i32>} : memref<48x128xf32, #tpu.memory_space<vmem>>, vector<16xf32>,
        %eq3A_999 = arith.constant 6 : i32
        %eq3A_1000 = vector.broadcast %eq3A_999 : i32 to vector<16xi32>
        %eq3A_1001 = arith.cmpi eq, %iota3A, %eq3A_1000 : vector<16xi32>
        %select_n3A_1002 = arith.select %eq3A_1001, %exp3A_991, %select_n3A_972 : vector<16xi1>, vector<16xf32>
        %get3A_1003 = arith.index_cast %add3A_800 : i32 to index
        %get3A_1004 = arith.constant 112 : index
        %get3A_1005 = tpu.vector_load %arg11[%get3A_1003, %get3A_1004] {strides = array<i32>} : memref<48x128xf32, #tpu.memory_space<vmem>>, vector<16xf32>,
        %get3A_1006 = arith.index_cast %add3A_800 : i32 to index
        %get3A_1007 = arith.constant 112 : index
        %get3A_1008 = tpu.vector_load %arg12[%get3A_1006, %get3A_1007] {strides = array<i32>} : memref<48x128xf32, #tpu.memory_space<vmem>>, vector<16xf32>,
        %mul3A_1009 = arith.mulf %get3A_1005, %get3A_1008 : vector<16xf32>
        %broadcast_in_dim3A_1010 = arith.constant true
        %broadcast_in_dim3A_1011 = vector.broadcast %broadcast_in_dim3A_1010 : i1 to vector<16xi1>
        %masked_cumsum3A_1012 = tpu.scan <sum>, %mul3A_1009 masked %broadcast_in_dim3A_1011 : vector<16xf32>, vector<16xi1> -> vector<16xf32>
        %gather3A_1013 = vector.shape_cast %broadcast_in_dim3A_16 : vector<16x1xi32> to vector<16xi32>
        %gather3A_1014 = tpu.dynamic_gather %masked_cumsum3A_1012[%gather3A_1013] in [0] : vector<16xf32>, vector<16xi32> -> vector<16xf32>
        %jit3A_1015 = arith.constant -5.000000e+00 : f32
        %jit3A_1016 = arith.constant 5.000000e+00 : f32
        %max3A_1017 = vector.broadcast %jit3A_1015 : f32 to vector<16xf32>
        %max3A_1018 = arith.maximumf %max3A_1017, %gather3A_1014 : vector<16xf32>
        %min3A_1019 = vector.broadcast %jit3A_1016 : f32 to vector<16xf32>
        %min3A_1020 = arith.minimumf %min3A_1019, %max3A_1018 : vector<16xf32>
        %exp3A_1021 = math.exp %min3A_1020 : vector<16xf32>
        %get3A_1022 = arith.index_cast %add3A_800 : i32 to index
        %get3A_1023 = arith.constant 112 : index
        %get3A_1024 = tpu.vector_load %arg13[%get3A_1022, %get3A_1023] {strides = array<i32>} : memref<48x128xf32, #tpu.memory_space<vmem>>, vector<16xf32>,
        %mul3A_1025 = arith.mulf %get3A_1024, %exp3A_1021 : vector<16xf32>
        %swap3A_1026 = arith.index_cast %add3A_800 : i32 to index
        %swap3A_1027 = arith.constant 112 : index
        %swap3A_1028 = tpu.vector_load %arg14[%swap3A_1026, %swap3A_1027] {strides = array<i32>} : memref<48x128xf32, #tpu.memory_space<vmem>>, vector<16xf32>,
        tpu.vector_store %arg14[%swap3A_1026, %swap3A_1027], %mul3A_1025 {strides = array<i32>} : memref<48x128xf32, #tpu.memory_space<vmem>>, vector<16xf32>,
        %eq3A_1029 = arith.constant 7 : i32
        %eq3A_1030 = vector.broadcast %eq3A_1029 : i32 to vector<16xi32>
        %eq3A_1031 = arith.cmpi eq, %iota3A, %eq3A_1030 : vector<16xi32>
        %select_n3A_1032 = arith.select %eq3A_1031, %exp3A_1021, %select_n3A_1002 : vector<16xi1>, vector<16xf32>
        %swap3A_1033 = arith.index_cast %add3A_800 : i32 to index
        %swap3A_1034 = arith.constant 0 : index
        %swap3A_1035 = tpu.vector_load %arg15[%swap3A_1033, %swap3A_1034] {strides = array<i32>} : memref<48x16xf32, #tpu.memory_space<vmem>>, vector<16xf32>,
        tpu.vector_store %arg15[%swap3A_1033, %swap3A_1034], %select_n3A_1032 {strides = array<i32>} : memref<48x16xf32, #tpu.memory_space<vmem>>, vector<16xf32>,
        %mul3A_1036 = arith.constant 2 : i32
        %mul3A_1037 = arith.muli %scan3A_794, %mul3A_1036 : i32
        %add3A_1038 = arith.constant 24 : i32
        %add3A_1039 = arith.addi %add3A_1038, %mul3A_1037 : i32
        %add3A_1040 = arith.constant 1 : i32
        %add3A_1041 = arith.addi %add3A_1039, %add3A_1040 : i32
        %broadcast_in_dim3A_1042 = arith.constant 0.000000e+00 : f32
        %broadcast_in_dim3A_1043 = vector.broadcast %broadcast_in_dim3A_1042 : f32 to vector<16xf32>
        %get3A_1044 = arith.index_cast %add3A_1041 : i32 to index
        %get3A_1045 = arith.constant 0 : index
        %get3A_1046 = tpu.vector_load %arg11[%get3A_1044, %get3A_1045] {strides = array<i32>} : memref<48x128xf32, #tpu.memory_space<vmem>>, vector<16xf32>,
        %get3A_1047 = arith.index_cast %add3A_1041 : i32 to index
        %get3A_1048 = arith.constant 0 : index
        %get3A_1049 = tpu.vector_load %arg12[%get3A_1047, %get3A_1048] {strides = array<i32>} : memref<48x128xf32, #tpu.memory_space<vmem>>, vector<16xf32>,
        %mul3A_1050 = arith.mulf %get3A_1046, %get3A_1049 : vector<16xf32>
        %broadcast_in_dim3A_1051 = arith.constant true
        %broadcast_in_dim3A_1052 = vector.broadcast %broadcast_in_dim3A_1051 : i1 to vector<16xi1>
        %masked_cumsum3A_1053 = tpu.scan <sum>, %mul3A_1050 masked %broadcast_in_dim3A_1052 : vector<16xf32>, vector<16xi1> -> vector<16xf32>
        %gather3A_1054 = vector.shape_cast %broadcast_in_dim3A_16 : vector<16x1xi32> to vector<16xi32>
        %gather3A_1055 = tpu.dynamic_gather %masked_cumsum3A_1053[%gather3A_1054] in [0] : vector<16xf32>, vector<16xi32> -> vector<16xf32>
        %jit3A_1056 = arith.constant -5.000000e+00 : f32
        %jit3A_1057 = arith.constant 5.000000e+00 : f32
        %max3A_1058 = vector.broadcast %jit3A_1056 : f32 to vector<16xf32>
        %max3A_1059 = arith.maximumf %max3A_1058, %gather3A_1055 : vector<16xf32>
        %min3A_1060 = vector.broadcast %jit3A_1057 : f32 to vector<16xf32>
        %min3A_1061 = arith.minimumf %min3A_1060, %max3A_1059 : vector<16xf32>
        %exp3A_1062 = math.exp %min3A_1061 : vector<16xf32>
        %get3A_1063 = arith.index_cast %add3A_1041 : i32 to index
        %get3A_1064 = arith.constant 0 : index
        %get3A_1065 = tpu.vector_load %arg13[%get3A_1063, %get3A_1064] {strides = array<i32>} : memref<48x128xf32, #tpu.memory_space<vmem>>, vector<16xf32>,
        %mul3A_1066 = arith.mulf %get3A_1065, %exp3A_1062 : vector<16xf32>
        %swap3A_1067 = arith.index_cast %add3A_1041 : i32 to index
        %swap3A_1068 = arith.constant 0 : index
        %swap3A_1069 = tpu.vector_load %arg14[%swap3A_1067, %swap3A_1068] {strides = array<i32>} : memref<48x128xf32, #tpu.memory_space<vmem>>, vector<16xf32>,
        tpu.vector_store %arg14[%swap3A_1067, %swap3A_1068], %mul3A_1066 {strides = array<i32>} : memref<48x128xf32, #tpu.memory_space<vmem>>, vector<16xf32>,
        %eq3A_1070 = arith.constant 0 : i32
        %eq3A_1071 = vector.broadcast %eq3A_1070 : i32 to vector<16xi32>
        %eq3A_1072 = arith.cmpi eq, %iota3A, %eq3A_1071 : vector<16xi32>
        %select_n3A_1073 = arith.select %eq3A_1072, %exp3A_1062, %broadcast_in_dim3A_1043 : vector<16xi1>, vector<16xf32>
        %get3A_1074 = arith.index_cast %add3A_1041 : i32 to index
        %get3A_1075 = arith.constant 16 : index
        %get3A_1076 = tpu.vector_load %arg11[%get3A_1074, %get3A_1075] {strides = array<i32>} : memref<48x128xf32, #tpu.memory_space<vmem>>, vector<16xf32>,
        %get3A_1077 = arith.index_cast %add3A_1041 : i32 to index
        %get3A_1078 = arith.constant 16 : index
        %get3A_1079 = tpu.vector_load %arg12[%get3A_1077, %get3A_1078] {strides = array<i32>} : memref<48x128xf32, #tpu.memory_space<vmem>>, vector<16xf32>,
        %mul3A_1080 = arith.mulf %get3A_1076, %get3A_1079 : vector<16xf32>
        %broadcast_in_dim3A_1081 = arith.constant true
        %broadcast_in_dim3A_1082 = vector.broadcast %broadcast_in_dim3A_1081 : i1 to vector<16xi1>
        %masked_cumsum3A_1083 = tpu.scan <sum>, %mul3A_1080 masked %broadcast_in_dim3A_1082 : vector<16xf32>, vector<16xi1> -> vector<16xf32>
        %gather3A_1084 = vector.shape_cast %broadcast_in_dim3A_16 : vector<16x1xi32> to vector<16xi32>
        %gather3A_1085 = tpu.dynamic_gather %masked_cumsum3A_1083[%gather3A_1084] in [0] : vector<16xf32>, vector<16xi32> -> vector<16xf32>
        %jit3A_1086 = arith.constant -5.000000e+00 : f32
        %jit3A_1087 = arith.constant 5.000000e+00 : f32
        %max3A_1088 = vector.broadcast %jit3A_1086 : f32 to vector<16xf32>
        %max3A_1089 = arith.maximumf %max3A_1088, %gather3A_1085 : vector<16xf32>
        %min3A_1090 = vector.broadcast %jit3A_1087 : f32 to vector<16xf32>
        %min3A_1091 = arith.minimumf %min3A_1090, %max3A_1089 : vector<16xf32>
        %exp3A_1092 = math.exp %min3A_1091 : vector<16xf32>
        %get3A_1093 = arith.index_cast %add3A_1041 : i32 to index
        %get3A_1094 = arith.constant 16 : index
        %get3A_1095 = tpu.vector_load %arg13[%get3A_1093, %get3A_1094] {strides = array<i32>} : memref<48x128xf32, #tpu.memory_space<vmem>>, vector<16xf32>,
        %mul3A_1096 = arith.mulf %get3A_1095, %exp3A_1092 : vector<16xf32>
        %swap3A_1097 = arith.index_cast %add3A_1041 : i32 to index
        %swap3A_1098 = arith.constant 16 : index
        %swap3A_1099 = tpu.vector_load %arg14[%swap3A_1097, %swap3A_1098] {strides = array<i32>} : memref<48x128xf32, #tpu.memory_space<vmem>>, vector<16xf32>,
        tpu.vector_store %arg14[%swap3A_1097, %swap3A_1098], %mul3A_1096 {strides = array<i32>} : memref<48x128xf32, #tpu.memory_space<vmem>>, vector<16xf32>,
        %eq3A_1100 = arith.constant 1 : i32
        %eq3A_1101 = vector.broadcast %eq3A_1100 : i32 to vector<16xi32>
        %eq3A_1102 = arith.cmpi eq, %iota3A, %eq3A_1101 : vector<16xi32>
        %select_n3A_1103 = arith.select %eq3A_1102, %exp3A_1092, %select_n3A_1073 : vector<16xi1>, vector<16xf32>
        %get3A_1104 = arith.index_cast %add3A_1041 : i32 to index
        %get3A_1105 = arith.constant 32 : index
        %get3A_1106 = tpu.vector_load %arg11[%get3A_1104, %get3A_1105] {strides = array<i32>} : memref<48x128xf32, #tpu.memory_space<vmem>>, vector<16xf32>,
        %get3A_1107 = arith.index_cast %add3A_1041 : i32 to index
        %get3A_1108 = arith.constant 32 : index
        %get3A_1109 = tpu.vector_load %arg12[%get3A_1107, %get3A_1108] {strides = array<i32>} : memref<48x128xf32, #tpu.memory_space<vmem>>, vector<16xf32>,
        %mul3A_1110 = arith.mulf %get3A_1106, %get3A_1109 : vector<16xf32>
        %broadcast_in_dim3A_1111 = arith.constant true
        %broadcast_in_dim3A_1112 = vector.broadcast %broadcast_in_dim3A_1111 : i1 to vector<16xi1>
        %masked_cumsum3A_1113 = tpu.scan <sum>, %mul3A_1110 masked %broadcast_in_dim3A_1112 : vector<16xf32>, vector<16xi1> -> vector<16xf32>
        %gather3A_1114 = vector.shape_cast %broadcast_in_dim3A_16 : vector<16x1xi32> to vector<16xi32>
        %gather3A_1115 = tpu.dynamic_gather %masked_cumsum3A_1113[%gather3A_1114] in [0] : vector<16xf32>, vector<16xi32> -> vector<16xf32>
        %jit3A_1116 = arith.constant -5.000000e+00 : f32
        %jit3A_1117 = arith.constant 5.000000e+00 : f32
        %max3A_1118 = vector.broadcast %jit3A_1116 : f32 to vector<16xf32>
        %max3A_1119 = arith.maximumf %max3A_1118, %gather3A_1115 : vector<16xf32>
        %min3A_1120 = vector.broadcast %jit3A_1117 : f32 to vector<16xf32>
        %min3A_1121 = arith.minimumf %min3A_1120, %max3A_1119 : vector<16xf32>
        %exp3A_1122 = math.exp %min3A_1121 : vector<16xf32>
        %get3A_1123 = arith.index_cast %add3A_1041 : i32 to index
        %get3A_1124 = arith.constant 32 : index
        %get3A_1125 = tpu.vector_load %arg13[%get3A_1123, %get3A_1124] {strides = array<i32>} : memref<48x128xf32, #tpu.memory_space<vmem>>, vector<16xf32>,
        %mul3A_1126 = arith.mulf %get3A_1125, %exp3A_1122 : vector<16xf32>
        %swap3A_1127 = arith.index_cast %add3A_1041 : i32 to index
        %swap3A_1128 = arith.constant 32 : index
        %swap3A_1129 = tpu.vector_load %arg14[%swap3A_1127, %swap3A_1128] {strides = array<i32>} : memref<48x128xf32, #tpu.memory_space<vmem>>, vector<16xf32>,
        tpu.vector_store %arg14[%swap3A_1127, %swap3A_1128], %mul3A_1126 {strides = array<i32>} : memref<48x128xf32, #tpu.memory_space<vmem>>, vector<16xf32>,
        %eq3A_1130 = arith.constant 2 : i32
        %eq3A_1131 = vector.broadcast %eq3A_1130 : i32 to vector<16xi32>
        %eq3A_1132 = arith.cmpi eq, %iota3A, %eq3A_1131 : vector<16xi32>
        %select_n3A_1133 = arith.select %eq3A_1132, %exp3A_1122, %select_n3A_1103 : vector<16xi1>, vector<16xf32>
        %get3A_1134 = arith.index_cast %add3A_1041 : i32 to index
        %get3A_1135 = arith.constant 48 : index
        %get3A_1136 = tpu.vector_load %arg11[%get3A_1134, %get3A_1135] {strides = array<i32>} : memref<48x128xf32, #tpu.memory_space<vmem>>, vector<16xf32>,
        %get3A_1137 = arith.index_cast %add3A_1041 : i32 to index
        %get3A_1138 = arith.constant 48 : index
        %get3A_1139 = tpu.vector_load %arg12[%get3A_1137, %get3A_1138] {strides = array<i32>} : memref<48x128xf32, #tpu.memory_space<vmem>>, vector<16xf32>,
        %mul3A_1140 = arith.mulf %get3A_1136, %get3A_1139 : vector<16xf32>
        %broadcast_in_dim3A_1141 = arith.constant true
        %broadcast_in_dim3A_1142 = vector.broadcast %broadcast_in_dim3A_1141 : i1 to vector<16xi1>
        %masked_cumsum3A_1143 = tpu.scan <sum>, %mul3A_1140 masked %broadcast_in_dim3A_1142 : vector<16xf32>, vector<16xi1> -> vector<16xf32>
        %gather3A_1144 = vector.shape_cast %broadcast_in_dim3A_16 : vector<16x1xi32> to vector<16xi32>
        %gather3A_1145 = tpu.dynamic_gather %masked_cumsum3A_1143[%gather3A_1144] in [0] : vector<16xf32>, vector<16xi32> -> vector<16xf32>
        %jit3A_1146 = arith.constant -5.000000e+00 : f32
        %jit3A_1147 = arith.constant 5.000000e+00 : f32
        %max3A_1148 = vector.broadcast %jit3A_1146 : f32 to vector<16xf32>
        %max3A_1149 = arith.maximumf %max3A_1148, %gather3A_1145 : vector<16xf32>
        %min3A_1150 = vector.broadcast %jit3A_1147 : f32 to vector<16xf32>
        %min3A_1151 = arith.minimumf %min3A_1150, %max3A_1149 : vector<16xf32>
        %exp3A_1152 = math.exp %min3A_1151 : vector<16xf32>
        %get3A_1153 = arith.index_cast %add3A_1041 : i32 to index
        %get3A_1154 = arith.constant 48 : index
        %get3A_1155 = tpu.vector_load %arg13[%get3A_1153, %get3A_1154] {strides = array<i32>} : memref<48x128xf32, #tpu.memory_space<vmem>>, vector<16xf32>,
        %mul3A_1156 = arith.mulf %get3A_1155, %exp3A_1152 : vector<16xf32>
        %swap3A_1157 = arith.index_cast %add3A_1041 : i32 to index
        %swap3A_1158 = arith.constant 48 : index
        %swap3A_1159 = tpu.vector_load %arg14[%swap3A_1157, %swap3A_1158] {strides = array<i32>} : memref<48x128xf32, #tpu.memory_space<vmem>>, vector<16xf32>,
        tpu.vector_store %arg14[%swap3A_1157, %swap3A_1158], %mul3A_1156 {strides = array<i32>} : memref<48x128xf32, #tpu.memory_space<vmem>>, vector<16xf32>,
        %eq3A_1160 = arith.constant 3 : i32
        %eq3A_1161 = vector.broadcast %eq3A_1160 : i32 to vector<16xi32>
        %eq3A_1162 = arith.cmpi eq, %iota3A, %eq3A_1161 : vector<16xi32>
        %select_n3A_1163 = arith.select %eq3A_1162, %exp3A_1152, %select_n3A_1133 : vector<16xi1>, vector<16xf32>
        %get3A_1164 = arith.index_cast %add3A_1041 : i32 to index
        %get3A_1165 = arith.constant 64 : index
        %get3A_1166 = tpu.vector_load %arg11[%get3A_1164, %get3A_1165] {strides = array<i32>} : memref<48x128xf32, #tpu.memory_space<vmem>>, vector<16xf32>,
        %get3A_1167 = arith.index_cast %add3A_1041 : i32 to index
        %get3A_1168 = arith.constant 64 : index
        %get3A_1169 = tpu.vector_load %arg12[%get3A_1167, %get3A_1168] {strides = array<i32>} : memref<48x128xf32, #tpu.memory_space<vmem>>, vector<16xf32>,
        %mul3A_1170 = arith.mulf %get3A_1166, %get3A_1169 : vector<16xf32>
        %broadcast_in_dim3A_1171 = arith.constant true
        %broadcast_in_dim3A_1172 = vector.broadcast %broadcast_in_dim3A_1171 : i1 to vector<16xi1>
        %masked_cumsum3A_1173 = tpu.scan <sum>, %mul3A_1170 masked %broadcast_in_dim3A_1172 : vector<16xf32>, vector<16xi1> -> vector<16xf32>
        %gather3A_1174 = vector.shape_cast %broadcast_in_dim3A_16 : vector<16x1xi32> to vector<16xi32>
        %gather3A_1175 = tpu.dynamic_gather %masked_cumsum3A_1173[%gather3A_1174] in [0] : vector<16xf32>, vector<16xi32> -> vector<16xf32>
        %jit3A_1176 = arith.constant -5.000000e+00 : f32
        %jit3A_1177 = arith.constant 5.000000e+00 : f32
        %max3A_1178 = vector.broadcast %jit3A_1176 : f32 to vector<16xf32>
        %max3A_1179 = arith.maximumf %max3A_1178, %gather3A_1175 : vector<16xf32>
        %min3A_1180 = vector.broadcast %jit3A_1177 : f32 to vector<16xf32>
        %min3A_1181 = arith.minimumf %min3A_1180, %max3A_1179 : vector<16xf32>
        %exp3A_1182 = math.exp %min3A_1181 : vector<16xf32>
        %get3A_1183 = arith.index_cast %add3A_1041 : i32 to index
        %get3A_1184 = arith.constant 64 : index
        %get3A_1185 = tpu.vector_load %arg13[%get3A_1183, %get3A_1184] {strides = array<i32>} : memref<48x128xf32, #tpu.memory_space<vmem>>, vector<16xf32>,
        %mul3A_1186 = arith.mulf %get3A_1185, %exp3A_1182 : vector<16xf32>
        %swap3A_1187 = arith.index_cast %add3A_1041 : i32 to index
        %swap3A_1188 = arith.constant 64 : index
        %swap3A_1189 = tpu.vector_load %arg14[%swap3A_1187, %swap3A_1188] {strides = array<i32>} : memref<48x128xf32, #tpu.memory_space<vmem>>, vector<16xf32>,
        tpu.vector_store %arg14[%swap3A_1187, %swap3A_1188], %mul3A_1186 {strides = array<i32>} : memref<48x128xf32, #tpu.memory_space<vmem>>, vector<16xf32>,
        %eq3A_1190 = arith.constant 4 : i32
        %eq3A_1191 = vector.broadcast %eq3A_1190 : i32 to vector<16xi32>
        %eq3A_1192 = arith.cmpi eq, %iota3A, %eq3A_1191 : vector<16xi32>
        %select_n3A_1193 = arith.select %eq3A_1192, %exp3A_1182, %select_n3A_1163 : vector<16xi1>, vector<16xf32>
        %get3A_1194 = arith.index_cast %add3A_1041 : i32 to index
        %get3A_1195 = arith.constant 80 : index
        %get3A_1196 = tpu.vector_load %arg11[%get3A_1194, %get3A_1195] {strides = array<i32>} : memref<48x128xf32, #tpu.memory_space<vmem>>, vector<16xf32>,
        %get3A_1197 = arith.index_cast %add3A_1041 : i32 to index
        %get3A_1198 = arith.constant 80 : index
        %get3A_1199 = tpu.vector_load %arg12[%get3A_1197, %get3A_1198] {strides = array<i32>} : memref<48x128xf32, #tpu.memory_space<vmem>>, vector<16xf32>,
        %mul3A_1200 = arith.mulf %get3A_1196, %get3A_1199 : vector<16xf32>
        %broadcast_in_dim3A_1201 = arith.constant true
        %broadcast_in_dim3A_1202 = vector.broadcast %broadcast_in_dim3A_1201 : i1 to vector<16xi1>
        %masked_cumsum3A_1203 = tpu.scan <sum>, %mul3A_1200 masked %broadcast_in_dim3A_1202 : vector<16xf32>, vector<16xi1> -> vector<16xf32>
        %gather3A_1204 = vector.shape_cast %broadcast_in_dim3A_16 : vector<16x1xi32> to vector<16xi32>
        %gather3A_1205 = tpu.dynamic_gather %masked_cumsum3A_1203[%gather3A_1204] in [0] : vector<16xf32>, vector<16xi32> -> vector<16xf32>
        %jit3A_1206 = arith.constant -5.000000e+00 : f32
        %jit3A_1207 = arith.constant 5.000000e+00 : f32
        %max3A_1208 = vector.broadcast %jit3A_1206 : f32 to vector<16xf32>
        %max3A_1209 = arith.maximumf %max3A_1208, %gather3A_1205 : vector<16xf32>
        %min3A_1210 = vector.broadcast %jit3A_1207 : f32 to vector<16xf32>
        %min3A_1211 = arith.minimumf %min3A_1210, %max3A_1209 : vector<16xf32>
        %exp3A_1212 = math.exp %min3A_1211 : vector<16xf32>
        %get3A_1213 = arith.index_cast %add3A_1041 : i32 to index
        %get3A_1214 = arith.constant 80 : index
        %get3A_1215 = tpu.vector_load %arg13[%get3A_1213, %get3A_1214] {strides = array<i32>} : memref<48x128xf32, #tpu.memory_space<vmem>>, vector<16xf32>,
        %mul3A_1216 = arith.mulf %get3A_1215, %exp3A_1212 : vector<16xf32>
        %swap3A_1217 = arith.index_cast %add3A_1041 : i32 to index
        %swap3A_1218 = arith.constant 80 : index
        %swap3A_1219 = tpu.vector_load %arg14[%swap3A_1217, %swap3A_1218] {strides = array<i32>} : memref<48x128xf32, #tpu.memory_space<vmem>>, vector<16xf32>,
        tpu.vector_store %arg14[%swap3A_1217, %swap3A_1218], %mul3A_1216 {strides = array<i32>} : memref<48x128xf32, #tpu.memory_space<vmem>>, vector<16xf32>,
        %eq3A_1220 = arith.constant 5 : i32
        %eq3A_1221 = vector.broadcast %eq3A_1220 : i32 to vector<16xi32>
        %eq3A_1222 = arith.cmpi eq, %iota3A, %eq3A_1221 : vector<16xi32>
        %select_n3A_1223 = arith.select %eq3A_1222, %exp3A_1212, %select_n3A_1193 : vector<16xi1>, vector<16xf32>
        %get3A_1224 = arith.index_cast %add3A_1041 : i32 to index
        %get3A_1225 = arith.constant 96 : index
        %get3A_1226 = tpu.vector_load %arg11[%get3A_1224, %get3A_1225] {strides = array<i32>} : memref<48x128xf32, #tpu.memory_space<vmem>>, vector<16xf32>,
        %get3A_1227 = arith.index_cast %add3A_1041 : i32 to index
        %get3A_1228 = arith.constant 96 : index
        %get3A_1229 = tpu.vector_load %arg12[%get3A_1227, %get3A_1228] {strides = array<i32>} : memref<48x128xf32, #tpu.memory_space<vmem>>, vector<16xf32>,
        %mul3A_1230 = arith.mulf %get3A_1226, %get3A_1229 : vector<16xf32>
        %broadcast_in_dim3A_1231 = arith.constant true
        %broadcast_in_dim3A_1232 = vector.broadcast %broadcast_in_dim3A_1231 : i1 to vector<16xi1>
        %masked_cumsum3A_1233 = tpu.scan <sum>, %mul3A_1230 masked %broadcast_in_dim3A_1232 : vector<16xf32>, vector<16xi1> -> vector<16xf32>
        %gather3A_1234 = vector.shape_cast %broadcast_in_dim3A_16 : vector<16x1xi32> to vector<16xi32>
        %gather3A_1235 = tpu.dynamic_gather %masked_cumsum3A_1233[%gather3A_1234] in [0] : vector<16xf32>, vector<16xi32> -> vector<16xf32>
        %jit3A_1236 = arith.constant -5.000000e+00 : f32
        %jit3A_1237 = arith.constant 5.000000e+00 : f32
        %max3A_1238 = vector.broadcast %jit3A_1236 : f32 to vector<16xf32>
        %max3A_1239 = arith.maximumf %max3A_1238, %gather3A_1235 : vector<16xf32>
        %min3A_1240 = vector.broadcast %jit3A_1237 : f32 to vector<16xf32>
        %min3A_1241 = arith.minimumf %min3A_1240, %max3A_1239 : vector<16xf32>
        %exp3A_1242 = math.exp %min3A_1241 : vector<16xf32>
        %get3A_1243 = arith.index_cast %add3A_1041 : i32 to index
        %get3A_1244 = arith.constant 96 : index
        %get3A_1245 = tpu.vector_load %arg13[%get3A_1243, %get3A_1244] {strides = array<i32>} : memref<48x128xf32, #tpu.memory_space<vmem>>, vector<16xf32>,
        %mul3A_1246 = arith.mulf %get3A_1245, %exp3A_1242 : vector<16xf32>
        %swap3A_1247 = arith.index_cast %add3A_1041 : i32 to index
        %swap3A_1248 = arith.constant 96 : index
        %swap3A_1249 = tpu.vector_load %arg14[%swap3A_1247, %swap3A_1248] {strides = array<i32>} : memref<48x128xf32, #tpu.memory_space<vmem>>, vector<16xf32>,
        tpu.vector_store %arg14[%swap3A_1247, %swap3A_1248], %mul3A_1246 {strides = array<i32>} : memref<48x128xf32, #tpu.memory_space<vmem>>, vector<16xf32>,
        %eq3A_1250 = arith.constant 6 : i32
        %eq3A_1251 = vector.broadcast %eq3A_1250 : i32 to vector<16xi32>
        %eq3A_1252 = arith.cmpi eq, %iota3A, %eq3A_1251 : vector<16xi32>
        %select_n3A_1253 = arith.select %eq3A_1252, %exp3A_1242, %select_n3A_1223 : vector<16xi1>, vector<16xf32>
        %get3A_1254 = arith.index_cast %add3A_1041 : i32 to index
        %get3A_1255 = arith.constant 112 : index
        %get3A_1256 = tpu.vector_load %arg11[%get3A_1254, %get3A_1255] {strides = array<i32>} : memref<48x128xf32, #tpu.memory_space<vmem>>, vector<16xf32>,
        %get3A_1257 = arith.index_cast %add3A_1041 : i32 to index
        %get3A_1258 = arith.constant 112 : index
        %get3A_1259 = tpu.vector_load %arg12[%get3A_1257, %get3A_1258] {strides = array<i32>} : memref<48x128xf32, #tpu.memory_space<vmem>>, vector<16xf32>,
        %mul3A_1260 = arith.mulf %get3A_1256, %get3A_1259 : vector<16xf32>
        %broadcast_in_dim3A_1261 = arith.constant true
        %broadcast_in_dim3A_1262 = vector.broadcast %broadcast_in_dim3A_1261 : i1 to vector<16xi1>
        %masked_cumsum3A_1263 = tpu.scan <sum>, %mul3A_1260 masked %broadcast_in_dim3A_1262 : vector<16xf32>, vector<16xi1> -> vector<16xf32>
        %gather3A_1264 = vector.shape_cast %broadcast_in_dim3A_16 : vector<16x1xi32> to vector<16xi32>
        %gather3A_1265 = tpu.dynamic_gather %masked_cumsum3A_1263[%gather3A_1264] in [0] : vector<16xf32>, vector<16xi32> -> vector<16xf32>
        %jit3A_1266 = arith.constant -5.000000e+00 : f32
        %jit3A_1267 = arith.constant 5.000000e+00 : f32
        %max3A_1268 = vector.broadcast %jit3A_1266 : f32 to vector<16xf32>
        %max3A_1269 = arith.maximumf %max3A_1268, %gather3A_1265 : vector<16xf32>
        %min3A_1270 = vector.broadcast %jit3A_1267 : f32 to vector<16xf32>
        %min3A_1271 = arith.minimumf %min3A_1270, %max3A_1269 : vector<16xf32>
        %exp3A_1272 = math.exp %min3A_1271 : vector<16xf32>
        %get3A_1273 = arith.index_cast %add3A_1041 : i32 to index
        %get3A_1274 = arith.constant 112 : index
        %get3A_1275 = tpu.vector_load %arg13[%get3A_1273, %get3A_1274] {strides = array<i32>} : memref<48x128xf32, #tpu.memory_space<vmem>>, vector<16xf32>,
        %mul3A_1276 = arith.mulf %get3A_1275, %exp3A_1272 : vector<16xf32>
        %swap3A_1277 = arith.index_cast %add3A_1041 : i32 to index
        %swap3A_1278 = arith.constant 112 : index
        %swap3A_1279 = tpu.vector_load %arg14[%swap3A_1277, %swap3A_1278] {strides = array<i32>} : memref<48x128xf32, #tpu.memory_space<vmem>>, vector<16xf32>,
        tpu.vector_store %arg14[%swap3A_1277, %swap3A_1278], %mul3A_1276 {strides = array<i32>} : memref<48x128xf32, #tpu.memory_space<vmem>>, vector<16xf32>,
        %eq3A_1280 = arith.constant 7 : i32
        %eq3A_1281 = vector.broadcast %eq3A_1280 : i32 to vector<16xi32>
        %eq3A_1282 = arith.cmpi eq, %iota3A, %eq3A_1281 : vector<16xi32>
        %select_n3A_1283 = arith.select %eq3A_1282, %exp3A_1272, %select_n3A_1253 : vector<16xi1>, vector<16xf32>
        %swap3A_1284 = arith.index_cast %add3A_1041 : i32 to index
        %swap3A_1285 = arith.constant 0 : index
        %swap3A_1286 = tpu.vector_load %arg15[%swap3A_1284, %swap3A_1285] {strides = array<i32>} : memref<48x16xf32, #tpu.memory_space<vmem>>, vector<16xf32>,
        tpu.vector_store %arg15[%swap3A_1284, %swap3A_1285], %select_n3A_1283 {strides = array<i32>} : memref<48x16xf32, #tpu.memory_space<vmem>>, vector<16xf32>,
      }
      %scan3A_773 = arith.constant 12 : i32
      %dma_start3A_774 = arith.constant 3 : i32
      %dma_start3A_775 = arith.constant 24 : i32
      %dma_start3A_776 = arith.constant 0 : i32
      %dma_start3A_777 = tpu.memref_slice %arg14[%dma_start3A_775, %dma_start3A_776] : memref<48x128xf32, #tpu.memory_space<vmem>> -> memref<24x128xf32, #tpu.memory_space<vmem>>
      %dma_start3A_778 = arith.constant 0 : i32
      %dma_start3A_779 = tpu.memref_slice %arg10[%dma_start3A_774, %dma_start3A_778] : memref<4x24xi32, #tpu.memory_space<vmem>> -> memref<1x24xi32, #tpu.memory_space<vmem>>
      %dma_start3A_780 = tpu.memref_squeeze %dma_start3A_779 : memref<1x24xi32, #tpu.memory_space<vmem>> -> memref<24xi32, #tpu.memory_space<vmem>>
      %dma_start3A_781 = arith.constant 0 : i32
      %dma_start3A_782 = arith.constant 0 : i32
      %dma_start3A_783 = tpu.memref_slice %arg16[%dma_start3A_781, %dma_start3A_782] : memref<10112x128xf32, #tpu.memory_space<vmem_shared>> -> memref<10112x128xf32, #tpu.memory_space<vmem_shared>>
      tpu.enqueue_indirect_dma source(%dma_start3A_777 : memref<24x128xf32, #tpu.memory_space<vmem>>) target(%dma_start3A_783 : memref<10112x128xf32, #tpu.memory_space<vmem_shared>>) offsets(%dma_start3A_780 : memref<24xi32, #tpu.memory_space<vmem>>) semaphore(%arg21 : memref<!tpu.dma_semaphore, #tpu.memory_space<semaphore_mem>>) {add = true}
      %dma_start3A_784 = arith.constant 3 : i32
      %dma_start3A_785 = arith.constant 24 : i32
      %dma_start3A_786 = arith.constant 0 : i32
      %dma_start3A_787 = tpu.memref_slice %arg15[%dma_start3A_785, %dma_start3A_786] : memref<48x16xf32, #tpu.memory_space<vmem>> -> memref<24x16xf32, #tpu.memory_space<vmem>>
      %dma_start3A_788 = arith.constant 0 : i32
      %dma_start3A_789 = tpu.memref_slice %arg10[%dma_start3A_784, %dma_start3A_788] : memref<4x24xi32, #tpu.memory_space<vmem>> -> memref<1x24xi32, #tpu.memory_space<vmem>>
      %dma_start3A_790 = tpu.memref_squeeze %dma_start3A_789 : memref<1x24xi32, #tpu.memory_space<vmem>> -> memref<24xi32, #tpu.memory_space<vmem>>
      %dma_start3A_791 = arith.constant 0 : i32
      %dma_start3A_792 = arith.constant 0 : i32
      %dma_start3A_793 = tpu.memref_slice %arg17[%dma_start3A_791, %dma_start3A_792] : memref<10112x16xf32, #tpu.memory_space<vmem_shared>> -> memref<10112x16xf32, #tpu.memory_space<vmem_shared>>
      tpu.enqueue_indirect_dma source(%dma_start3A_787 : memref<24x16xf32, #tpu.memory_space<vmem>>) target(%dma_start3A_793 : memref<10112x16xf32, #tpu.memory_space<vmem_shared>>) offsets(%dma_start3A_790 : memref<24xi32, #tpu.memory_space<vmem>>) semaphore(%arg21 : memref<!tpu.dma_semaphore, #tpu.memory_space<semaphore_mem>>) {add = true}
    }
    %scan3A_96 = arith.constant 105 : i32
    %dma_wait3A = arith.constant 0 : i32
    %dma_wait3A_97 = arith.constant 0 : i32
    %dma_wait3A_98 = arith.constant 0 : i32
    %dma_wait3A_99 = tpu.memref_slice %arg11[%dma_wait3A_97, %dma_wait3A_98] : memref<48x128xf32, #tpu.memory_space<vmem>> -> memref<24x128xf32, #tpu.memory_space<vmem>>
    %dma_wait3A_100 = arith.constant 0 : i32
    %dma_wait3A_101 = tpu.memref_slice %arg10[%dma_wait3A, %dma_wait3A_100] : memref<4x24xi32, #tpu.memory_space<vmem>> -> memref<1x24xi32, #tpu.memory_space<vmem>>
    %dma_wait3A_102 = tpu.memref_squeeze %dma_wait3A_101 : memref<1x24xi32, #tpu.memory_space<vmem>> -> memref<24xi32, #tpu.memory_space<vmem>>
    %dma_wait3A_103 = arith.constant 0 : i32
    %dma_wait3A_104 = arith.constant 0 : i32
    %dma_wait3A_105 = tpu.memref_slice %arg2[%dma_wait3A_103, %dma_wait3A_104] : memref<10000x128xf32, #tpu.memory_space<hbm>> -> memref<10000x128xf32, #tpu.memory_space<hbm>>
    tpu.wait_indirect_dma semaphore(%arg19 : memref<!tpu.dma_semaphore, #tpu.memory_space<semaphore_mem>>) src(%dma_wait3A_105 : memref<10000x128xf32, #tpu.memory_space<hbm>>) dst(%dma_wait3A_99 : memref<24x128xf32, #tpu.memory_space<vmem>>)
    %dma_wait3A_106 = arith.constant 0 : i32
    %dma_wait3A_107 = arith.constant 0 : i32
    %dma_wait3A_108 = arith.constant 0 : i32
    %dma_wait3A_109 = tpu.memref_slice %arg12[%dma_wait3A_107, %dma_wait3A_108] : memref<48x128xf32, #tpu.memory_space<vmem>> -> memref<24x128xf32, #tpu.memory_space<vmem>>
    %dma_wait3A_110 = arith.constant 0 : i32
    %dma_wait3A_111 = tpu.memref_slice %arg9[%dma_wait3A_106, %dma_wait3A_110] : memref<4x24xi32, #tpu.memory_space<vmem>> -> memref<1x24xi32, #tpu.memory_space<vmem>>
    %dma_wait3A_112 = tpu.memref_squeeze %dma_wait3A_111 : memref<1x24xi32, #tpu.memory_space<vmem>> -> memref<24xi32, #tpu.memory_space<vmem>>
    %dma_wait3A_113 = arith.constant 0 : i32
    %dma_wait3A_114 = arith.constant 0 : i32
    %dma_wait3A_115 = tpu.memref_slice %arg3[%dma_wait3A_113, %dma_wait3A_114] : memref<10000x128xf32, #tpu.memory_space<hbm>> -> memref<10000x128xf32, #tpu.memory_space<hbm>>
    tpu.wait_indirect_dma semaphore(%arg19 : memref<!tpu.dma_semaphore, #tpu.memory_space<semaphore_mem>>) src(%dma_wait3A_115 : memref<10000x128xf32, #tpu.memory_space<hbm>>) dst(%dma_wait3A_109 : memref<24x128xf32, #tpu.memory_space<vmem>>)
    %dma_wait3A_116 = arith.constant 0 : i32
    %dma_wait3A_117 = arith.constant 0 : i32
    %dma_wait3A_118 = arith.constant 0 : i32
    %dma_wait3A_119 = tpu.memref_slice %arg13[%dma_wait3A_117, %dma_wait3A_118] : memref<48x128xf32, #tpu.memory_space<vmem>> -> memref<24x128xf32, #tpu.memory_space<vmem>>
    %dma_wait3A_120 = arith.constant 0 : i32
    %dma_wait3A_121 = tpu.memref_slice %arg9[%dma_wait3A_116, %dma_wait3A_120] : memref<4x24xi32, #tpu.memory_space<vmem>> -> memref<1x24xi32, #tpu.memory_space<vmem>>
    %dma_wait3A_122 = tpu.memref_squeeze %dma_wait3A_121 : memref<1x24xi32, #tpu.memory_space<vmem>> -> memref<24xi32, #tpu.memory_space<vmem>>
    %dma_wait3A_123 = arith.constant 0 : i32
    %dma_wait3A_124 = arith.constant 0 : i32
    %dma_wait3A_125 = tpu.memref_slice %arg4[%dma_wait3A_123, %dma_wait3A_124] : memref<10000x128xf32, #tpu.memory_space<hbm>> -> memref<10000x128xf32, #tpu.memory_space<hbm>>
    tpu.wait_indirect_dma semaphore(%arg19 : memref<!tpu.dma_semaphore, #tpu.memory_space<semaphore_mem>>) src(%dma_wait3A_125 : memref<10000x128xf32, #tpu.memory_space<hbm>>) dst(%dma_wait3A_119 : memref<24x128xf32, #tpu.memory_space<vmem>>)
    %dma_wait3A_126 = arith.constant 1 : i32
    %dma_wait3A_127 = arith.constant 0 : i32
    %dma_wait3A_128 = tpu.memref_slice %arg9[%dma_wait3A_126, %dma_wait3A_127] : memref<4x24xi32, #tpu.memory_space<vmem>> -> memref<1x24xi32, #tpu.memory_space<vmem>>
    %dma_wait3A_129 = tpu.memref_squeeze %dma_wait3A_128 : memref<1x24xi32, #tpu.memory_space<vmem>> -> memref<24xi32, #tpu.memory_space<vmem>>
    %dma_wait3A_130 = arith.constant 0 : i32
    %dma_wait3A_131 = tpu.memref_slice %arg5[%dma_wait3A_130] : memref<322608xi32, #tpu.memory_space<hbm>> -> memref<24xi32, #tpu.memory_space<hbm>>
    %dma_wait3A_132 = arith.constant 0 : i32
    %dma_wait3A_133 = tpu.memref_slice %arg9[%dma_wait3A_126, %dma_wait3A_132] : memref<4x24xi32, #tpu.memory_space<vmem>> -> memref<1x24xi32, #tpu.memory_space<vmem>>
    %dma_wait3A_134 = tpu.memref_squeeze %dma_wait3A_133 : memref<1x24xi32, #tpu.memory_space<vmem>> -> memref<24xi32, #tpu.memory_space<vmem>>
    %dma_wait3A_135 = arith.constant 0 : i32
    %dma_wait3A_136 = tpu.memref_slice %arg5[%dma_wait3A_135] : memref<322608xi32, #tpu.memory_space<hbm>> -> memref<24xi32, #tpu.memory_space<hbm>>
    tpu.wait_dma2 semaphore(%arg18 : memref<!tpu.dma_semaphore, #tpu.memory_space<semaphore_mem>>) src(%dma_wait3A_136 : memref<24xi32, #tpu.memory_space<hbm>>) dst(%dma_wait3A_134 : memref<24xi32, #tpu.memory_space<vmem>>)
    %dma_wait3A_137 = arith.constant 1 : i32
    %dma_wait3A_138 = arith.constant 0 : i32
    %dma_wait3A_139 = tpu.memref_slice %arg10[%dma_wait3A_137, %dma_wait3A_138] : memref<4x24xi32, #tpu.memory_space<vmem>> -> memref<1x24xi32, #tpu.memory_space<vmem>>
    %dma_wait3A_140 = tpu.memref_squeeze %dma_wait3A_139 : memref<1x24xi32, #tpu.memory_space<vmem>> -> memref<24xi32, #tpu.memory_space<vmem>>
    %dma_wait3A_141 = arith.constant 0 : i32
    %dma_wait3A_142 = tpu.memref_slice %arg6[%dma_wait3A_141] : memref<322608xi32, #tpu.memory_space<hbm>> -> memref<24xi32, #tpu.memory_space<hbm>>
    %dma_wait3A_143 = arith.constant 0 : i32
    %dma_wait3A_144 = tpu.memref_slice %arg10[%dma_wait3A_137, %dma_wait3A_143] : memref<4x24xi32, #tpu.memory_space<vmem>> -> memref<1x24xi32, #tpu.memory_space<vmem>>
    %dma_wait3A_145 = tpu.memref_squeeze %dma_wait3A_144 : memref<1x24xi32, #tpu.memory_space<vmem>> -> memref<24xi32, #tpu.memory_space<vmem>>
    %dma_wait3A_146 = arith.constant 0 : i32
    %dma_wait3A_147 = tpu.memref_slice %arg6[%dma_wait3A_146] : memref<322608xi32, #tpu.memory_space<hbm>> -> memref<24xi32, #tpu.memory_space<hbm>>
    tpu.wait_dma2 semaphore(%arg18 : memref<!tpu.dma_semaphore, #tpu.memory_space<semaphore_mem>>) src(%dma_wait3A_147 : memref<24xi32, #tpu.memory_space<hbm>>) dst(%dma_wait3A_145 : memref<24xi32, #tpu.memory_space<vmem>>)
    %dma_wait3A_148 = arith.constant 3 : i32
    %dma_wait3A_149 = arith.constant 24 : i32
    %dma_wait3A_150 = arith.constant 0 : i32
    %dma_wait3A_151 = tpu.memref_slice %arg14[%dma_wait3A_149, %dma_wait3A_150] : memref<48x128xf32, #tpu.memory_space<vmem>> -> memref<24x128xf32, #tpu.memory_space<vmem>>
    %dma_wait3A_152 = arith.constant 0 : i32
    %dma_wait3A_153 = tpu.memref_slice %arg10[%dma_wait3A_148, %dma_wait3A_152] : memref<4x24xi32, #tpu.memory_space<vmem>> -> memref<1x24xi32, #tpu.memory_space<vmem>>
    %dma_wait3A_154 = tpu.memref_squeeze %dma_wait3A_153 : memref<1x24xi32, #tpu.memory_space<vmem>> -> memref<24xi32, #tpu.memory_space<vmem>>
    %dma_wait3A_155 = arith.constant 0 : i32
    %dma_wait3A_156 = arith.constant 0 : i32
    %dma_wait3A_157 = tpu.memref_slice %arg16[%dma_wait3A_155, %dma_wait3A_156] : memref<10112x128xf32, #tpu.memory_space<vmem_shared>> -> memref<10112x128xf32, #tpu.memory_space<vmem_shared>>
    tpu.wait_indirect_dma semaphore(%arg21 : memref<!tpu.dma_semaphore, #tpu.memory_space<semaphore_mem>>) src(%dma_wait3A_151 : memref<24x128xf32, #tpu.memory_space<vmem>>) dst(%dma_wait3A_157 : memref<10112x128xf32, #tpu.memory_space<vmem_shared>>)
    %dma_wait3A_158 = arith.constant 3 : i32
    %dma_wait3A_159 = arith.constant 24 : i32
    %dma_wait3A_160 = arith.constant 0 : i32
    %dma_wait3A_161 = tpu.memref_slice %arg15[%dma_wait3A_159, %dma_wait3A_160] : memref<48x16xf32, #tpu.memory_space<vmem>> -> memref<24x16xf32, #tpu.memory_space<vmem>>
    %dma_wait3A_162 = arith.constant 0 : i32
    %dma_wait3A_163 = tpu.memref_slice %arg10[%dma_wait3A_158, %dma_wait3A_162] : memref<4x24xi32, #tpu.memory_space<vmem>> -> memref<1x24xi32, #tpu.memory_space<vmem>>
    %dma_wait3A_164 = tpu.memref_squeeze %dma_wait3A_163 : memref<1x24xi32, #tpu.memory_space<vmem>> -> memref<24xi32, #tpu.memory_space<vmem>>
    %dma_wait3A_165 = arith.constant 0 : i32
    %dma_wait3A_166 = arith.constant 0 : i32
    %dma_wait3A_167 = tpu.memref_slice %arg17[%dma_wait3A_165, %dma_wait3A_166] : memref<10112x16xf32, #tpu.memory_space<vmem_shared>> -> memref<10112x16xf32, #tpu.memory_space<vmem_shared>>
    tpu.wait_indirect_dma semaphore(%arg21 : memref<!tpu.dma_semaphore, #tpu.memory_space<semaphore_mem>>) src(%dma_wait3A_161 : memref<24x16xf32, #tpu.memory_space<vmem>>) dst(%dma_wait3A_167 : memref<10112x16xf32, #tpu.memory_space<vmem_shared>>)
    %barrier3A_168 = arith.constant 0 : index
    tpu.barrier barrier_id(%barrier3A_168)
    "tpu.region"() ({
      %run_scoped3A_169 = tpu.sem_alloc : memref<!tpu.dma_semaphore, #tpu.memory_space<semaphore_mem>>
      %dma_start3A_170 = arith.constant 0 : i32
      %dma_start3A_171 = tpu.memref_slice %arg7[%arg0, %mul3A_7, %dma_start3A_170] : memref<2x10112x128xf32, #tpu.memory_space<hbm>> -> memref<1x632x128xf32, #tpu.memory_space<hbm>>
      %dma_start3A_172 = tpu.memref_squeeze %dma_start3A_171 : memref<1x632x128xf32, #tpu.memory_space<hbm>> -> memref<632x128xf32, #tpu.memory_space<hbm>>
      %dma_start3A_173 = arith.constant 0 : i32
      %dma_start3A_174 = tpu.memref_slice %arg16[%mul3A_7, %dma_start3A_173] : memref<10112x128xf32, #tpu.memory_space<vmem_shared>> -> memref<632x128xf32, #tpu.memory_space<vmem_shared>>
      tpu.enqueue_dma source(%dma_start3A_174 : memref<632x128xf32, #tpu.memory_space<vmem_shared>>) target(%dma_start3A_172 : memref<632x128xf32, #tpu.memory_space<hbm>>) target_semaphore(%run_scoped3A_169 : memref<!tpu.dma_semaphore, #tpu.memory_space<semaphore_mem>>)
      %dma_wait3A_175 = arith.constant 0 : i32
      %dma_wait3A_176 = tpu.memref_slice %arg7[%arg0, %mul3A_7, %dma_wait3A_175] : memref<2x10112x128xf32, #tpu.memory_space<hbm>> -> memref<1x632x128xf32, #tpu.memory_space<hbm>>
      %dma_wait3A_177 = tpu.memref_squeeze %dma_wait3A_176 : memref<1x632x128xf32, #tpu.memory_space<hbm>> -> memref<632x128xf32, #tpu.memory_space<hbm>>
      %dma_wait3A_178 = arith.constant 0 : i32
      %dma_wait3A_179 = tpu.memref_slice %arg16[%mul3A_7, %dma_wait3A_178] : memref<10112x128xf32, #tpu.memory_space<vmem_shared>> -> memref<632x128xf32, #tpu.memory_space<vmem_shared>>
      tpu.wait_dma2 semaphore(%run_scoped3A_169 : memref<!tpu.dma_semaphore, #tpu.memory_space<semaphore_mem>>) src(%dma_wait3A_179 : memref<632x128xf32, #tpu.memory_space<vmem_shared>>) dst(%dma_wait3A_177 : memref<632x128xf32, #tpu.memory_space<hbm>>)
      tpu.yield
    }) : () -> ()
    "tpu.region"() ({
      %run_scoped3A_169 = tpu.sem_alloc : memref<!tpu.dma_semaphore, #tpu.memory_space<semaphore_mem>>
      %dma_start3A_170 = arith.constant 0 : i32
      %dma_start3A_171 = tpu.memref_slice %arg8[%arg0, %mul3A_7, %dma_start3A_170] : memref<2x10112x16xf32, #tpu.memory_space<hbm>> -> memref<1x632x16xf32, #tpu.memory_space<hbm>>
      %dma_start3A_172 = tpu.memref_squeeze %dma_start3A_171 : memref<1x632x16xf32, #tpu.memory_space<hbm>> -> memref<632x16xf32, #tpu.memory_space<hbm>>
      %dma_start3A_173 = arith.constant 0 : i32
      %dma_start3A_174 = tpu.memref_slice %arg17[%mul3A_7, %dma_start3A_173] : memref<10112x16xf32, #tpu.memory_space<vmem_shared>> -> memref<632x16xf32, #tpu.memory_space<vmem_shared>>
      tpu.enqueue_dma source(%dma_start3A_174 : memref<632x16xf32, #tpu.memory_space<vmem_shared>>) target(%dma_start3A_172 : memref<632x16xf32, #tpu.memory_space<hbm>>) target_semaphore(%run_scoped3A_169 : memref<!tpu.dma_semaphore, #tpu.memory_space<semaphore_mem>>)
      %dma_wait3A_175 = arith.constant 0 : i32
      %dma_wait3A_176 = tpu.memref_slice %arg8[%arg0, %mul3A_7, %dma_wait3A_175] : memref<2x10112x16xf32, #tpu.memory_space<hbm>> -> memref<1x632x16xf32, #tpu.memory_space<hbm>>
      %dma_wait3A_177 = tpu.memref_squeeze %dma_wait3A_176 : memref<1x632x16xf32, #tpu.memory_space<hbm>> -> memref<632x16xf32, #tpu.memory_space<hbm>>
      %dma_wait3A_178 = arith.constant 0 : i32
      %dma_wait3A_179 = tpu.memref_slice %arg17[%mul3A_7, %dma_wait3A_178] : memref<10112x16xf32, #tpu.memory_space<vmem_shared>> -> memref<632x16xf32, #tpu.memory_space<vmem_shared>>
      tpu.wait_dma2 semaphore(%run_scoped3A_169 : memref<!tpu.dma_semaphore, #tpu.memory_space<semaphore_mem>>) src(%dma_wait3A_179 : memref<632x16xf32, #tpu.memory_space<vmem_shared>>) dst(%dma_wait3A_177 : memref<632x16xf32, #tpu.memory_space<hbm>>)
      tpu.yield
    }) : () -> ()
    return
  }
}

module attributes {stable_mosaic.version = 14 : i64} {
  func.func @_qkv_body(%arg0: i32, %arg1: memref<2000x128xf32, #tpu.memory_space<vmem>>, %arg2: memref<128x128xf32, #tpu.memory_space<vmem>>, %arg3: memref<128x128xf32, #tpu.memory_space<vmem>>, %arg4: memref<128x128xf32, #tpu.memory_space<vmem>>, %arg5: memref<2000x128xf32, #tpu.memory_space<vmem>>, %arg6: memref<2000x128xf32, #tpu.memory_space<vmem>>, %arg7: memref<2000x128xf32, #tpu.memory_space<vmem>>) attributes {dimension_semantics = [#tpu.dimension_semantics<arbitrary>], iteration_bounds = array<i64: 5>, scalar_prefetch = 0 : i64, scratch_operands = 0 : i64, tpu.core_type = #tpu.core_type<tc>, window_params = [{transform_indices = @transform_0, window_bounds = array<i64: 2000, 128>}, {pipeline_mode = #tpu.pipeline_mode<synchronous>, transform_indices = @transform_1, window_bounds = array<i64: 128, 128>}, {pipeline_mode = #tpu.pipeline_mode<synchronous>, transform_indices = @transform_2, window_bounds = array<i64: 128, 128>}, {pipeline_mode = #tpu.pipeline_mode<synchronous>, transform_indices = @transform_3, window_bounds = array<i64: 128, 128>}, {transform_indices = @transform_4, window_bounds = array<i64: 2000, 128>}, {transform_indices = @transform_5, window_bounds = array<i64: 2000, 128>}, {transform_indices = @transform_6, window_bounds = array<i64: 2000, 128>}]} {
    %get3A = arith.constant 0 : index
    %get3A_0 = arith.constant 0 : index
    %get3A_1 = vector.load %arg1[%get3A, %get3A_0] : memref<2000x128xf32, #tpu.memory_space<vmem>>, vector<2000x128xf32>
    %get3A_2 = arith.constant 0 : index
    %get3A_3 = arith.constant 0 : index
    %get3A_4 = vector.load %arg2[%get3A_2, %get3A_3] : memref<128x128xf32, #tpu.memory_space<vmem>>, vector<128x128xf32>
    %dot_general3A = arith.constant dense<0.000000e+00> : vector<2000x128xf32>
    %dot_general3A_5 = tpu.matmul %get3A_1, %get3A_4, %dot_general3A {dimension_numbers = #tpu.dot_dimension_numbers<[1], [0], [0], [1], [0, 0, 1, 1], [], []>, transpose_lhs_hint = false} : vector<2000x128xf32>, vector<128x128xf32>, vector<2000x128xf32> -> vector<2000x128xf32>
    %mul3A = arith.constant 2.500000e-01 : f32
    %mul3A_6 = vector.broadcast %mul3A : f32 to vector<2000x128xf32>
    %mul3A_7 = arith.mulf %dot_general3A_5, %mul3A_6 : vector<2000x128xf32>
    %swap3A = arith.constant 0 : index
    %swap3A_8 = arith.constant 0 : index
    %swap3A_9 = vector.load %arg5[%swap3A, %swap3A_8] : memref<2000x128xf32, #tpu.memory_space<vmem>>, vector<2000x128xf32>
    tpu.vector_store %arg5[%swap3A, %swap3A_8], %mul3A_7 {strides = array<i32>} : memref<2000x128xf32, #tpu.memory_space<vmem>>, vector<2000x128xf32>,
    %get3A_10 = arith.constant 0 : index
    %get3A_11 = arith.constant 0 : index
    %get3A_12 = vector.load %arg3[%get3A_10, %get3A_11] : memref<128x128xf32, #tpu.memory_space<vmem>>, vector<128x128xf32>
    %dot_general3A_13 = arith.constant dense<0.000000e+00> : vector<2000x128xf32>
    %dot_general3A_14 = tpu.matmul %get3A_1, %get3A_12, %dot_general3A_13 {dimension_numbers = #tpu.dot_dimension_numbers<[1], [0], [0], [1], [0, 0, 1, 1], [], []>, transpose_lhs_hint = false} : vector<2000x128xf32>, vector<128x128xf32>, vector<2000x128xf32> -> vector<2000x128xf32>
    %swap3A_15 = arith.constant 0 : index
    %swap3A_16 = arith.constant 0 : index
    %swap3A_17 = vector.load %arg6[%swap3A_15, %swap3A_16] : memref<2000x128xf32, #tpu.memory_space<vmem>>, vector<2000x128xf32>
    tpu.vector_store %arg6[%swap3A_15, %swap3A_16], %dot_general3A_14 {strides = array<i32>} : memref<2000x128xf32, #tpu.memory_space<vmem>>, vector<2000x128xf32>,
    %get3A_18 = arith.constant 0 : index
    %get3A_19 = arith.constant 0 : index
    %get3A_20 = vector.load %arg4[%get3A_18, %get3A_19] : memref<128x128xf32, #tpu.memory_space<vmem>>, vector<128x128xf32>
    %dot_general3A_21 = arith.constant dense<0.000000e+00> : vector<2000x128xf32>
    %dot_general3A_22 = tpu.matmul %get3A_1, %get3A_20, %dot_general3A_21 {dimension_numbers = #tpu.dot_dimension_numbers<[1], [0], [0], [1], [0, 0, 1, 1], [], []>, transpose_lhs_hint = false} : vector<2000x128xf32>, vector<128x128xf32>, vector<2000x128xf32> -> vector<2000x128xf32>
    %swap3A_23 = arith.constant 0 : index
    %swap3A_24 = arith.constant 0 : index
    %swap3A_25 = vector.load %arg7[%swap3A_23, %swap3A_24] : memref<2000x128xf32, #tpu.memory_space<vmem>>, vector<2000x128xf32>
    tpu.vector_store %arg7[%swap3A_23, %swap3A_24], %dot_general3A_22 {strides = array<i32>} : memref<2000x128xf32, #tpu.memory_space<vmem>>, vector<2000x128xf32>,
    return
  }
  func.func @transform_0(%arg0: i32) -> (i32, i32) {
    %c0_i32 = arith.constant 0 : i32
    %c0_i32_0 = arith.constant 0 : i32
    return %arg0, %c0_i32 : i32, i32
  }
  func.func @transform_1(%arg0: i32) -> (i32, i32) {
    %c0_i32 = arith.constant 0 : i32
    %c0_i32_0 = arith.constant 0 : i32
    %c0_i32_1 = arith.constant 0 : i32
    return %c0_i32, %c0_i32_0 : i32, i32
  }
  func.func @transform_2(%arg0: i32) -> (i32, i32) {
    %c0_i32 = arith.constant 0 : i32
    %c0_i32_0 = arith.constant 0 : i32
    %c0_i32_1 = arith.constant 0 : i32
    return %c0_i32, %c0_i32_0 : i32, i32
  }
  func.func @transform_3(%arg0: i32) -> (i32, i32) {
    %c0_i32 = arith.constant 0 : i32
    %c0_i32_0 = arith.constant 0 : i32
    %c0_i32_1 = arith.constant 0 : i32
    return %c0_i32, %c0_i32_0 : i32, i32
  }
  func.func @transform_4(%arg0: i32) -> (i32, i32) {
    %c0_i32 = arith.constant 0 : i32
    %c0_i32_0 = arith.constant 0 : i32
    return %arg0, %c0_i32 : i32, i32
  }
  func.func @transform_5(%arg0: i32) -> (i32, i32) {
    %c0_i32 = arith.constant 0 : i32
    %c0_i32_0 = arith.constant 0 : i32
    return %arg0, %c0_i32 : i32, i32
  }
  func.func @transform_6(%arg0: i32) -> (i32, i32) {
    %c0_i32 = arith.constant 0 : i32
    %c0_i32_0 = arith.constant 0 : i32
    return %arg0, %c0_i32 : i32, i32
  }
}

module attributes {stable_mosaic.version = 14 : i64} {
  func.func @_fuse_body(%arg0: i32, %arg1: memref<2x2000x128xf32, #tpu.memory_space<vmem>>, %arg2: memref<2x2000x16xf32, #tpu.memory_space<vmem>>, %arg3: memref<2000x128xf32, #tpu.memory_space<vmem>>, %arg4: memref<128x128xf32, #tpu.memory_space<vmem>>, %arg5: memref<1x128xf32, #tpu.memory_space<vmem>>, %arg6: memref<128x256xf32, #tpu.memory_space<vmem>>, %arg7: memref<1x256xf32, #tpu.memory_space<vmem>>, %arg8: memref<256x128xf32, #tpu.memory_space<vmem>>, %arg9: memref<1x128xf32, #tpu.memory_space<vmem>>, %arg10: memref<1x128xf32, #tpu.memory_space<vmem>>, %arg11: memref<1x128xf32, #tpu.memory_space<vmem>>, %arg12: memref<1x128xf32, #tpu.memory_space<vmem>>, %arg13: memref<1x128xf32, #tpu.memory_space<vmem>>, %arg14: memref<2000x128xf32, #tpu.memory_space<vmem>>) attributes {dimension_semantics = [#tpu.dimension_semantics<arbitrary>], iteration_bounds = array<i64: 5>, scalar_prefetch = 0 : i64, scratch_operands = 0 : i64, tpu.core_type = #tpu.core_type<tc>, window_params = [{transform_indices = @transform_0, window_bounds = array<i64: 2, 2000, 128>}, {transform_indices = @transform_1, window_bounds = array<i64: 2, 2000, 16>}, {transform_indices = @transform_2, window_bounds = array<i64: 2000, 128>}, {pipeline_mode = #tpu.pipeline_mode<synchronous>, transform_indices = @transform_3, window_bounds = array<i64: 128, 128>}, {pipeline_mode = #tpu.pipeline_mode<synchronous>, transform_indices = @transform_4, window_bounds = array<i64: 1, 128>}, {pipeline_mode = #tpu.pipeline_mode<synchronous>, transform_indices = @transform_5, window_bounds = array<i64: 128, 256>}, {pipeline_mode = #tpu.pipeline_mode<synchronous>, transform_indices = @transform_6, window_bounds = array<i64: 1, 256>}, {pipeline_mode = #tpu.pipeline_mode<synchronous>, transform_indices = @transform_7, window_bounds = array<i64: 256, 128>}, {pipeline_mode = #tpu.pipeline_mode<synchronous>, transform_indices = @transform_8, window_bounds = array<i64: 1, 128>}, {pipeline_mode = #tpu.pipeline_mode<synchronous>, transform_indices = @transform_9, window_bounds = array<i64: 1, 128>}, {pipeline_mode = #tpu.pipeline_mode<synchronous>, transform_indices = @transform_10, window_bounds = array<i64: 1, 128>}, {pipeline_mode = #tpu.pipeline_mode<synchronous>, transform_indices = @transform_11, window_bounds = array<i64: 1, 128>}, {pipeline_mode = #tpu.pipeline_mode<synchronous>, transform_indices = @transform_12, window_bounds = array<i64: 1, 128>}, {transform_indices = @transform_13, window_bounds = array<i64: 2000, 128>}]} {
    %get3A = arith.constant 0 : index
    %get3A_0 = arith.constant 0 : index
    %get3A_1 = arith.constant 0 : index
    %get3A_2 = vector.load %arg1[%get3A, %get3A_0, %get3A_1] : memref<2x2000x128xf32, #tpu.memory_space<vmem>>, vector<1x2000x128xf32>
    %get3A_3 = vector.shape_cast %get3A_2 : vector<1x2000x128xf32> to vector<2000x128xf32>
    %get3A_4 = arith.constant 1 : index
    %get3A_5 = arith.constant 0 : index
    %get3A_6 = arith.constant 0 : index
    %get3A_7 = vector.load %arg1[%get3A_4, %get3A_5, %get3A_6] : memref<2x2000x128xf32, #tpu.memory_space<vmem>>, vector<1x2000x128xf32>
    %get3A_8 = vector.shape_cast %get3A_7 : vector<1x2000x128xf32> to vector<2000x128xf32>
    %add3A = arith.addf %get3A_3, %get3A_8 : vector<2000x128xf32>
    %get3A_9 = arith.constant 0 : index
    %get3A_10 = arith.constant 0 : index
    %get3A_11 = arith.constant 0 : index
    %get3A_12 = vector.load %arg2[%get3A_9, %get3A_10, %get3A_11] : memref<2x2000x16xf32, #tpu.memory_space<vmem>>, vector<1x2000x16xf32>
    %get3A_13 = vector.shape_cast %get3A_12 : vector<1x2000x16xf32> to vector<2000x16xf32>
    %get3A_14 = arith.constant 1 : index
    %get3A_15 = arith.constant 0 : index
    %get3A_16 = arith.constant 0 : index
    %get3A_17 = vector.load %arg2[%get3A_14, %get3A_15, %get3A_16] : memref<2x2000x16xf32, #tpu.memory_space<vmem>>, vector<1x2000x16xf32>
    %get3A_18 = vector.shape_cast %get3A_17 : vector<1x2000x16xf32> to vector<2000x16xf32>
    %add3A_19 = arith.addf %get3A_13, %get3A_18 : vector<2000x16xf32>
    %slice3A = vector.extract_strided_slice %add3A_19 {offsets = [0, 0], sizes = [2000, 8], strides = [1, 1]} : vector<2000x16xf32> to vector<2000x8xf32>
    %gt3A = arith.constant 0.000000e+00 : f32
    %gt3A_20 = vector.broadcast %gt3A : f32 to vector<2000x8xf32>
    %gt3A_21 = arith.cmpf ogt, %slice3A, %gt3A_20 : vector<2000x8xf32>
    %jit3A = arith.constant 1.000000e+00 : f32
    %broadcast_in_dim3A = vector.broadcast %jit3A : f32 to vector<2000x8xf32>
    %select_n3A = arith.select %gt3A_21, %slice3A, %broadcast_in_dim3A : vector<2000x8xi1>, vector<2000x8xf32>
    %div3A = arith.constant 1.000000e+00 : f32
    %div3A_22 = vector.broadcast %div3A : f32 to vector<2000x8xf32>
    %div3A_23 = arith.divf %div3A_22, %select_n3A : vector<2000x8xf32>
    %iota3A = tpu.iota {dimensions = array<i32: 0>} : vector<8x128xi32>
    %iota3A_24 = tpu.iota {dimensions = array<i32: 1>} : vector<8x128xi32>
    %jit3A_25 = arith.constant 16 : i32
    %div3A_26 = vector.broadcast %jit3A_25 : i32 to vector<8x128xi32>
    %div3A_27 = arith.divsi %iota3A_24, %div3A_26 : vector<8x128xi32>
    %sign3A = arith.constant 0 : i32
    %sign3A_28 = vector.broadcast %sign3A : i32 to vector<8x128xi32>
    %sign3A_29 = arith.cmpi sgt, %iota3A_24, %sign3A_28 : vector<8x128xi32>
    %sign3A_30 = arith.extui %sign3A_29 : vector<8x128xi1> to vector<8x128xi32>
    %sign3A_31 = arith.constant 0 : i32
    %sign3A_32 = vector.broadcast %sign3A_31 : i32 to vector<8x128xi32>
    %sign3A_33 = arith.cmpi slt, %iota3A_24, %sign3A_32 : vector<8x128xi32>
    %sign3A_34 = arith.extui %sign3A_33 : vector<8x128xi1> to vector<8x128xi32>
    %sign3A_35 = arith.subi %sign3A_30, %sign3A_34 : vector<8x128xi32>
    %sign3A_36 = arith.constant 0 : i32
    %sign3A_37 = arith.cmpi sgt, %jit3A_25, %sign3A_36 : i32
    %sign3A_38 = arith.extui %sign3A_37 : i1 to i32
    %sign3A_39 = arith.constant 0 : i32
    %sign3A_40 = arith.cmpi slt, %jit3A_25, %sign3A_39 : i32
    %sign3A_41 = arith.extui %sign3A_40 : i1 to i32
    %sign3A_42 = arith.subi %sign3A_38, %sign3A_41 : i32
    %ne3A = vector.broadcast %sign3A_42 : i32 to vector<8x128xi32>
    %ne3A_43 = arith.cmpi ne, %sign3A_35, %ne3A : vector<8x128xi32>
    %rem3A = vector.broadcast %jit3A_25 : i32 to vector<8x128xi32>
    %rem3A_44 = arith.remsi %iota3A_24, %rem3A : vector<8x128xi32>
    %ne3A_45 = arith.constant 0 : i32
    %ne3A_46 = vector.broadcast %ne3A_45 : i32 to vector<8x128xi32>
    %ne3A_47 = arith.cmpi ne, %rem3A_44, %ne3A_46 : vector<8x128xi32>
    %and3A = arith.andi %ne3A_43, %ne3A_47 : vector<8x128xi1>
    %sub3A = arith.constant 1 : i32
    %sub3A_48 = vector.broadcast %sub3A : i32 to vector<8x128xi32>
    %sub3A_49 = arith.subi %div3A_27, %sub3A_48 : vector<8x128xi32>
    %select_n3A_50 = arith.select %and3A, %sub3A_49, %div3A_27 : vector<8x128xi1>, vector<8x128xi32>
    %eq3A = arith.cmpi eq, %select_n3A_50, %iota3A : vector<8x128xi32>
    %convert_element_type3A = arith.extui %eq3A : vector<8x128xi1> to vector<8x128xi32>
    %convert_element_type3A_51 = arith.sitofp %convert_element_type3A : vector<8x128xi32> to vector<8x128xf32>
    %dot_general3A = arith.constant dense<0.000000e+00> : vector<2000x128xf32>
    %dot_general3A_52 = tpu.matmul %div3A_23, %convert_element_type3A_51, %dot_general3A {dimension_numbers = #tpu.dot_dimension_numbers<[1], [0], [0], [1], [0, 0, 1, 1], [], []>, transpose_lhs_hint = false} : vector<2000x8xf32>, vector<8x128xf32>, vector<2000x128xf32> -> vector<2000x128xf32>
    %mul3A = arith.mulf %add3A, %dot_general3A_52 : vector<2000x128xf32>
    %get3A_53 = arith.constant 0 : index
    %get3A_54 = arith.constant 0 : index
    %get3A_55 = vector.load %arg4[%get3A_53, %get3A_54] : memref<128x128xf32, #tpu.memory_space<vmem>>, vector<128x128xf32>
    %dot_general3A_56 = arith.constant dense<0.000000e+00> : vector<2000x128xf32>
    %dot_general3A_57 = tpu.matmul %mul3A, %get3A_55, %dot_general3A_56 {dimension_numbers = #tpu.dot_dimension_numbers<[1], [0], [0], [1], [0, 0, 1, 1], [], []>, transpose_lhs_hint = false} : vector<2000x128xf32>, vector<128x128xf32>, vector<2000x128xf32> -> vector<2000x128xf32>
    %get3A_58 = arith.constant 0 : index
    %get3A_59 = arith.constant 0 : index
    %get3A_60 = vector.load %arg5[%get3A_58, %get3A_59] : memref<1x128xf32, #tpu.memory_space<vmem>>, vector<1x128xf32>
    %add3A_61 = vector.broadcast %get3A_60 : vector<1x128xf32> to vector<2000x128xf32>
    %add3A_62 = arith.addf %dot_general3A_57, %add3A_61 : vector<2000x128xf32>
    %get3A_63 = arith.constant 0 : index
    %get3A_64 = arith.constant 0 : index
    %get3A_65 = vector.load %arg3[%get3A_63, %get3A_64] : memref<2000x128xf32, #tpu.memory_space<vmem>>, vector<2000x128xf32>
    %add3A_66 = arith.addf %add3A_62, %get3A_65 : vector<2000x128xf32>
    %get3A_67 = arith.constant 0 : index
    %get3A_68 = arith.constant 0 : index
    %get3A_69 = vector.load %arg10[%get3A_67, %get3A_68] : memref<1x128xf32, #tpu.memory_space<vmem>>, vector<1x128xf32>
    %get3A_70 = arith.constant 0 : index
    %get3A_71 = arith.constant 0 : index
    %get3A_72 = vector.load %arg11[%get3A_70, %get3A_71] : memref<1x128xf32, #tpu.memory_space<vmem>>, vector<1x128xf32>
    %reduce_sum3A = arith.constant dense<0.000000e+00> : vector<2000xf32>
    %reduce_sum3A_73 = vector.multi_reduction <add>, %add3A_66, %reduce_sum3A [1] : vector<2000x128xf32> to vector<2000xf32>
    %broadcast_in_dim3A_74 = vector.shape_cast %reduce_sum3A_73 : vector<2000xf32> to vector<2000x1xf32>
    %div3A_75 = arith.constant 1.280000e+02 : f32
    %div3A_76 = vector.broadcast %div3A_75 : f32 to vector<2000x1xf32>
    %div3A_77 = arith.divf %broadcast_in_dim3A_74, %div3A_76 : vector<2000x1xf32>
    %sub3A_78 = vector.broadcast %div3A_77 : vector<2000x1xf32> to vector<2000x128xf32>
    %sub3A_79 = arith.subf %add3A_66, %sub3A_78 : vector<2000x128xf32>
    %mul3A_80 = arith.mulf %sub3A_79, %sub3A_79 : vector<2000x128xf32>
    %reduce_sum3A_81 = arith.constant dense<0.000000e+00> : vector<2000xf32>
    %reduce_sum3A_82 = vector.multi_reduction <add>, %mul3A_80, %reduce_sum3A_81 [1] : vector<2000x128xf32> to vector<2000xf32>
    %broadcast_in_dim3A_83 = vector.shape_cast %reduce_sum3A_82 : vector<2000xf32> to vector<2000x1xf32>
    %div3A_84 = arith.constant 1.280000e+02 : f32
    %div3A_85 = vector.broadcast %div3A_84 : f32 to vector<2000x1xf32>
    %div3A_86 = arith.divf %broadcast_in_dim3A_83, %div3A_85 : vector<2000x1xf32>
    %add3A_87 = arith.constant 9.99999974E-6 : f32
    %add3A_88 = vector.broadcast %add3A_87 : f32 to vector<2000x1xf32>
    %add3A_89 = arith.addf %div3A_86, %add3A_88 : vector<2000x1xf32>
    %rsqrt3A = math.rsqrt %add3A_89 : vector<2000x1xf32>
    %mul3A_90 = vector.broadcast %rsqrt3A : vector<2000x1xf32> to vector<2000x128xf32>
    %mul3A_91 = arith.mulf %sub3A_79, %mul3A_90 : vector<2000x128xf32>
    %mul3A_92 = vector.broadcast %get3A_69 : vector<1x128xf32> to vector<2000x128xf32>
    %mul3A_93 = arith.mulf %mul3A_91, %mul3A_92 : vector<2000x128xf32>
    %add3A_94 = vector.broadcast %get3A_72 : vector<1x128xf32> to vector<2000x128xf32>
    %add3A_95 = arith.addf %mul3A_93, %add3A_94 : vector<2000x128xf32>
    %get3A_96 = arith.constant 0 : index
    %get3A_97 = arith.constant 0 : index
    %get3A_98 = vector.load %arg6[%get3A_96, %get3A_97] : memref<128x256xf32, #tpu.memory_space<vmem>>, vector<128x256xf32>
    %dot_general3A_99 = arith.constant dense<0.000000e+00> : vector<2000x256xf32>
    %dot_general3A_100 = tpu.matmul %add3A_95, %get3A_98, %dot_general3A_99 {dimension_numbers = #tpu.dot_dimension_numbers<[1], [0], [0], [1], [0, 0, 1, 1], [], []>, transpose_lhs_hint = false} : vector<2000x128xf32>, vector<128x256xf32>, vector<2000x256xf32> -> vector<2000x256xf32>
    %get3A_101 = arith.constant 0 : index
    %get3A_102 = arith.constant 0 : index
    %get3A_103 = vector.load %arg7[%get3A_101, %get3A_102] : memref<1x256xf32, #tpu.memory_space<vmem>>, vector<1x256xf32>
    %add3A_104 = vector.broadcast %get3A_103 : vector<1x256xf32> to vector<2000x256xf32>
    %add3A_105 = arith.addf %dot_general3A_100, %add3A_104 : vector<2000x256xf32>
    %max3A = arith.constant 0.000000e+00 : f32
    %max3A_106 = vector.broadcast %max3A : f32 to vector<2000x256xf32>
    %max3A_107 = arith.maximumf %add3A_105, %max3A_106 : vector<2000x256xf32>
    %get3A_108 = arith.constant 0 : index
    %get3A_109 = arith.constant 0 : index
    %get3A_110 = vector.load %arg8[%get3A_108, %get3A_109] : memref<256x128xf32, #tpu.memory_space<vmem>>, vector<256x128xf32>
    %dot_general3A_111 = arith.constant dense<0.000000e+00> : vector<2000x128xf32>
    %dot_general3A_112 = tpu.matmul %max3A_107, %get3A_110, %dot_general3A_111 {dimension_numbers = #tpu.dot_dimension_numbers<[1], [0], [0], [1], [0, 0, 1, 1], [], []>, transpose_lhs_hint = false} : vector<2000x256xf32>, vector<256x128xf32>, vector<2000x128xf32> -> vector<2000x128xf32>
    %get3A_113 = arith.constant 0 : index
    %get3A_114 = arith.constant 0 : index
    %get3A_115 = vector.load %arg9[%get3A_113, %get3A_114] : memref<1x128xf32, #tpu.memory_space<vmem>>, vector<1x128xf32>
    %add3A_116 = vector.broadcast %get3A_115 : vector<1x128xf32> to vector<2000x128xf32>
    %add3A_117 = arith.addf %dot_general3A_112, %add3A_116 : vector<2000x128xf32>
    %add3A_118 = arith.addf %add3A_95, %add3A_117 : vector<2000x128xf32>
    %get3A_119 = arith.constant 0 : index
    %get3A_120 = arith.constant 0 : index
    %get3A_121 = vector.load %arg12[%get3A_119, %get3A_120] : memref<1x128xf32, #tpu.memory_space<vmem>>, vector<1x128xf32>
    %get3A_122 = arith.constant 0 : index
    %get3A_123 = arith.constant 0 : index
    %get3A_124 = vector.load %arg13[%get3A_122, %get3A_123] : memref<1x128xf32, #tpu.memory_space<vmem>>, vector<1x128xf32>
    %reduce_sum3A_125 = arith.constant dense<0.000000e+00> : vector<2000xf32>
    %reduce_sum3A_126 = vector.multi_reduction <add>, %add3A_118, %reduce_sum3A_125 [1] : vector<2000x128xf32> to vector<2000xf32>
    %broadcast_in_dim3A_127 = vector.shape_cast %reduce_sum3A_126 : vector<2000xf32> to vector<2000x1xf32>
    %div3A_128 = arith.constant 1.280000e+02 : f32
    %div3A_129 = vector.broadcast %div3A_128 : f32 to vector<2000x1xf32>
    %div3A_130 = arith.divf %broadcast_in_dim3A_127, %div3A_129 : vector<2000x1xf32>
    %sub3A_131 = vector.broadcast %div3A_130 : vector<2000x1xf32> to vector<2000x128xf32>
    %sub3A_132 = arith.subf %add3A_118, %sub3A_131 : vector<2000x128xf32>
    %mul3A_133 = arith.mulf %sub3A_132, %sub3A_132 : vector<2000x128xf32>
    %reduce_sum3A_134 = arith.constant dense<0.000000e+00> : vector<2000xf32>
    %reduce_sum3A_135 = vector.multi_reduction <add>, %mul3A_133, %reduce_sum3A_134 [1] : vector<2000x128xf32> to vector<2000xf32>
    %broadcast_in_dim3A_136 = vector.shape_cast %reduce_sum3A_135 : vector<2000xf32> to vector<2000x1xf32>
    %div3A_137 = arith.constant 1.280000e+02 : f32
    %div3A_138 = vector.broadcast %div3A_137 : f32 to vector<2000x1xf32>
    %div3A_139 = arith.divf %broadcast_in_dim3A_136, %div3A_138 : vector<2000x1xf32>
    %add3A_140 = arith.constant 9.99999974E-6 : f32
    %add3A_141 = vector.broadcast %add3A_140 : f32 to vector<2000x1xf32>
    %add3A_142 = arith.addf %div3A_139, %add3A_141 : vector<2000x1xf32>
    %rsqrt3A_143 = math.rsqrt %add3A_142 : vector<2000x1xf32>
    %mul3A_144 = vector.broadcast %rsqrt3A_143 : vector<2000x1xf32> to vector<2000x128xf32>
    %mul3A_145 = arith.mulf %sub3A_132, %mul3A_144 : vector<2000x128xf32>
    %mul3A_146 = vector.broadcast %get3A_121 : vector<1x128xf32> to vector<2000x128xf32>
    %mul3A_147 = arith.mulf %mul3A_145, %mul3A_146 : vector<2000x128xf32>
    %add3A_148 = vector.broadcast %get3A_124 : vector<1x128xf32> to vector<2000x128xf32>
    %add3A_149 = arith.addf %mul3A_147, %add3A_148 : vector<2000x128xf32>
    %swap3A = arith.constant 0 : index
    %swap3A_150 = arith.constant 0 : index
    %swap3A_151 = vector.load %arg14[%swap3A, %swap3A_150] : memref<2000x128xf32, #tpu.memory_space<vmem>>, vector<2000x128xf32>
    tpu.vector_store %arg14[%swap3A, %swap3A_150], %add3A_149 {strides = array<i32>} : memref<2000x128xf32, #tpu.memory_space<vmem>>, vector<2000x128xf32>,
    return
  }
  func.func @transform_0(%arg0: i32) -> (i32, i32, i32) {
    %c0_i32 = arith.constant 0 : i32
    %c0_i32_0 = arith.constant 0 : i32
    %c0_i32_1 = arith.constant 0 : i32
    return %c0_i32, %arg0, %c0_i32_0 : i32, i32, i32
  }
  func.func @transform_1(%arg0: i32) -> (i32, i32, i32) {
    %c0_i32 = arith.constant 0 : i32
    %c0_i32_0 = arith.constant 0 : i32
    %c0_i32_1 = arith.constant 0 : i32
    return %c0_i32, %arg0, %c0_i32_0 : i32, i32, i32
  }
  func.func @transform_2(%arg0: i32) -> (i32, i32) {
    %c0_i32 = arith.constant 0 : i32
    %c0_i32_0 = arith.constant 0 : i32
    return %arg0, %c0_i32 : i32, i32
  }
  func.func @transform_3(%arg0: i32) -> (i32, i32) {
    %c0_i32 = arith.constant 0 : i32
    %c0_i32_0 = arith.constant 0 : i32
    %c0_i32_1 = arith.constant 0 : i32
    return %c0_i32, %c0_i32_0 : i32, i32
  }
  func.func @transform_4(%arg0: i32) -> (i32, i32) {
    %c0_i32 = arith.constant 0 : i32
    %c0_i32_0 = arith.constant 0 : i32
    %c0_i32_1 = arith.constant 0 : i32
    return %c0_i32, %c0_i32_0 : i32, i32
  }
  func.func @transform_5(%arg0: i32) -> (i32, i32) {
    %c0_i32 = arith.constant 0 : i32
    %c0_i32_0 = arith.constant 0 : i32
    %c0_i32_1 = arith.constant 0 : i32
    return %c0_i32, %c0_i32_0 : i32, i32
  }
  func.func @transform_6(%arg0: i32) -> (i32, i32) {
    %c0_i32 = arith.constant 0 : i32
    %c0_i32_0 = arith.constant 0 : i32
    %c0_i32_1 = arith.constant 0 : i32
    return %c0_i32, %c0_i32_0 : i32, i32
  }
  func.func @transform_7(%arg0: i32) -> (i32, i32) {
    %c0_i32 = arith.constant 0 : i32
    %c0_i32_0 = arith.constant 0 : i32
    %c0_i32_1 = arith.constant 0 : i32
    return %c0_i32, %c0_i32_0 : i32, i32
  }
  func.func @transform_8(%arg0: i32) -> (i32, i32) {
    %c0_i32 = arith.constant 0 : i32
    %c0_i32_0 = arith.constant 0 : i32
    %c0_i32_1 = arith.constant 0 : i32
    return %c0_i32, %c0_i32_0 : i32, i32
  }
  func.func @transform_9(%arg0: i32) -> (i32, i32) {
    %c0_i32 = arith.constant 0 : i32
    %c0_i32_0 = arith.constant 0 : i32
    %c0_i32_1 = arith.constant 0 : i32
    return %c0_i32, %c0_i32_0 : i32, i32
  }
  func.func @transform_10(%arg0: i32) -> (i32, i32) {
    %c0_i32 = arith.constant 0 : i32
    %c0_i32_0 = arith.constant 0 : i32
    %c0_i32_1 = arith.constant 0 : i32
    return %c0_i32, %c0_i32_0 : i32, i32
  }
  func.func @transform_11(%arg0: i32) -> (i32, i32) {
    %c0_i32 = arith.constant 0 : i32
    %c0_i32_0 = arith.constant 0 : i32
    %c0_i32_1 = arith.constant 0 : i32
    return %c0_i32, %c0_i32_0 : i32, i32
  }
  func.func @transform_12(%arg0: i32) -> (i32, i32) {
    %c0_i32 = arith.constant 0 : i32
    %c0_i32_0 = arith.constant 0 : i32
    %c0_i32_1 = arith.constant 0 : i32
    return %c0_i32, %c0_i32_0 : i32, i32
  }
  func.func @transform_13(%arg0: i32) -> (i32, i32) {
    %c0_i32 = arith.constant 0 : i32
    %c0_i32_0 = arith.constant 0 : i32
    return %arg0, %c0_i32 : i32, i32
  }
}

</mosaic_0001>

<sc_bundles>
// kernel: kernel.5.cloned.1.call-start
scs
__scs_entry_jumppad:
0x0: {  	(pc) =	sbr.rel $0x88, $3  }
0x1: {  	(tag) =	ssettag $0x0;
	lr =	simm.s32 $0x1  }
0x2: {  	[smem:$0x3F92] =	sst lr;
	_ =	strace $0xD0000000  }
0x3: {  	_ = 	snop  }
0x4: {  	_ = 	snop  }
0x5: {  	_ = 	snop  }
0x6: {  	_ = 	snop  }
0x7: {  	_ = 	snop  }
__scs_overlays_trampoline_lowered:
0x8: {  	[smem:$0x3FA1] =	sst s0  }
0x9: {  	[smem:$0x3FA2] =	sst s1  }
0xa: {  	[smem:$0x3FA3] =	sst s2  }
0xb: {  	[smem:$0x3FA4] =	sst s3  }
0xc: {  	[smem:$0x3FA5] =	sst s4  }
0xd: {  	[smem:$0x3FA6] =	sst s5  }
0xe: {  	[smem:$0x3FA7] =	sst s6  }
0xf: {  	[smem:$0x3FA8] =	sst s7  }
0x10: {  	[smem:$0x3FA9] =	sst s8  }
0x11: {  	[smem:$0x3FAA] =	sst s9;
	s0 =	simm.s32 @!p0 $0x0  }
0x12: {  	s1 =	sld [smem:$0x3F90];
	s0 =	simm.s32 @p0 $0x1  }
0x13: {  	[smem:$0x3FAB] =	sst s0;
	s0 =	simm.s32 @!p1 $0x0  }
0x14: {  	s2 =	sld [smem:$0x3F8F];
	s0 =	simm.s32 @p1 $0x1  }
0x15: {  	[smem:$0x3FAC] =	sst s0;
	s0 =	simm.s32 @!p2 $0x0  }
0x16: {  	s3 =	sld [smem:$0x3FDB];
	s0 =	simm.s32 @p2 $0x1  }
0x17: {  	s4 =	simm.s32 $0x1BF5;
	[smem:$0x3FAE] =	sst s0  }
0x18: {  	s0 =	sld [smem:$0x3F91];
	_ =	swait.ge [sflag:s4], $0x0  }
0x19: {  	s7 =	sld [smem:$0x3F92]  }
0x1a: {  	s8 =	sadd.s32 $0xFFFFE003, lr  }
0x1b: {  	s9 =	sadd.s32 $0xFFFFFEF7, lr;
	s5 =	simm.s32 $0xFFFFFFFF;
	p2 =	slt.u32 s8, $0xFFFFF086  }
0x1c: {  	p1 =	slt.u32 s9, $0xF7A;
	s5 =	simm.s32 @!p2 $0x0  }
0x1d: {  	s5 =	simm.s32 @p1 $0x1;
	p0 =	seq.s32 s7, s2  }
0x1e: {  	s7 =	smul.u32 @!p0 $0xF7A, s2;
	p2 =	seq.s32 @!p0 s5, $0x0  }
0x1f: {  	s9 =	smul.u32 $0xF7A, s1;
	s8 =	simm.s32 @!p0 $0x1BF5;
	p2 =	por !p2, p0  }
0x20: {  	[sflag:s8] =	ssyncset.s32 @!p0 $0xFFFFF086;
	s6 =	sadd.s32 @!p0 s3, s7;
	s7 =	simm.s32 @!p0 $0x108  }
0x21: {  	s3 =	sadd.s32 s3, s9;
	s6 =	sadd.s32 @!p0 $0x88, s6;
	s7 =	simm.s32 @p2 $0x1082  }
0x22: {  	[simem:s7], [sflag:s8] =	dma.local @!p0 [hbm:s6], $0xF7A  }
0x23: {  	s9 =	sor.u32 $0xD0000000, s2;
	s6 =	simm.s32 $0x108;
	_ =	swait.ge @!p0 [sflag:s8], $0x0  }
0x24: {  	s3 =	sadd.s32 $0x88, s3;
	s6 =	simm.s32 @!p1 $0x1082;
	[sflag:s4] =	ssyncset.s32 $0xFFFFF086  }
0x25: {  	[simem:s6], [sflag:s4] =	dma.local [hbm:s3], $0xF7A  }
0x26: {  	[smem:$0x3F92] =	sst s1;
	(tag) =	ssettag s2;
	_ =	strace s9  }
0x27: {  	s1 =	sld [smem:$0x3FA2]  }
0x28: {  	s2 =	sld [smem:$0x3FA3]  }
0x29: {  	s4 =	sld [smem:$0x3FA5]  }
0x2a: {  	p0 =	seq.s32 s5, $0x0;
	s5 =	sld [smem:$0x3FA6]  }
0x2b: {  	s6 =	sld [smem:$0x3FA7]  }
0x2c: {  	s7 =	sld [smem:$0x3FA8]  }
0x2d: {  	s3 =	simm.s32 $0x108;
	s8 =	sld [smem:$0x3FA9]  }
0x2e: {  	s3 =	simm.s32 @!p0 $0x1082;
	s9 =	sld [smem:$0x3FAA]  }
0x2f: {  	lr =	sadd.s32 s0, s3;
	s0 =	sld [smem:$0x3FA1]  }
0x30: {  	s3 =	sld [smem:$0x3FA4]  }
0x31: {  	[smem:$0x3FAD] =	sst s10  }
0x32: {  	s10 =	sld [smem:$0x3FAB];
	_ =	sdelay $0x3  }
0x33: {  	p0 =	seq.s32 s10, $0x1;
	s10 =	sld [smem:$0x3FAD];
	_ =	sdelay $0x3  }
0x34: {  	[smem:$0x3FAD] =	sst s10  }
0x35: {  	s10 =	sld [smem:$0x3FAC];
	_ =	sdelay $0x3  }
0x36: {  	p1 =	seq.s32 s10, $0x1;
	s10 =	sld [smem:$0x3FAD];
	_ =	sdelay $0x3  }
0x37: {  	[smem:$0x3FAD] =	sst s10  }
0x38: {  	s10 =	sld [smem:$0x3FAE]  }
0x39: {  	_ = 	snop;
	(pc) =	sbr.ind lr, $3  }
0x3a: {  	_ = 	snop  }
0x3b: {  	_ = 	snop  }
0x3c: {  	p2 =	seq.s32 s10, $0x1;
	s10 =	sld [smem:$0x3FAD]  }
0x3d: {  	_ =	shalt  }
0x3e: {  	_ =	shalt  }
0x3f: {  	_ =	shalt  }
0x40: {  	_ =	shalt  }
0x41: {  	_ =	shalt  }
0x42: {  	_ =	shalt  }
0x43: {  	_ =	shalt  }
0x44: {  	_ =	shalt  }
0x45: {  	_ =	shalt  }
0x46: {  	_ =	shalt  }
0x47: {  	_ =	shalt  }
0x48: {  	_ =	shalt  }
0x49: {  	_ =	shalt  }
0x4a: {  	_ =	shalt  }
0x4b: {  	_ =	shalt  }
0x4c: {  	_ =	shalt  }
0x4d: {  	_ =	shalt  }
0x4e: {  	_ =	shalt  }
0x4f: {  	_ =	shalt  }
0x50: {  	_ =	shalt  }
0x51: {  	_ =	shalt  }
0x52: {  	_ =	shalt  }
0x53: {  	_ =	shalt  }
0x54: {  	_ =	shalt  }
0x55: {  	_ =	shalt  }
0x56: {  	_ =	shalt  }
0x57: {  	_ =	shalt  }
0x58: {  	_ =	shalt  }
0x59: {  	_ =	shalt  }
0x5a: {  	_ =	shalt  }
0x5b: {  	_ =	shalt  }
0x5c: {  	_ =	shalt  }
0x5d: {  	_ =	shalt  }
0x5e: {  	_ =	shalt  }
0x5f: {  	_ =	shalt  }
0x60: {  	_ =	shalt  }
0x61: {  	_ =	shalt  }
0x62: {  	_ =	shalt  }
0x63: {  	_ =	shalt  }
0x64: {  	_ =	shalt  }
0x65: {  	_ =	shalt  }
0x66: {  	_ =	shalt  }
0x67: {  	_ =	shalt  }
0x68: {  	_ =	shalt  }
0x69: {  	_ =	shalt  }
0x6a: {  	_ =	shalt  }
0x6b: {  	_ =	shalt  }
0x6c: {  	_ =	shalt  }
0x6d: {  	_ =	shalt  }
0x6e: {  	_ =	shalt  }
0x6f: {  	_ =	shalt  }
0x70: {  	_ =	shalt  }
0x71: {  	_ =	shalt  }
0x72: {  	_ =	shalt  }
0x73: {  	_ =	shalt  }
0x74: {  	_ =	shalt  }
0x75: {  	_ =	shalt  }
0x76: {  	_ =	shalt  }
0x77: {  	_ =	shalt  }
0x78: {  	_ =	shalt  }
0x79: {  	_ =	shalt  }
0x7a: {  	_ =	shalt  }
0x7b: {  	_ =	shalt  }
0x7c: {  	_ =	shalt  }
0x7d: {  	_ =	shalt  }
0x7e: {  	_ =	shalt  }
0x7f: {  	_ =	shalt  }
0x80: {  	_ =	shalt  }
0x81: {  	_ =	shalt  }
0x82: {  	_ =	shalt  }
0x83: {  	_ =	shalt  }
0x84: {  	_ =	shalt  }
0x85: {  	_ =	shalt  }
0x86: {  	_ =	shalt  }
0x87: {  	_ =	shalt  }
.Lfunc_end0:
.L_simem_size_0:
called_computation_lowered:
.L_overlay_start_0:
0x88: {  	s2 =	sld [smem:$0x3FD9]  }
0x89: {  	s3 =	sld [smem:$0x3FFE];
	_ =	sdelay $0x1  }
0x8a: {  	s1 =	srdreg.scid  }
0x8b: {  	s0 =	sand.u32 $0x1, s1  }
0x8c: {  	s17 =	sshll.u32 s0, $0xA;
	s2 =	sadd.s32 s3, s2  }
0x8d: {  	s2 =	sadd.s32 s2, s17  }
0x8e: {  	[smem:$0x3FB9] =	sst s2  }
0x8f: {  	_ = 	snop  }
0x90: {  	s2 =	sld [smem:$0x3FD0];
	(tm) =	ssettm $0x1  }
0x91: {  	s18 =	sld [smem:$0x3FFB];
	_ =	sdelay $0x3  }
0x92: {  	_ =	strace s18  }
0x93: {  	s3 =	sld [smem:$0x3FFC];
	_ =	sdelay $0x3  }
0x94: {  	_ =	strace s3  }
0x95: {  	s3 =	sld [smem:$0x3FFD];
	_ =	sdelay $0x3  }
0x96: {  	_ =	strace s3  }
0x97: {  	_ =	strace $0x8FFFFFFF  }
0x98: {  	s19 =	sld [smem:$0x3FDB];
	_ =	sdelay $0x1  }
0x99: {  	s4 =	simm.s32 $_scs_section_size  }
0x9a: {  	s5 =	simm.s32 $_size__tile_overlayer_lowered;
	s6 =	simm.s32 $_tile_overlayer_lowered  }
0x9b: {  	s22 =	simm.s32 $0x1BFF;
	s21 =	sshll.u32 s6, $0x1;
	s3 =	sadd.s32 s4, s19  }
0x9c: {  	s7 =	simm.s32 $0x0;
	s20 =	sshll.u32 s5, $0x1;
	s5 =	sadd.s32 s21, s3  }
0x9d: {  	[timem:s7], [sflag:s22] =	dma.local [hbm:s5], s20  }
0x9e: {  	_ =	swait.ge [sflag:s22], s20  }
0x9f: {  	s4 =	ssub.s32 $0x0, s20;
	[sflag:s22] =	ssyncset.done $0x0  }
0xa0: {  	[sflag:s22] =	ssyncadd.s32 s4;
	_ =	sdelay $0x1  }
0xa1: {  	s23 =	simm.s32 $0x1B8B  }
0xa2: {  	_ =	swait.ge [sflag:s23], $0x1  }
0xa3: {  	[sflag:s23] =	ssyncset.done $0x0  }
0xa4: {  	s25 =	simm.s32 $0x1B8E;
	s24 =	sld [smem:$0x3FFE];
	[sflag:s23] =	ssyncadd.s32 $0xFFFFFFFF  }
0xa5: {  	s26 =	simm.s32 $execute0_lowered;
	[smem:$0x3FD2] =	sst s25  }
0xa6: {  	s5 =	sshll.u32 s26, $0x1;
	_ =	strace $0x80000046;
	[dreg:$0x1] =	wrdreg $0xFFFFFFFF  }
0xa7: {  	s28 =	simm.s32 $_size_execute0_lowered;
	s3 =	sadd.s32 s3, s5;
	[dreg:$0x0] =	wrdreg $0x0  }
0xa8: {  	s5 =	sshll.u32 s28, $0x1;
	[dreg:$0x2] =	wrdreg s3  }
0xa9: {  	[dreg:$0x3] =	wrdreg s5  }
0xaa: {  	[dreg:$0x4] =	wrdreg $0xC0  }
0xab: {  	_ =	task [dreg:s7], $0x5FFFF  }
0xac: {  	[dreg:$0x1] =	wrdreg $0xFFFFFFFF  }
0xad: {  	[dreg:$0x0] =	wrdreg $0x60  }
0xae: {  	[dreg:$0x2] =	wrdreg s2  }
0xaf: {  	[dreg:$0x3] =	wrdreg s24  }
0xb0: {  	[dreg:$0x4] =	wrdreg $0x63C00  }
0xb1: {  	[dreg:$0x5] =	wrdreg $0x19FC00  }
0xb2: {  	[dreg:$0x6] =	wrdreg $0x9  }
0xb3: {  	_ =	task.clear_ibuf [dreg:s7], $0x7FFFF;
	_ =	strace $0x90000046  }
0xb4: {  	s29 =	simm.s32 $0x9;
	_ =	strace $0x80000048  }
0xb5: {  	_ =	swait.ge [sflag:s29], $0x1  }
0xb6: {  	[sflag:s29] =	ssyncadd.s32 $0xFFFFFFFF  }
0xb7: {  	_ =	strace $0x90000048  }
0xb8: {  	_ =	sfence  }
0xb9: {  	s30 =	sld [smem:$0x0];
	_ =	sdelay $0x2  }
0xba: {  	s31 =	sshll.u32 s1, $0xD;
	s1 =	sshrl.u32 s1, $0x2  }
0xbb: {  	s3 =	sand.u32 $0x4000, s31;
	s1 =	sadd.s32 s1, s30  }
0xbc: {  	s0 =	sor.u32 s3, s0;
	s1 =	sshll.u32 s1, $0x11  }
0xbd: {  	s0 =	sor.u32 s1, s0  }
0xbe: {  	s0 =	sadd.s32 $0x8F2B, s0  }
0xbf: {  	[sflag:s0] =	ssyncadd.remote.s32 $0x1  }
0xc0: {  	_ =	sfence.sel $0xFFFF  }
0xc1: {  	[dreg:$0x0] =	wrdreg $0xFFFFFFFF;
	(pc) =	sbr.abs _section_cstart, $3  }
0xc2: {  	[dreg:$0x1] =	wrdreg $0xFFFFFFFF  }
0xc3: {  	_ =	task.clear_ibuf [dreg:s7], $0x2FFFF;
	_ =	strace $0x9FFFFFFF  }
0xc4: {  	(tm) =	ssettm $0x7FFFFFFF  }
0xc5: {  	_ =	shalt  }
tec
execute0_lowered:
.L_overlay_start_1:
0x0: {  	(tag) =	ssettag $0x1  }
0x1: {  	s1 =	rddreg [dreg:$0x0]  }
0x2: {  	s0 =	rddreg [dreg:$0x1]  }
0x3: {  	s2 =	rddreg [dreg:$0x2]  }
0x4: {  	s3 =	rddreg [dreg:$0x3];
	s4 =	srdreg.scid  }
0x5: {  	s19 =	simm.s32 $0x0;
	s16 =	stileid.u32;
	s28 =	simm.s32 $0x48C0  }
0x6: {  	s29 =	simm.s32 $0x5;
	s30 =	simm.s32 $0x60C0;
	s10 =	smul.u32 $0x13C00, s16  }
0x7: {  	s31 =	simm.s32 $0x60;
	s4 =	sand.u32 $0x1, s4;
	s12 =	smul.u32 $0x2780, s16  }
0x8: {  	[smem:$0x7FF] =	sst s19;
	s6 =	sadd.s32 $0x16200, s0;
	s14 =	smul.u32 $0x278, s16  }
0x9: {  	s7 =	sadd.s32 $0x3D400, s0;
	s8 =	sadd.s32 $0xC400, s0;
	s18 =	smul.u32 $0x9E00, s16  }
0xa: {  	s9 =	sadd.s32 $0x2600, s0;
	s13 =	sshll.u32 s16, $0x1;
	s5 =	smul.u32 $0x13C000, s4  }
0xb: {  	_ =	strace $0x80000047;
	s11 =	smul.u32 $0x27800, s4;
	s15 =	ssub.s32 $0x2, s4  }
0xc: {  	s4 =	sor.u32 s4, s13;
	s20 =	sshrl.u32 s15, $0x1;
	s14 =	sadd.s32 $0x270, s14  }
0xd: {  	s4 =	smul.u32 $0x2760, s4;
	s5 =	sadd.s32 s10, s5;
	s11 =	sadd.s32 s12, s11  }
0xe: {  	s21 =	sshll.u32 s14, $0x7;
	s22 =	sshll.u32 s14, $0x4;
	s5 =	sshrl.u32 s5, $0x3  }
0xf: {  	s11 =	sshrl.u32 s11, $0x3;
	s13 =	sadd.s32 s21, s2;
	s23 =	sshrl.u32 s4, $0x3  }
0x10: {  	s17 =	sadd.s32 $0x48, s4;
	s21 =	smul.u32 $0x4F000, s16;
	s16 =	simm.s32 $0x48  }
0x11: {  	s5 =	sadd.s32 s5, s0;
	s0 =	sadd.s32 s11, s0;
	[dreg:$0x6] =	wrdreg s13  }
0x12: {  	s11 =	ssub.s32 s15, s20;
	s13 =	sadd.s32 s22, s3;
	[dreg:$0xd] =	wrdreg s17  }
0x13: {  	s24 =	sadd.s32 s8, s23;
	s25 =	sor.u32 $0x3, s23;
	[dreg:$0x7] =	wrdreg s13  }
0x14: {  	s14 =	sadd.s32 s9, s23;
	s15 =	sadd.s32 $0x30, s4;
	[dreg:$0x8] =	wrdreg s24  }
0x15: {  	s20 =	sadd.s32 $0x60, s4;
	s4 =	sadd.s32 $0x78, s4;
	[dreg:$0x9] =	wrdreg s14  }
0x16: {  	s22 =	sadd.s32 s10, s2;
	s17 =	simm.s32 $0xA8;
	[dreg:$0xc] =	wrdreg s15  }
0x17: {  	s26 =	sadd.s32 s8, s25;
	s13 =	sadd.s32 s9, s25;
	[dreg:$0xe] =	wrdreg s20  }
0x18: {  	[dreg:$0xf] =	wrdreg s4;
	s5 =	sadd.s32 $0x6E400, s5;
	s0 =	sadd.s32 $0x64600, s0  }
0x19: {  	s24 =	sadd.s32 s12, s3;
	s25 =	sshrl.u32 s18, $0x2;
	[dreg:$0xa] =	wrdreg s26  }
0x1a: {  	s4 =	sshrl.u32 s21, $0x2;
	s11 =	smax.u32 s11, $0x1;
	[dreg:$0xb] =	wrdreg s13  }
0x1b: {  	s12 =	simm.s32 $0x30C0;
	s14 =	simm.s32 $0x6240;
	[dreg:$0x10] =	wrdreg s5  }
0x1c: {  	s15 =	simm.s32 $0x1;
	s18 =	simm.s32 $0x3;
	[dreg:$0x11] =	wrdreg s0  }
0x1d: {  	[dreg:$0x12] =	wrdreg s11;
	s23 =	sadd.s32 s25, s3;
	s4 =	sadd.s32 s4, s2  }
0x1e: {  	v0 =	vimm.f32 $0.0e+00;
	s26 =	sshrl.u32 s22, $0x3;
	s0 =	sshrl.u32 s24, $0x3;
	[dreg:$0x13] =	wrdreg s4  }
0x1f: {  	v1 =	vimm.s32 $0xF;
	vm0 =	vmmov $0x1;
	vm1 =	vcmask $0x320;
	s13 =	simm.s32 $0x54C0;
	s25 =	simm.s32 $0x30;
	[dreg:$0x14] =	wrdreg s26  }
0x20: {  	vm2 =	vcmask $0x720;
	vm3 =	vcmask $0xB20;
	vm4 =	vcmask $0xF20;
	s24 =	simm.s32 $0x2;
	s5 =	simm.s32 $0x4;
	[dreg:$0x15] =	wrdreg s0  }
0x21: {  	vm5 =	vcmask $0x1320;
	vm6 =	vcmask $0x1720;
	vm7 =	vcmask $0x1B20;
	s0 =	simm.s32 $0x18;
	s4 =	simm.s32 $0x78;
	s26 =	simm.s32 $0x90  }
.LBB2_1:
0x22: {  	s10 =	simm.s32 $0x4900  }
0x23: {  	[tilespmem:s10+$0xFFFFFFD0] =	vst v0  }
0x24: {  	[tilespmem:s10+$0xFFFFFFE0] =	vst v0  }
0x25: {  	[tilespmem:s10+$0xFFFFFFF0] =	vst v0  }
0x26: {  	[tilespmem:s10+$0x0] =	vst v0  }
0x27: {  	[tilespmem:s10+$0x10] =	vst v0  }
0x28: {  	[tilespmem:s10+$0x20] =	vst v0  }
0x29: {  	[tilespmem:s10+$0x30] =	vst v0  }
0x2a: {  	[dreg:$0x5] =	wrdreg s19;
	s19 =	simm.s32 $0x0;
	s11 =	simm.s32 $0x40;
	[tilespmem:s10+$0xFFFFFFC0] =	vst v0  }
.LBB2_2:
0x2b: {  	p0 =	sne.s32 s11, $0xBC0;
	[tilespmem:s19+$0x60C0] =	vst v0;
	s10 =	sadd.s32 $0x80, s10  }
0x2c: {  	[tilespmem:s10+$0xFFFFFFD0] =	vst v0  }
0x2d: {  	[tilespmem:s10+$0xFFFFFFE0] =	vst v0  }
0x2e: {  	[tilespmem:s10+$0xFFFFFFF0] =	vst v0  }
.Ltmp0:
0x2f: {  	[tilespmem:s10+$0x0] =	vst v0;
	(pc) =	sbr.rel @p0 .LBB2_2-.Ltmp0, $4  }
0x30: {  	[tilespmem:s10+$0x10] =	vst v0  }
0x31: {  	[tilespmem:s10+$0x20] =	vst v0  }
0x32: {  	[tilespmem:s10+$0x30] =	vst v0  }
0x33: {  	s19 =	sshra.s32 s11, $0x2;
	s11 =	sadd.s32 $0x40, s11;
	[tilespmem:s10+$0xFFFFFFC0] =	vst v0  }
0x34: {  	[tilespmem:s19+$0x60C0] =	vst v0;
	s11 =	rddreg [dreg:$0x13]  }
0x35: {  	[spmem:s11] =	stream.linear.scatter [tilespmem:s28], [sflag:$0x5], $0x1800, $0x38;
	[tilespmem:$0x1C740] =	vst v63  }
0x36: {  	_ =	swait.ge [sflag:s29], $0x1800  }
0x37: {  	[sflag:s29] =	ssyncset.done $0x0  }
0x38: {  	s10 =	sadd.s32 $0x0, s23;
	[sflag:s29] =	ssyncadd.s32 $0xFFFFE800  }
0x39: {  	[spmem:s10] =	stream.linear.scatter [tilespmem:s30], [sflag:$0x5], $0x300, $0x38;
	[tilespmem:$0x1C740] =	vst v63  }
0x3a: {  	_ =	swait.ge [sflag:s29], $0x300  }
0x3b: {  	s10 =	simm.s32 $0xC00;
	[sflag:s29] =	ssyncset.done $0x0  }
.LBB2_4:
0x3c: {  	p0 =	sne.s32 s10, $0x9000;
	[sflag:s29] =	ssyncadd.s32 $0xFFFFFD00;
	s11 =	sadd.s32 $0x1800, s11  }
0x3d: {  	[spmem:s11] =	stream.linear.scatter [tilespmem:s28], [sflag:$0x5], $0x1800, $0x38;
	[tilespmem:$0x1C740] =	vst v63  }
0x3e: {  	s19 =	smov.u32 s10;
	s10 =	sadd.s32 $0xC00, s10;
	_ =	swait.ge [sflag:s29], $0x1800  }
.Ltmp1:
0x3f: {  	s19 =	sshra.s32 s19, $0x2;
	[sflag:s29] =	ssyncset.done $0x0;
	(pc) =	sbr.rel @p0 .LBB2_4-.Ltmp1, $4  }
0x40: {  	s19 =	sadd.s32 s19, s23;
	[sflag:s29] =	ssyncadd.s32 $0xFFFFE800  }
0x41: {  	[spmem:s19] =	stream.linear.scatter [tilespmem:s30], [sflag:$0x5], $0x300, $0x38;
	[tilespmem:$0x1C740] =	vst v63  }
0x42: {  	_ =	swait.ge [sflag:s29], $0x300  }
0x43: {  	[sflag:s29] =	ssyncset.done $0x0  }
0x44: {  	[sflag:s29] =	ssyncadd.s32 $0xFFFFFD00;
	s10 =	rddreg [dreg:$0x6]  }
0x45: {  	[spmem:s10] =	stream.linear.scatter [tilespmem:s28], [sflag:$0x5], $0x400, $0x38;
	[tilespmem:$0x1C740] =	vst v63  }
0x46: {  	_ =	swait.ge [sflag:s29], $0x400  }
0x47: {  	[sflag:s29] =	ssyncset.done $0x0  }
0x48: {  	s20 =	rddreg [dreg:$0x7];
	[sflag:s29] =	ssyncadd.s32 $0xFFFFFC00  }
0x49: {  	[spmem:s20] =	stream.linear.scatter [tilespmem:s30], [sflag:$0x5], $0x80, $0x38;
	[tilespmem:$0x1C740] =	vst v63  }
0x4a: {  	_ =	swait.ge [sflag:s29], $0x80  }
0x4b: {  	[sflag:s29] =	ssyncset.done $0x0  }
0x4c: {  	[sflag:s29] =	ssyncadd.s32 $0xFFFFFF80  }
0x4d: {  	[bflag:$0x0] =	sbarrier.arrive $0xFFFF  }
0x4e: {  	s19 =	simm.s32 $0x0;
	s21 =	rddreg [dreg:$0x8]  }
0x4f: {  	[tilespmem:s19], [sflag:$0x5] =	stream.linear.gather [hbm4b:s21+s19], $0x18, $0x38;
	[tilespmem:$0x1C740] =	vst v63  }
0x50: {  	_ =	swait.ge [sflag:s29], $0x18  }
0x51: {  	[sflag:s29] =	ssyncset.done $0x0  }
0x52: {  	s22 =	rddreg [dreg:$0x9];
	[sflag:s29] =	ssyncadd.s32 $0xFFFFFFE8  }
0x53: {  	[tilespmem:s31], [sflag:$0x5] =	stream.linear.gather [hbm4b:s22+s19], $0x18, $0x38;
	[tilespmem:$0x1C740] =	vst v63  }
0x54: {  	_ =	swait.ge [sflag:s29], $0x18  }
0x55: {  	[sflag:s29] =	ssyncset.done $0x0  }
0x56: {  	s11 =	rddreg [dreg:$0xa];
	[sflag:s29] =	ssyncadd.s32 $0xFFFFFFE8  }
0x57: {  	[tilespmem:s0], [sflag:$0x1] =	stream.linear.gather [hbm4b:s11+s19], $0x18, $0x38;
	[tilespmem:$0x1C740] =	vst v63  }
0x58: {  	s20 =	rddreg [dreg:$0xb]  }
0x59: {  	[tilespmem:s4], [sflag:$0x1] =	stream.linear.gather [hbm4b:s20+s19], $0x18, $0x38;
	[tilespmem:$0x1C740] =	vst v63  }
0x5a: {  	s21 =	simm.s32 $0xC0  }
0x5b: {  	[tilespmem:s21], [sflag:$0x2] =	stream.indirect.gather [hbm4b:s1+s0], $0x80, s31, s0, $0xb8;
	[tilespmem:$0x1C740] =	vst v63  }
0x5c: {  	s22 =	simm.s32 $0x18C0  }
0x5d: {  	[tilespmem:s22], [sflag:$0x2] =	stream.indirect.gather [hbm4b:s6+s0], $0x80, s19, s0, $0xb8;
	[tilespmem:$0x1C740] =	vst v63  }
0x5e: {  	_ = 	snop  }
0x5f: {  	[tilespmem:s12], [sflag:$0x2] =	stream.indirect.gather [hbm4b:s7+s0], $0x80, s19, s0, $0xb8;
	[tilespmem:$0x1C740] =	vst v63  }
0x60: {  	_ = 	snop  }
0x61: {  	[spmem:s2] =	stream.indirect.scatter.add.f32 [tilespmem:s13], [sflag:$0x4], $0x80, s31, s0, $0xb8;
	[tilespmem:$0x1C740] =	vst v63  }
0x62: {  	s20 =	simm.s32 $0x0  }
0x63: {  	[spmem:s3] =	stream.indirect.scatter.add.f32 [tilespmem:s14], [sflag:$0x4], $0x10, s31, s0, $0xb8;
	[tilespmem:$0x1C740] =	vst v63  }
.LBB2_6:
0x64: {  	_ =	swait.ge [sflag:s15], $0x18  }
0x65: {  	[sflag:s15] =	ssyncset.done $0x0  }
0x66: {  	[sflag:s15] =	ssyncadd.s32 $0xFFFFFFE8  }
0x67: {  	_ =	swait.ge [sflag:s15], $0x18  }
0x68: {  	[sflag:s15] =	ssyncset.done $0x0  }
0x69: {  	s10 =	simm.s32 $0xCC0;
	[sflag:s15] =	ssyncadd.s32 $0xFFFFFFE8  }
0x6a: {  	[tilespmem:s10], [sflag:$0x3] =	stream.indirect.gather [hbm4b:s1+s0], $0x80, s4, s0, $0xb8;
	[tilespmem:$0x1C740] =	vst v63  }
0x6b: {  	s22 =	simm.s32 $0x24C0;
	s21 =	smul.u32 $0x60, s20  }
0x6c: {  	[tilespmem:s22], [sflag:$0x3] =	stream.indirect.gather [hbm4b:s6+s0], $0x80, s0, s0, $0xb8;
	[tilespmem:$0x1C740] =	vst v63  }
0x6d: {  	s22 =	rddreg [dreg:$0xc]  }
0x6e: {  	s11 =	simm.s32 $0x3CC0;
	s10 =	sadd.s32 s21, s22  }
0x6f: {  	[tilespmem:s11], [sflag:$0x3] =	stream.indirect.gather [hbm4b:s7+s0], $0x80, s0, s0, $0xb8;
	[tilespmem:$0x1C740] =	vst v63  }
0x70: {  	s10 =	sshrl.u32 s10, $0x3  }
0x71: {  	s11 =	sadd.s32 s8, s10  }
0x72: {  	[tilespmem:s25], [sflag:$0x1] =	stream.linear.gather [hbm4b:s11+s19], $0x18, $0x38;
	[tilespmem:$0x1C740] =	vst v63  }
0x73: {  	s10 =	sadd.s32 s9, s10  }
0x74: {  	[tilespmem:s26], [sflag:$0x1] =	stream.linear.gather [hbm4b:s10+s19], $0x18, $0x38;
	[tilespmem:$0x1C740] =	vst v63  }
0x75: {  	_ =	swait.ge [sflag:s24], $0xC00  }
0x76: {  	[sflag:s24] =	ssyncset.done $0x0  }
0x77: {  	[sflag:s24] =	ssyncadd.s32 $0xFFFFF400  }
0x78: {  	_ =	swait.ge [sflag:s24], $0xC00  }
0x79: {  	[sflag:s24] =	ssyncset.done $0x0  }
0x7a: {  	[sflag:s24] =	ssyncadd.s32 $0xFFFFF400  }
0x7b: {  	_ =	swait.ge [sflag:s24], $0xC00  }
0x7c: {  	[sflag:s24] =	ssyncset.done $0x0  }
0x7d: {  	[sflag:s24] =	ssyncadd.s32 $0xFFFFF400  }
0x7e: {  	_ =	swait.ge [sflag:s5], $0xC00  }
0x7f: {  	[sflag:s5] =	ssyncset.done $0x0  }
0x80: {  	[sflag:s5] =	ssyncadd.s32 $0xFFFFF400  }
0x81: {  	_ =	swait.ge [sflag:s5], $0x180  }
0x82: {  	[sflag:s5] =	ssyncset.done $0x0  }
0x83: {  	s22 =	simm.s32 $0x60D0;
	s10 =	simm.s32 $0x0;
	[sflag:s5] =	ssyncadd.s32 $0xFFFFFE80  }
.LBB2_7:
0x84: {  	s11 =	sshra.s32 s10, $0x2  }
0x85: {  	v2 =	vld [tilespmem:s11+$0xC0]  }
0x86: {  	v3 =	vld [tilespmem:s11+$0x18C0]  }
0x87: {  	v4 =	vld [tilespmem:s11+$0xD0]  }
0x88: {  	v5 =	vld [tilespmem:s11+$0x18D0]  }
0x89: {  	v6 =	vld [tilespmem:s11+$0xE0]  }
0x8a: {  	v7 =	vld [tilespmem:s11+$0x18E0]  }
0x8b: {  	v8 =	vld [tilespmem:s11+$0xF0]  }
0x8c: {  	v9 =	vld [tilespmem:s11+$0x18F0]  }
0x8d: {  	v10 =	vld [tilespmem:s11+$0x100]  }
0x8e: {  	v37 =	vld [tilespmem:s11+$0x110];
	v2 =	vmul.f32 v3, v2  }
0x8f: {  	v39 =	vld [tilespmem:s11+$0x120];
	v4 =	vmul.f32 v5, v4  }
0x90: {  	v41 =	vld [tilespmem:s11+$0x1920];
	(xrf2) =	vadd.scan.msk.f32 $0xffff, v2  }
0x91: {  	v3 =	vld [tilespmem:s11+$0x1900];
	v38 =	vmul.f32 v7, v6;
	(xrf2) =	vadd.scan.msk.f32 $0xffff, v4  }
0x92: {  	v40 =	vmul.f32 v9, v8;
	v2 =	vld [tilespmem:s11+$0x1910]  }
0x93: {  	v42 =	vld [tilespmem:s11+$0x130];
	(xrf2) =	vadd.scan.msk.f32 $0xffff, v38  }
0x94: {  	v43 =	vld [tilespmem:s11+$0x1930];
	(xrf2) =	vadd.scan.msk.f32 $0xffff, v40;
	_ =	sdelay $0x1  }
0x95: {  	v3 =	vmul.f32 v3, v10  }
0x96: {  	v2 =	vmul.f32 v2, v37  }
0x97: {  	(xrf2) =	vadd.scan.msk.f32 $0xffff, v3;
	v3 =	vmul.f32 v41, v39  }
0x98: {  	(xrf2) =	vadd.scan.msk.f32 $0xffff, v2;
	v2 =	vmul.f32 v43, v42  }
0x99: {  	v44, _, _ =	vpop (xrf2);
	(xrf2) =	vadd.scan.msk.f32 $0xffff, v3  }
0x9a: {  	v3 =	vperm.xlane v44, v1;
	v45, _, _ =	vpop (xrf2);
	(xrf2) =	vadd.scan.msk.f32 $0xffff, v2  }
0x9b: {  	v2 =	vperm.xlane v45, v1  }
0x9c: {  	v46, _, _ =	vpop (xrf2);
	v3 =	vmax.f32 v3, $-5.000000000e+00  }
0x9d: {  	v4 =	vperm.xlane v46, v1;
	v47, _, _ =	vpop (xrf2);
	v3 =	vmin.f32 v3, $5.000000000e+00;
	v2 =	vmax.f32 v2, $-5.000000000e+00  }
0x9e: {  	v5 =	vperm.xlane v47, v1;
	v3 =	vmul.f32 $1.442695020e+00, v3;
	v2 =	vmin.f32 v2, $5.000000000e+00  }
0x9f: {  	v4 =	vmax.f32 v4, $-5.000000000e+00;
	v2 =	vmul.f32 $1.442695020e+00, v2  }
0xa0: {  	v48 =	vmax.f32 v5, $-5.000000000e+00;
	(erf) = vpow2.f32 v3;
	v3 =	vmin.f32 v4, $5.000000000e+00  }
0xa1: {  	v49, _, _ =	vpop (xrf2);
	(erf) = vpow2.f32 v2;
	v2 =	vmul.f32 $1.442695020e+00, v3;
	v3 =	vmin.f32 v48, $5.000000000e+00  }
0xa2: {  	v4 =	vperm.xlane v49, v1;
	v50, _, _ =	vpop (xrf2);
	v3 =	vmul.f32 $1.442695020e+00, v3  }
0xa3: {  	(erf) = vpow2.f32 v2;
	v2 =	vperm.xlane v50, v1;
	v51, _, _ =	vpop (xrf2)  }
0xa4: {  	(erf) = vpow2.f32 v3;
	v3 =	vmax.f32 v4, $-5.000000000e+00;
	v52 =	vperm.xlane v51, v1;
	v53, _, _ =	vpop (xrf2)  }
0xa5: {  	v3 =	vmin.f32 v3, $5.000000000e+00;
	v2 =	vmax.f32 v2, $-5.000000000e+00;
	v5 =	vperm.xlane v53, v1  }
0xa6: {  	v3 =	vmul.f32 $1.442695020e+00, v3;
	v2 =	vmin.f32 v2, $5.000000000e+00;
	v4 =	vmax.f32 v52, $-5.000000000e+00  }
0xa7: {  	v2 =	vmul.f32 $1.442695020e+00, v2;
	v4 =	vmin.f32 v4, $5.000000000e+00;
	v5 =	vmax.f32 v5, $-5.000000000e+00  }
0xa8: {  	(erf) = vpow2.f32 v3;
	v3 =	vmul.f32 $1.442695020e+00, v4;
	v54 =	vmin.f32 v5, $5.000000000e+00  }
0xa9: {  	v55 =	vld [tilespmem:s11+$0x30C0];
	(erf) = vpow2.f32 v2;
	v2 =	vmul.f32 $1.442695020e+00, v54  }
0xaa: {  	v56 =	vld [tilespmem:s11+$0x30D0];
	(erf) = vpow2.f32 v3  }
0xab: {  	v3 =	vld [tilespmem:s11+$0x30E0];
	(erf) = vpow2.f32 v2  }
0xac: {  	v2 =	vld [tilespmem:s11+$0x30F0]  }
0xad: {  	v58 =	vld [tilespmem:s11+$0x3100];
	v57 =	vpop (erf)  }
0xae: {  	v60 =	vld [tilespmem:s11+$0x3110];
	v5 =	vmul.f32 v57, v55;
	v59 =	vpop (erf)  }
0xaf: {  	v11 =	vld [tilespmem:s11+$0x3120];
	v4 =	vmul.f32 v59, v56;
	v61 =	vpop (erf)  }
0xb0: {  	v12 =	vld [tilespmem:s11+$0x3130];
	v62 =	vnsel vm0, $0x0, v57;
	[tilespmem:s11+$0x48C0] =	vst v5;
	v63 =	vpop (erf);
	v3 =	vmul.f32 v61, v3  }
0xb1: {  	v15 =	vsel vm1, v62, v59;
	[tilespmem:s11+$0x48D0] =	vst v4;
	v2 =	vmul.f32 v63, v2;
	v16 =	vpop (erf)  }
0xb2: {  	[tilespmem:s11+$0x48E0] =	vst v3;
	v3 =	vsel vm2, v15, v61;
	v17 =	vmul.f32 v16, v58;
	v18 =	vpop (erf)  }
0xb3: {  	[tilespmem:s11+$0x48F0] =	vst v2;
	v2 =	vsel vm3, v3, v63;
	v3 =	vmul.f32 v18, v60;
	v19 =	vpop (erf)  }
0xb4: {  	v2 =	vsel vm4, v2, v16;
	[tilespmem:s11+$0x4900] =	vst v17;
	v20 =	vmul.f32 v19, v11;
	v21 =	vpop (erf)  }
0xb5: {  	v2 =	vsel vm5, v2, v18;
	[tilespmem:s11+$0x4910] =	vst v3;
	v3 =	vmul.f32 v21, v12  }
0xb6: {  	v2 =	vsel vm6, v2, v19;
	[tilespmem:s11+$0x4920] =	vst v20  }
0xb7: {  	v2 =	vsel vm7, v2, v21;
	[tilespmem:s11+$0x4930] =	vst v3  }
0xb8: {  	[tilespmem:s22+$0xFFFFFFF0] =	vst v2  }
0xb9: {  	v2 =	vld [tilespmem:s11+$0x140]  }
0xba: {  	v3 =	vld [tilespmem:s11+$0x1940]  }
0xbb: {  	v22 =	vld [tilespmem:s11+$0x150]  }
0xbc: {  	v23 =	vld [tilespmem:s11+$0x1950]  }
0xbd: {  	v24 =	vld [tilespmem:s11+$0x160]  }
0xbe: {  	v25 =	vld [tilespmem:s11+$0x1960]  }
0xbf: {  	v26 =	vld [tilespmem:s11+$0x170]  }
0xc0: {  	v27 =	vld [tilespmem:s11+$0x1970]  }
0xc1: {  	v28 =	vld [tilespmem:s11+$0x180]  }
0xc2: {  	v29 =	vld [tilespmem:s11+$0x190];
	v2 =	vmul.f32 v3, v2  }
0xc3: {  	v31 =	vld [tilespmem:s11+$0x1A0];
	v4 =	vmul.f32 v23, v22  }
0xc4: {  	v33 =	vld [tilespmem:s11+$0x19A0];
	(xrf2) =	vadd.scan.msk.f32 $0xffff, v2  }
0xc5: {  	v3 =	vld [tilespmem:s11+$0x1980];
	v30 =	vmul.f32 v25, v24;
	(xrf2) =	vadd.scan.msk.f32 $0xffff, v4  }
0xc6: {  	v32 =	vmul.f32 v27, v26;
	v2 =	vld [tilespmem:s11+$0x1990]  }
0xc7: {  	v34 =	vld [tilespmem:s11+$0x1B0];
	(xrf2) =	vadd.scan.msk.f32 $0xffff, v30  }
0xc8: {  	v35 =	vld [tilespmem:s11+$0x19B0];
	(xrf2) =	vadd.scan.msk.f32 $0xffff, v32;
	_ =	sdelay $0x1  }
0xc9: {  	v3 =	vmul.f32 v3, v28  }
0xca: {  	v2 =	vmul.f32 v2, v29  }
0xcb: {  	(xrf2) =	vadd.scan.msk.f32 $0xffff, v3;
	v3 =	vmul.f32 v33, v31  }
0xcc: {  	(xrf2) =	vadd.scan.msk.f32 $0xffff, v2;
	v2 =	vmul.f32 v35, v34  }
0xcd: {  	v36, _, _ =	vpop (xrf2);
	(xrf2) =	vadd.scan.msk.f32 $0xffff, v3  }
0xce: {  	v3 =	vperm.xlane v36, v1;
	v37, _, _ =	vpop (xrf2);
	(xrf2) =	vadd.scan.msk.f32 $0xffff, v2  }
0xcf: {  	v2 =	vperm.xlane v37, v1  }
0xd0: {  	v38, _, _ =	vpop (xrf2);
	v3 =	vmax.f32 v3, $-5.000000000e+00  }
0xd1: {  	v39, _, _ =	vpop (xrf2);
	v4 =	vperm.xlane v38, v1;
	v3 =	vmin.f32 v3, $5.000000000e+00;
	v2 =	vmax.f32 v2, $-5.000000000e+00  }
0xd2: {  	v5 =	vperm.xlane v39, v1;
	v3 =	vmul.f32 $1.442695020e+00, v3;
	v2 =	vmin.f32 v2, $5.000000000e+00  }
0xd3: {  	v4 =	vmax.f32 v4, $-5.000000000e+00;
	v2 =	vmul.f32 $1.442695020e+00, v2  }
0xd4: {  	v40 =	vmax.f32 v5, $-5.000000000e+00;
	(erf) = vpow2.f32 v3;
	v3 =	vmin.f32 v4, $5.000000000e+00  }
0xd5: {  	v41, _, _ =	vpop (xrf2);
	(erf) = vpow2.f32 v2;
	v2 =	vmul.f32 $1.442695020e+00, v3;
	v3 =	vmin.f32 v40, $5.000000000e+00  }
0xd6: {  	v5 =	vperm.xlane v41, v1;
	v42, _, _ =	vpop (xrf2);
	v3 =	vmul.f32 $1.442695020e+00, v3  }
0xd7: {  	v43, _, _ =	vpop (xrf2);
	(erf) = vpow2.f32 v2;
	v2 =	vperm.xlane v42, v1  }
0xd8: {  	(erf) = vpow2.f32 v3;
	v3 =	vmax.f32 v5, $-5.000000000e+00;
	v44 =	vperm.xlane v43, v1;
	v45, _, _ =	vpop (xrf2)  }
0xd9: {  	v3 =	vmin.f32 v3, $5.000000000e+00;
	v2 =	vmax.f32 v2, $-5.000000000e+00;
	v5 =	vperm.xlane v45, v1  }
0xda: {  	v3 =	vmul.f32 $1.442695020e+00, v3;
	v2 =	vmin.f32 v2, $5.000000000e+00;
	v4 =	vmax.f32 v44, $-5.000000000e+00  }
0xdb: {  	v2 =	vmul.f32 $1.442695020e+00, v2;
	v4 =	vmin.f32 v4, $5.000000000e+00;
	v5 =	vmax.f32 v5, $-5.000000000e+00  }
0xdc: {  	(erf) = vpow2.f32 v3;
	v3 =	vmul.f32 $1.442695020e+00, v4;
	v46 =	vmin.f32 v5, $5.000000000e+00  }
0xdd: {  	v47 =	vld [tilespmem:s11+$0x3140];
	(erf) = vpow2.f32 v2;
	v2 =	vmul.f32 $1.442695020e+00, v46  }
0xde: {  	v48 =	vld [tilespmem:s11+$0x3150];
	(erf) = vpow2.f32 v3  }
0xdf: {  	v3 =	vld [tilespmem:s11+$0x3160];
	(erf) = vpow2.f32 v2  }
0xe0: {  	v2 =	vld [tilespmem:s11+$0x3170]  }
0xe1: {  	v50 =	vld [tilespmem:s11+$0x3180];
	v49 =	vpop (erf)  }
0xe2: {  	v52 =	vld [tilespmem:s11+$0x3190];
	v51 =	vpop (erf);
	v5 =	vmul.f32 v49, v47  }
0xe3: {  	v54 =	vld [tilespmem:s11+$0x31A0];
	v4 =	vmul.f32 v51, v48;
	v53 =	vpop (erf)  }
0xe4: {  	v57 =	vld [tilespmem:s11+$0x31B0];
	v56 =	vnsel vm0, $0x0, v49;
	[tilespmem:s11+$0x4940] =	vst v5;
	v55 =	vpop (erf);
	v3 =	vmul.f32 v53, v3  }
0xe5: {  	v58 =	vsel vm1, v56, v51;
	[tilespmem:s11+$0x4950] =	vst v4;
	v2 =	vmul.f32 v55, v2;
	v13 =	vpop (erf)  }
0xe6: {  	[tilespmem:s11+$0x4960] =	vst v3;
	v3 =	vsel vm2, v58, v53;
	v59 =	vpop (erf);
	v60 =	vmul.f32 v13, v50  }
0xe7: {  	p0 =	sne.s32 s10, $0x2C00;
	[tilespmem:s11+$0x4970] =	vst v2;
	v2 =	vsel vm3, v3, v55;
	v61 =	vpop (erf);
	v3 =	vmul.f32 v59, v52  }
.Ltmp2:
0xe8: {  	v2 =	vsel vm4, v2, v13;
	[tilespmem:s11+$0x4980] =	vst v60;
	v62 =	vmul.f32 v61, v54;
	v63 =	vpop (erf);
	(pc) =	sbr.rel @p0 .LBB2_7-.Ltmp2, $4  }
0xe9: {  	v2 =	vsel vm5, v2, v59;
	[tilespmem:s11+$0x4990] =	vst v3;
	v3 =	vmul.f32 v63, v57  }
0xea: {  	v2 =	vsel vm6, v2, v61;
	[tilespmem:s11+$0x49A0] =	vst v62  }
0xeb: {  	v2 =	vsel vm7, v2, v63;
	[tilespmem:s11+$0x49B0] =	vst v3  }
0xec: {  	s10 =	sadd.s32 $0x400, s10;
	[tilespmem:s22+$0x0] =	vst v2;
	s22 =	sadd.s32 $0x20, s22  }
0xed: {  	[spmem:s2] =	stream.indirect.scatter.add.f32 [tilespmem:s28], [sflag:$0x4], $0x80, s31, s0, $0xb8;
	[tilespmem:$0x1C740] =	vst v63  }
0xee: {  	_ = 	snop  }
0xef: {  	[spmem:s3] =	stream.indirect.scatter.add.f32 [tilespmem:s30], [sflag:$0x4], $0x10, s31, s0, $0xb8;
	[tilespmem:$0x1C740] =	vst v63  }
0xf0: {  	_ =	swait.ge [sflag:s15], $0x18  }
0xf1: {  	[sflag:s15] =	ssyncset.done $0x0  }
0xf2: {  	[sflag:s15] =	ssyncadd.s32 $0xFFFFFFE8  }
0xf3: {  	_ =	swait.ge [sflag:s15], $0x18  }
0xf4: {  	[sflag:s15] =	ssyncset.done $0x0  }
0xf5: {  	s10 =	simm.s32 $0xC0;
	s22 =	rddreg [dreg:$0xd];
	[sflag:s15] =	ssyncadd.s32 $0xFFFFFFE8  }
0xf6: {  	[tilespmem:s10], [sflag:$0x2] =	stream.indirect.gather [hbm4b:s1+s0], $0x80, s26, s0, $0xb8;
	[tilespmem:$0x1C740] =	vst v63  }
0xf7: {  	s11 =	simm.s32 $0x18C0;
	s10 =	sadd.s32 s21, s22  }
0xf8: {  	[tilespmem:s11], [sflag:$0x2] =	stream.indirect.gather [hbm4b:s6+s0], $0x80, s25, s0, $0xb8;
	[tilespmem:$0x1C740] =	vst v63  }
0xf9: {  	s10 =	sshrl.u32 s10, $0x3  }
0xfa: {  	[tilespmem:s12], [sflag:$0x2] =	stream.indirect.gather [hbm4b:s7+s0], $0x80, s25, s0, $0xb8;
	[tilespmem:$0x1C740] =	vst v63  }
0xfb: {  	s22 =	simm.s32 $0x0;
	s11 =	sadd.s32 s8, s10  }
0xfc: {  	[tilespmem:s16], [sflag:$0x1] =	stream.linear.gather [hbm4b:s11+s22], $0x18, $0x38;
	[tilespmem:$0x1C740] =	vst v63  }
0xfd: {  	s10 =	sadd.s32 s9, s10  }
0xfe: {  	[tilespmem:s17], [sflag:$0x1] =	stream.linear.gather [hbm4b:s10+s22], $0x18, $0x38;
	[tilespmem:$0x1C740] =	vst v63  }
0xff: {  	_ =	swait.ge [sflag:s18], $0xC00  }
0x100: {  	[sflag:s18] =	ssyncset.done $0x0  }
0x101: {  	[sflag:s18] =	ssyncadd.s32 $0xFFFFF400  }
0x102: {  	_ =	swait.ge [sflag:s18], $0xC00  }
0x103: {  	[sflag:s18] =	ssyncset.done $0x0  }
0x104: {  	[sflag:s18] =	ssyncadd.s32 $0xFFFFF400  }
0x105: {  	_ =	swait.ge [sflag:s18], $0xC00  }
0x106: {  	[sflag:s18] =	ssyncset.done $0x0  }
0x107: {  	[sflag:s18] =	ssyncadd.s32 $0xFFFFF400  }
0x108: {  	_ =	swait.ge [sflag:s5], $0xC00  }
0x109: {  	[sflag:s5] =	ssyncset.done $0x0  }
0x10a: {  	[sflag:s5] =	ssyncadd.s32 $0xFFFFF400  }
0x10b: {  	_ =	swait.ge [sflag:s5], $0x180  }
0x10c: {  	[sflag:s5] =	ssyncset.done $0x0  }
0x10d: {  	s10 =	simm.s32 $0x6250;
	[sflag:s5] =	ssyncadd.s32 $0xFFFFFE80  }
.LBB2_9:
0x10e: {  	s11 =	sshra.s32 s22, $0x2  }
0x10f: {  	v2 =	vld [tilespmem:s11+$0xCC0]  }
0x110: {  	v3 =	vld [tilespmem:s11+$0x24C0]  }
0x111: {  	v4 =	vld [tilespmem:s11+$0xCD0]  }
0x112: {  	v5 =	vld [tilespmem:s11+$0x24D0]  }
0x113: {  	v6 =	vld [tilespmem:s11+$0xCE0]  }
0x114: {  	v7 =	vld [tilespmem:s11+$0x24E0]  }
0x115: {  	v8 =	vld [tilespmem:s11+$0xCF0]  }
0x116: {  	v9 =	vld [tilespmem:s11+$0x24F0]  }
0x117: {  	v10 =	vld [tilespmem:s11+$0xD00]  }
0x118: {  	v37 =	vld [tilespmem:s11+$0xD10];
	v2 =	vmul.f32 v3, v2  }
0x119: {  	v39 =	vld [tilespmem:s11+$0xD20];
	v4 =	vmul.f32 v5, v4  }
0x11a: {  	v41 =	vld [tilespmem:s11+$0x2520];
	(xrf2) =	vadd.scan.msk.f32 $0xffff, v2  }
0x11b: {  	v3 =	vld [tilespmem:s11+$0x2500];
	v38 =	vmul.f32 v7, v6;
	(xrf2) =	vadd.scan.msk.f32 $0xffff, v4  }
0x11c: {  	v40 =	vmul.f32 v9, v8;
	v2 =	vld [tilespmem:s11+$0x2510]  }
0x11d: {  	v42 =	vld [tilespmem:s11+$0xD30];
	(xrf2) =	vadd.scan.msk.f32 $0xffff, v38  }
0x11e: {  	v43 =	vld [tilespmem:s11+$0x2530];
	(xrf2) =	vadd.scan.msk.f32 $0xffff, v40;
	_ =	sdelay $0x1  }
0x11f: {  	v3 =	vmul.f32 v3, v10  }
0x120: {  	v2 =	vmul.f32 v2, v37  }
0x121: {  	(xrf2) =	vadd.scan.msk.f32 $0xffff, v3;
	v3 =	vmul.f32 v41, v39  }
0x122: {  	(xrf2) =	vadd.scan.msk.f32 $0xffff, v2;
	v2 =	vmul.f32 v43, v42  }
0x123: {  	v44, _, _ =	vpop (xrf2);
	(xrf2) =	vadd.scan.msk.f32 $0xffff, v3  }
0x124: {  	v3 =	vperm.xlane v44, v1;
	v45, _, _ =	vpop (xrf2);
	(xrf2) =	vadd.scan.msk.f32 $0xffff, v2  }
0x125: {  	v2 =	vperm.xlane v45, v1  }
0x126: {  	v46, _, _ =	vpop (xrf2);
	v3 =	vmax.f32 v3, $-5.000000000e+00  }
0x127: {  	v4 =	vperm.xlane v46, v1;
	v47, _, _ =	vpop (xrf2);
	v3 =	vmin.f32 v3, $5.000000000e+00;
	v2 =	vmax.f32 v2, $-5.000000000e+00  }
0x128: {  	v5 =	vperm.xlane v47, v1;
	v3 =	vmul.f32 $1.442695020e+00, v3;
	v2 =	vmin.f32 v2, $5.000000000e+00  }
0x129: {  	v4 =	vmax.f32 v4, $-5.000000000e+00;
	v2 =	vmul.f32 $1.442695020e+00, v2  }
0x12a: {  	v48 =	vmax.f32 v5, $-5.000000000e+00;
	(erf) = vpow2.f32 v3;
	v3 =	vmin.f32 v4, $5.000000000e+00  }
0x12b: {  	v49, _, _ =	vpop (xrf2);
	(erf) = vpow2.f32 v2;
	v2 =	vmul.f32 $1.442695020e+00, v3;
	v3 =	vmin.f32 v48, $5.000000000e+00  }
0x12c: {  	v4 =	vperm.xlane v49, v1;
	v50, _, _ =	vpop (xrf2);
	v3 =	vmul.f32 $1.442695020e+00, v3  }
0x12d: {  	(erf) = vpow2.f32 v2;
	v2 =	vperm.xlane v50, v1;
	v51, _, _ =	vpop (xrf2)  }
0x12e: {  	(erf) = vpow2.f32 v3;
	v3 =	vmax.f32 v4, $-5.000000000e+00;
	v52 =	vperm.xlane v51, v1;
	v53, _, _ =	vpop (xrf2)  }
0x12f: {  	v3 =	vmin.f32 v3, $5.000000000e+00;
	v2 =	vmax.f32 v2, $-5.000000000e+00;
	v5 =	vperm.xlane v53, v1  }
0x130: {  	v3 =	vmul.f32 $1.442695020e+00, v3;
	v2 =	vmin.f32 v2, $5.000000000e+00;
	v4 =	vmax.f32 v52, $-5.000000000e+00  }
0x131: {  	v2 =	vmul.f32 $1.442695020e+00, v2;
	v4 =	vmin.f32 v4, $5.000000000e+00;
	v5 =	vmax.f32 v5, $-5.000000000e+00  }
0x132: {  	(erf) = vpow2.f32 v3;
	v3 =	vmul.f32 $1.442695020e+00, v4;
	v54 =	vmin.f32 v5, $5.000000000e+00  }
0x133: {  	v55 =	vld [tilespmem:s11+$0x3CC0];
	(erf) = vpow2.f32 v2;
	v2 =	vmul.f32 $1.442695020e+00, v54  }
0x134: {  	v56 =	vld [tilespmem:s11+$0x3CD0];
	(erf) = vpow2.f32 v3  }
0x135: {  	v3 =	vld [tilespmem:s11+$0x3CE0];
	(erf) = vpow2.f32 v2  }
0x136: {  	v2 =	vld [tilespmem:s11+$0x3CF0]  }
0x137: {  	v58 =	vld [tilespmem:s11+$0x3D00];
	v57 =	vpop (erf)  }
0x138: {  	v60 =	vld [tilespmem:s11+$0x3D10];
	v5 =	vmul.f32 v57, v55;
	v59 =	vpop (erf)  }
0x139: {  	v11 =	vld [tilespmem:s11+$0x3D20];
	v4 =	vmul.f32 v59, v56;
	v61 =	vpop (erf)  }
0x13a: {  	v12 =	vld [tilespmem:s11+$0x3D30];
	v62 =	vnsel vm0, $0x0, v57;
	[tilespmem:s11+$0x54C0] =	vst v5;
	v63 =	vpop (erf);
	v3 =	vmul.f32 v61, v3  }
0x13b: {  	v15 =	vsel vm1, v62, v59;
	[tilespmem:s11+$0x54D0] =	vst v4;
	v2 =	vmul.f32 v63, v2;
	v16 =	vpop (erf)  }
0x13c: {  	[tilespmem:s11+$0x54E0] =	vst v3;
	v3 =	vsel vm2, v15, v61;
	v17 =	vmul.f32 v16, v58;
	v18 =	vpop (erf)  }
0x13d: {  	[tilespmem:s11+$0x54F0] =	vst v2;
	v2 =	vsel vm3, v3, v63;
	v3 =	vmul.f32 v18, v60;
	v19 =	vpop (erf)  }
0x13e: {  	v2 =	vsel vm4, v2, v16;
	[tilespmem:s11+$0x5500] =	vst v17;
	v20 =	vmul.f32 v19, v11;
	v21 =	vpop (erf)  }
0x13f: {  	v2 =	vsel vm5, v2, v18;
	[tilespmem:s11+$0x5510] =	vst v3;
	v3 =	vmul.f32 v21, v12  }
0x140: {  	v2 =	vsel vm6, v2, v19;
	[tilespmem:s11+$0x5520] =	vst v20  }
0x141: {  	v2 =	vsel vm7, v2, v21;
	[tilespmem:s11+$0x5530] =	vst v3  }
0x142: {  	[tilespmem:s10+$0xFFFFFFF0] =	vst v2  }
0x143: {  	v2 =	vld [tilespmem:s11+$0xD40]  }
0x144: {  	v3 =	vld [tilespmem:s11+$0x2540]  }
0x145: {  	v22 =	vld [tilespmem:s11+$0xD50]  }
0x146: {  	v23 =	vld [tilespmem:s11+$0x2550]  }
0x147: {  	v24 =	vld [tilespmem:s11+$0xD60]  }
0x148: {  	v25 =	vld [tilespmem:s11+$0x2560]  }
0x149: {  	v26 =	vld [tilespmem:s11+$0xD70]  }
0x14a: {  	v27 =	vld [tilespmem:s11+$0x2570]  }
0x14b: {  	v28 =	vld [tilespmem:s11+$0xD80]  }
0x14c: {  	v29 =	vld [tilespmem:s11+$0xD90];
	v2 =	vmul.f32 v3, v2  }
0x14d: {  	v31 =	vld [tilespmem:s11+$0xDA0];
	v4 =	vmul.f32 v23, v22  }
0x14e: {  	v33 =	vld [tilespmem:s11+$0x25A0];
	(xrf2) =	vadd.scan.msk.f32 $0xffff, v2  }
0x14f: {  	v3 =	vld [tilespmem:s11+$0x2580];
	v30 =	vmul.f32 v25, v24;
	(xrf2) =	vadd.scan.msk.f32 $0xffff, v4  }
0x150: {  	v32 =	vmul.f32 v27, v26;
	v2 =	vld [tilespmem:s11+$0x2590]  }
0x151: {  	v34 =	vld [tilespmem:s11+$0xDB0];
	(xrf2) =	vadd.scan.msk.f32 $0xffff, v30  }
0x152: {  	v35 =	vld [tilespmem:s11+$0x25B0];
	(xrf2) =	vadd.scan.msk.f32 $0xffff, v32;
	_ =	sdelay $0x1  }
0x153: {  	v3 =	vmul.f32 v3, v28  }
0x154: {  	v2 =	vmul.f32 v2, v29  }
0x155: {  	(xrf2) =	vadd.scan.msk.f32 $0xffff, v3;
	v3 =	vmul.f32 v33, v31  }
0x156: {  	(xrf2) =	vadd.scan.msk.f32 $0xffff, v2;
	v2 =	vmul.f32 v35, v34  }
0x157: {  	v36, _, _ =	vpop (xrf2);
	(xrf2) =	vadd.scan.msk.f32 $0xffff, v3  }
0x158: {  	v3 =	vperm.xlane v36, v1;
	v37, _, _ =	vpop (xrf2);
	(xrf2) =	vadd.scan.msk.f32 $0xffff, v2  }
0x159: {  	v2 =	vperm.xlane v37, v1  }
0x15a: {  	v38, _, _ =	vpop (xrf2);
	v3 =	vmax.f32 v3, $-5.000000000e+00  }
0x15b: {  	v39, _, _ =	vpop (xrf2);
	v4 =	vperm.xlane v38, v1;
	v3 =	vmin.f32 v3, $5.000000000e+00;
	v2 =	vmax.f32 v2, $-5.000000000e+00  }
0x15c: {  	v5 =	vperm.xlane v39, v1;
	v3 =	vmul.f32 $1.442695020e+00, v3;
	v2 =	vmin.f32 v2, $5.000000000e+00  }
0x15d: {  	v4 =	vmax.f32 v4, $-5.000000000e+00;
	v2 =	vmul.f32 $1.442695020e+00, v2  }
0x15e: {  	v40 =	vmax.f32 v5, $-5.000000000e+00;
	(erf) = vpow2.f32 v3;
	v3 =	vmin.f32 v4, $5.000000000e+00  }
0x15f: {  	v41, _, _ =	vpop (xrf2);
	(erf) = vpow2.f32 v2;
	v2 =	vmul.f32 $1.442695020e+00, v3;
	v3 =	vmin.f32 v40, $5.000000000e+00  }
0x160: {  	v5 =	vperm.xlane v41, v1;
	v42, _, _ =	vpop (xrf2);
	v3 =	vmul.f32 $1.442695020e+00, v3  }
0x161: {  	v43, _, _ =	vpop (xrf2);
	(erf) = vpow2.f32 v2;
	v2 =	vperm.xlane v42, v1  }
0x162: {  	(erf) = vpow2.f32 v3;
	v3 =	vmax.f32 v5, $-5.000000000e+00;
	v44 =	vperm.xlane v43, v1;
	v45, _, _ =	vpop (xrf2)  }
0x163: {  	v3 =	vmin.f32 v3, $5.000000000e+00;
	v2 =	vmax.f32 v2, $-5.000000000e+00;
	v5 =	vperm.xlane v45, v1  }
0x164: {  	v3 =	vmul.f32 $1.442695020e+00, v3;
	v2 =	vmin.f32 v2, $5.000000000e+00;
	v4 =	vmax.f32 v44, $-5.000000000e+00  }
0x165: {  	v2 =	vmul.f32 $1.442695020e+00, v2;
	v4 =	vmin.f32 v4, $5.000000000e+00;
	v5 =	vmax.f32 v5, $-5.000000000e+00  }
0x166: {  	(erf) = vpow2.f32 v3;
	v3 =	vmul.f32 $1.442695020e+00, v4;
	v46 =	vmin.f32 v5, $5.000000000e+00  }
0x167: {  	v47 =	vld [tilespmem:s11+$0x3D40];
	(erf) = vpow2.f32 v2;
	v2 =	vmul.f32 $1.442695020e+00, v46  }
0x168: {  	v48 =	vld [tilespmem:s11+$0x3D50];
	(erf) = vpow2.f32 v3  }
0x169: {  	v3 =	vld [tilespmem:s11+$0x3D60];
	(erf) = vpow2.f32 v2  }
0x16a: {  	v2 =	vld [tilespmem:s11+$0x3D70]  }
0x16b: {  	v50 =	vld [tilespmem:s11+$0x3D80];
	v49 =	vpop (erf)  }
0x16c: {  	v52 =	vld [tilespmem:s11+$0x3D90];
	v51 =	vpop (erf);
	v5 =	vmul.f32 v49, v47  }
0x16d: {  	v54 =	vld [tilespmem:s11+$0x3DA0];
	v4 =	vmul.f32 v51, v48;
	v53 =	vpop (erf)  }
0x16e: {  	v57 =	vld [tilespmem:s11+$0x3DB0];
	v56 =	vnsel vm0, $0x0, v49;
	[tilespmem:s11+$0x5540] =	vst v5;
	v55 =	vpop (erf);
	v3 =	vmul.f32 v53, v3  }
0x16f: {  	v58 =	vsel vm1, v56, v51;
	[tilespmem:s11+$0x5550] =	vst v4;
	v2 =	vmul.f32 v55, v2;
	v13 =	vpop (erf)  }
0x170: {  	[tilespmem:s11+$0x5560] =	vst v3;
	v3 =	vsel vm2, v58, v53;
	v59 =	vpop (erf);
	v60 =	vmul.f32 v13, v50  }
0x171: {  	p0 =	sne.s32 s22, $0x2C00;
	[tilespmem:s11+$0x5570] =	vst v2;
	v2 =	vsel vm3, v3, v55;
	v61 =	vpop (erf);
	v3 =	vmul.f32 v59, v52  }
.Ltmp3:
0x172: {  	v2 =	vsel vm4, v2, v13;
	[tilespmem:s11+$0x5580] =	vst v60;
	v62 =	vmul.f32 v61, v54;
	v63 =	vpop (erf);
	(pc) =	sbr.rel @p0 .LBB2_9-.Ltmp3, $4  }
0x173: {  	v2 =	vsel vm5, v2, v59;
	[tilespmem:s11+$0x5590] =	vst v3;
	v3 =	vmul.f32 v63, v57  }
0x174: {  	v2 =	vsel vm6, v2, v61;
	[tilespmem:s11+$0x55A0] =	vst v62  }
0x175: {  	v2 =	vsel vm7, v2, v63;
	[tilespmem:s11+$0x55B0] =	vst v3  }
0x176: {  	s22 =	sadd.s32 $0x400, s22;
	[tilespmem:s10+$0x0] =	vst v2;
	s10 =	sadd.s32 $0x20, s10  }
0x177: {  	[spmem:s2] =	stream.indirect.scatter.add.f32 [tilespmem:s13], [sflag:$0x4], $0x80, s4, s0, $0xb8;
	[tilespmem:$0x1C740] =	vst v63  }
0x178: {  	_ = 	snop  }
0x179: {  	[spmem:s3] =	stream.indirect.scatter.add.f32 [tilespmem:s14], [sflag:$0x4], $0x10, s4, s0, $0xb8;
	[tilespmem:$0x1C740] =	vst v63  }
0x17a: {  	_ =	swait.ge [sflag:s15], $0x18  }
0x17b: {  	[sflag:s15] =	ssyncset.done $0x0  }
0x17c: {  	[sflag:s15] =	ssyncadd.s32 $0xFFFFFFE8  }
0x17d: {  	_ =	swait.ge [sflag:s15], $0x18  }
0x17e: {  	[sflag:s15] =	ssyncset.done $0x0  }
0x17f: {  	s10 =	simm.s32 $0xCC0;
	[sflag:s15] =	ssyncadd.s32 $0xFFFFFFE8  }
0x180: {  	[tilespmem:s10], [sflag:$0x3] =	stream.indirect.gather [hbm4b:s1+s0], $0x80, s17, s0, $0xb8;
	[tilespmem:$0x1C740] =	vst v63  }
0x181: {  	s22 =	simm.s32 $0x24C0  }
0x182: {  	[tilespmem:s22], [sflag:$0x3] =	stream.indirect.gather [hbm4b:s6+s0], $0x80, s16, s0, $0xb8;
	[tilespmem:$0x1C740] =	vst v63  }
0x183: {  	s22 =	rddreg [dreg:$0xe]  }
0x184: {  	s11 =	simm.s32 $0x3CC0;
	s10 =	sadd.s32 s21, s22  }
0x185: {  	[tilespmem:s11], [sflag:$0x3] =	stream.indirect.gather [hbm4b:s7+s0], $0x80, s16, s0, $0xb8;
	[tilespmem:$0x1C740] =	vst v63  }
0x186: {  	s10 =	sshrl.u32 s10, $0x3  }
0x187: {  	s22 =	simm.s32 $0x0;
	s11 =	sadd.s32 s8, s10  }
0x188: {  	[tilespmem:s22], [sflag:$0x1] =	stream.linear.gather [hbm4b:s11+s22], $0x18, $0x38;
	[tilespmem:$0x1C740] =	vst v63  }
0x189: {  	s10 =	sadd.s32 s9, s10  }
0x18a: {  	[tilespmem:s31], [sflag:$0x1] =	stream.linear.gather [hbm4b:s10+s22], $0x18, $0x38;
	[tilespmem:$0x1C740] =	vst v63  }
0x18b: {  	_ =	swait.ge [sflag:s24], $0xC00  }
0x18c: {  	[sflag:s24] =	ssyncset.done $0x0  }
0x18d: {  	[sflag:s24] =	ssyncadd.s32 $0xFFFFF400  }
0x18e: {  	_ =	swait.ge [sflag:s24], $0xC00  }
0x18f: {  	[sflag:s24] =	ssyncset.done $0x0  }
0x190: {  	[sflag:s24] =	ssyncadd.s32 $0xFFFFF400  }
0x191: {  	_ =	swait.ge [sflag:s24], $0xC00  }
0x192: {  	[sflag:s24] =	ssyncset.done $0x0  }
0x193: {  	[sflag:s24] =	ssyncadd.s32 $0xFFFFF400  }
0x194: {  	_ =	swait.ge [sflag:s5], $0xC00  }
0x195: {  	[sflag:s5] =	ssyncset.done $0x0  }
0x196: {  	[sflag:s5] =	ssyncadd.s32 $0xFFFFF400  }
0x197: {  	_ =	swait.ge [sflag:s5], $0x180  }
0x198: {  	[sflag:s5] =	ssyncset.done $0x0  }
0x199: {  	s10 =	simm.s32 $0x60D0;
	[sflag:s5] =	ssyncadd.s32 $0xFFFFFE80  }
.LBB2_11:
0x19a: {  	s11 =	sshra.s32 s22, $0x2  }
0x19b: {  	v2 =	vld [tilespmem:s11+$0xC0]  }
0x19c: {  	v3 =	vld [tilespmem:s11+$0x18C0]  }
0x19d: {  	v4 =	vld [tilespmem:s11+$0xD0]  }
0x19e: {  	v5 =	vld [tilespmem:s11+$0x18D0]  }
0x19f: {  	v6 =	vld [tilespmem:s11+$0xE0]  }
0x1a0: {  	v7 =	vld [tilespmem:s11+$0x18E0]  }
0x1a1: {  	v8 =	vld [tilespmem:s11+$0xF0]  }
0x1a2: {  	v9 =	vld [tilespmem:s11+$0x18F0]  }
0x1a3: {  	v10 =	vld [tilespmem:s11+$0x100]  }
0x1a4: {  	v37 =	vld [tilespmem:s11+$0x110];
	v2 =	vmul.f32 v3, v2  }
0x1a5: {  	v39 =	vld [tilespmem:s11+$0x120];
	v4 =	vmul.f32 v5, v4  }
0x1a6: {  	v41 =	vld [tilespmem:s11+$0x1920];
	(xrf2) =	vadd.scan.msk.f32 $0xffff, v2  }
0x1a7: {  	v3 =	vld [tilespmem:s11+$0x1900];
	v38 =	vmul.f32 v7, v6;
	(xrf2) =	vadd.scan.msk.f32 $0xffff, v4  }
0x1a8: {  	v40 =	vmul.f32 v9, v8;
	v2 =	vld [tilespmem:s11+$0x1910]  }
0x1a9: {  	v42 =	vld [tilespmem:s11+$0x130];
	(xrf2) =	vadd.scan.msk.f32 $0xffff, v38  }
0x1aa: {  	v43 =	vld [tilespmem:s11+$0x1930];
	(xrf2) =	vadd.scan.msk.f32 $0xffff, v40;
	_ =	sdelay $0x1  }
0x1ab: {  	v3 =	vmul.f32 v3, v10  }
0x1ac: {  	v2 =	vmul.f32 v2, v37  }
0x1ad: {  	(xrf2) =	vadd.scan.msk.f32 $0xffff, v3;
	v3 =	vmul.f32 v41, v39  }
0x1ae: {  	(xrf2) =	vadd.scan.msk.f32 $0xffff, v2;
	v2 =	vmul.f32 v43, v42  }
0x1af: {  	v44, _, _ =	vpop (xrf2);
	(xrf2) =	vadd.scan.msk.f32 $0xffff, v3  }
0x1b0: {  	v3 =	vperm.xlane v44, v1;
	v45, _, _ =	vpop (xrf2);
	(xrf2) =	vadd.scan.msk.f32 $0xffff, v2  }
0x1b1: {  	v2 =	vperm.xlane v45, v1  }
0x1b2: {  	v46, _, _ =	vpop (xrf2);
	v3 =	vmax.f32 v3, $-5.000000000e+00  }
0x1b3: {  	v4 =	vperm.xlane v46, v1;
	v47, _, _ =	vpop (xrf2);
	v3 =	vmin.f32 v3, $5.000000000e+00;
	v2 =	vmax.f32 v2, $-5.000000000e+00  }
0x1b4: {  	v5 =	vperm.xlane v47, v1;
	v3 =	vmul.f32 $1.442695020e+00, v3;
	v2 =	vmin.f32 v2, $5.000000000e+00  }
0x1b5: {  	v4 =	vmax.f32 v4, $-5.000000000e+00;
	v2 =	vmul.f32 $1.442695020e+00, v2  }
0x1b6: {  	v48 =	vmax.f32 v5, $-5.000000000e+00;
	(erf) = vpow2.f32 v3;
	v3 =	vmin.f32 v4, $5.000000000e+00  }
0x1b7: {  	v49, _, _ =	vpop (xrf2);
	(erf) = vpow2.f32 v2;
	v2 =	vmul.f32 $1.442695020e+00, v3;
	v3 =	vmin.f32 v48, $5.000000000e+00  }
0x1b8: {  	v4 =	vperm.xlane v49, v1;
	v50, _, _ =	vpop (xrf2);
	v3 =	vmul.f32 $1.442695020e+00, v3  }
0x1b9: {  	(erf) = vpow2.f32 v2;
	v2 =	vperm.xlane v50, v1;
	v51, _, _ =	vpop (xrf2)  }
0x1ba: {  	(erf) = vpow2.f32 v3;
	v3 =	vmax.f32 v4, $-5.000000000e+00;
	v52 =	vperm.xlane v51, v1;
	v53, _, _ =	vpop (xrf2)  }
0x1bb: {  	v3 =	vmin.f32 v3, $5.000000000e+00;
	v2 =	vmax.f32 v2, $-5.000000000e+00;
	v5 =	vperm.xlane v53, v1  }
0x1bc: {  	v3 =	vmul.f32 $1.442695020e+00, v3;
	v2 =	vmin.f32 v2, $5.000000000e+00;
	v4 =	vmax.f32 v52, $-5.000000000e+00  }
0x1bd: {  	v2 =	vmul.f32 $1.442695020e+00, v2;
	v4 =	vmin.f32 v4, $5.000000000e+00;
	v5 =	vmax.f32 v5, $-5.000000000e+00  }
0x1be: {  	(erf) = vpow2.f32 v3;
	v3 =	vmul.f32 $1.442695020e+00, v4;
	v54 =	vmin.f32 v5, $5.000000000e+00  }
0x1bf: {  	v55 =	vld [tilespmem:s11+$0x30C0];
	(erf) = vpow2.f32 v2;
	v2 =	vmul.f32 $1.442695020e+00, v54  }
0x1c0: {  	v56 =	vld [tilespmem:s11+$0x30D0];
	(erf) = vpow2.f32 v3  }
0x1c1: {  	v3 =	vld [tilespmem:s11+$0x30E0];
	(erf) = vpow2.f32 v2  }
0x1c2: {  	v2 =	vld [tilespmem:s11+$0x30F0]  }
0x1c3: {  	v58 =	vld [tilespmem:s11+$0x3100];
	v57 =	vpop (erf)  }
0x1c4: {  	v60 =	vld [tilespmem:s11+$0x3110];
	v5 =	vmul.f32 v57, v55;
	v59 =	vpop (erf)  }
0x1c5: {  	v11 =	vld [tilespmem:s11+$0x3120];
	v4 =	vmul.f32 v59, v56;
	v61 =	vpop (erf)  }
0x1c6: {  	v12 =	vld [tilespmem:s11+$0x3130];
	v62 =	vnsel vm0, $0x0, v57;
	[tilespmem:s11+$0x48C0] =	vst v5;
	v63 =	vpop (erf);
	v3 =	vmul.f32 v61, v3  }
0x1c7: {  	v15 =	vsel vm1, v62, v59;
	[tilespmem:s11+$0x48D0] =	vst v4;
	v2 =	vmul.f32 v63, v2;
	v16 =	vpop (erf)  }
0x1c8: {  	[tilespmem:s11+$0x48E0] =	vst v3;
	v3 =	vsel vm2, v15, v61;
	v17 =	vmul.f32 v16, v58;
	v18 =	vpop (erf)  }
0x1c9: {  	[tilespmem:s11+$0x48F0] =	vst v2;
	v2 =	vsel vm3, v3, v63;
	v3 =	vmul.f32 v18, v60;
	v19 =	vpop (erf)  }
0x1ca: {  	v2 =	vsel vm4, v2, v16;
	[tilespmem:s11+$0x4900] =	vst v17;
	v20 =	vmul.f32 v19, v11;
	v21 =	vpop (erf)  }
0x1cb: {  	v2 =	vsel vm5, v2, v18;
	[tilespmem:s11+$0x4910] =	vst v3;
	v3 =	vmul.f32 v21, v12  }
0x1cc: {  	v2 =	vsel vm6, v2, v19;
	[tilespmem:s11+$0x4920] =	vst v20  }
0x1cd: {  	v2 =	vsel vm7, v2, v21;
	[tilespmem:s11+$0x4930] =	vst v3  }
0x1ce: {  	[tilespmem:s10+$0xFFFFFFF0] =	vst v2  }
0x1cf: {  	v2 =	vld [tilespmem:s11+$0x140]  }
0x1d0: {  	v3 =	vld [tilespmem:s11+$0x1940]  }
0x1d1: {  	v22 =	vld [tilespmem:s11+$0x150]  }
0x1d2: {  	v23 =	vld [tilespmem:s11+$0x1950]  }
0x1d3: {  	v24 =	vld [tilespmem:s11+$0x160]  }
0x1d4: {  	v25 =	vld [tilespmem:s11+$0x1960]  }
0x1d5: {  	v26 =	vld [tilespmem:s11+$0x170]  }
0x1d6: {  	v27 =	vld [tilespmem:s11+$0x1970]  }
0x1d7: {  	v28 =	vld [tilespmem:s11+$0x180]  }
0x1d8: {  	v29 =	vld [tilespmem:s11+$0x190];
	v2 =	vmul.f32 v3, v2  }
0x1d9: {  	v31 =	vld [tilespmem:s11+$0x1A0];
	v4 =	vmul.f32 v23, v22  }
0x1da: {  	v33 =	vld [tilespmem:s11+$0x19A0];
	(xrf2) =	vadd.scan.msk.f32 $0xffff, v2  }
0x1db: {  	v3 =	vld [tilespmem:s11+$0x1980];
	v30 =	vmul.f32 v25, v24;
	(xrf2) =	vadd.scan.msk.f32 $0xffff, v4  }
0x1dc: {  	v32 =	vmul.f32 v27, v26;
	v2 =	vld [tilespmem:s11+$0x1990]  }
0x1dd: {  	v34 =	vld [tilespmem:s11+$0x1B0];
	(xrf2) =	vadd.scan.msk.f32 $0xffff, v30  }
0x1de: {  	v35 =	vld [tilespmem:s11+$0x19B0];
	(xrf2) =	vadd.scan.msk.f32 $0xffff, v32;
	_ =	sdelay $0x1  }
0x1df: {  	v3 =	vmul.f32 v3, v28  }
0x1e0: {  	v2 =	vmul.f32 v2, v29  }
0x1e1: {  	(xrf2) =	vadd.scan.msk.f32 $0xffff, v3;
	v3 =	vmul.f32 v33, v31  }
0x1e2: {  	(xrf2) =	vadd.scan.msk.f32 $0xffff, v2;
	v2 =	vmul.f32 v35, v34  }
0x1e3: {  	v36, _, _ =	vpop (xrf2);
	(xrf2) =	vadd.scan.msk.f32 $0xffff, v3  }
0x1e4: {  	v3 =	vperm.xlane v36, v1;
	v37, _, _ =	vpop (xrf2);
	(xrf2) =	vadd.scan.msk.f32 $0xffff, v2  }
0x1e5: {  	v2 =	vperm.xlane v37, v1  }
0x1e6: {  	v38, _, _ =	vpop (xrf2);
	v3 =	vmax.f32 v3, $-5.000000000e+00  }
0x1e7: {  	v39, _, _ =	vpop (xrf2);
	v4 =	vperm.xlane v38, v1;
	v3 =	vmin.f32 v3, $5.000000000e+00;
	v2 =	vmax.f32 v2, $-5.000000000e+00  }
0x1e8: {  	v5 =	vperm.xlane v39, v1;
	v3 =	vmul.f32 $1.442695020e+00, v3;
	v2 =	vmin.f32 v2, $5.000000000e+00  }
0x1e9: {  	v4 =	vmax.f32 v4, $-5.000000000e+00;
	v2 =	vmul.f32 $1.442695020e+00, v2  }
0x1ea: {  	v40 =	vmax.f32 v5, $-5.000000000e+00;
	(erf) = vpow2.f32 v3;
	v3 =	vmin.f32 v4, $5.000000000e+00  }
0x1eb: {  	v41, _, _ =	vpop (xrf2);
	(erf) = vpow2.f32 v2;
	v2 =	vmul.f32 $1.442695020e+00, v3;
	v3 =	vmin.f32 v40, $5.000000000e+00  }
0x1ec: {  	v5 =	vperm.xlane v41, v1;
	v42, _, _ =	vpop (xrf2);
	v3 =	vmul.f32 $1.442695020e+00, v3  }
0x1ed: {  	v43, _, _ =	vpop (xrf2);
	(erf) = vpow2.f32 v2;
	v2 =	vperm.xlane v42, v1  }
0x1ee: {  	(erf) = vpow2.f32 v3;
	v3 =	vmax.f32 v5, $-5.000000000e+00;
	v44 =	vperm.xlane v43, v1;
	v45, _, _ =	vpop (xrf2)  }
0x1ef: {  	v3 =	vmin.f32 v3, $5.000000000e+00;
	v2 =	vmax.f32 v2, $-5.000000000e+00;
	v5 =	vperm.xlane v45, v1  }
0x1f0: {  	v3 =	vmul.f32 $1.442695020e+00, v3;
	v2 =	vmin.f32 v2, $5.000000000e+00;
	v4 =	vmax.f32 v44, $-5.000000000e+00  }
0x1f1: {  	v2 =	vmul.f32 $1.442695020e+00, v2;
	v4 =	vmin.f32 v4, $5.000000000e+00;
	v5 =	vmax.f32 v5, $-5.000000000e+00  }
0x1f2: {  	(erf) = vpow2.f32 v3;
	v3 =	vmul.f32 $1.442695020e+00, v4;
	v46 =	vmin.f32 v5, $5.000000000e+00  }
0x1f3: {  	v47 =	vld [tilespmem:s11+$0x3140];
	(erf) = vpow2.f32 v2;
	v2 =	vmul.f32 $1.442695020e+00, v46  }
0x1f4: {  	v48 =	vld [tilespmem:s11+$0x3150];
	(erf) = vpow2.f32 v3  }
0x1f5: {  	v3 =	vld [tilespmem:s11+$0x3160];
	(erf) = vpow2.f32 v2  }
0x1f6: {  	v2 =	vld [tilespmem:s11+$0x3170]  }
0x1f7: {  	v50 =	vld [tilespmem:s11+$0x3180];
	v49 =	vpop (erf)  }
0x1f8: {  	v52 =	vld [tilespmem:s11+$0x3190];
	v51 =	vpop (erf);
	v5 =	vmul.f32 v49, v47  }
0x1f9: {  	v54 =	vld [tilespmem:s11+$0x31A0];
	v4 =	vmul.f32 v51, v48;
	v53 =	vpop (erf)  }
0x1fa: {  	v57 =	vld [tilespmem:s11+$0x31B0];
	v56 =	vnsel vm0, $0x0, v49;
	[tilespmem:s11+$0x4940] =	vst v5;
	v55 =	vpop (erf);
	v3 =	vmul.f32 v53, v3  }
0x1fb: {  	v58 =	vsel vm1, v56, v51;
	[tilespmem:s11+$0x4950] =	vst v4;
	v2 =	vmul.f32 v55, v2;
	v13 =	vpop (erf)  }
0x1fc: {  	[tilespmem:s11+$0x4960] =	vst v3;
	v3 =	vsel vm2, v58, v53;
	v59 =	vpop (erf);
	v60 =	vmul.f32 v13, v50  }
0x1fd: {  	p0 =	sne.s32 s22, $0x2C00;
	[tilespmem:s11+$0x4970] =	vst v2;
	v2 =	vsel vm3, v3, v55;
	v61 =	vpop (erf);
	v3 =	vmul.f32 v59, v52  }
.Ltmp4:
0x1fe: {  	v2 =	vsel vm4, v2, v13;
	[tilespmem:s11+$0x4980] =	vst v60;
	v62 =	vmul.f32 v61, v54;
	v63 =	vpop (erf);
	(pc) =	sbr.rel @p0 .LBB2_11-.Ltmp4, $4  }
0x1ff: {  	v2 =	vsel vm5, v2, v59;
	[tilespmem:s11+$0x4990] =	vst v3;
	v3 =	vmul.f32 v63, v57  }
0x200: {  	v2 =	vsel vm6, v2, v61;
	[tilespmem:s11+$0x49A0] =	vst v62  }
0x201: {  	v2 =	vsel vm7, v2, v63;
	[tilespmem:s11+$0x49B0] =	vst v3  }
0x202: {  	s22 =	sadd.s32 $0x400, s22;
	[tilespmem:s10+$0x0] =	vst v2;
	s10 =	sadd.s32 $0x20, s10  }
0x203: {  	[spmem:s2] =	stream.indirect.scatter.add.f32 [tilespmem:s28], [sflag:$0x4], $0x80, s26, s0, $0xb8;
	[tilespmem:$0x1C740] =	vst v63  }
0x204: {  	_ = 	snop  }
0x205: {  	[spmem:s3] =	stream.indirect.scatter.add.f32 [tilespmem:s30], [sflag:$0x4], $0x10, s26, s0, $0xb8;
	[tilespmem:$0x1C740] =	vst v63  }
0x206: {  	_ =	swait.ge [sflag:s15], $0x18  }
0x207: {  	[sflag:s15] =	ssyncset.done $0x0  }
0x208: {  	[sflag:s15] =	ssyncadd.s32 $0xFFFFFFE8  }
0x209: {  	_ =	swait.ge [sflag:s15], $0x18  }
0x20a: {  	[sflag:s15] =	ssyncset.done $0x0  }
0x20b: {  	s10 =	simm.s32 $0xC0;
	[sflag:s15] =	ssyncadd.s32 $0xFFFFFFE8  }
0x20c: {  	[tilespmem:s10], [sflag:$0x2] =	stream.indirect.gather [hbm4b:s1+s0], $0x80, s31, s0, $0xb8;
	[tilespmem:$0x1C740] =	vst v63  }
0x20d: {  	s22 =	simm.s32 $0x0;
	s11 =	simm.s32 $0x18C0  }
0x20e: {  	[tilespmem:s11], [sflag:$0x2] =	stream.indirect.gather [hbm4b:s6+s0], $0x80, s22, s0, $0xb8;
	[tilespmem:$0x1C740] =	vst v63  }
0x20f: {  	s11 =	rddreg [dreg:$0xf]  }
0x210: {  	s10 =	sadd.s32 s21, s11  }
0x211: {  	[tilespmem:s12], [sflag:$0x2] =	stream.indirect.gather [hbm4b:s7+s0], $0x80, s22, s0, $0xb8;
	[tilespmem:$0x1C740] =	vst v63  }
0x212: {  	s10 =	sshrl.u32 s10, $0x3  }
0x213: {  	s11 =	sadd.s32 s8, s10  }
0x214: {  	[tilespmem:s0], [sflag:$0x1] =	stream.linear.gather [hbm4b:s11+s22], $0x18, $0x38;
	[tilespmem:$0x1C740] =	vst v63  }
0x215: {  	s10 =	sadd.s32 s9, s10  }
0x216: {  	[tilespmem:s4], [sflag:$0x1] =	stream.linear.gather [hbm4b:s10+s22], $0x18, $0x38;
	[tilespmem:$0x1C740] =	vst v63  }
0x217: {  	_ =	swait.ge [sflag:s18], $0xC00  }
0x218: {  	[sflag:s18] =	ssyncset.done $0x0  }
0x219: {  	[sflag:s18] =	ssyncadd.s32 $0xFFFFF400  }
0x21a: {  	_ =	swait.ge [sflag:s18], $0xC00  }
0x21b: {  	[sflag:s18] =	ssyncset.done $0x0  }
0x21c: {  	[sflag:s18] =	ssyncadd.s32 $0xFFFFF400  }
0x21d: {  	_ =	swait.ge [sflag:s18], $0xC00  }
0x21e: {  	[sflag:s18] =	ssyncset.done $0x0  }
0x21f: {  	[sflag:s18] =	ssyncadd.s32 $0xFFFFF400  }
0x220: {  	_ =	swait.ge [sflag:s5], $0xC00  }
0x221: {  	[sflag:s5] =	ssyncset.done $0x0  }
0x222: {  	[sflag:s5] =	ssyncadd.s32 $0xFFFFF400  }
0x223: {  	_ =	swait.ge [sflag:s5], $0x180  }
0x224: {  	[sflag:s5] =	ssyncset.done $0x0  }
0x225: {  	s10 =	simm.s32 $0x6250;
	[sflag:s5] =	ssyncadd.s32 $0xFFFFFE80  }
.LBB2_13:
0x226: {  	s11 =	sshra.s32 s22, $0x2  }
0x227: {  	v2 =	vld [tilespmem:s11+$0xCC0]  }
0x228: {  	v3 =	vld [tilespmem:s11+$0x24C0]  }
0x229: {  	v4 =	vld [tilespmem:s11+$0xCD0]  }
0x22a: {  	v5 =	vld [tilespmem:s11+$0x24D0]  }
0x22b: {  	v6 =	vld [tilespmem:s11+$0xCE0]  }
0x22c: {  	v7 =	vld [tilespmem:s11+$0x24E0]  }
0x22d: {  	v8 =	vld [tilespmem:s11+$0xCF0]  }
0x22e: {  	v9 =	vld [tilespmem:s11+$0x24F0]  }
0x22f: {  	v10 =	vld [tilespmem:s11+$0xD00]  }
0x230: {  	v37 =	vld [tilespmem:s11+$0xD10];
	v2 =	vmul.f32 v3, v2  }
0x231: {  	v39 =	vld [tilespmem:s11+$0xD20];
	v4 =	vmul.f32 v5, v4  }
0x232: {  	v41 =	vld [tilespmem:s11+$0x2520];
	(xrf2) =	vadd.scan.msk.f32 $0xffff, v2  }
0x233: {  	v3 =	vld [tilespmem:s11+$0x2500];
	v38 =	vmul.f32 v7, v6;
	(xrf2) =	vadd.scan.msk.f32 $0xffff, v4  }
0x234: {  	v40 =	vmul.f32 v9, v8;
	v2 =	vld [tilespmem:s11+$0x2510]  }
0x235: {  	v42 =	vld [tilespmem:s11+$0xD30];
	(xrf2) =	vadd.scan.msk.f32 $0xffff, v38  }
0x236: {  	v43 =	vld [tilespmem:s11+$0x2530];
	(xrf2) =	vadd.scan.msk.f32 $0xffff, v40;
	_ =	sdelay $0x1  }
0x237: {  	v3 =	vmul.f32 v3, v10  }
0x238: {  	v2 =	vmul.f32 v2, v37  }
0x239: {  	(xrf2) =	vadd.scan.msk.f32 $0xffff, v3;
	v3 =	vmul.f32 v41, v39  }
0x23a: {  	(xrf2) =	vadd.scan.msk.f32 $0xffff, v2;
	v2 =	vmul.f32 v43, v42  }
0x23b: {  	v44, _, _ =	vpop (xrf2);
	(xrf2) =	vadd.scan.msk.f32 $0xffff, v3  }
0x23c: {  	v3 =	vperm.xlane v44, v1;
	v45, _, _ =	vpop (xrf2);
	(xrf2) =	vadd.scan.msk.f32 $0xffff, v2  }
0x23d: {  	v2 =	vperm.xlane v45, v1  }
0x23e: {  	v46, _, _ =	vpop (xrf2);
	v3 =	vmax.f32 v3, $-5.000000000e+00  }
0x23f: {  	v4 =	vperm.xlane v46, v1;
	v47, _, _ =	vpop (xrf2);
	v3 =	vmin.f32 v3, $5.000000000e+00;
	v2 =	vmax.f32 v2, $-5.000000000e+00  }
0x240: {  	v5 =	vperm.xlane v47, v1;
	v3 =	vmul.f32 $1.442695020e+00, v3;
	v2 =	vmin.f32 v2, $5.000000000e+00  }
0x241: {  	v4 =	vmax.f32 v4, $-5.000000000e+00;
	v2 =	vmul.f32 $1.442695020e+00, v2  }
0x242: {  	v48 =	vmax.f32 v5, $-5.000000000e+00;
	(erf) = vpow2.f32 v3;
	v3 =	vmin.f32 v4, $5.000000000e+00  }
0x243: {  	v49, _, _ =	vpop (xrf2);
	(erf) = vpow2.f32 v2;
	v2 =	vmul.f32 $1.442695020e+00, v3;
	v3 =	vmin.f32 v48, $5.000000000e+00  }
0x244: {  	v4 =	vperm.xlane v49, v1;
	v50, _, _ =	vpop (xrf2);
	v3 =	vmul.f32 $1.442695020e+00, v3  }
0x245: {  	(erf) = vpow2.f32 v2;
	v2 =	vperm.xlane v50, v1;
	v51, _, _ =	vpop (xrf2)  }
0x246: {  	(erf) = vpow2.f32 v3;
	v3 =	vmax.f32 v4, $-5.000000000e+00;
	v52 =	vperm.xlane v51, v1;
	v53, _, _ =	vpop (xrf2)  }
0x247: {  	v3 =	vmin.f32 v3, $5.000000000e+00;
	v2 =	vmax.f32 v2, $-5.000000000e+00;
	v5 =	vperm.xlane v53, v1  }
0x248: {  	v3 =	vmul.f32 $1.442695020e+00, v3;
	v2 =	vmin.f32 v2, $5.000000000e+00;
	v4 =	vmax.f32 v52, $-5.000000000e+00  }
0x249: {  	v2 =	vmul.f32 $1.442695020e+00, v2;
	v4 =	vmin.f32 v4, $5.000000000e+00;
	v5 =	vmax.f32 v5, $-5.000000000e+00  }
0x24a: {  	(erf) = vpow2.f32 v3;
	v3 =	vmul.f32 $1.442695020e+00, v4;
	v54 =	vmin.f32 v5, $5.000000000e+00  }
0x24b: {  	v55 =	vld [tilespmem:s11+$0x3CC0];
	(erf) = vpow2.f32 v2;
	v2 =	vmul.f32 $1.442695020e+00, v54  }
0x24c: {  	v56 =	vld [tilespmem:s11+$0x3CD0];
	(erf) = vpow2.f32 v3  }
0x24d: {  	v3 =	vld [tilespmem:s11+$0x3CE0];
	(erf) = vpow2.f32 v2  }
0x24e: {  	v2 =	vld [tilespmem:s11+$0x3CF0]  }
0x24f: {  	v58 =	vld [tilespmem:s11+$0x3D00];
	v57 =	vpop (erf)  }
0x250: {  	v60 =	vld [tilespmem:s11+$0x3D10];
	v5 =	vmul.f32 v57, v55;
	v59 =	vpop (erf)  }
0x251: {  	v11 =	vld [tilespmem:s11+$0x3D20];
	v4 =	vmul.f32 v59, v56;
	v61 =	vpop (erf)  }
0x252: {  	v12 =	vld [tilespmem:s11+$0x3D30];
	v62 =	vnsel vm0, $0x0, v57;
	[tilespmem:s11+$0x54C0] =	vst v5;
	v63 =	vpop (erf);
	v3 =	vmul.f32 v61, v3  }
0x253: {  	v15 =	vsel vm1, v62, v59;
	[tilespmem:s11+$0x54D0] =	vst v4;
	v2 =	vmul.f32 v63, v2;
	v16 =	vpop (erf)  }
0x254: {  	[tilespmem:s11+$0x54E0] =	vst v3;
	v3 =	vsel vm2, v15, v61;
	v17 =	vmul.f32 v16, v58;
	v18 =	vpop (erf)  }
0x255: {  	[tilespmem:s11+$0x54F0] =	vst v2;
	v2 =	vsel vm3, v3, v63;
	v3 =	vmul.f32 v18, v60;
	v19 =	vpop (erf)  }
0x256: {  	v2 =	vsel vm4, v2, v16;
	[tilespmem:s11+$0x5500] =	vst v17;
	v20 =	vmul.f32 v19, v11;
	v21 =	vpop (erf)  }
0x257: {  	v2 =	vsel vm5, v2, v18;
	[tilespmem:s11+$0x5510] =	vst v3;
	v3 =	vmul.f32 v21, v12  }
0x258: {  	v2 =	vsel vm6, v2, v19;
	[tilespmem:s11+$0x5520] =	vst v20  }
0x259: {  	v2 =	vsel vm7, v2, v21;
	[tilespmem:s11+$0x5530] =	vst v3  }
0x25a: {  	[tilespmem:s10+$0xFFFFFFF0] =	vst v2  }
0x25b: {  	v2 =	vld [tilespmem:s11+$0xD40]  }
0x25c: {  	v3 =	vld [tilespmem:s11+$0x2540]  }
0x25d: {  	v22 =	vld [tilespmem:s11+$0xD50]  }
0x25e: {  	v23 =	vld [tilespmem:s11+$0x2550]  }
0x25f: {  	v24 =	vld [tilespmem:s11+$0xD60]  }
0x260: {  	v25 =	vld [tilespmem:s11+$0x2560]  }
0x261: {  	v26 =	vld [tilespmem:s11+$0xD70]  }
0x262: {  	v27 =	vld [tilespmem:s11+$0x2570]  }
0x263: {  	v28 =	vld [tilespmem:s11+$0xD80]  }
0x264: {  	v29 =	vld [tilespmem:s11+$0xD90];
	v2 =	vmul.f32 v3, v2  }
0x265: {  	v31 =	vld [tilespmem:s11+$0xDA0];
	v4 =	vmul.f32 v23, v22  }
0x266: {  	v33 =	vld [tilespmem:s11+$0x25A0];
	(xrf2) =	vadd.scan.msk.f32 $0xffff, v2  }
0x267: {  	v3 =	vld [tilespmem:s11+$0x2580];
	v30 =	vmul.f32 v25, v24;
	(xrf2) =	vadd.scan.msk.f32 $0xffff, v4  }
0x268: {  	v32 =	vmul.f32 v27, v26;
	v2 =	vld [tilespmem:s11+$0x2590]  }
0x269: {  	v34 =	vld [tilespmem:s11+$0xDB0];
	(xrf2) =	vadd.scan.msk.f32 $0xffff, v30  }
0x26a: {  	v35 =	vld [tilespmem:s11+$0x25B0];
	(xrf2) =	vadd.scan.msk.f32 $0xffff, v32;
	_ =	sdelay $0x1  }
0x26b: {  	v3 =	vmul.f32 v3, v28  }
0x26c: {  	v2 =	vmul.f32 v2, v29  }
0x26d: {  	(xrf2) =	vadd.scan.msk.f32 $0xffff, v3;
	v3 =	vmul.f32 v33, v31  }
0x26e: {  	(xrf2) =	vadd.scan.msk.f32 $0xffff, v2;
	v2 =	vmul.f32 v35, v34  }
0x26f: {  	v36, _, _ =	vpop (xrf2);
	(xrf2) =	vadd.scan.msk.f32 $0xffff, v3  }
0x270: {  	v3 =	vperm.xlane v36, v1;
	v37, _, _ =	vpop (xrf2);
	(xrf2) =	vadd.scan.msk.f32 $0xffff, v2  }
0x271: {  	v2 =	vperm.xlane v37, v1  }
0x272: {  	v38, _, _ =	vpop (xrf2);
	v3 =	vmax.f32 v3, $-5.000000000e+00  }
0x273: {  	v39, _, _ =	vpop (xrf2);
	v4 =	vperm.xlane v38, v1;
	v3 =	vmin.f32 v3, $5.000000000e+00;
	v2 =	vmax.f32 v2, $-5.000000000e+00  }
0x274: {  	v5 =	vperm.xlane v39, v1;
	v3 =	vmul.f32 $1.442695020e+00, v3;
	v2 =	vmin.f32 v2, $5.000000000e+00  }
0x275: {  	v4 =	vmax.f32 v4, $-5.000000000e+00;
	v2 =	vmul.f32 $1.442695020e+00, v2  }
0x276: {  	v40 =	vmax.f32 v5, $-5.000000000e+00;
	(erf) = vpow2.f32 v3;
	v3 =	vmin.f32 v4, $5.000000000e+00  }
0x277: {  	v41, _, _ =	vpop (xrf2);
	(erf) = vpow2.f32 v2;
	v2 =	vmul.f32 $1.442695020e+00, v3;
	v3 =	vmin.f32 v40, $5.000000000e+00  }
0x278: {  	v5 =	vperm.xlane v41, v1;
	v42, _, _ =	vpop (xrf2);
	v3 =	vmul.f32 $1.442695020e+00, v3  }
0x279: {  	v43, _, _ =	vpop (xrf2);
	(erf) = vpow2.f32 v2;
	v2 =	vperm.xlane v42, v1  }
0x27a: {  	(erf) = vpow2.f32 v3;
	v3 =	vmax.f32 v5, $-5.000000000e+00;
	v44 =	vperm.xlane v43, v1;
	v45, _, _ =	vpop (xrf2)  }
0x27b: {  	v3 =	vmin.f32 v3, $5.000000000e+00;
	v2 =	vmax.f32 v2, $-5.000000000e+00;
	v5 =	vperm.xlane v45, v1  }
0x27c: {  	v3 =	vmul.f32 $1.442695020e+00, v3;
	v2 =	vmin.f32 v2, $5.000000000e+00;
	v4 =	vmax.f32 v44, $-5.000000000e+00  }
0x27d: {  	v2 =	vmul.f32 $1.442695020e+00, v2;
	v4 =	vmin.f32 v4, $5.000000000e+00;
	v5 =	vmax.f32 v5, $-5.000000000e+00  }
0x27e: {  	(erf) = vpow2.f32 v3;
	v3 =	vmul.f32 $1.442695020e+00, v4;
	v46 =	vmin.f32 v5, $5.000000000e+00  }
0x27f: {  	v47 =	vld [tilespmem:s11+$0x3D40];
	(erf) = vpow2.f32 v2;
	v2 =	vmul.f32 $1.442695020e+00, v46  }
0x280: {  	v48 =	vld [tilespmem:s11+$0x3D50];
	(erf) = vpow2.f32 v3  }
0x281: {  	v3 =	vld [tilespmem:s11+$0x3D60];
	(erf) = vpow2.f32 v2  }
0x282: {  	v2 =	vld [tilespmem:s11+$0x3D70]  }
0x283: {  	v50 =	vld [tilespmem:s11+$0x3D80];
	v49 =	vpop (erf)  }
0x284: {  	v52 =	vld [tilespmem:s11+$0x3D90];
	v51 =	vpop (erf);
	v5 =	vmul.f32 v49, v47  }
0x285: {  	v54 =	vld [tilespmem:s11+$0x3DA0];
	v4 =	vmul.f32 v51, v48;
	v53 =	vpop (erf)  }
0x286: {  	v57 =	vld [tilespmem:s11+$0x3DB0];
	v56 =	vnsel vm0, $0x0, v49;
	[tilespmem:s11+$0x5540] =	vst v5;
	v55 =	vpop (erf);
	v3 =	vmul.f32 v53, v3  }
0x287: {  	v58 =	vsel vm1, v56, v51;
	[tilespmem:s11+$0x5550] =	vst v4;
	v2 =	vmul.f32 v55, v2;
	v13 =	vpop (erf)  }
0x288: {  	[tilespmem:s11+$0x5560] =	vst v3;
	v3 =	vsel vm2, v58, v53;
	v59 =	vpop (erf);
	v60 =	vmul.f32 v13, v50  }
0x289: {  	p0 =	sne.s32 s22, $0x2C00;
	[tilespmem:s11+$0x5570] =	vst v2;
	v2 =	vsel vm3, v3, v55;
	v61 =	vpop (erf);
	v3 =	vmul.f32 v59, v52  }
.Ltmp5:
0x28a: {  	v2 =	vsel vm4, v2, v13;
	[tilespmem:s11+$0x5580] =	vst v60;
	v62 =	vmul.f32 v61, v54;
	v63 =	vpop (erf);
	(pc) =	sbr.rel @p0 .LBB2_13-.Ltmp5, $4  }
0x28b: {  	v2 =	vsel vm5, v2, v59;
	[tilespmem:s11+$0x5590] =	vst v3;
	v3 =	vmul.f32 v63, v57  }
0x28c: {  	v2 =	vsel vm6, v2, v61;
	[tilespmem:s11+$0x55A0] =	vst v62  }
0x28d: {  	v2 =	vsel vm7, v2, v63;
	[tilespmem:s11+$0x55B0] =	vst v3  }
0x28e: {  	s22 =	sadd.s32 $0x400, s22;
	[tilespmem:s10+$0x0] =	vst v2;
	s10 =	sadd.s32 $0x20, s10  }
0x28f: {  	s20 =	sadd.s32 $0x1, s20  }
0x290: {  	p0 =	sne.s32 s20, $0x69  }
.Ltmp6:
0x291: {  	_ = 	snop;
	(pc) =	sbr.rel @p0 .LBB2_6-.Ltmp6, $4  }
0x292: {  	_ = 	snop  }
0x293: {  	[spmem:s2] =	stream.indirect.scatter.add.f32 [tilespmem:s13], [sflag:$0x4], $0x80, s17, s0, $0xb8;
	[tilespmem:$0x1C740] =	vst v63  }
0x294: {  	_ = 	snop  }
0x295: {  	[spmem:s3] =	stream.indirect.scatter.add.f32 [tilespmem:s14], [sflag:$0x4], $0x10, s17, s0, $0xb8;
	[tilespmem:$0x1C740] =	vst v63  }
0x296: {  	_ =	swait.ge [sflag:s24], $0xC00  }
0x297: {  	[sflag:s24] =	ssyncset.done $0x0  }
0x298: {  	[sflag:s24] =	ssyncadd.s32 $0xFFFFF400  }
0x299: {  	_ =	swait.ge [sflag:s24], $0xC00  }
0x29a: {  	[sflag:s24] =	ssyncset.done $0x0  }
0x29b: {  	[sflag:s24] =	ssyncadd.s32 $0xFFFFF400  }
0x29c: {  	_ =	swait.ge [sflag:s24], $0xC00  }
0x29d: {  	[sflag:s24] =	ssyncset.done $0x0  }
0x29e: {  	[sflag:s24] =	ssyncadd.s32 $0xFFFFF400  }
0x29f: {  	_ =	swait.ge [sflag:s15], $0x18  }
0x2a0: {  	[sflag:s15] =	ssyncset.done $0x0  }
0x2a1: {  	[sflag:s15] =	ssyncadd.s32 $0xFFFFFFE8  }
0x2a2: {  	_ =	swait.ge [sflag:s15], $0x18  }
0x2a3: {  	[sflag:s15] =	ssyncset.done $0x0  }
0x2a4: {  	[sflag:s15] =	ssyncadd.s32 $0xFFFFFFE8  }
0x2a5: {  	_ =	swait.ge [sflag:s5], $0xC00  }
0x2a6: {  	[sflag:s5] =	ssyncset.done $0x0  }
0x2a7: {  	[sflag:s5] =	ssyncadd.s32 $0xFFFFF400  }
0x2a8: {  	_ =	swait.ge [sflag:s5], $0x180  }
0x2a9: {  	[sflag:s5] =	ssyncset.done $0x0  }
0x2aa: {  	[sflag:s5] =	ssyncadd.s32 $0xFFFFFE80  }
0x2ab: {  	s10 =	stileid.u32;
	[bflag:$0x0] =	sbarrier.arrive $0xFFFF  }
0x2ac: {  	s10 =	sshll.u32 s10, $0x6;
	s11 =	rddreg [dreg:$0x10]  }
0x2ad: {  	s10 =	sor.u32 $0x1C05, s10;
	s19 =	rddreg [dreg:$0x14]  }
0x2ae: {  	[hbm:s11], [sflag:s10] =	dma.local [spmem:s19], $0x2780  }
0x2af: {  	_ =	swait.ge [sflag:s29], $0x2780  }
0x2b0: {  	[sflag:s29] =	ssyncset.done $0x0;
	s19 =	rddreg [dreg:$0x11]  }
0x2b1: {  	s20 =	rddreg [dreg:$0x15];
	[sflag:s29] =	ssyncadd.s32 $0xFFFFD880  }
0x2b2: {  	[hbm:s19], [sflag:s10] =	dma.local [spmem:s20], $0x4F0  }
0x2b3: {  	_ =	swait.ge [sflag:s29], $0x4F0  }
0x2b4: {  	s21 =	rddreg [dreg:$0x5]  }
0x2b5: {  	s22 =	rddreg [dreg:$0x12];
	s19 =	sadd.s32 $0x1, s21  }
0x2b6: {  	p0 =	sne.s32 s19, s22  }
.Ltmp7:
0x2b7: {  	_ = 	snop;
	(pc) =	sbr.rel @p0 .LBB2_1-.Ltmp7, $3  }
0x2b8: {  	_ =	sdelay $0x1  }
0x2b9: {  	[sflag:s29] =	ssyncset.done $0x0  }
0x2ba: {  	[sflag:s29] =	ssyncadd.s32 $0xFFFFFB10  }
0x2bb: {  	_ =	sfence.sel $0x180000  }
0x2bc: {  	[bflag:$0x0] =	sbarrier.arrive $0xFFFF  }
0x2bd: {  	_ =	strace $0x90000047  }
0x2be: {  	s0 =	stileid.u32;
	[bflag:$0x2] =	sbarrier.arrive $0xFFFF  }
0x2bf: {  	p0 =	sne.s32 s0, $0x0;
	s0 =	rddreg [dreg:$0x4]  }
0x2c0: {  	s0 =	sadd.s32 @!p0 $0x100000, s0  }
0x2c1: {  	[sflag:s0] =	ssyncadd.tile.s32 @!p0 $0x1;
	_ =	shalt  }
.Lfunc_end2:
_tile_overlayer_lowered:
.L_overlay_start_2:
0x2c2: {  	(tag) =	ssettag $0x2  }
0x2c3: {  	s0 =	rddreg [dreg:$0x0];
	s2 =	stileid.u32  }
0x2c4: {  	s1 =	rddreg [dreg:$0x1];
	p0 =	sne.s32 s2, $0x0  }
0x2c5: {  	s3 =	rddreg [dreg:$0x2];
	[bflag:$0x3] =	sbarrier.arrive $0xFFFF;
	s2 =	simm.s32 @!p0 $0x1C05  }
0x2c6: {  	[timem:s3], [sflag:s2] =	dma.local @!p0 [hbm:s0], s1  }
0x2c7: {  	s0 =	simm.s32 @!p0 $0x5  }
0x2c8: {  	_ =	swait.ge @!p0 [sflag:s0], s1  }
0x2c9: {  	s1 =	ssub.s32 @!p0 $0x0, s1;
	[sflag:s0] =	ssyncset.done @!p0 $0x0  }
0x2ca: {  	[sflag:s0] =	ssyncadd.s32 @!p0 s1  }
0x2cb: {  	[bflag:$0x3] =	sbarrier.arrive $0xFFFF  }
0x2cc: {  	_ =	shalt  }

</sc_bundles>
